<compile_context>
chip_gen: v7x
topology: tpu7x:2x2x1
jax: 0.10.2.dev20260603
libtpu: 0.0.44.dev20260713+nightly
codegen_flags: <defaults>
</compile_context>

<pallas_src>
import jax
import jax.numpy as jnp
from jax import lax
from jax.experimental import pallas as pl
from jax.experimental.pallas import tpu as pltpu
from jax.experimental.pallas import tpu_sc as plsc

N = 10000
E = 320000
D = 128
NS = 16
L = 16
NPAD = 10240
SLICE = NPAD // NS
NV = SLICE // L
EPC = E // NS
EIT = EPC // L

_f32 = jnp.float32
_i32 = jnp.int32


def _zero_vec(ref, base, nvregs):
    zero16 = jnp.zeros((L,), _f32)

    @plsc.parallel_loop(0, nvregs, 1, unroll=8)
    def _zb(i):
        ref[pl.ds(base + i * L, L)] = zero16


def _reduce_partials(acc, nwords, S, red, stage16, col, sid, sbase):
    pltpu.sync_copy(S.at[:, pl.ds(col * NPAD + sbase, SLICE)], stage16)

    @plsc.parallel_loop(0, NV, 1, unroll=2)
    def _ab(j):
        t = stage16[0, pl.ds(j * L, L)]
        for k in range(1, NS):
            t = t + stage16[k, pl.ds(j * L, L)]
        red[pl.ds(j * L, L)] = t


def _fastlog16(x):
    ii = plsc.bitcast(x, _i32)
    k = lax.shift_right_arithmetic(ii, jnp.full((L,), 23, _i32)) - 127
    m = plsc.bitcast(
        (ii & jnp.full((L,), 0x007FFFFF, _i32))
        | jnp.full((L,), 0x3F800000, _i32), _f32)
    t = (m - 1.0) / (m + 1.0)
    t2 = t * t
    ln_m = 2.0 * t * (1.0 + t2 * (1.0 / 3.0 + t2 * (0.2 + t2 * (1.0 / 7.0))))
    return k.astype(_f32) * 0.6931471805599453 + ln_m


def _rsqrt16(dv):
    magic = jnp.full((L,), 0x5F3759DF, _i32)
    ii = magic - lax.shift_right_logical(plsc.bitcast(dv, _i32), 1)
    yv = plsc.bitcast(ii, _f32)
    yv = yv * (1.5 - 0.5 * dv * yv * yv)
    yv = yv * (1.5 - 0.5 * dv * yv * yv)
    yv = yv * (1.5 - 0.5 * dv * yv * yv)
    return yv


def _sc_a_body(ei_hbm, dinv_hbm, r_hbm, q_hbm,
               src_v, dst_v, vec_a, acc, red, stage16, dinv_sl, a2_sl, out_sl,
               S, F, sem1, sem2):
    sid = lax.axis_index("s")
    ebase = sid * EPC
    sbase = sid * SLICE
    cp_s = pltpu.async_copy(ei_hbm.at[pl.ds(ebase, EPC)], src_v, sem1)
    cp_d = pltpu.async_copy(ei_hbm.at[pl.ds(E + ebase, EPC)], dst_v, sem2)

    one16 = jnp.ones((L,), _f32)

    _zero_vec(acc, 0, NPAD // L)
    cp_s.wait()
    cp_d.wait()

    @plsc.parallel_loop(0, EIT, 1, unroll=8)
    def _deg_b(i):
        di = dst_v[pl.ds(i * L, L)]
        plsc.addupdate_scatter(acc, [di], one16)

    pltpu.sync_copy(acc, S.at[sid])
    plsc.subcore_barrier()
    _reduce_partials(acc, NPAD, S, red, stage16, 0, sid, sbase)

    @plsc.parallel_loop(0, NV, 1)
    def _dv_b(j):
        dinv_sl[pl.ds(j * L, L)] = _rsqrt16(red[pl.ds(j * L, L)] + 1.0)

    plsc.subcore_barrier()
    pltpu.sync_copy(dinv_sl, F.at[pl.ds(sbase, SLICE)])
    pltpu.sync_copy(dinv_sl, dinv_hbm.at[pl.ds(sbase, SLICE)])
    plsc.subcore_barrier()
    pltpu.sync_copy(F, vec_a)

    def t_pass_loop():
        @plsc.parallel_loop(0, EIT, 1, unroll=8)
        def _t_b(i):
            si = src_v[pl.ds(i * L, L)]
            di = dst_v[pl.ds(i * L, L)]
            vals = plsc.load_gather(vec_a, [di])
            plsc.addupdate_scatter(acc, [si], vals)

    _zero_vec(acc, 0, NPAD // L)
    t_pass_loop()
    pltpu.sync_copy(acc, S.at[sid])
    plsc.subcore_barrier()
    _reduce_partials(acc, NPAD, S, red, stage16, 0, sid, sbase)

    @plsc.parallel_loop(0, NV, 1)
    def _rf_b(j):
        dsv = dinv_sl[pl.ds(j * L, L)]
        rr = dsv * (red[pl.ds(j * L, L)] + dsv)
        out_sl[pl.ds(j * L, L)] = rr
        a2_sl[pl.ds(j * L, L)] = dsv * rr

    pltpu.sync_copy(out_sl, r_hbm.at[pl.ds(sbase, SLICE)])
    plsc.subcore_barrier()
    pltpu.sync_copy(a2_sl, F.at[pl.ds(sbase, SLICE)])
    plsc.subcore_barrier()
    pltpu.sync_copy(F, vec_a)

    _zero_vec(acc, 0, NPAD // L)
    t_pass_loop()
    pltpu.sync_copy(acc, S.at[sid])
    plsc.subcore_barrier()
    _reduce_partials(acc, NPAD, S, red, stage16, 0, sid, sbase)

    @plsc.parallel_loop(0, NV, 1)
    def _qf_b(j):
        dsv = dinv_sl[pl.ds(j * L, L)]
        out_sl[pl.ds(j * L, L)] = dsv * (red[pl.ds(j * L, L)] + a2_sl[pl.ds(j * L, L)])

    pltpu.sync_copy(out_sl, q_hbm.at[pl.ds(sbase, SLICE)])


def _sc_c_body(ei_hbm, y_hbm, perm_hbm, dinv_hbm, c_hbm, loss_hbm,
               src_v, dst_v, vecs, acc, red, stage16, dinv_sl, perm_sl,
               b1_sl, b2_sl, out_sl, g_sl, cv16, buf16, S, F2, sem1, sem2):
    sid = lax.axis_index("s")
    ebase = sid * EPC
    sbase = sid * SLICE
    cp_s = pltpu.async_copy(ei_hbm.at[pl.ds(ebase, EPC)], src_v, sem1)
    cp_d = pltpu.async_copy(ei_hbm.at[pl.ds(E + ebase, EPC)], dst_v, sem2)
    pltpu.sync_copy(dinv_hbm.at[pl.ds(sbase, SLICE)], dinv_sl)
    pltpu.sync_copy(c_hbm.at[pl.ds(0, L)], cv16)
    lane16 = lax.broadcasted_iota(_i32, (L,), 0)
    cv = cv16[pl.ds(0, L)]
    c1 = jnp.sum(jnp.where(lane16 == 0, cv, 0.0))
    c2 = jnp.sum(jnp.where(lane16 == 1, cv, 0.0))

    TAIL = N - (NS - 1) * SLICE
    zero16i = jnp.zeros((L,), _i32)

    @pl.when(sid < NS - 1)
    def _():
        pltpu.sync_copy(perm_hbm.at[pl.ds(sbase, SLICE)], perm_sl)

    @pl.when(sid == NS - 1)
    def _():
        pltpu.sync_copy(perm_hbm.at[pl.ds((NS - 1) * SLICE, TAIL)],
                        perm_sl.at[pl.ds(0, TAIL)])
        for j in range(TAIL // L, NV):
            perm_sl[pl.ds(j * L, L)] = zero16i
    pltpu.sync_copy(y_hbm, vecs.at[pl.ds(0, NPAD)])
    pltpu.sync_copy(dinv_hbm, vecs.at[pl.ds(2 * NPAD, NPAD)])

    @plsc.parallel_loop(0, NV, 1, unroll=4)
    def _ac_b(j):
        pv = perm_sl[pl.ds(j * L, L)]
        yv = plsc.load_gather(vecs, [pv])
        out_sl[pl.ds(j * L, L)] = dinv_sl[pl.ds(j * L, L)] * yv

    pltpu.sync_copy(out_sl, F2.at[pl.ds(sbase, SLICE)])

    @plsc.parallel_loop(0, NPAD // L, 1, unroll=4)
    def _ar_b(j):
        vecs[pl.ds(j * L, L)] = (vecs[pl.ds(j * L, L)]
                                 * vecs[pl.ds(2 * NPAD + j * L, L)])

    plsc.subcore_barrier()
    pltpu.sync_copy(F2.at[pl.ds(0, NPAD)], vecs.at[pl.ds(NPAD, NPAD)])

    _zero_vec(acc, 0, 3 * NPAD // L)
    cp_s.wait()
    cp_d.wait()
    off1 = jnp.full((L,), NPAD, _i32)
    off2 = jnp.full((L,), 2 * NPAD, _i32)

    @plsc.parallel_loop(0, EIT, 1, unroll=8)
    def _h1_b(i):
        si = src_v[pl.ds(i * L, L)]
        di = dst_v[pl.ds(i * L, L)]
        v0 = plsc.load_gather(vecs, [si])
        v1 = plsc.load_gather(vecs, [si + off1])
        v2 = plsc.load_gather(vecs, [si + off2])
        plsc.addupdate_scatter(acc, [di], v0)
        plsc.addupdate_scatter(acc, [di + off1], v1)
        plsc.addupdate_scatter(acc, [di + off2], v2)

    def col_reduce(col):
        pltpu.sync_copy(acc.at[pl.ds(col * NPAD, NPAD)], S.at[sid])
        plsc.subcore_barrier()
        _reduce_partials(acc, NPAD, S, red, stage16, 0, sid, sbase)
        plsc.subcore_barrier()

    col_reduce(0)

    @plsc.parallel_loop(0, NV, 1)
    def _b1_b(j):
        dsv = dinv_sl[pl.ds(j * L, L)]
        av = vecs[pl.ds(sbase + j * L, L)]
        b1_sl[pl.ds(j * L, L)] = dsv * dsv * (red[pl.ds(j * L, L)] + av)

    col_reduce(1)

    @plsc.parallel_loop(0, NV, 1)
    def _b2_b(j):
        dsv = dinv_sl[pl.ds(j * L, L)]
        av = vecs[pl.ds(NPAD + sbase + j * L, L)]
        b2_sl[pl.ds(j * L, L)] = dsv * dsv * (red[pl.ds(j * L, L)] + av)

    col_reduce(2)

    @plsc.parallel_loop(0, NV, 1)
    def _g_b(j):
        dsv = dinv_sl[pl.ds(j * L, L)]
        g_sl[pl.ds(j * L, L)] = dsv * (red[pl.ds(j * L, L)] + dsv)

    pltpu.sync_copy(b1_sl, F2.at[pl.ds(sbase, SLICE)])
    pltpu.sync_copy(b2_sl, F2.at[pl.ds(NPAD + sbase, SLICE)])
    plsc.subcore_barrier()
    pltpu.sync_copy(F2, vecs.at[pl.ds(0, 2 * NPAD)])

    _zero_vec(acc, 0, 2 * NPAD // L)

    @plsc.parallel_loop(0, EIT, 1, unroll=8)
    def _h2_b(i):
        si = src_v[pl.ds(i * L, L)]
        di = dst_v[pl.ds(i * L, L)]
        v0 = plsc.load_gather(vecs, [si])
        v1 = plsc.load_gather(vecs, [si + off1])
        plsc.addupdate_scatter(acc, [di], v0)
        plsc.addupdate_scatter(acc, [di + off1], v1)

    nvalid = jnp.where(sid == NS - 1, TAIL // L, NV)

    def _zterm(j, b_ref):
        dsv = dinv_sl[pl.ds(j * L, L)]
        return (dsv * (red[pl.ds(j * L, L)] + b_ref[pl.ds(j * L, L)])
                + c1 * g_sl[pl.ds(j * L, L)] + c2)

    col_reduce(0)

    def _real_b(j, sv):
        p = 1.0 / (1.0 + jnp.exp(-_zterm(j, b1_sl)))
        return sv + jnp.maximum(_fastlog16(p), -100.0)

    sv = lax.fori_loop(0, nvalid, _real_b, jnp.zeros((L,), _f32))

    col_reduce(1)

    def _corr_b(j, sv2):
        p = 1.0 / (1.0 + jnp.exp(-_zterm(j, b2_sl)))
        return sv2 + jnp.maximum(_fastlog16(1.0 - p), -100.0)

    sv = lax.fori_loop(0, nvalid, _corr_b, sv)

    buf16[pl.ds(0, L)] = sv
    pltpu.sync_copy(buf16, F2.at[pl.ds(sid * L, L)])
    plsc.subcore_barrier()

    @pl.when(sid == 0)
    def _():
        pltpu.sync_copy(F2.at[pl.ds(0, NS * L)], red.at[pl.ds(0, NS * L)])
        tot = red[pl.ds(0, L)]
        for k in range(1, NS):
            tot = tot + red[pl.ds(k * L, L)]
        total = jnp.sum(tot)
        buf16[pl.ds(0, L)] = jnp.where(lane16 == 0, total * (-0.5 / N), 0.0)
        pltpu.sync_copy(buf16, loss_hbm)


def _tc_b_body(x_ref, q_ref, r_ref, w1_ref, w2_ref, wd_ref, b1_ref, b2_ref,
               y_ref, c_ref):
    f32 = jnp.float32
    X = x_ref[...]
    q = q_ref[0:N, :]
    sum_r = jnp.sum(r_ref[0:N, :])
    qx = lax.dot_general(q, X, (((0,), (0,)), ((), ())),
                         preferred_element_type=f32)
    t1 = lax.dot_general(qx, w1_ref[...], (((1,), (1,)), ((), ())),
                         preferred_element_type=f32)
    m = lax.dot_general(t1 * (1.0 / N) + (sum_r / N) * b1_ref[...],
                        w2_ref[...], (((1,), (1,)), ((), ())),
                        preferred_element_type=f32) + b2_ref[...]
    s = jax.nn.sigmoid(m)
    v = lax.dot_general(s, wd_ref[...], (((1,), (0,)), ((), ())),
                        preferred_element_type=f32)
    u = lax.dot_general(v, w2_ref[...], (((1,), (0,)), ((), ())),
                        preferred_element_type=f32)
    w = lax.dot_general(u, w1_ref[...], (((1,), (0,)), ((), ())),
                        preferred_element_type=f32)
    y_ref[0:N, :] = lax.dot_general(X, w, (((1,), (1,)), ((), ())),
                                    preferred_element_type=f32)
    y_ref[N:NPAD, :] = jnp.zeros((NPAD - N, 1), f32)
    c1 = jnp.sum(b1_ref[...] * u)
    c2 = jnp.sum(b2_ref[...] * v)
    lane = lax.broadcasted_iota(jnp.int32, (1, D), 1)
    c_ref[...] = jnp.where(lane == 0, c1, 0.0) + jnp.where(lane == 1, c2, 0.0)


def kernel(x, edge_index, W1, b1, W2, b2, Wd, perm):
    mesh = plsc.VectorSubcoreMesh(core_axis_name="c", subcore_axis_name="s",
                                  num_cores=1, num_subcores=NS)
    vec_t = jax.ShapeDtypeStruct((NPAD,), _f32)

    sc_a = pl.kernel(
        _sc_a_body,
        out_type=(vec_t, vec_t, vec_t),
        mesh=mesh,
        compiler_params=pltpu.CompilerParams(needs_layout_passes=False),
        scratch_types=[
            pltpu.VMEM((EPC,), _i32),
            pltpu.VMEM((EPC,), _i32),
            pltpu.VMEM((NPAD,), _f32),
            pltpu.VMEM((NPAD,), _f32),
            pltpu.VMEM((SLICE,), _f32),
            pltpu.VMEM((NS, SLICE), _f32),
            pltpu.VMEM((SLICE,), _f32),
            pltpu.VMEM((SLICE,), _f32),
            pltpu.VMEM((SLICE,), _f32),
            pltpu.VMEM_SHARED((NS, NPAD), _f32),
            pltpu.VMEM_SHARED((NPAD,), _f32),
            pltpu.SemaphoreType.DMA,
            pltpu.SemaphoreType.DMA,
        ],
    )
    ei_flat = edge_index.reshape(2 * E)
    dinv, r, q = sc_a(ei_flat)

    y2, cvec = pl.pallas_call(
        _tc_b_body,
        out_shape=[jax.ShapeDtypeStruct((NPAD, 1), _f32),
                   jax.ShapeDtypeStruct((1, D), _f32)],
    )(x, q.reshape(NPAD, 1), r.reshape(NPAD, 1), W1, W2, Wd,
      b1.reshape(1, D), b2.reshape(1, D))

    sc_c = pl.kernel(
        _sc_c_body,
        out_type=jax.ShapeDtypeStruct((L,), _f32),
        mesh=mesh,
        compiler_params=pltpu.CompilerParams(needs_layout_passes=False),
        scratch_types=[
            pltpu.VMEM((EPC,), _i32),
            pltpu.VMEM((EPC,), _i32),
            pltpu.VMEM((3 * NPAD,), _f32),
            pltpu.VMEM((3 * NPAD,), _f32),
            pltpu.VMEM((SLICE,), _f32),
            pltpu.VMEM((NS, SLICE), _f32),
            pltpu.VMEM((SLICE,), _f32),
            pltpu.VMEM((SLICE,), _i32),
            pltpu.VMEM((SLICE,), _f32),
            pltpu.VMEM((SLICE,), _f32),
            pltpu.VMEM((SLICE,), _f32),
            pltpu.VMEM((SLICE,), _f32),
            pltpu.VMEM((L,), _f32),
            pltpu.VMEM((L,), _f32),
            pltpu.VMEM_SHARED((NS, NPAD), _f32),
            pltpu.VMEM_SHARED((2 * NPAD,), _f32),
            pltpu.SemaphoreType.DMA,
            pltpu.SemaphoreType.DMA,
        ],
    )
    loss_vec = sc_c(ei_flat, y2.reshape(NPAD), perm.astype(_i32), dinv,
                    cvec.reshape(D))
    return loss_vec[0]

# --- scband reference (transcript-rebuilt; emitter-appended) ---
"""Pipeline reference for scband-inspection-l-36833639531017 (READ-ONLY COPY).

The authoritative reference and input builder live on the scoring server;
editing this copy changes nothing except your own understanding.
"""

import jax, jax.numpy as jnp
import numpy as np

N = 10000
E = 320000
D_IN = 128
D_HID = 128
D_OUT = 128


def _glorot(key, shape, fan_in):
    bound = 1.0 / np.sqrt(fan_in)
    return jax.random.uniform(key, shape, minval=-bound, maxval=bound, dtype=jnp.float32)


def setup_inputs(seed: int = 0) -> dict:
    key = jax.random.key(seed)
    ks = jax.random.split(key, 8)
    x = jax.random.normal(ks[0], (N, D_IN), dtype=jnp.float32)
    edge_index = jax.random.randint(ks[1], (2, E), 0, N, dtype=jnp.int32)
    W1 = _glorot(ks[2], (D_HID, D_IN), D_IN)
    b1 = jnp.zeros((D_HID,), dtype=jnp.float32)
    W2 = _glorot(ks[3], (D_OUT, D_HID), D_HID)
    b2 = jnp.zeros((D_OUT,), dtype=jnp.float32)
    Wd = _glorot(ks[4], (D_OUT, D_OUT), D_OUT)
    perm = jax.random.permutation(ks[5], N)
    return {"x": x, "edge_index": edge_index, "W1": W1, "b1": b1, "W2": W2, "b2": b2, "Wd": Wd, "perm": perm}


def _gcn_conv(h, edge_index, W, b):
    # PyG GCNConv: add self-loops, symmetric normalization D^-1/2 (A+I) D^-1/2 X W + b
    src = edge_index[0]
    dst = edge_index[1]
    loop = jnp.arange(N, dtype=src.dtype)
    src = jnp.concatenate([src, loop])
    dst = jnp.concatenate([dst, loop])
    deg = jnp.zeros((N,), dtype=h.dtype).at[dst].add(1.0)
    dinv = jax.lax.rsqrt(deg)
    norm = dinv[src] * dinv[dst]
    hw = h @ W.T
    msg = jnp.take(hw, src, axis=0) * norm[:, None]
    out = jnp.zeros((N, W.shape[0]), dtype=h.dtype).at[dst].add(msg)
    return out + b


def reference(x, edge_index, W1, b1, W2, b2, Wd, perm):
    def embed(h):
        h = _gcn_conv(h, edge_index, W1, b1)
        h = _gcn_conv(h, edge_index, W2, b2)
        return h

    x_real = embed(x)
    x_corr = embed(jnp.take(x, perm, axis=0))
    s = jax.nn.sigmoid(jnp.mean(x_real, axis=0, keepdims=True))  # [1, D_OUT]
    real = jax.nn.sigmoid((x_real @ Wd.T) @ s.T)   # [N, 1]
    corr = jax.nn.sigmoid((x_corr @ Wd.T) @ s.T)   # [N, 1]
    p = jnp.concatenate([real, corr], axis=0)
    t = jnp.concatenate([jnp.ones_like(real), jnp.zeros_like(corr)], axis=0)
    logp = jnp.clip(jnp.log(p), -100.0, None)
    log1mp = jnp.clip(jnp.log(1.0 - p), -100.0, None)
    loss = -jnp.mean(t * logp + (1.0 - t) * log1mp)
    return loss

if __name__ == "__main__":
    import jax
    _d = setup_inputs()
    print(jax.jit(kernel)(*tuple(_d.values())))

</pallas_src>

<mosaic_0001>
#map = affine_map<(d0, d1) -> (0)>
module attributes {stable_mosaic.version = 14 : i64} {
  func.func @_sc_c_body(%arg0: i32, %arg1: i32, %arg2: memref<640000xi32, #tpu.memory_space<hbm>>, %arg3: memref<10240xf32, #tpu.memory_space<hbm>>, %arg4: memref<10000xi32, #tpu.memory_space<hbm>>, %arg5: memref<10240xf32, #tpu.memory_space<hbm>>, %arg6: memref<128xf32, #tpu.memory_space<hbm>>, %arg7: memref<16xf32, #tpu.memory_space<hbm>>, %arg8: memref<20000xi32, #tpu.memory_space<vmem>>, %arg9: memref<20000xi32, #tpu.memory_space<vmem>>, %arg10: memref<30720xf32, #tpu.memory_space<vmem>>, %arg11: memref<30720xf32, #tpu.memory_space<vmem>>, %arg12: memref<640xf32, #tpu.memory_space<vmem>>, %arg13: memref<16x640xf32, #tpu.memory_space<vmem>>, %arg14: memref<640xf32, #tpu.memory_space<vmem>>, %arg15: memref<640xi32, #tpu.memory_space<vmem>>, %arg16: memref<640xf32, #tpu.memory_space<vmem>>, %arg17: memref<640xf32, #tpu.memory_space<vmem>>, %arg18: memref<640xf32, #tpu.memory_space<vmem>>, %arg19: memref<640xf32, #tpu.memory_space<vmem>>, %arg20: memref<16xf32, #tpu.memory_space<vmem>>, %arg21: memref<16xf32, #tpu.memory_space<vmem>>, %arg22: memref<16x10240xf32, #tpu.memory_space<vmem_shared>>, %arg23: memref<20480xf32, #tpu.memory_space<vmem_shared>>, %arg24: memref<!tpu.dma_semaphore, #tpu.memory_space<semaphore_mem>>, %arg25: memref<!tpu.dma_semaphore, #tpu.memory_space<semaphore_mem>>) attributes {dimension_semantics = [#tpu.dimension_semantics<core_parallel>, #tpu.dimension_semantics<subcore_parallel>], iteration_bounds = array<i64: 1, 16>, scalar_prefetch = 0 : i64, scratch_operands = 18 : i64, tpu.core_type = #tpu.core_type<sc_vector_subcore>, window_params = [{transform_indices = #map}, {transform_indices = #map}, {transform_indices = #map}, {transform_indices = #map}, {transform_indices = #map}, {transform_indices = #map}]} {
    %mul3A = arith.constant 20000 : i32
    %mul3A_0 = arith.muli %arg1, %mul3A : i32
    %mul3A_1 = arith.constant 640 : i32
    %mul3A_2 = arith.muli %arg1, %mul3A_1 : i32
    %dma_start3A = tpu.memref_slice %arg2[%mul3A_0] : memref<640000xi32, #tpu.memory_space<hbm>> -> memref<20000xi32, #tpu.memory_space<hbm>>
    %dma_start3A_3 = tpu.memref_slice %arg2[%mul3A_0] : memref<640000xi32, #tpu.memory_space<hbm>> -> memref<20000xi32, #tpu.memory_space<hbm>>
    tpu.enqueue_dma source(%dma_start3A_3 : memref<20000xi32, #tpu.memory_space<hbm>>) target(%arg8 : memref<20000xi32, #tpu.memory_space<vmem>>) target_semaphore(%arg24 : memref<!tpu.dma_semaphore, #tpu.memory_space<semaphore_mem>>)
    %add3A = arith.constant 320000 : i32
    %add3A_4 = arith.addi %add3A, %mul3A_0 : i32
    %dma_start3A_5 = tpu.memref_slice %arg2[%add3A_4] : memref<640000xi32, #tpu.memory_space<hbm>> -> memref<20000xi32, #tpu.memory_space<hbm>>
    %dma_start3A_6 = tpu.memref_slice %arg2[%add3A_4] : memref<640000xi32, #tpu.memory_space<hbm>> -> memref<20000xi32, #tpu.memory_space<hbm>>
    tpu.enqueue_dma source(%dma_start3A_6 : memref<20000xi32, #tpu.memory_space<hbm>>) target(%arg9 : memref<20000xi32, #tpu.memory_space<vmem>>) target_semaphore(%arg25 : memref<!tpu.dma_semaphore, #tpu.memory_space<semaphore_mem>>)
    "tpu.region"() ({
      %run_scoped3A = tpu.sem_alloc : memref<!tpu.dma_semaphore, #tpu.memory_space<semaphore_mem>>
      %dma_start3A_144 = tpu.memref_slice %arg5[%mul3A_2] : memref<10240xf32, #tpu.memory_space<hbm>> -> memref<640xf32, #tpu.memory_space<hbm>>
      %dma_start3A_145 = tpu.memref_slice %arg5[%mul3A_2] : memref<10240xf32, #tpu.memory_space<hbm>> -> memref<640xf32, #tpu.memory_space<hbm>>
      tpu.enqueue_dma source(%dma_start3A_145 : memref<640xf32, #tpu.memory_space<hbm>>) target(%arg14 : memref<640xf32, #tpu.memory_space<vmem>>) target_semaphore(%run_scoped3A : memref<!tpu.dma_semaphore, #tpu.memory_space<semaphore_mem>>)
      %dma_wait3A_146 = tpu.memref_slice %arg5[%mul3A_2] : memref<10240xf32, #tpu.memory_space<hbm>> -> memref<640xf32, #tpu.memory_space<hbm>>
      %dma_wait3A_147 = tpu.memref_slice %arg5[%mul3A_2] : memref<10240xf32, #tpu.memory_space<hbm>> -> memref<640xf32, #tpu.memory_space<hbm>>
      tpu.wait_dma2 semaphore(%run_scoped3A : memref<!tpu.dma_semaphore, #tpu.memory_space<semaphore_mem>>) src(%dma_wait3A_147 : memref<640xf32, #tpu.memory_space<hbm>>) dst(%arg14 : memref<640xf32, #tpu.memory_space<vmem>>)
      tpu.yield
    }) : () -> ()
    "tpu.region"() ({
      %run_scoped3A = tpu.sem_alloc : memref<!tpu.dma_semaphore, #tpu.memory_space<semaphore_mem>>
      %dma_start3A_144 = arith.constant 0 : i32
      %dma_start3A_145 = tpu.memref_slice %arg6[%dma_start3A_144] : memref<128xf32, #tpu.memory_space<hbm>> -> memref<16xf32, #tpu.memory_space<hbm>>
      %dma_start3A_146 = arith.constant 0 : i32
      %dma_start3A_147 = tpu.memref_slice %arg6[%dma_start3A_146] : memref<128xf32, #tpu.memory_space<hbm>> -> memref<16xf32, #tpu.memory_space<hbm>>
      tpu.enqueue_dma source(%dma_start3A_147 : memref<16xf32, #tpu.memory_space<hbm>>) target(%arg20 : memref<16xf32, #tpu.memory_space<vmem>>) target_semaphore(%run_scoped3A : memref<!tpu.dma_semaphore, #tpu.memory_space<semaphore_mem>>)
      %dma_wait3A_148 = arith.constant 0 : i32
      %dma_wait3A_149 = tpu.memref_slice %arg6[%dma_wait3A_148] : memref<128xf32, #tpu.memory_space<hbm>> -> memref<16xf32, #tpu.memory_space<hbm>>
      %dma_wait3A_150 = arith.constant 0 : i32
      %dma_wait3A_151 = tpu.memref_slice %arg6[%dma_wait3A_150] : memref<128xf32, #tpu.memory_space<hbm>> -> memref<16xf32, #tpu.memory_space<hbm>>
      tpu.wait_dma2 semaphore(%run_scoped3A : memref<!tpu.dma_semaphore, #tpu.memory_space<semaphore_mem>>) src(%dma_wait3A_151 : memref<16xf32, #tpu.memory_space<hbm>>) dst(%arg20 : memref<16xf32, #tpu.memory_space<vmem>>)
      tpu.yield
    }) : () -> ()
    %iota3A = tpu.iota {dimensions = array<i32: 0>} : vector<16xi32>
    %get3A = arith.constant 0 : index
    %get3A_7 = tpu.vector_load %arg20[%get3A] {strides = array<i32>} : memref<16xf32, #tpu.memory_space<vmem>>, vector<16xf32>,
    %eq3A = arith.constant 0 : i32
    %eq3A_8 = vector.broadcast %eq3A : i32 to vector<16xi32>
    %eq3A_9 = arith.cmpi eq, %iota3A, %eq3A_8 : vector<16xi32>
    %jit3A = arith.constant 0.000000e+00 : f32
    %broadcast_in_dim3A = vector.broadcast %jit3A : f32 to vector<16xf32>
    %select_n3A = arith.select %eq3A_9, %get3A_7, %broadcast_in_dim3A : vector<16xi1>, vector<16xf32>
    %reduce_sum3A = arith.constant true
    %reduce_sum3A_10 = vector.broadcast %reduce_sum3A : i1 to vector<16xi1>
    %reduce_sum3A_11 = tpu.scan <sum>, %select_n3A masked %reduce_sum3A_10 : vector<16xf32>, vector<16xi1> -> vector<16xf32>
    %reduce_sum3A_12 = vector.extract %reduce_sum3A_11[15] : f32 from vector<16xf32>
    %eq3A_13 = arith.constant 1 : i32
    %eq3A_14 = vector.broadcast %eq3A_13 : i32 to vector<16xi32>
    %eq3A_15 = arith.cmpi eq, %iota3A, %eq3A_14 : vector<16xi32>
    %jit3A_16 = arith.constant 0.000000e+00 : f32
    %broadcast_in_dim3A_17 = vector.broadcast %jit3A_16 : f32 to vector<16xf32>
    %select_n3A_18 = arith.select %eq3A_15, %get3A_7, %broadcast_in_dim3A_17 : vector<16xi1>, vector<16xf32>
    %reduce_sum3A_19 = arith.constant true
    %reduce_sum3A_20 = vector.broadcast %reduce_sum3A_19 : i1 to vector<16xi1>
    %reduce_sum3A_21 = tpu.scan <sum>, %select_n3A_18 masked %reduce_sum3A_20 : vector<16xf32>, vector<16xi1> -> vector<16xf32>
    %reduce_sum3A_22 = vector.extract %reduce_sum3A_21[15] : f32 from vector<16xf32>
    %broadcast_in_dim3A_23 = arith.constant 0 : i32
    %broadcast_in_dim3A_24 = vector.broadcast %broadcast_in_dim3A_23 : i32 to vector<16xi32>
    %lt3A = arith.constant 15 : i32
    %lt3A_25 = arith.cmpi slt, %arg1, %lt3A : i32
    %convert_element_type3A = arith.extui %lt3A_25 : i1 to i32
    %cond3A = arith.constant 0 : i32
    %cond3A_26 = arith.cmpi ne, %convert_element_type3A, %cond3A : i32
    scf.if %cond3A_26 {
      "tpu.region"() ({
        %run_scoped3A = tpu.sem_alloc : memref<!tpu.dma_semaphore, #tpu.memory_space<semaphore_mem>>
        %dma_start3A_144 = tpu.memref_slice %arg4[%mul3A_2] : memref<10000xi32, #tpu.memory_space<hbm>> -> memref<640xi32, #tpu.memory_space<hbm>>
        %dma_start3A_145 = tpu.memref_slice %arg4[%mul3A_2] : memref<10000xi32, #tpu.memory_space<hbm>> -> memref<640xi32, #tpu.memory_space<hbm>>
        tpu.enqueue_dma source(%dma_start3A_145 : memref<640xi32, #tpu.memory_space<hbm>>) target(%arg15 : memref<640xi32, #tpu.memory_space<vmem>>) target_semaphore(%run_scoped3A : memref<!tpu.dma_semaphore, #tpu.memory_space<semaphore_mem>>)
        %dma_wait3A_146 = tpu.memref_slice %arg4[%mul3A_2] : memref<10000xi32, #tpu.memory_space<hbm>> -> memref<640xi32, #tpu.memory_space<hbm>>
        %dma_wait3A_147 = tpu.memref_slice %arg4[%mul3A_2] : memref<10000xi32, #tpu.memory_space<hbm>> -> memref<640xi32, #tpu.memory_space<hbm>>
        tpu.wait_dma2 semaphore(%run_scoped3A : memref<!tpu.dma_semaphore, #tpu.memory_space<semaphore_mem>>) src(%dma_wait3A_147 : memref<640xi32, #tpu.memory_space<hbm>>) dst(%arg15 : memref<640xi32, #tpu.memory_space<vmem>>)
        tpu.yield
      }) : () -> ()
    } else {
    }
    %eq3A_27 = arith.constant 15 : i32
    %eq3A_28 = arith.cmpi eq, %arg1, %eq3A_27 : i32
    %convert_element_type3A_29 = arith.extui %eq3A_28 : i1 to i32
    %cond3A_30 = arith.constant 0 : i32
    %cond3A_31 = arith.cmpi ne, %convert_element_type3A_29, %cond3A_30 : i32
    scf.if %cond3A_31 {
      "tpu.region"() ({
        %run_scoped3A = tpu.sem_alloc : memref<!tpu.dma_semaphore, #tpu.memory_space<semaphore_mem>>
        %dma_start3A_174 = arith.constant 0 : i32
        %dma_start3A_175 = tpu.memref_slice %arg15[%dma_start3A_174] : memref<640xi32, #tpu.memory_space<vmem>> -> memref<400xi32, #tpu.memory_space<vmem>>
        %dma_start3A_176 = arith.constant 9600 : i32
        %dma_start3A_177 = tpu.memref_slice %arg4[%dma_start3A_176] : memref<10000xi32, #tpu.memory_space<hbm>> -> memref<400xi32, #tpu.memory_space<hbm>>
        %dma_start3A_178 = arith.constant 0 : i32
        %dma_start3A_179 = tpu.memref_slice %arg15[%dma_start3A_178] : memref<640xi32, #tpu.memory_space<vmem>> -> memref<400xi32, #tpu.memory_space<vmem>>
        %dma_start3A_180 = arith.constant 9600 : i32
        %dma_start3A_181 = tpu.memref_slice %arg4[%dma_start3A_180] : memref<10000xi32, #tpu.memory_space<hbm>> -> memref<400xi32, #tpu.memory_space<hbm>>
        tpu.enqueue_dma source(%dma_start3A_181 : memref<400xi32, #tpu.memory_space<hbm>>) target(%dma_start3A_179 : memref<400xi32, #tpu.memory_space<vmem>>) target_semaphore(%run_scoped3A : memref<!tpu.dma_semaphore, #tpu.memory_space<semaphore_mem>>)
        %dma_wait3A_182 = arith.constant 0 : i32
        %dma_wait3A_183 = tpu.memref_slice %arg15[%dma_wait3A_182] : memref<640xi32, #tpu.memory_space<vmem>> -> memref<400xi32, #tpu.memory_space<vmem>>
        %dma_wait3A_184 = arith.constant 9600 : i32
        %dma_wait3A_185 = tpu.memref_slice %arg4[%dma_wait3A_184] : memref<10000xi32, #tpu.memory_space<hbm>> -> memref<400xi32, #tpu.memory_space<hbm>>
        %dma_wait3A_186 = arith.constant 0 : i32
        %dma_wait3A_187 = tpu.memref_slice %arg15[%dma_wait3A_186] : memref<640xi32, #tpu.memory_space<vmem>> -> memref<400xi32, #tpu.memory_space<vmem>>
        %dma_wait3A_188 = arith.constant 9600 : i32
        %dma_wait3A_189 = tpu.memref_slice %arg4[%dma_wait3A_188] : memref<10000xi32, #tpu.memory_space<hbm>> -> memref<400xi32, #tpu.memory_space<hbm>>
        tpu.wait_dma2 semaphore(%run_scoped3A : memref<!tpu.dma_semaphore, #tpu.memory_space<semaphore_mem>>) src(%dma_wait3A_189 : memref<400xi32, #tpu.memory_space<hbm>>) dst(%dma_wait3A_187 : memref<400xi32, #tpu.memory_space<vmem>>)
        tpu.yield
      }) : () -> ()
      %swap3A_144 = arith.constant 400 : index
      %swap3A_145 = tpu.vector_load %arg15[%swap3A_144] {strides = array<i32>} : memref<640xi32, #tpu.memory_space<vmem>>, vector<16xi32>,
      tpu.vector_store %arg15[%swap3A_144], %broadcast_in_dim3A_24 {strides = array<i32>} : memref<640xi32, #tpu.memory_space<vmem>>, vector<16xi32>,
      %swap3A_146 = arith.constant 416 : index
      %swap3A_147 = tpu.vector_load %arg15[%swap3A_146] {strides = array<i32>} : memref<640xi32, #tpu.memory_space<vmem>>, vector<16xi32>,
      tpu.vector_store %arg15[%swap3A_146], %broadcast_in_dim3A_24 {strides = array<i32>} : memref<640xi32, #tpu.memory_space<vmem>>, vector<16xi32>,
      %swap3A_148 = arith.constant 432 : index
      %swap3A_149 = tpu.vector_load %arg15[%swap3A_148] {strides = array<i32>} : memref<640xi32, #tpu.memory_space<vmem>>, vector<16xi32>,
      tpu.vector_store %arg15[%swap3A_148], %broadcast_in_dim3A_24 {strides = array<i32>} : memref<640xi32, #tpu.memory_space<vmem>>, vector<16xi32>,
      %swap3A_150 = arith.constant 448 : index
      %swap3A_151 = tpu.vector_load %arg15[%swap3A_150] {strides = array<i32>} : memref<640xi32, #tpu.memory_space<vmem>>, vector<16xi32>,
      tpu.vector_store %arg15[%swap3A_150], %broadcast_in_dim3A_24 {strides = array<i32>} : memref<640xi32, #tpu.memory_space<vmem>>, vector<16xi32>,
      %swap3A_152 = arith.constant 464 : index
      %swap3A_153 = tpu.vector_load %arg15[%swap3A_152] {strides = array<i32>} : memref<640xi32, #tpu.memory_space<vmem>>, vector<16xi32>,
      tpu.vector_store %arg15[%swap3A_152], %broadcast_in_dim3A_24 {strides = array<i32>} : memref<640xi32, #tpu.memory_space<vmem>>, vector<16xi32>,
      %swap3A_154 = arith.constant 480 : index
      %swap3A_155 = tpu.vector_load %arg15[%swap3A_154] {strides = array<i32>} : memref<640xi32, #tpu.memory_space<vmem>>, vector<16xi32>,
      tpu.vector_store %arg15[%swap3A_154], %broadcast_in_dim3A_24 {strides = array<i32>} : memref<640xi32, #tpu.memory_space<vmem>>, vector<16xi32>,
      %swap3A_156 = arith.constant 496 : index
      %swap3A_157 = tpu.vector_load %arg15[%swap3A_156] {strides = array<i32>} : memref<640xi32, #tpu.memory_space<vmem>>, vector<16xi32>,
      tpu.vector_store %arg15[%swap3A_156], %broadcast_in_dim3A_24 {strides = array<i32>} : memref<640xi32, #tpu.memory_space<vmem>>, vector<16xi32>,
      %swap3A_158 = arith.constant 512 : index
      %swap3A_159 = tpu.vector_load %arg15[%swap3A_158] {strides = array<i32>} : memref<640xi32, #tpu.memory_space<vmem>>, vector<16xi32>,
      tpu.vector_store %arg15[%swap3A_158], %broadcast_in_dim3A_24 {strides = array<i32>} : memref<640xi32, #tpu.memory_space<vmem>>, vector<16xi32>,
      %swap3A_160 = arith.constant 528 : index
      %swap3A_161 = tpu.vector_load %arg15[%swap3A_160] {strides = array<i32>} : memref<640xi32, #tpu.memory_space<vmem>>, vector<16xi32>,
      tpu.vector_store %arg15[%swap3A_160], %broadcast_in_dim3A_24 {strides = array<i32>} : memref<640xi32, #tpu.memory_space<vmem>>, vector<16xi32>,
      %swap3A_162 = arith.constant 544 : index
      %swap3A_163 = tpu.vector_load %arg15[%swap3A_162] {strides = array<i32>} : memref<640xi32, #tpu.memory_space<vmem>>, vector<16xi32>,
      tpu.vector_store %arg15[%swap3A_162], %broadcast_in_dim3A_24 {strides = array<i32>} : memref<640xi32, #tpu.memory_space<vmem>>, vector<16xi32>,
      %swap3A_164 = arith.constant 560 : index
      %swap3A_165 = tpu.vector_load %arg15[%swap3A_164] {strides = array<i32>} : memref<640xi32, #tpu.memory_space<vmem>>, vector<16xi32>,
      tpu.vector_store %arg15[%swap3A_164], %broadcast_in_dim3A_24 {strides = array<i32>} : memref<640xi32, #tpu.memory_space<vmem>>, vector<16xi32>,
      %swap3A_166 = arith.constant 576 : index
      %swap3A_167 = tpu.vector_load %arg15[%swap3A_166] {strides = array<i32>} : memref<640xi32, #tpu.memory_space<vmem>>, vector<16xi32>,
      tpu.vector_store %arg15[%swap3A_166], %broadcast_in_dim3A_24 {strides = array<i32>} : memref<640xi32, #tpu.memory_space<vmem>>, vector<16xi32>,
      %swap3A_168 = arith.constant 592 : index
      %swap3A_169 = tpu.vector_load %arg15[%swap3A_168] {strides = array<i32>} : memref<640xi32, #tpu.memory_space<vmem>>, vector<16xi32>,
      tpu.vector_store %arg15[%swap3A_168], %broadcast_in_dim3A_24 {strides = array<i32>} : memref<640xi32, #tpu.memory_space<vmem>>, vector<16xi32>,
      %swap3A_170 = arith.constant 608 : index
      %swap3A_171 = tpu.vector_load %arg15[%swap3A_170] {strides = array<i32>} : memref<640xi32, #tpu.memory_space<vmem>>, vector<16xi32>,
      tpu.vector_store %arg15[%swap3A_170], %broadcast_in_dim3A_24 {strides = array<i32>} : memref<640xi32, #tpu.memory_space<vmem>>, vector<16xi32>,
      %swap3A_172 = arith.constant 624 : index
      %swap3A_173 = tpu.vector_load %arg15[%swap3A_172] {strides = array<i32>} : memref<640xi32, #tpu.memory_space<vmem>>, vector<16xi32>,
      tpu.vector_store %arg15[%swap3A_172], %broadcast_in_dim3A_24 {strides = array<i32>} : memref<640xi32, #tpu.memory_space<vmem>>, vector<16xi32>,
    } else {
    }
    "tpu.region"() ({
      %run_scoped3A = tpu.sem_alloc : memref<!tpu.dma_semaphore, #tpu.memory_space<semaphore_mem>>
      %dma_start3A_144 = arith.constant 0 : i32
      %dma_start3A_145 = tpu.memref_slice %arg10[%dma_start3A_144] : memref<30720xf32, #tpu.memory_space<vmem>> -> memref<10240xf32, #tpu.memory_space<vmem>>
      %dma_start3A_146 = arith.constant 0 : i32
      %dma_start3A_147 = tpu.memref_slice %arg10[%dma_start3A_146] : memref<30720xf32, #tpu.memory_space<vmem>> -> memref<10240xf32, #tpu.memory_space<vmem>>
      tpu.enqueue_dma source(%arg3 : memref<10240xf32, #tpu.memory_space<hbm>>) target(%dma_start3A_147 : memref<10240xf32, #tpu.memory_space<vmem>>) target_semaphore(%run_scoped3A : memref<!tpu.dma_semaphore, #tpu.memory_space<semaphore_mem>>)
      %dma_wait3A_148 = arith.constant 0 : i32
      %dma_wait3A_149 = tpu.memref_slice %arg10[%dma_wait3A_148] : memref<30720xf32, #tpu.memory_space<vmem>> -> memref<10240xf32, #tpu.memory_space<vmem>>
      %dma_wait3A_150 = arith.constant 0 : i32
      %dma_wait3A_151 = tpu.memref_slice %arg10[%dma_wait3A_150] : memref<30720xf32, #tpu.memory_space<vmem>> -> memref<10240xf32, #tpu.memory_space<vmem>>
      tpu.wait_dma2 semaphore(%run_scoped3A : memref<!tpu.dma_semaphore, #tpu.memory_space<semaphore_mem>>) src(%arg3 : memref<10240xf32, #tpu.memory_space<hbm>>) dst(%dma_wait3A_151 : memref<10240xf32, #tpu.memory_space<vmem>>)
      tpu.yield
    }) : () -> ()
    "tpu.region"() ({
      %run_scoped3A = tpu.sem_alloc : memref<!tpu.dma_semaphore, #tpu.memory_space<semaphore_mem>>
      %dma_start3A_144 = arith.constant 20480 : i32
      %dma_start3A_145 = tpu.memref_slice %arg10[%dma_start3A_144] : memref<30720xf32, #tpu.memory_space<vmem>> -> memref<10240xf32, #tpu.memory_space<vmem>>
      %dma_start3A_146 = arith.constant 20480 : i32
      %dma_start3A_147 = tpu.memref_slice %arg10[%dma_start3A_146] : memref<30720xf32, #tpu.memory_space<vmem>> -> memref<10240xf32, #tpu.memory_space<vmem>>
      tpu.enqueue_dma source(%arg5 : memref<10240xf32, #tpu.memory_space<hbm>>) target(%dma_start3A_147 : memref<10240xf32, #tpu.memory_space<vmem>>) target_semaphore(%run_scoped3A : memref<!tpu.dma_semaphore, #tpu.memory_space<semaphore_mem>>)
      %dma_wait3A_148 = arith.constant 20480 : i32
      %dma_wait3A_149 = tpu.memref_slice %arg10[%dma_wait3A_148] : memref<30720xf32, #tpu.memory_space<vmem>> -> memref<10240xf32, #tpu.memory_space<vmem>>
      %dma_wait3A_150 = arith.constant 20480 : i32
      %dma_wait3A_151 = tpu.memref_slice %arg10[%dma_wait3A_150] : memref<30720xf32, #tpu.memory_space<vmem>> -> memref<10240xf32, #tpu.memory_space<vmem>>
      tpu.wait_dma2 semaphore(%run_scoped3A : memref<!tpu.dma_semaphore, #tpu.memory_space<semaphore_mem>>) src(%arg5 : memref<10240xf32, #tpu.memory_space<hbm>>) dst(%dma_wait3A_151 : memref<10240xf32, #tpu.memory_space<vmem>>)
      tpu.yield
    }) : () -> ()
    %parallel_loop3A = arith.constant 0 : i32
    %parallel_loop3A_32 = arith.constant 40 : i32
    %parallel_loop3A_33 = arith.constant 1 : i32
    scf.for %parallel_loop3A_144 = %parallel_loop3A to %parallel_loop3A_32 step %parallel_loop3A_33  : i32 {
      %parallel_loop3A_145 = arith.constant 16 : i32
      %parallel_loop3A_146 = arith.muli %parallel_loop3A_144, %parallel_loop3A_145 : i32
      %parallel_loop3A_147 = arith.index_cast %parallel_loop3A_146 : i32 to index
      %parallel_loop3A_148 = tpu.vector_load %arg15[%parallel_loop3A_147] {strides = array<i32>} : memref<640xi32, #tpu.memory_space<vmem>>, vector<16xi32>,
      %parallel_loop3A_149 = tpu.vector_load_idx %arg10[%parallel_loop3A_148] : memref<30720xf32, #tpu.memory_space<vmem>>[vector<16xi32>], vector<16xf32>,
      %parallel_loop3A_150 = arith.constant 16 : i32
      %parallel_loop3A_151 = arith.muli %parallel_loop3A_144, %parallel_loop3A_150 : i32
      %parallel_loop3A_152 = arith.index_cast %parallel_loop3A_151 : i32 to index
      %parallel_loop3A_153 = tpu.vector_load %arg14[%parallel_loop3A_152] {strides = array<i32>} : memref<640xf32, #tpu.memory_space<vmem>>, vector<16xf32>,
      %parallel_loop3A_154 = arith.mulf %parallel_loop3A_153, %parallel_loop3A_149 : vector<16xf32>
      %parallel_loop3A_155 = arith.constant 16 : i32
      %parallel_loop3A_156 = arith.muli %parallel_loop3A_144, %parallel_loop3A_155 : i32
      %parallel_loop3A_157 = arith.index_cast %parallel_loop3A_156 : i32 to index
      %parallel_loop3A_158 = tpu.vector_load %arg18[%parallel_loop3A_157] {strides = array<i32>} : memref<640xf32, #tpu.memory_space<vmem>>, vector<16xf32>,
      tpu.vector_store %arg18[%parallel_loop3A_157], %parallel_loop3A_154 {strides = array<i32>} : memref<640xf32, #tpu.memory_space<vmem>>, vector<16xf32>,
    } {sc.loop_unroll_factor = 4 : i64, sc.parallel_access}
    "tpu.region"() ({
      %run_scoped3A = tpu.sem_alloc : memref<!tpu.dma_semaphore, #tpu.memory_space<semaphore_mem>>
      %dma_start3A_144 = tpu.memref_slice %arg23[%mul3A_2] : memref<20480xf32, #tpu.memory_space<vmem_shared>> -> memref<640xf32, #tpu.memory_space<vmem_shared>>
      %dma_start3A_145 = tpu.memref_slice %arg23[%mul3A_2] : memref<20480xf32, #tpu.memory_space<vmem_shared>> -> memref<640xf32, #tpu.memory_space<vmem_shared>>
      tpu.enqueue_dma source(%arg18 : memref<640xf32, #tpu.memory_space<vmem>>) target(%dma_start3A_145 : memref<640xf32, #tpu.memory_space<vmem_shared>>) target_semaphore(%run_scoped3A : memref<!tpu.dma_semaphore, #tpu.memory_space<semaphore_mem>>)
      %dma_wait3A_146 = tpu.memref_slice %arg23[%mul3A_2] : memref<20480xf32, #tpu.memory_space<vmem_shared>> -> memref<640xf32, #tpu.memory_space<vmem_shared>>
      %dma_wait3A_147 = tpu.memref_slice %arg23[%mul3A_2] : memref<20480xf32, #tpu.memory_space<vmem_shared>> -> memref<640xf32, #tpu.memory_space<vmem_shared>>
      tpu.wait_dma2 semaphore(%run_scoped3A : memref<!tpu.dma_semaphore, #tpu.memory_space<semaphore_mem>>) src(%arg18 : memref<640xf32, #tpu.memory_space<vmem>>) dst(%dma_wait3A_147 : memref<640xf32, #tpu.memory_space<vmem_shared>>)
      tpu.yield
    }) : () -> ()
    %parallel_loop3A_34 = arith.constant 0 : i32
    %parallel_loop3A_35 = arith.constant 640 : i32
    %parallel_loop3A_36 = arith.constant 1 : i32
    scf.for %parallel_loop3A_144 = %parallel_loop3A_34 to %parallel_loop3A_35 step %parallel_loop3A_36  : i32 {
      %parallel_loop3A_145 = arith.constant 16 : i32
      %parallel_loop3A_146 = arith.muli %parallel_loop3A_144, %parallel_loop3A_145 : i32
      %parallel_loop3A_147 = arith.index_cast %parallel_loop3A_146 : i32 to index
      %parallel_loop3A_148 = tpu.vector_load %arg10[%parallel_loop3A_147] {strides = array<i32>} : memref<30720xf32, #tpu.memory_space<vmem>>, vector<16xf32>,
      %parallel_loop3A_149 = arith.constant 16 : i32
      %parallel_loop3A_150 = arith.muli %parallel_loop3A_144, %parallel_loop3A_149 : i32
      %parallel_loop3A_151 = arith.constant 20480 : i32
      %parallel_loop3A_152 = arith.addi %parallel_loop3A_151, %parallel_loop3A_150 : i32
      %parallel_loop3A_153 = arith.index_cast %parallel_loop3A_152 : i32 to index
      %parallel_loop3A_154 = tpu.vector_load %arg10[%parallel_loop3A_153] {strides = array<i32>} : memref<30720xf32, #tpu.memory_space<vmem>>, vector<16xf32>,
      %parallel_loop3A_155 = arith.mulf %parallel_loop3A_148, %parallel_loop3A_154 : vector<16xf32>
      %parallel_loop3A_156 = arith.constant 16 : i32
      %parallel_loop3A_157 = arith.muli %parallel_loop3A_144, %parallel_loop3A_156 : i32
      %parallel_loop3A_158 = arith.index_cast %parallel_loop3A_157 : i32 to index
      %parallel_loop3A_159 = tpu.vector_load %arg10[%parallel_loop3A_158] {strides = array<i32>} : memref<30720xf32, #tpu.memory_space<vmem>>, vector<16xf32>,
      tpu.vector_store %arg10[%parallel_loop3A_158], %parallel_loop3A_155 {strides = array<i32>} : memref<30720xf32, #tpu.memory_space<vmem>>, vector<16xf32>,
    } {sc.loop_unroll_factor = 4 : i64, sc.parallel_access}
    %barrier3A = arith.constant 0 : index
    tpu.barrier barrier_id(%barrier3A)
    "tpu.region"() ({
      %run_scoped3A = tpu.sem_alloc : memref<!tpu.dma_semaphore, #tpu.memory_space<semaphore_mem>>
      %dma_start3A_144 = arith.constant 10240 : i32
      %dma_start3A_145 = tpu.memref_slice %arg10[%dma_start3A_144] : memref<30720xf32, #tpu.memory_space<vmem>> -> memref<10240xf32, #tpu.memory_space<vmem>>
      %dma_start3A_146 = arith.constant 0 : i32
      %dma_start3A_147 = tpu.memref_slice %arg23[%dma_start3A_146] : memref<20480xf32, #tpu.memory_space<vmem_shared>> -> memref<10240xf32, #tpu.memory_space<vmem_shared>>
      %dma_start3A_148 = arith.constant 10240 : i32
      %dma_start3A_149 = tpu.memref_slice %arg10[%dma_start3A_148] : memref<30720xf32, #tpu.memory_space<vmem>> -> memref<10240xf32, #tpu.memory_space<vmem>>
      %dma_start3A_150 = arith.constant 0 : i32
      %dma_start3A_151 = tpu.memref_slice %arg23[%dma_start3A_150] : memref<20480xf32, #tpu.memory_space<vmem_shared>> -> memref<10240xf32, #tpu.memory_space<vmem_shared>>
      tpu.enqueue_dma source(%dma_start3A_151 : memref<10240xf32, #tpu.memory_space<vmem_shared>>) target(%dma_start3A_149 : memref<10240xf32, #tpu.memory_space<vmem>>) target_semaphore(%run_scoped3A : memref<!tpu.dma_semaphore, #tpu.memory_space<semaphore_mem>>)
      %dma_wait3A_152 = arith.constant 10240 : i32
      %dma_wait3A_153 = tpu.memref_slice %arg10[%dma_wait3A_152] : memref<30720xf32, #tpu.memory_space<vmem>> -> memref<10240xf32, #tpu.memory_space<vmem>>
      %dma_wait3A_154 = arith.constant 0 : i32
      %dma_wait3A_155 = tpu.memref_slice %arg23[%dma_wait3A_154] : memref<20480xf32, #tpu.memory_space<vmem_shared>> -> memref<10240xf32, #tpu.memory_space<vmem_shared>>
      %dma_wait3A_156 = arith.constant 10240 : i32
      %dma_wait3A_157 = tpu.memref_slice %arg10[%dma_wait3A_156] : memref<30720xf32, #tpu.memory_space<vmem>> -> memref<10240xf32, #tpu.memory_space<vmem>>
      %dma_wait3A_158 = arith.constant 0 : i32
      %dma_wait3A_159 = tpu.memref_slice %arg23[%dma_wait3A_158] : memref<20480xf32, #tpu.memory_space<vmem_shared>> -> memref<10240xf32, #tpu.memory_space<vmem_shared>>
      tpu.wait_dma2 semaphore(%run_scoped3A : memref<!tpu.dma_semaphore, #tpu.memory_space<semaphore_mem>>) src(%dma_wait3A_159 : memref<10240xf32, #tpu.memory_space<vmem_shared>>) dst(%dma_wait3A_157 : memref<10240xf32, #tpu.memory_space<vmem>>)
      tpu.yield
    }) : () -> ()
    %broadcast_in_dim3A_37 = arith.constant 0.000000e+00 : f32
    %broadcast_in_dim3A_38 = vector.broadcast %broadcast_in_dim3A_37 : f32 to vector<16xf32>
    %parallel_loop3A_39 = arith.constant 0 : i32
    %parallel_loop3A_40 = arith.constant 1920 : i32
    %parallel_loop3A_41 = arith.constant 1 : i32
    scf.for %parallel_loop3A_144 = %parallel_loop3A_39 to %parallel_loop3A_40 step %parallel_loop3A_41  : i32 {
      %parallel_loop3A_145 = arith.constant 16 : i32
      %parallel_loop3A_146 = arith.muli %parallel_loop3A_144, %parallel_loop3A_145 : i32
      %parallel_loop3A_147 = arith.constant 0 : i32
      %parallel_loop3A_148 = arith.addi %parallel_loop3A_147, %parallel_loop3A_146 : i32
      %parallel_loop3A_149 = arith.index_cast %parallel_loop3A_148 : i32 to index
      %parallel_loop3A_150 = tpu.vector_load %arg11[%parallel_loop3A_149] {strides = array<i32>} : memref<30720xf32, #tpu.memory_space<vmem>>, vector<16xf32>,
      tpu.vector_store %arg11[%parallel_loop3A_149], %broadcast_in_dim3A_38 {strides = array<i32>} : memref<30720xf32, #tpu.memory_space<vmem>>, vector<16xf32>,
    } {sc.loop_unroll_factor = 8 : i64, sc.parallel_access}
    %dma_wait3A = tpu.memref_slice %arg2[%mul3A_0] : memref<640000xi32, #tpu.memory_space<hbm>> -> memref<20000xi32, #tpu.memory_space<hbm>>
    %dma_wait3A_42 = tpu.memref_slice %arg2[%mul3A_0] : memref<640000xi32, #tpu.memory_space<hbm>> -> memref<20000xi32, #tpu.memory_space<hbm>>
    tpu.wait_dma2 semaphore(%arg24 : memref<!tpu.dma_semaphore, #tpu.memory_space<semaphore_mem>>) src(%dma_wait3A_42 : memref<20000xi32, #tpu.memory_space<hbm>>) dst(%arg8 : memref<20000xi32, #tpu.memory_space<vmem>>)
    %dma_wait3A_43 = tpu.memref_slice %arg2[%add3A_4] : memref<640000xi32, #tpu.memory_space<hbm>> -> memref<20000xi32, #tpu.memory_space<hbm>>
    %dma_wait3A_44 = tpu.memref_slice %arg2[%add3A_4] : memref<640000xi32, #tpu.memory_space<hbm>> -> memref<20000xi32, #tpu.memory_space<hbm>>
    tpu.wait_dma2 semaphore(%arg25 : memref<!tpu.dma_semaphore, #tpu.memory_space<semaphore_mem>>) src(%dma_wait3A_44 : memref<20000xi32, #tpu.memory_space<hbm>>) dst(%arg9 : memref<20000xi32, #tpu.memory_space<vmem>>)
    %broadcast_in_dim3A_45 = arith.constant 10240 : i32
    %broadcast_in_dim3A_46 = vector.broadcast %broadcast_in_dim3A_45 : i32 to vector<16xi32>
    %broadcast_in_dim3A_47 = arith.constant 20480 : i32
    %broadcast_in_dim3A_48 = vector.broadcast %broadcast_in_dim3A_47 : i32 to vector<16xi32>
    %parallel_loop3A_49 = arith.constant 0 : i32
    %parallel_loop3A_50 = arith.constant 1250 : i32
    %parallel_loop3A_51 = arith.constant 1 : i32
    scf.for %parallel_loop3A_144 = %parallel_loop3A_49 to %parallel_loop3A_50 step %parallel_loop3A_51  : i32 {
      %parallel_loop3A_145 = arith.constant 16 : i32
      %parallel_loop3A_146 = arith.muli %parallel_loop3A_144, %parallel_loop3A_145 : i32
      %parallel_loop3A_147 = arith.index_cast %parallel_loop3A_146 : i32 to index
      %parallel_loop3A_148 = tpu.vector_load %arg8[%parallel_loop3A_147] {strides = array<i32>} : memref<20000xi32, #tpu.memory_space<vmem>>, vector<16xi32>,
      %parallel_loop3A_149 = arith.constant 16 : i32
      %parallel_loop3A_150 = arith.muli %parallel_loop3A_144, %parallel_loop3A_149 : i32
      %parallel_loop3A_151 = arith.index_cast %parallel_loop3A_150 : i32 to index
      %parallel_loop3A_152 = tpu.vector_load %arg9[%parallel_loop3A_151] {strides = array<i32>} : memref<20000xi32, #tpu.memory_space<vmem>>, vector<16xi32>,
      %parallel_loop3A_153 = tpu.vector_load_idx %arg10[%parallel_loop3A_148] : memref<30720xf32, #tpu.memory_space<vmem>>[vector<16xi32>], vector<16xf32>,
      %parallel_loop3A_154 = arith.addi %parallel_loop3A_148, %broadcast_in_dim3A_46 : vector<16xi32>
      %parallel_loop3A_155 = tpu.vector_load_idx %arg10[%parallel_loop3A_154] : memref<30720xf32, #tpu.memory_space<vmem>>[vector<16xi32>], vector<16xf32>,
      %parallel_loop3A_156 = arith.addi %parallel_loop3A_148, %broadcast_in_dim3A_48 : vector<16xi32>
      %parallel_loop3A_157 = tpu.vector_load_idx %arg10[%parallel_loop3A_156] : memref<30720xf32, #tpu.memory_space<vmem>>[vector<16xi32>], vector<16xf32>,
      tpu.vector_store_idx %arg11[%parallel_loop3A_152], %parallel_loop3A_153 {add = true} : memref<30720xf32, #tpu.memory_space<vmem>>[vector<16xi32>], vector<16xf32>,
      %parallel_loop3A_158 = arith.addi %parallel_loop3A_152, %broadcast_in_dim3A_46 : vector<16xi32>
      tpu.vector_store_idx %arg11[%parallel_loop3A_158], %parallel_loop3A_155 {add = true} : memref<30720xf32, #tpu.memory_space<vmem>>[vector<16xi32>], vector<16xf32>,
      %parallel_loop3A_159 = arith.addi %parallel_loop3A_152, %broadcast_in_dim3A_48 : vector<16xi32>
      tpu.vector_store_idx %arg11[%parallel_loop3A_159], %parallel_loop3A_157 {add = true} : memref<30720xf32, #tpu.memory_space<vmem>>[vector<16xi32>], vector<16xf32>,
    } {sc.loop_unroll_factor = 8 : i64, sc.parallel_access}
    "tpu.region"() ({
      %run_scoped3A = tpu.sem_alloc : memref<!tpu.dma_semaphore, #tpu.memory_space<semaphore_mem>>
      %dma_start3A_144 = arith.constant 0 : i32
      %dma_start3A_145 = tpu.memref_slice %arg11[%dma_start3A_144] : memref<30720xf32, #tpu.memory_space<vmem>> -> memref<10240xf32, #tpu.memory_space<vmem>>
      %dma_start3A_146 = arith.constant 0 : i32
      %dma_start3A_147 = tpu.memref_slice %arg22[%arg1, %dma_start3A_146] : memref<16x10240xf32, #tpu.memory_space<vmem_shared>> -> memref<1x10240xf32, #tpu.memory_space<vmem_shared>>
      %dma_start3A_148 = tpu.memref_squeeze %dma_start3A_147 : memref<1x10240xf32, #tpu.memory_space<vmem_shared>> -> memref<10240xf32, #tpu.memory_space<vmem_shared>>
      %dma_start3A_149 = arith.constant 0 : i32
      %dma_start3A_150 = tpu.memref_slice %arg22[%arg1, %dma_start3A_149] : memref<16x10240xf32, #tpu.memory_space<vmem_shared>> -> memref<1x10240xf32, #tpu.memory_space<vmem_shared>>
      %dma_start3A_151 = tpu.memref_squeeze %dma_start3A_150 : memref<1x10240xf32, #tpu.memory_space<vmem_shared>> -> memref<10240xf32, #tpu.memory_space<vmem_shared>>
      %dma_start3A_152 = arith.constant 0 : i32
      %dma_start3A_153 = tpu.memref_slice %arg11[%dma_start3A_152] : memref<30720xf32, #tpu.memory_space<vmem>> -> memref<10240xf32, #tpu.memory_space<vmem>>
      tpu.enqueue_dma source(%dma_start3A_153 : memref<10240xf32, #tpu.memory_space<vmem>>) target(%dma_start3A_151 : memref<10240xf32, #tpu.memory_space<vmem_shared>>) target_semaphore(%run_scoped3A : memref<!tpu.dma_semaphore, #tpu.memory_space<semaphore_mem>>)
      %dma_wait3A_154 = arith.constant 0 : i32
      %dma_wait3A_155 = tpu.memref_slice %arg11[%dma_wait3A_154] : memref<30720xf32, #tpu.memory_space<vmem>> -> memref<10240xf32, #tpu.memory_space<vmem>>
      %dma_wait3A_156 = arith.constant 0 : i32
      %dma_wait3A_157 = tpu.memref_slice %arg22[%arg1, %dma_wait3A_156] : memref<16x10240xf32, #tpu.memory_space<vmem_shared>> -> memref<1x10240xf32, #tpu.memory_space<vmem_shared>>
      %dma_wait3A_158 = tpu.memref_squeeze %dma_wait3A_157 : memref<1x10240xf32, #tpu.memory_space<vmem_shared>> -> memref<10240xf32, #tpu.memory_space<vmem_shared>>
      %dma_wait3A_159 = arith.constant 0 : i32
      %dma_wait3A_160 = tpu.memref_slice %arg22[%arg1, %dma_wait3A_159] : memref<16x10240xf32, #tpu.memory_space<vmem_shared>> -> memref<1x10240xf32, #tpu.memory_space<vmem_shared>>
      %dma_wait3A_161 = tpu.memref_squeeze %dma_wait3A_160 : memref<1x10240xf32, #tpu.memory_space<vmem_shared>> -> memref<10240xf32, #tpu.memory_space<vmem_shared>>
      %dma_wait3A_162 = arith.constant 0 : i32
      %dma_wait3A_163 = tpu.memref_slice %arg11[%dma_wait3A_162] : memref<30720xf32, #tpu.memory_space<vmem>> -> memref<10240xf32, #tpu.memory_space<vmem>>
      tpu.wait_dma2 semaphore(%run_scoped3A : memref<!tpu.dma_semaphore, #tpu.memory_space<semaphore_mem>>) src(%dma_wait3A_163 : memref<10240xf32, #tpu.memory_space<vmem>>) dst(%dma_wait3A_161 : memref<10240xf32, #tpu.memory_space<vmem_shared>>)
      tpu.yield
    }) : () -> ()
    %barrier3A_52 = arith.constant 0 : index
    tpu.barrier barrier_id(%barrier3A_52)
    %add3A_53 = arith.constant 0 : i32
    %add3A_54 = arith.addi %add3A_53, %mul3A_2 : i32
    "tpu.region"() ({
      %run_scoped3A = tpu.sem_alloc : memref<!tpu.dma_semaphore, #tpu.memory_space<semaphore_mem>>
      %dma_start3A_144 = arith.constant 0 : i32
      %dma_start3A_145 = tpu.memref_slice %arg22[%dma_start3A_144, %add3A_54] : memref<16x10240xf32, #tpu.memory_space<vmem_shared>> -> memref<16x640xf32, #tpu.memory_space<vmem_shared>>
      %dma_start3A_146 = arith.constant 0 : i32
      %dma_start3A_147 = tpu.memref_slice %arg22[%dma_start3A_146, %add3A_54] : memref<16x10240xf32, #tpu.memory_space<vmem_shared>> -> memref<16x640xf32, #tpu.memory_space<vmem_shared>>
      tpu.enqueue_dma source(%dma_start3A_147 : memref<16x640xf32, #tpu.memory_space<vmem_shared>>) target(%arg13 : memref<16x640xf32, #tpu.memory_space<vmem>>) target_semaphore(%run_scoped3A : memref<!tpu.dma_semaphore, #tpu.memory_space<semaphore_mem>>)
      %dma_wait3A_148 = arith.constant 0 : i32
      %dma_wait3A_149 = tpu.memref_slice %arg22[%dma_wait3A_148, %add3A_54] : memref<16x10240xf32, #tpu.memory_space<vmem_shared>> -> memref<16x640xf32, #tpu.memory_space<vmem_shared>>
      %dma_wait3A_150 = arith.constant 0 : i32
      %dma_wait3A_151 = tpu.memref_slice %arg22[%dma_wait3A_150, %add3A_54] : memref<16x10240xf32, #tpu.memory_space<vmem_shared>> -> memref<16x640xf32, #tpu.memory_space<vmem_shared>>
      tpu.wait_dma2 semaphore(%run_scoped3A : memref<!tpu.dma_semaphore, #tpu.memory_space<semaphore_mem>>) src(%dma_wait3A_151 : memref<16x640xf32, #tpu.memory_space<vmem_shared>>) dst(%arg13 : memref<16x640xf32, #tpu.memory_space<vmem>>)
      tpu.yield
    }) : () -> ()
    %parallel_loop3A_55 = arith.constant 0 : i32
    %parallel_loop3A_56 = arith.constant 40 : i32
    %parallel_loop3A_57 = arith.constant 1 : i32
    scf.for %parallel_loop3A_144 = %parallel_loop3A_55 to %parallel_loop3A_56 step %parallel_loop3A_57  : i32 {
      %parallel_loop3A_145 = arith.constant 16 : i32
      %parallel_loop3A_146 = arith.muli %parallel_loop3A_144, %parallel_loop3A_145 : i32
      %parallel_loop3A_147 = arith.constant 0 : i32
      %parallel_loop3A_148 = arith.index_cast %parallel_loop3A_147 : i32 to index
      %parallel_loop3A_149 = arith.index_cast %parallel_loop3A_146 : i32 to index
      %parallel_loop3A_150 = tpu.vector_load %arg13[%parallel_loop3A_148, %parallel_loop3A_149] {strides = array<i32>} : memref<16x640xf32, #tpu.memory_space<vmem>>, vector<16xf32>,
      %parallel_loop3A_151 = arith.constant 16 : i32
      %parallel_loop3A_152 = arith.muli %parallel_loop3A_144, %parallel_loop3A_151 : i32
      %parallel_loop3A_153 = arith.constant 1 : i32
      %parallel_loop3A_154 = arith.index_cast %parallel_loop3A_153 : i32 to index
      %parallel_loop3A_155 = arith.index_cast %parallel_loop3A_152 : i32 to index
      %parallel_loop3A_156 = tpu.vector_load %arg13[%parallel_loop3A_154, %parallel_loop3A_155] {strides = array<i32>} : memref<16x640xf32, #tpu.memory_space<vmem>>, vector<16xf32>,
      %parallel_loop3A_157 = arith.addf %parallel_loop3A_150, %parallel_loop3A_156 : vector<16xf32>
      %parallel_loop3A_158 = arith.constant 16 : i32
      %parallel_loop3A_159 = arith.muli %parallel_loop3A_144, %parallel_loop3A_158 : i32
      %parallel_loop3A_160 = arith.constant 2 : i32
      %parallel_loop3A_161 = arith.index_cast %parallel_loop3A_160 : i32 to index
      %parallel_loop3A_162 = arith.index_cast %parallel_loop3A_159 : i32 to index
      %parallel_loop3A_163 = tpu.vector_load %arg13[%parallel_loop3A_161, %parallel_loop3A_162] {strides = array<i32>} : memref<16x640xf32, #tpu.memory_space<vmem>>, vector<16xf32>,
      %parallel_loop3A_164 = arith.addf %parallel_loop3A_157, %parallel_loop3A_163 : vector<16xf32>
      %parallel_loop3A_165 = arith.constant 16 : i32
      %parallel_loop3A_166 = arith.muli %parallel_loop3A_144, %parallel_loop3A_165 : i32
      %parallel_loop3A_167 = arith.constant 3 : i32
      %parallel_loop3A_168 = arith.index_cast %parallel_loop3A_167 : i32 to index
      %parallel_loop3A_169 = arith.index_cast %parallel_loop3A_166 : i32 to index
      %parallel_loop3A_170 = tpu.vector_load %arg13[%parallel_loop3A_168, %parallel_loop3A_169] {strides = array<i32>} : memref<16x640xf32, #tpu.memory_space<vmem>>, vector<16xf32>,
      %parallel_loop3A_171 = arith.addf %parallel_loop3A_164, %parallel_loop3A_170 : vector<16xf32>
      %parallel_loop3A_172 = arith.constant 16 : i32
      %parallel_loop3A_173 = arith.muli %parallel_loop3A_144, %parallel_loop3A_172 : i32
      %parallel_loop3A_174 = arith.constant 4 : i32
      %parallel_loop3A_175 = arith.index_cast %parallel_loop3A_174 : i32 to index
      %parallel_loop3A_176 = arith.index_cast %parallel_loop3A_173 : i32 to index
      %parallel_loop3A_177 = tpu.vector_load %arg13[%parallel_loop3A_175, %parallel_loop3A_176] {strides = array<i32>} : memref<16x640xf32, #tpu.memory_space<vmem>>, vector<16xf32>,
      %parallel_loop3A_178 = arith.addf %parallel_loop3A_171, %parallel_loop3A_177 : vector<16xf32>
      %parallel_loop3A_179 = arith.constant 16 : i32
      %parallel_loop3A_180 = arith.muli %parallel_loop3A_144, %parallel_loop3A_179 : i32
      %parallel_loop3A_181 = arith.constant 5 : i32
      %parallel_loop3A_182 = arith.index_cast %parallel_loop3A_181 : i32 to index
      %parallel_loop3A_183 = arith.index_cast %parallel_loop3A_180 : i32 to index
      %parallel_loop3A_184 = tpu.vector_load %arg13[%parallel_loop3A_182, %parallel_loop3A_183] {strides = array<i32>} : memref<16x640xf32, #tpu.memory_space<vmem>>, vector<16xf32>,
      %parallel_loop3A_185 = arith.addf %parallel_loop3A_178, %parallel_loop3A_184 : vector<16xf32>
      %parallel_loop3A_186 = arith.constant 16 : i32
      %parallel_loop3A_187 = arith.muli %parallel_loop3A_144, %parallel_loop3A_186 : i32
      %parallel_loop3A_188 = arith.constant 6 : i32
      %parallel_loop3A_189 = arith.index_cast %parallel_loop3A_188 : i32 to index
      %parallel_loop3A_190 = arith.index_cast %parallel_loop3A_187 : i32 to index
      %parallel_loop3A_191 = tpu.vector_load %arg13[%parallel_loop3A_189, %parallel_loop3A_190] {strides = array<i32>} : memref<16x640xf32, #tpu.memory_space<vmem>>, vector<16xf32>,
      %parallel_loop3A_192 = arith.addf %parallel_loop3A_185, %parallel_loop3A_191 : vector<16xf32>
      %parallel_loop3A_193 = arith.constant 16 : i32
      %parallel_loop3A_194 = arith.muli %parallel_loop3A_144, %parallel_loop3A_193 : i32
      %parallel_loop3A_195 = arith.constant 7 : i32
      %parallel_loop3A_196 = arith.index_cast %parallel_loop3A_195 : i32 to index
      %parallel_loop3A_197 = arith.index_cast %parallel_loop3A_194 : i32 to index
      %parallel_loop3A_198 = tpu.vector_load %arg13[%parallel_loop3A_196, %parallel_loop3A_197] {strides = array<i32>} : memref<16x640xf32, #tpu.memory_space<vmem>>, vector<16xf32>,
      %parallel_loop3A_199 = arith.addf %parallel_loop3A_192, %parallel_loop3A_198 : vector<16xf32>
      %parallel_loop3A_200 = arith.constant 16 : i32
      %parallel_loop3A_201 = arith.muli %parallel_loop3A_144, %parallel_loop3A_200 : i32
      %parallel_loop3A_202 = arith.constant 8 : i32
      %parallel_loop3A_203 = arith.index_cast %parallel_loop3A_202 : i32 to index
      %parallel_loop3A_204 = arith.index_cast %parallel_loop3A_201 : i32 to index
      %parallel_loop3A_205 = tpu.vector_load %arg13[%parallel_loop3A_203, %parallel_loop3A_204] {strides = array<i32>} : memref<16x640xf32, #tpu.memory_space<vmem>>, vector<16xf32>,
      %parallel_loop3A_206 = arith.addf %parallel_loop3A_199, %parallel_loop3A_205 : vector<16xf32>
      %parallel_loop3A_207 = arith.constant 16 : i32
      %parallel_loop3A_208 = arith.muli %parallel_loop3A_144, %parallel_loop3A_207 : i32
      %parallel_loop3A_209 = arith.constant 9 : i32
      %parallel_loop3A_210 = arith.index_cast %parallel_loop3A_209 : i32 to index
      %parallel_loop3A_211 = arith.index_cast %parallel_loop3A_208 : i32 to index
      %parallel_loop3A_212 = tpu.vector_load %arg13[%parallel_loop3A_210, %parallel_loop3A_211] {strides = array<i32>} : memref<16x640xf32, #tpu.memory_space<vmem>>, vector<16xf32>,
      %parallel_loop3A_213 = arith.addf %parallel_loop3A_206, %parallel_loop3A_212 : vector<16xf32>
      %parallel_loop3A_214 = arith.constant 16 : i32
      %parallel_loop3A_215 = arith.muli %parallel_loop3A_144, %parallel_loop3A_214 : i32
      %parallel_loop3A_216 = arith.constant 10 : i32
      %parallel_loop3A_217 = arith.index_cast %parallel_loop3A_216 : i32 to index
      %parallel_loop3A_218 = arith.index_cast %parallel_loop3A_215 : i32 to index
      %parallel_loop3A_219 = tpu.vector_load %arg13[%parallel_loop3A_217, %parallel_loop3A_218] {strides = array<i32>} : memref<16x640xf32, #tpu.memory_space<vmem>>, vector<16xf32>,
      %parallel_loop3A_220 = arith.addf %parallel_loop3A_213, %parallel_loop3A_219 : vector<16xf32>
      %parallel_loop3A_221 = arith.constant 16 : i32
      %parallel_loop3A_222 = arith.muli %parallel_loop3A_144, %parallel_loop3A_221 : i32
      %parallel_loop3A_223 = arith.constant 11 : i32
      %parallel_loop3A_224 = arith.index_cast %parallel_loop3A_223 : i32 to index
      %parallel_loop3A_225 = arith.index_cast %parallel_loop3A_222 : i32 to index
      %parallel_loop3A_226 = tpu.vector_load %arg13[%parallel_loop3A_224, %parallel_loop3A_225] {strides = array<i32>} : memref<16x640xf32, #tpu.memory_space<vmem>>, vector<16xf32>,
      %parallel_loop3A_227 = arith.addf %parallel_loop3A_220, %parallel_loop3A_226 : vector<16xf32>
      %parallel_loop3A_228 = arith.constant 16 : i32
      %parallel_loop3A_229 = arith.muli %parallel_loop3A_144, %parallel_loop3A_228 : i32
      %parallel_loop3A_230 = arith.constant 12 : i32
      %parallel_loop3A_231 = arith.index_cast %parallel_loop3A_230 : i32 to index
      %parallel_loop3A_232 = arith.index_cast %parallel_loop3A_229 : i32 to index
      %parallel_loop3A_233 = tpu.vector_load %arg13[%parallel_loop3A_231, %parallel_loop3A_232] {strides = array<i32>} : memref<16x640xf32, #tpu.memory_space<vmem>>, vector<16xf32>,
      %parallel_loop3A_234 = arith.addf %parallel_loop3A_227, %parallel_loop3A_233 : vector<16xf32>
      %parallel_loop3A_235 = arith.constant 16 : i32
      %parallel_loop3A_236 = arith.muli %parallel_loop3A_144, %parallel_loop3A_235 : i32
      %parallel_loop3A_237 = arith.constant 13 : i32
      %parallel_loop3A_238 = arith.index_cast %parallel_loop3A_237 : i32 to index
      %parallel_loop3A_239 = arith.index_cast %parallel_loop3A_236 : i32 to index
      %parallel_loop3A_240 = tpu.vector_load %arg13[%parallel_loop3A_238, %parallel_loop3A_239] {strides = array<i32>} : memref<16x640xf32, #tpu.memory_space<vmem>>, vector<16xf32>,
      %parallel_loop3A_241 = arith.addf %parallel_loop3A_234, %parallel_loop3A_240 : vector<16xf32>
      %parallel_loop3A_242 = arith.constant 16 : i32
      %parallel_loop3A_243 = arith.muli %parallel_loop3A_144, %parallel_loop3A_242 : i32
      %parallel_loop3A_244 = arith.constant 14 : i32
      %parallel_loop3A_245 = arith.index_cast %parallel_loop3A_244 : i32 to index
      %parallel_loop3A_246 = arith.index_cast %parallel_loop3A_243 : i32 to index
      %parallel_loop3A_247 = tpu.vector_load %arg13[%parallel_loop3A_245, %parallel_loop3A_246] {strides = array<i32>} : memref<16x640xf32, #tpu.memory_space<vmem>>, vector<16xf32>,
      %parallel_loop3A_248 = arith.addf %parallel_loop3A_241, %parallel_loop3A_247 : vector<16xf32>
      %parallel_loop3A_249 = arith.constant 16 : i32
      %parallel_loop3A_250 = arith.muli %parallel_loop3A_144, %parallel_loop3A_249 : i32
      %parallel_loop3A_251 = arith.constant 15 : i32
      %parallel_loop3A_252 = arith.index_cast %parallel_loop3A_251 : i32 to index
      %parallel_loop3A_253 = arith.index_cast %parallel_loop3A_250 : i32 to index
      %parallel_loop3A_254 = tpu.vector_load %arg13[%parallel_loop3A_252, %parallel_loop3A_253] {strides = array<i32>} : memref<16x640xf32, #tpu.memory_space<vmem>>, vector<16xf32>,
      %parallel_loop3A_255 = arith.addf %parallel_loop3A_248, %parallel_loop3A_254 : vector<16xf32>
      %parallel_loop3A_256 = arith.constant 16 : i32
      %parallel_loop3A_257 = arith.muli %parallel_loop3A_144, %parallel_loop3A_256 : i32
      %parallel_loop3A_258 = arith.index_cast %parallel_loop3A_257 : i32 to index
      %parallel_loop3A_259 = tpu.vector_load %arg12[%parallel_loop3A_258] {strides = array<i32>} : memref<640xf32, #tpu.memory_space<vmem>>, vector<16xf32>,
      tpu.vector_store %arg12[%parallel_loop3A_258], %parallel_loop3A_255 {strides = array<i32>} : memref<640xf32, #tpu.memory_space<vmem>>, vector<16xf32>,
    } {sc.loop_unroll_factor = 2 : i64, sc.parallel_access}
    %barrier3A_58 = arith.constant 0 : index
    tpu.barrier barrier_id(%barrier3A_58)
    %parallel_loop3A_59 = arith.constant 0 : i32
    %parallel_loop3A_60 = arith.constant 40 : i32
    %parallel_loop3A_61 = arith.constant 1 : i32
    scf.for %parallel_loop3A_144 = %parallel_loop3A_59 to %parallel_loop3A_60 step %parallel_loop3A_61  : i32 {
      %parallel_loop3A_145 = arith.constant 16 : i32
      %parallel_loop3A_146 = arith.muli %parallel_loop3A_144, %parallel_loop3A_145 : i32
      %parallel_loop3A_147 = arith.index_cast %parallel_loop3A_146 : i32 to index
      %parallel_loop3A_148 = tpu.vector_load %arg14[%parallel_loop3A_147] {strides = array<i32>} : memref<640xf32, #tpu.memory_space<vmem>>, vector<16xf32>,
      %parallel_loop3A_149 = arith.constant 16 : i32
      %parallel_loop3A_150 = arith.muli %parallel_loop3A_144, %parallel_loop3A_149 : i32
      %parallel_loop3A_151 = arith.addi %mul3A_2, %parallel_loop3A_150 : i32
      %parallel_loop3A_152 = arith.index_cast %parallel_loop3A_151 : i32 to index
      %parallel_loop3A_153 = tpu.vector_load %arg10[%parallel_loop3A_152] {strides = array<i32>} : memref<30720xf32, #tpu.memory_space<vmem>>, vector<16xf32>,
      %parallel_loop3A_154 = arith.mulf %parallel_loop3A_148, %parallel_loop3A_148 : vector<16xf32>
      %parallel_loop3A_155 = arith.constant 16 : i32
      %parallel_loop3A_156 = arith.muli %parallel_loop3A_144, %parallel_loop3A_155 : i32
      %parallel_loop3A_157 = arith.index_cast %parallel_loop3A_156 : i32 to index
      %parallel_loop3A_158 = tpu.vector_load %arg12[%parallel_loop3A_157] {strides = array<i32>} : memref<640xf32, #tpu.memory_space<vmem>>, vector<16xf32>,
      %parallel_loop3A_159 = arith.addf %parallel_loop3A_158, %parallel_loop3A_153 : vector<16xf32>
      %parallel_loop3A_160 = arith.mulf %parallel_loop3A_154, %parallel_loop3A_159 : vector<16xf32>
      %parallel_loop3A_161 = arith.constant 16 : i32
      %parallel_loop3A_162 = arith.muli %parallel_loop3A_144, %parallel_loop3A_161 : i32
      %parallel_loop3A_163 = arith.index_cast %parallel_loop3A_162 : i32 to index
      %parallel_loop3A_164 = tpu.vector_load %arg16[%parallel_loop3A_163] {strides = array<i32>} : memref<640xf32, #tpu.memory_space<vmem>>, vector<16xf32>,
      tpu.vector_store %arg16[%parallel_loop3A_163], %parallel_loop3A_160 {strides = array<i32>} : memref<640xf32, #tpu.memory_space<vmem>>, vector<16xf32>,
    } {sc.loop_unroll_factor = 1 : i64, sc.parallel_access}
    "tpu.region"() ({
      %run_scoped3A = tpu.sem_alloc : memref<!tpu.dma_semaphore, #tpu.memory_space<semaphore_mem>>
      %dma_start3A_144 = arith.constant 10240 : i32
      %dma_start3A_145 = tpu.memref_slice %arg11[%dma_start3A_144] : memref<30720xf32, #tpu.memory_space<vmem>> -> memref<10240xf32, #tpu.memory_space<vmem>>
      %dma_start3A_146 = arith.constant 0 : i32
      %dma_start3A_147 = tpu.memref_slice %arg22[%arg1, %dma_start3A_146] : memref<16x10240xf32, #tpu.memory_space<vmem_shared>> -> memref<1x10240xf32, #tpu.memory_space<vmem_shared>>
      %dma_start3A_148 = tpu.memref_squeeze %dma_start3A_147 : memref<1x10240xf32, #tpu.memory_space<vmem_shared>> -> memref<10240xf32, #tpu.memory_space<vmem_shared>>
      %dma_start3A_149 = arith.constant 0 : i32
      %dma_start3A_150 = tpu.memref_slice %arg22[%arg1, %dma_start3A_149] : memref<16x10240xf32, #tpu.memory_space<vmem_shared>> -> memref<1x10240xf32, #tpu.memory_space<vmem_shared>>
      %dma_start3A_151 = tpu.memref_squeeze %dma_start3A_150 : memref<1x10240xf32, #tpu.memory_space<vmem_shared>> -> memref<10240xf32, #tpu.memory_space<vmem_shared>>
      %dma_start3A_152 = arith.constant 10240 : i32
      %dma_start3A_153 = tpu.memref_slice %arg11[%dma_start3A_152] : memref<30720xf32, #tpu.memory_space<vmem>> -> memref<10240xf32, #tpu.memory_space<vmem>>
      tpu.enqueue_dma source(%dma_start3A_153 : memref<10240xf32, #tpu.memory_space<vmem>>) target(%dma_start3A_151 : memref<10240xf32, #tpu.memory_space<vmem_shared>>) target_semaphore(%run_scoped3A : memref<!tpu.dma_semaphore, #tpu.memory_space<semaphore_mem>>)
      %dma_wait3A_154 = arith.constant 10240 : i32
      %dma_wait3A_155 = tpu.memref_slice %arg11[%dma_wait3A_154] : memref<30720xf32, #tpu.memory_space<vmem>> -> memref<10240xf32, #tpu.memory_space<vmem>>
      %dma_wait3A_156 = arith.constant 0 : i32
      %dma_wait3A_157 = tpu.memref_slice %arg22[%arg1, %dma_wait3A_156] : memref<16x10240xf32, #tpu.memory_space<vmem_shared>> -> memref<1x10240xf32, #tpu.memory_space<vmem_shared>>
      %dma_wait3A_158 = tpu.memref_squeeze %dma_wait3A_157 : memref<1x10240xf32, #tpu.memory_space<vmem_shared>> -> memref<10240xf32, #tpu.memory_space<vmem_shared>>
      %dma_wait3A_159 = arith.constant 0 : i32
      %dma_wait3A_160 = tpu.memref_slice %arg22[%arg1, %dma_wait3A_159] : memref<16x10240xf32, #tpu.memory_space<vmem_shared>> -> memref<1x10240xf32, #tpu.memory_space<vmem_shared>>
      %dma_wait3A_161 = tpu.memref_squeeze %dma_wait3A_160 : memref<1x10240xf32, #tpu.memory_space<vmem_shared>> -> memref<10240xf32, #tpu.memory_space<vmem_shared>>
      %dma_wait3A_162 = arith.constant 10240 : i32
      %dma_wait3A_163 = tpu.memref_slice %arg11[%dma_wait3A_162] : memref<30720xf32, #tpu.memory_space<vmem>> -> memref<10240xf32, #tpu.memory_space<vmem>>
      tpu.wait_dma2 semaphore(%run_scoped3A : memref<!tpu.dma_semaphore, #tpu.memory_space<semaphore_mem>>) src(%dma_wait3A_163 : memref<10240xf32, #tpu.memory_space<vmem>>) dst(%dma_wait3A_161 : memref<10240xf32, #tpu.memory_space<vmem_shared>>)
      tpu.yield
    }) : () -> ()
    %barrier3A_62 = arith.constant 0 : index
    tpu.barrier barrier_id(%barrier3A_62)
    %add3A_63 = arith.constant 0 : i32
    %add3A_64 = arith.addi %add3A_63, %mul3A_2 : i32
    "tpu.region"() ({
      %run_scoped3A = tpu.sem_alloc : memref<!tpu.dma_semaphore, #tpu.memory_space<semaphore_mem>>
      %dma_start3A_144 = arith.constant 0 : i32
      %dma_start3A_145 = tpu.memref_slice %arg22[%dma_start3A_144, %add3A_64] : memref<16x10240xf32, #tpu.memory_space<vmem_shared>> -> memref<16x640xf32, #tpu.memory_space<vmem_shared>>
      %dma_start3A_146 = arith.constant 0 : i32
      %dma_start3A_147 = tpu.memref_slice %arg22[%dma_start3A_146, %add3A_64] : memref<16x10240xf32, #tpu.memory_space<vmem_shared>> -> memref<16x640xf32, #tpu.memory_space<vmem_shared>>
      tpu.enqueue_dma source(%dma_start3A_147 : memref<16x640xf32, #tpu.memory_space<vmem_shared>>) target(%arg13 : memref<16x640xf32, #tpu.memory_space<vmem>>) target_semaphore(%run_scoped3A : memref<!tpu.dma_semaphore, #tpu.memory_space<semaphore_mem>>)
      %dma_wait3A_148 = arith.constant 0 : i32
      %dma_wait3A_149 = tpu.memref_slice %arg22[%dma_wait3A_148, %add3A_64] : memref<16x10240xf32, #tpu.memory_space<vmem_shared>> -> memref<16x640xf32, #tpu.memory_space<vmem_shared>>
      %dma_wait3A_150 = arith.constant 0 : i32
      %dma_wait3A_151 = tpu.memref_slice %arg22[%dma_wait3A_150, %add3A_64] : memref<16x10240xf32, #tpu.memory_space<vmem_shared>> -> memref<16x640xf32, #tpu.memory_space<vmem_shared>>
      tpu.wait_dma2 semaphore(%run_scoped3A : memref<!tpu.dma_semaphore, #tpu.memory_space<semaphore_mem>>) src(%dma_wait3A_151 : memref<16x640xf32, #tpu.memory_space<vmem_shared>>) dst(%arg13 : memref<16x640xf32, #tpu.memory_space<vmem>>)
      tpu.yield
    }) : () -> ()
    %parallel_loop3A_65 = arith.constant 0 : i32
    %parallel_loop3A_66 = arith.constant 40 : i32
    %parallel_loop3A_67 = arith.constant 1 : i32
    scf.for %parallel_loop3A_144 = %parallel_loop3A_65 to %parallel_loop3A_66 step %parallel_loop3A_67  : i32 {
      %parallel_loop3A_145 = arith.constant 16 : i32
      %parallel_loop3A_146 = arith.muli %parallel_loop3A_144, %parallel_loop3A_145 : i32
      %parallel_loop3A_147 = arith.constant 0 : i32
      %parallel_loop3A_148 = arith.index_cast %parallel_loop3A_147 : i32 to index
      %parallel_loop3A_149 = arith.index_cast %parallel_loop3A_146 : i32 to index
      %parallel_loop3A_150 = tpu.vector_load %arg13[%parallel_loop3A_148, %parallel_loop3A_149] {strides = array<i32>} : memref<16x640xf32, #tpu.memory_space<vmem>>, vector<16xf32>,
      %parallel_loop3A_151 = arith.constant 16 : i32
      %parallel_loop3A_152 = arith.muli %parallel_loop3A_144, %parallel_loop3A_151 : i32
      %parallel_loop3A_153 = arith.constant 1 : i32
      %parallel_loop3A_154 = arith.index_cast %parallel_loop3A_153 : i32 to index
      %parallel_loop3A_155 = arith.index_cast %parallel_loop3A_152 : i32 to index
      %parallel_loop3A_156 = tpu.vector_load %arg13[%parallel_loop3A_154, %parallel_loop3A_155] {strides = array<i32>} : memref<16x640xf32, #tpu.memory_space<vmem>>, vector<16xf32>,
      %parallel_loop3A_157 = arith.addf %parallel_loop3A_150, %parallel_loop3A_156 : vector<16xf32>
      %parallel_loop3A_158 = arith.constant 16 : i32
      %parallel_loop3A_159 = arith.muli %parallel_loop3A_144, %parallel_loop3A_158 : i32
      %parallel_loop3A_160 = arith.constant 2 : i32
      %parallel_loop3A_161 = arith.index_cast %parallel_loop3A_160 : i32 to index
      %parallel_loop3A_162 = arith.index_cast %parallel_loop3A_159 : i32 to index
      %parallel_loop3A_163 = tpu.vector_load %arg13[%parallel_loop3A_161, %parallel_loop3A_162] {strides = array<i32>} : memref<16x640xf32, #tpu.memory_space<vmem>>, vector<16xf32>,
      %parallel_loop3A_164 = arith.addf %parallel_loop3A_157, %parallel_loop3A_163 : vector<16xf32>
      %parallel_loop3A_165 = arith.constant 16 : i32
      %parallel_loop3A_166 = arith.muli %parallel_loop3A_144, %parallel_loop3A_165 : i32
      %parallel_loop3A_167 = arith.constant 3 : i32
      %parallel_loop3A_168 = arith.index_cast %parallel_loop3A_167 : i32 to index
      %parallel_loop3A_169 = arith.index_cast %parallel_loop3A_166 : i32 to index
      %parallel_loop3A_170 = tpu.vector_load %arg13[%parallel_loop3A_168, %parallel_loop3A_169] {strides = array<i32>} : memref<16x640xf32, #tpu.memory_space<vmem>>, vector<16xf32>,
      %parallel_loop3A_171 = arith.addf %parallel_loop3A_164, %parallel_loop3A_170 : vector<16xf32>
      %parallel_loop3A_172 = arith.constant 16 : i32
      %parallel_loop3A_173 = arith.muli %parallel_loop3A_144, %parallel_loop3A_172 : i32
      %parallel_loop3A_174 = arith.constant 4 : i32
      %parallel_loop3A_175 = arith.index_cast %parallel_loop3A_174 : i32 to index
      %parallel_loop3A_176 = arith.index_cast %parallel_loop3A_173 : i32 to index
      %parallel_loop3A_177 = tpu.vector_load %arg13[%parallel_loop3A_175, %parallel_loop3A_176] {strides = array<i32>} : memref<16x640xf32, #tpu.memory_space<vmem>>, vector<16xf32>,
      %parallel_loop3A_178 = arith.addf %parallel_loop3A_171, %parallel_loop3A_177 : vector<16xf32>
      %parallel_loop3A_179 = arith.constant 16 : i32
      %parallel_loop3A_180 = arith.muli %parallel_loop3A_144, %parallel_loop3A_179 : i32
      %parallel_loop3A_181 = arith.constant 5 : i32
      %parallel_loop3A_182 = arith.index_cast %parallel_loop3A_181 : i32 to index
      %parallel_loop3A_183 = arith.index_cast %parallel_loop3A_180 : i32 to index
      %parallel_loop3A_184 = tpu.vector_load %arg13[%parallel_loop3A_182, %parallel_loop3A_183] {strides = array<i32>} : memref<16x640xf32, #tpu.memory_space<vmem>>, vector<16xf32>,
      %parallel_loop3A_185 = arith.addf %parallel_loop3A_178, %parallel_loop3A_184 : vector<16xf32>
      %parallel_loop3A_186 = arith.constant 16 : i32
      %parallel_loop3A_187 = arith.muli %parallel_loop3A_144, %parallel_loop3A_186 : i32
      %parallel_loop3A_188 = arith.constant 6 : i32
      %parallel_loop3A_189 = arith.index_cast %parallel_loop3A_188 : i32 to index
      %parallel_loop3A_190 = arith.index_cast %parallel_loop3A_187 : i32 to index
      %parallel_loop3A_191 = tpu.vector_load %arg13[%parallel_loop3A_189, %parallel_loop3A_190] {strides = array<i32>} : memref<16x640xf32, #tpu.memory_space<vmem>>, vector<16xf32>,
      %parallel_loop3A_192 = arith.addf %parallel_loop3A_185, %parallel_loop3A_191 : vector<16xf32>
      %parallel_loop3A_193 = arith.constant 16 : i32
      %parallel_loop3A_194 = arith.muli %parallel_loop3A_144, %parallel_loop3A_193 : i32
      %parallel_loop3A_195 = arith.constant 7 : i32
      %parallel_loop3A_196 = arith.index_cast %parallel_loop3A_195 : i32 to index
      %parallel_loop3A_197 = arith.index_cast %parallel_loop3A_194 : i32 to index
      %parallel_loop3A_198 = tpu.vector_load %arg13[%parallel_loop3A_196, %parallel_loop3A_197] {strides = array<i32>} : memref<16x640xf32, #tpu.memory_space<vmem>>, vector<16xf32>,
      %parallel_loop3A_199 = arith.addf %parallel_loop3A_192, %parallel_loop3A_198 : vector<16xf32>
      %parallel_loop3A_200 = arith.constant 16 : i32
      %parallel_loop3A_201 = arith.muli %parallel_loop3A_144, %parallel_loop3A_200 : i32
      %parallel_loop3A_202 = arith.constant 8 : i32
      %parallel_loop3A_203 = arith.index_cast %parallel_loop3A_202 : i32 to index
      %parallel_loop3A_204 = arith.index_cast %parallel_loop3A_201 : i32 to index
      %parallel_loop3A_205 = tpu.vector_load %arg13[%parallel_loop3A_203, %parallel_loop3A_204] {strides = array<i32>} : memref<16x640xf32, #tpu.memory_space<vmem>>, vector<16xf32>,
      %parallel_loop3A_206 = arith.addf %parallel_loop3A_199, %parallel_loop3A_205 : vector<16xf32>
      %parallel_loop3A_207 = arith.constant 16 : i32
      %parallel_loop3A_208 = arith.muli %parallel_loop3A_144, %parallel_loop3A_207 : i32
      %parallel_loop3A_209 = arith.constant 9 : i32
      %parallel_loop3A_210 = arith.index_cast %parallel_loop3A_209 : i32 to index
      %parallel_loop3A_211 = arith.index_cast %parallel_loop3A_208 : i32 to index
      %parallel_loop3A_212 = tpu.vector_load %arg13[%parallel_loop3A_210, %parallel_loop3A_211] {strides = array<i32>} : memref<16x640xf32, #tpu.memory_space<vmem>>, vector<16xf32>,
      %parallel_loop3A_213 = arith.addf %parallel_loop3A_206, %parallel_loop3A_212 : vector<16xf32>
      %parallel_loop3A_214 = arith.constant 16 : i32
      %parallel_loop3A_215 = arith.muli %parallel_loop3A_144, %parallel_loop3A_214 : i32
      %parallel_loop3A_216 = arith.constant 10 : i32
      %parallel_loop3A_217 = arith.index_cast %parallel_loop3A_216 : i32 to index
      %parallel_loop3A_218 = arith.index_cast %parallel_loop3A_215 : i32 to index
      %parallel_loop3A_219 = tpu.vector_load %arg13[%parallel_loop3A_217, %parallel_loop3A_218] {strides = array<i32>} : memref<16x640xf32, #tpu.memory_space<vmem>>, vector<16xf32>,
      %parallel_loop3A_220 = arith.addf %parallel_loop3A_213, %parallel_loop3A_219 : vector<16xf32>
      %parallel_loop3A_221 = arith.constant 16 : i32
      %parallel_loop3A_222 = arith.muli %parallel_loop3A_144, %parallel_loop3A_221 : i32
      %parallel_loop3A_223 = arith.constant 11 : i32
      %parallel_loop3A_224 = arith.index_cast %parallel_loop3A_223 : i32 to index
      %parallel_loop3A_225 = arith.index_cast %parallel_loop3A_222 : i32 to index
      %parallel_loop3A_226 = tpu.vector_load %arg13[%parallel_loop3A_224, %parallel_loop3A_225] {strides = array<i32>} : memref<16x640xf32, #tpu.memory_space<vmem>>, vector<16xf32>,
      %parallel_loop3A_227 = arith.addf %parallel_loop3A_220, %parallel_loop3A_226 : vector<16xf32>
      %parallel_loop3A_228 = arith.constant 16 : i32
      %parallel_loop3A_229 = arith.muli %parallel_loop3A_144, %parallel_loop3A_228 : i32
      %parallel_loop3A_230 = arith.constant 12 : i32
      %parallel_loop3A_231 = arith.index_cast %parallel_loop3A_230 : i32 to index
      %parallel_loop3A_232 = arith.index_cast %parallel_loop3A_229 : i32 to index
      %parallel_loop3A_233 = tpu.vector_load %arg13[%parallel_loop3A_231, %parallel_loop3A_232] {strides = array<i32>} : memref<16x640xf32, #tpu.memory_space<vmem>>, vector<16xf32>,
      %parallel_loop3A_234 = arith.addf %parallel_loop3A_227, %parallel_loop3A_233 : vector<16xf32>
      %parallel_loop3A_235 = arith.constant 16 : i32
      %parallel_loop3A_236 = arith.muli %parallel_loop3A_144, %parallel_loop3A_235 : i32
      %parallel_loop3A_237 = arith.constant 13 : i32
      %parallel_loop3A_238 = arith.index_cast %parallel_loop3A_237 : i32 to index
      %parallel_loop3A_239 = arith.index_cast %parallel_loop3A_236 : i32 to index
      %parallel_loop3A_240 = tpu.vector_load %arg13[%parallel_loop3A_238, %parallel_loop3A_239] {strides = array<i32>} : memref<16x640xf32, #tpu.memory_space<vmem>>, vector<16xf32>,
      %parallel_loop3A_241 = arith.addf %parallel_loop3A_234, %parallel_loop3A_240 : vector<16xf32>
      %parallel_loop3A_242 = arith.constant 16 : i32
      %parallel_loop3A_243 = arith.muli %parallel_loop3A_144, %parallel_loop3A_242 : i32
      %parallel_loop3A_244 = arith.constant 14 : i32
      %parallel_loop3A_245 = arith.index_cast %parallel_loop3A_244 : i32 to index
      %parallel_loop3A_246 = arith.index_cast %parallel_loop3A_243 : i32 to index
      %parallel_loop3A_247 = tpu.vector_load %arg13[%parallel_loop3A_245, %parallel_loop3A_246] {strides = array<i32>} : memref<16x640xf32, #tpu.memory_space<vmem>>, vector<16xf32>,
      %parallel_loop3A_248 = arith.addf %parallel_loop3A_241, %parallel_loop3A_247 : vector<16xf32>
      %parallel_loop3A_249 = arith.constant 16 : i32
      %parallel_loop3A_250 = arith.muli %parallel_loop3A_144, %parallel_loop3A_249 : i32
      %parallel_loop3A_251 = arith.constant 15 : i32
      %parallel_loop3A_252 = arith.index_cast %parallel_loop3A_251 : i32 to index
      %parallel_loop3A_253 = arith.index_cast %parallel_loop3A_250 : i32 to index
      %parallel_loop3A_254 = tpu.vector_load %arg13[%parallel_loop3A_252, %parallel_loop3A_253] {strides = array<i32>} : memref<16x640xf32, #tpu.memory_space<vmem>>, vector<16xf32>,
      %parallel_loop3A_255 = arith.addf %parallel_loop3A_248, %parallel_loop3A_254 : vector<16xf32>
      %parallel_loop3A_256 = arith.constant 16 : i32
      %parallel_loop3A_257 = arith.muli %parallel_loop3A_144, %parallel_loop3A_256 : i32
      %parallel_loop3A_258 = arith.index_cast %parallel_loop3A_257 : i32 to index
      %parallel_loop3A_259 = tpu.vector_load %arg12[%parallel_loop3A_258] {strides = array<i32>} : memref<640xf32, #tpu.memory_space<vmem>>, vector<16xf32>,
      tpu.vector_store %arg12[%parallel_loop3A_258], %parallel_loop3A_255 {strides = array<i32>} : memref<640xf32, #tpu.memory_space<vmem>>, vector<16xf32>,
    } {sc.loop_unroll_factor = 2 : i64, sc.parallel_access}
    %barrier3A_68 = arith.constant 0 : index
    tpu.barrier barrier_id(%barrier3A_68)
    %parallel_loop3A_69 = arith.constant 0 : i32
    %parallel_loop3A_70 = arith.constant 40 : i32
    %parallel_loop3A_71 = arith.constant 1 : i32
    scf.for %parallel_loop3A_144 = %parallel_loop3A_69 to %parallel_loop3A_70 step %parallel_loop3A_71  : i32 {
      %parallel_loop3A_145 = arith.constant 16 : i32
      %parallel_loop3A_146 = arith.muli %parallel_loop3A_144, %parallel_loop3A_145 : i32
      %parallel_loop3A_147 = arith.index_cast %parallel_loop3A_146 : i32 to index
      %parallel_loop3A_148 = tpu.vector_load %arg14[%parallel_loop3A_147] {strides = array<i32>} : memref<640xf32, #tpu.memory_space<vmem>>, vector<16xf32>,
      %parallel_loop3A_149 = arith.constant 10240 : i32
      %parallel_loop3A_150 = arith.addi %parallel_loop3A_149, %mul3A_2 : i32
      %parallel_loop3A_151 = arith.constant 16 : i32
      %parallel_loop3A_152 = arith.muli %parallel_loop3A_144, %parallel_loop3A_151 : i32
      %parallel_loop3A_153 = arith.addi %parallel_loop3A_150, %parallel_loop3A_152 : i32
      %parallel_loop3A_154 = arith.index_cast %parallel_loop3A_153 : i32 to index
      %parallel_loop3A_155 = tpu.vector_load %arg10[%parallel_loop3A_154] {strides = array<i32>} : memref<30720xf32, #tpu.memory_space<vmem>>, vector<16xf32>,
      %parallel_loop3A_156 = arith.mulf %parallel_loop3A_148, %parallel_loop3A_148 : vector<16xf32>
      %parallel_loop3A_157 = arith.constant 16 : i32
      %parallel_loop3A_158 = arith.muli %parallel_loop3A_144, %parallel_loop3A_157 : i32
      %parallel_loop3A_159 = arith.index_cast %parallel_loop3A_158 : i32 to index
      %parallel_loop3A_160 = tpu.vector_load %arg12[%parallel_loop3A_159] {strides = array<i32>} : memref<640xf32, #tpu.memory_space<vmem>>, vector<16xf32>,
      %parallel_loop3A_161 = arith.addf %parallel_loop3A_160, %parallel_loop3A_155 : vector<16xf32>
      %parallel_loop3A_162 = arith.mulf %parallel_loop3A_156, %parallel_loop3A_161 : vector<16xf32>
      %parallel_loop3A_163 = arith.constant 16 : i32
      %parallel_loop3A_164 = arith.muli %parallel_loop3A_144, %parallel_loop3A_163 : i32
      %parallel_loop3A_165 = arith.index_cast %parallel_loop3A_164 : i32 to index
      %parallel_loop3A_166 = tpu.vector_load %arg17[%parallel_loop3A_165] {strides = array<i32>} : memref<640xf32, #tpu.memory_space<vmem>>, vector<16xf32>,
      tpu.vector_store %arg17[%parallel_loop3A_165], %parallel_loop3A_162 {strides = array<i32>} : memref<640xf32, #tpu.memory_space<vmem>>, vector<16xf32>,
    } {sc.loop_unroll_factor = 1 : i64, sc.parallel_access}
    "tpu.region"() ({
      %run_scoped3A = tpu.sem_alloc : memref<!tpu.dma_semaphore, #tpu.memory_space<semaphore_mem>>
      %dma_start3A_144 = arith.constant 20480 : i32
      %dma_start3A_145 = tpu.memref_slice %arg11[%dma_start3A_144] : memref<30720xf32, #tpu.memory_space<vmem>> -> memref<10240xf32, #tpu.memory_space<vmem>>
      %dma_start3A_146 = arith.constant 0 : i32
      %dma_start3A_147 = tpu.memref_slice %arg22[%arg1, %dma_start3A_146] : memref<16x10240xf32, #tpu.memory_space<vmem_shared>> -> memref<1x10240xf32, #tpu.memory_space<vmem_shared>>
      %dma_start3A_148 = tpu.memref_squeeze %dma_start3A_147 : memref<1x10240xf32, #tpu.memory_space<vmem_shared>> -> memref<10240xf32, #tpu.memory_space<vmem_shared>>
      %dma_start3A_149 = arith.constant 0 : i32
      %dma_start3A_150 = tpu.memref_slice %arg22[%arg1, %dma_start3A_149] : memref<16x10240xf32, #tpu.memory_space<vmem_shared>> -> memref<1x10240xf32, #tpu.memory_space<vmem_shared>>
      %dma_start3A_151 = tpu.memref_squeeze %dma_start3A_150 : memref<1x10240xf32, #tpu.memory_space<vmem_shared>> -> memref<10240xf32, #tpu.memory_space<vmem_shared>>
      %dma_start3A_152 = arith.constant 20480 : i32
      %dma_start3A_153 = tpu.memref_slice %arg11[%dma_start3A_152] : memref<30720xf32, #tpu.memory_space<vmem>> -> memref<10240xf32, #tpu.memory_space<vmem>>
      tpu.enqueue_dma source(%dma_start3A_153 : memref<10240xf32, #tpu.memory_space<vmem>>) target(%dma_start3A_151 : memref<10240xf32, #tpu.memory_space<vmem_shared>>) target_semaphore(%run_scoped3A : memref<!tpu.dma_semaphore, #tpu.memory_space<semaphore_mem>>)
      %dma_wait3A_154 = arith.constant 20480 : i32
      %dma_wait3A_155 = tpu.memref_slice %arg11[%dma_wait3A_154] : memref<30720xf32, #tpu.memory_space<vmem>> -> memref<10240xf32, #tpu.memory_space<vmem>>
      %dma_wait3A_156 = arith.constant 0 : i32
      %dma_wait3A_157 = tpu.memref_slice %arg22[%arg1, %dma_wait3A_156] : memref<16x10240xf32, #tpu.memory_space<vmem_shared>> -> memref<1x10240xf32, #tpu.memory_space<vmem_shared>>
      %dma_wait3A_158 = tpu.memref_squeeze %dma_wait3A_157 : memref<1x10240xf32, #tpu.memory_space<vmem_shared>> -> memref<10240xf32, #tpu.memory_space<vmem_shared>>
      %dma_wait3A_159 = arith.constant 0 : i32
      %dma_wait3A_160 = tpu.memref_slice %arg22[%arg1, %dma_wait3A_159] : memref<16x10240xf32, #tpu.memory_space<vmem_shared>> -> memref<1x10240xf32, #tpu.memory_space<vmem_shared>>
      %dma_wait3A_161 = tpu.memref_squeeze %dma_wait3A_160 : memref<1x10240xf32, #tpu.memory_space<vmem_shared>> -> memref<10240xf32, #tpu.memory_space<vmem_shared>>
      %dma_wait3A_162 = arith.constant 20480 : i32
      %dma_wait3A_163 = tpu.memref_slice %arg11[%dma_wait3A_162] : memref<30720xf32, #tpu.memory_space<vmem>> -> memref<10240xf32, #tpu.memory_space<vmem>>
      tpu.wait_dma2 semaphore(%run_scoped3A : memref<!tpu.dma_semaphore, #tpu.memory_space<semaphore_mem>>) src(%dma_wait3A_163 : memref<10240xf32, #tpu.memory_space<vmem>>) dst(%dma_wait3A_161 : memref<10240xf32, #tpu.memory_space<vmem_shared>>)
      tpu.yield
    }) : () -> ()
    %barrier3A_72 = arith.constant 0 : index
    tpu.barrier barrier_id(%barrier3A_72)
    %add3A_73 = arith.constant 0 : i32
    %add3A_74 = arith.addi %add3A_73, %mul3A_2 : i32
    "tpu.region"() ({
      %run_scoped3A = tpu.sem_alloc : memref<!tpu.dma_semaphore, #tpu.memory_space<semaphore_mem>>
      %dma_start3A_144 = arith.constant 0 : i32
      %dma_start3A_145 = tpu.memref_slice %arg22[%dma_start3A_144, %add3A_74] : memref<16x10240xf32, #tpu.memory_space<vmem_shared>> -> memref<16x640xf32, #tpu.memory_space<vmem_shared>>
      %dma_start3A_146 = arith.constant 0 : i32
      %dma_start3A_147 = tpu.memref_slice %arg22[%dma_start3A_146, %add3A_74] : memref<16x10240xf32, #tpu.memory_space<vmem_shared>> -> memref<16x640xf32, #tpu.memory_space<vmem_shared>>
      tpu.enqueue_dma source(%dma_start3A_147 : memref<16x640xf32, #tpu.memory_space<vmem_shared>>) target(%arg13 : memref<16x640xf32, #tpu.memory_space<vmem>>) target_semaphore(%run_scoped3A : memref<!tpu.dma_semaphore, #tpu.memory_space<semaphore_mem>>)
      %dma_wait3A_148 = arith.constant 0 : i32
      %dma_wait3A_149 = tpu.memref_slice %arg22[%dma_wait3A_148, %add3A_74] : memref<16x10240xf32, #tpu.memory_space<vmem_shared>> -> memref<16x640xf32, #tpu.memory_space<vmem_shared>>
      %dma_wait3A_150 = arith.constant 0 : i32
      %dma_wait3A_151 = tpu.memref_slice %arg22[%dma_wait3A_150, %add3A_74] : memref<16x10240xf32, #tpu.memory_space<vmem_shared>> -> memref<16x640xf32, #tpu.memory_space<vmem_shared>>
      tpu.wait_dma2 semaphore(%run_scoped3A : memref<!tpu.dma_semaphore, #tpu.memory_space<semaphore_mem>>) src(%dma_wait3A_151 : memref<16x640xf32, #tpu.memory_space<vmem_shared>>) dst(%arg13 : memref<16x640xf32, #tpu.memory_space<vmem>>)
      tpu.yield
    }) : () -> ()
    %parallel_loop3A_75 = arith.constant 0 : i32
    %parallel_loop3A_76 = arith.constant 40 : i32
    %parallel_loop3A_77 = arith.constant 1 : i32
    scf.for %parallel_loop3A_144 = %parallel_loop3A_75 to %parallel_loop3A_76 step %parallel_loop3A_77  : i32 {
      %parallel_loop3A_145 = arith.constant 16 : i32
      %parallel_loop3A_146 = arith.muli %parallel_loop3A_144, %parallel_loop3A_145 : i32
      %parallel_loop3A_147 = arith.constant 0 : i32
      %parallel_loop3A_148 = arith.index_cast %parallel_loop3A_147 : i32 to index
      %parallel_loop3A_149 = arith.index_cast %parallel_loop3A_146 : i32 to index
      %parallel_loop3A_150 = tpu.vector_load %arg13[%parallel_loop3A_148, %parallel_loop3A_149] {strides = array<i32>} : memref<16x640xf32, #tpu.memory_space<vmem>>, vector<16xf32>,
      %parallel_loop3A_151 = arith.constant 16 : i32
      %parallel_loop3A_152 = arith.muli %parallel_loop3A_144, %parallel_loop3A_151 : i32
      %parallel_loop3A_153 = arith.constant 1 : i32
      %parallel_loop3A_154 = arith.index_cast %parallel_loop3A_153 : i32 to index
      %parallel_loop3A_155 = arith.index_cast %parallel_loop3A_152 : i32 to index
      %parallel_loop3A_156 = tpu.vector_load %arg13[%parallel_loop3A_154, %parallel_loop3A_155] {strides = array<i32>} : memref<16x640xf32, #tpu.memory_space<vmem>>, vector<16xf32>,
      %parallel_loop3A_157 = arith.addf %parallel_loop3A_150, %parallel_loop3A_156 : vector<16xf32>
      %parallel_loop3A_158 = arith.constant 16 : i32
      %parallel_loop3A_159 = arith.muli %parallel_loop3A_144, %parallel_loop3A_158 : i32
      %parallel_loop3A_160 = arith.constant 2 : i32
      %parallel_loop3A_161 = arith.index_cast %parallel_loop3A_160 : i32 to index
      %parallel_loop3A_162 = arith.index_cast %parallel_loop3A_159 : i32 to index
      %parallel_loop3A_163 = tpu.vector_load %arg13[%parallel_loop3A_161, %parallel_loop3A_162] {strides = array<i32>} : memref<16x640xf32, #tpu.memory_space<vmem>>, vector<16xf32>,
      %parallel_loop3A_164 = arith.addf %parallel_loop3A_157, %parallel_loop3A_163 : vector<16xf32>
      %parallel_loop3A_165 = arith.constant 16 : i32
      %parallel_loop3A_166 = arith.muli %parallel_loop3A_144, %parallel_loop3A_165 : i32
      %parallel_loop3A_167 = arith.constant 3 : i32
      %parallel_loop3A_168 = arith.index_cast %parallel_loop3A_167 : i32 to index
      %parallel_loop3A_169 = arith.index_cast %parallel_loop3A_166 : i32 to index
      %parallel_loop3A_170 = tpu.vector_load %arg13[%parallel_loop3A_168, %parallel_loop3A_169] {strides = array<i32>} : memref<16x640xf32, #tpu.memory_space<vmem>>, vector<16xf32>,
      %parallel_loop3A_171 = arith.addf %parallel_loop3A_164, %parallel_loop3A_170 : vector<16xf32>
      %parallel_loop3A_172 = arith.constant 16 : i32
      %parallel_loop3A_173 = arith.muli %parallel_loop3A_144, %parallel_loop3A_172 : i32
      %parallel_loop3A_174 = arith.constant 4 : i32
      %parallel_loop3A_175 = arith.index_cast %parallel_loop3A_174 : i32 to index
      %parallel_loop3A_176 = arith.index_cast %parallel_loop3A_173 : i32 to index
      %parallel_loop3A_177 = tpu.vector_load %arg13[%parallel_loop3A_175, %parallel_loop3A_176] {strides = array<i32>} : memref<16x640xf32, #tpu.memory_space<vmem>>, vector<16xf32>,
      %parallel_loop3A_178 = arith.addf %parallel_loop3A_171, %parallel_loop3A_177 : vector<16xf32>
      %parallel_loop3A_179 = arith.constant 16 : i32
      %parallel_loop3A_180 = arith.muli %parallel_loop3A_144, %parallel_loop3A_179 : i32
      %parallel_loop3A_181 = arith.constant 5 : i32
      %parallel_loop3A_182 = arith.index_cast %parallel_loop3A_181 : i32 to index
      %parallel_loop3A_183 = arith.index_cast %parallel_loop3A_180 : i32 to index
      %parallel_loop3A_184 = tpu.vector_load %arg13[%parallel_loop3A_182, %parallel_loop3A_183] {strides = array<i32>} : memref<16x640xf32, #tpu.memory_space<vmem>>, vector<16xf32>,
      %parallel_loop3A_185 = arith.addf %parallel_loop3A_178, %parallel_loop3A_184 : vector<16xf32>
      %parallel_loop3A_186 = arith.constant 16 : i32
      %parallel_loop3A_187 = arith.muli %parallel_loop3A_144, %parallel_loop3A_186 : i32
      %parallel_loop3A_188 = arith.constant 6 : i32
      %parallel_loop3A_189 = arith.index_cast %parallel_loop3A_188 : i32 to index
      %parallel_loop3A_190 = arith.index_cast %parallel_loop3A_187 : i32 to index
      %parallel_loop3A_191 = tpu.vector_load %arg13[%parallel_loop3A_189, %parallel_loop3A_190] {strides = array<i32>} : memref<16x640xf32, #tpu.memory_space<vmem>>, vector<16xf32>,
      %parallel_loop3A_192 = arith.addf %parallel_loop3A_185, %parallel_loop3A_191 : vector<16xf32>
      %parallel_loop3A_193 = arith.constant 16 : i32
      %parallel_loop3A_194 = arith.muli %parallel_loop3A_144, %parallel_loop3A_193 : i32
      %parallel_loop3A_195 = arith.constant 7 : i32
      %parallel_loop3A_196 = arith.index_cast %parallel_loop3A_195 : i32 to index
      %parallel_loop3A_197 = arith.index_cast %parallel_loop3A_194 : i32 to index
      %parallel_loop3A_198 = tpu.vector_load %arg13[%parallel_loop3A_196, %parallel_loop3A_197] {strides = array<i32>} : memref<16x640xf32, #tpu.memory_space<vmem>>, vector<16xf32>,
      %parallel_loop3A_199 = arith.addf %parallel_loop3A_192, %parallel_loop3A_198 : vector<16xf32>
      %parallel_loop3A_200 = arith.constant 16 : i32
      %parallel_loop3A_201 = arith.muli %parallel_loop3A_144, %parallel_loop3A_200 : i32
      %parallel_loop3A_202 = arith.constant 8 : i32
      %parallel_loop3A_203 = arith.index_cast %parallel_loop3A_202 : i32 to index
      %parallel_loop3A_204 = arith.index_cast %parallel_loop3A_201 : i32 to index
      %parallel_loop3A_205 = tpu.vector_load %arg13[%parallel_loop3A_203, %parallel_loop3A_204] {strides = array<i32>} : memref<16x640xf32, #tpu.memory_space<vmem>>, vector<16xf32>,
      %parallel_loop3A_206 = arith.addf %parallel_loop3A_199, %parallel_loop3A_205 : vector<16xf32>
      %parallel_loop3A_207 = arith.constant 16 : i32
      %parallel_loop3A_208 = arith.muli %parallel_loop3A_144, %parallel_loop3A_207 : i32
      %parallel_loop3A_209 = arith.constant 9 : i32
      %parallel_loop3A_210 = arith.index_cast %parallel_loop3A_209 : i32 to index
      %parallel_loop3A_211 = arith.index_cast %parallel_loop3A_208 : i32 to index
      %parallel_loop3A_212 = tpu.vector_load %arg13[%parallel_loop3A_210, %parallel_loop3A_211] {strides = array<i32>} : memref<16x640xf32, #tpu.memory_space<vmem>>, vector<16xf32>,
      %parallel_loop3A_213 = arith.addf %parallel_loop3A_206, %parallel_loop3A_212 : vector<16xf32>
      %parallel_loop3A_214 = arith.constant 16 : i32
      %parallel_loop3A_215 = arith.muli %parallel_loop3A_144, %parallel_loop3A_214 : i32
      %parallel_loop3A_216 = arith.constant 10 : i32
      %parallel_loop3A_217 = arith.index_cast %parallel_loop3A_216 : i32 to index
      %parallel_loop3A_218 = arith.index_cast %parallel_loop3A_215 : i32 to index
      %parallel_loop3A_219 = tpu.vector_load %arg13[%parallel_loop3A_217, %parallel_loop3A_218] {strides = array<i32>} : memref<16x640xf32, #tpu.memory_space<vmem>>, vector<16xf32>,
      %parallel_loop3A_220 = arith.addf %parallel_loop3A_213, %parallel_loop3A_219 : vector<16xf32>
      %parallel_loop3A_221 = arith.constant 16 : i32
      %parallel_loop3A_222 = arith.muli %parallel_loop3A_144, %parallel_loop3A_221 : i32
      %parallel_loop3A_223 = arith.constant 11 : i32
      %parallel_loop3A_224 = arith.index_cast %parallel_loop3A_223 : i32 to index
      %parallel_loop3A_225 = arith.index_cast %parallel_loop3A_222 : i32 to index
      %parallel_loop3A_226 = tpu.vector_load %arg13[%parallel_loop3A_224, %parallel_loop3A_225] {strides = array<i32>} : memref<16x640xf32, #tpu.memory_space<vmem>>, vector<16xf32>,
      %parallel_loop3A_227 = arith.addf %parallel_loop3A_220, %parallel_loop3A_226 : vector<16xf32>
      %parallel_loop3A_228 = arith.constant 16 : i32
      %parallel_loop3A_229 = arith.muli %parallel_loop3A_144, %parallel_loop3A_228 : i32
      %parallel_loop3A_230 = arith.constant 12 : i32
      %parallel_loop3A_231 = arith.index_cast %parallel_loop3A_230 : i32 to index
      %parallel_loop3A_232 = arith.index_cast %parallel_loop3A_229 : i32 to index
      %parallel_loop3A_233 = tpu.vector_load %arg13[%parallel_loop3A_231, %parallel_loop3A_232] {strides = array<i32>} : memref<16x640xf32, #tpu.memory_space<vmem>>, vector<16xf32>,
      %parallel_loop3A_234 = arith.addf %parallel_loop3A_227, %parallel_loop3A_233 : vector<16xf32>
      %parallel_loop3A_235 = arith.constant 16 : i32
      %parallel_loop3A_236 = arith.muli %parallel_loop3A_144, %parallel_loop3A_235 : i32
      %parallel_loop3A_237 = arith.constant 13 : i32
      %parallel_loop3A_238 = arith.index_cast %parallel_loop3A_237 : i32 to index
      %parallel_loop3A_239 = arith.index_cast %parallel_loop3A_236 : i32 to index
      %parallel_loop3A_240 = tpu.vector_load %arg13[%parallel_loop3A_238, %parallel_loop3A_239] {strides = array<i32>} : memref<16x640xf32, #tpu.memory_space<vmem>>, vector<16xf32>,
      %parallel_loop3A_241 = arith.addf %parallel_loop3A_234, %parallel_loop3A_240 : vector<16xf32>
      %parallel_loop3A_242 = arith.constant 16 : i32
      %parallel_loop3A_243 = arith.muli %parallel_loop3A_144, %parallel_loop3A_242 : i32
      %parallel_loop3A_244 = arith.constant 14 : i32
      %parallel_loop3A_245 = arith.index_cast %parallel_loop3A_244 : i32 to index
      %parallel_loop3A_246 = arith.index_cast %parallel_loop3A_243 : i32 to index
      %parallel_loop3A_247 = tpu.vector_load %arg13[%parallel_loop3A_245, %parallel_loop3A_246] {strides = array<i32>} : memref<16x640xf32, #tpu.memory_space<vmem>>, vector<16xf32>,
      %parallel_loop3A_248 = arith.addf %parallel_loop3A_241, %parallel_loop3A_247 : vector<16xf32>
      %parallel_loop3A_249 = arith.constant 16 : i32
      %parallel_loop3A_250 = arith.muli %parallel_loop3A_144, %parallel_loop3A_249 : i32
      %parallel_loop3A_251 = arith.constant 15 : i32
      %parallel_loop3A_252 = arith.index_cast %parallel_loop3A_251 : i32 to index
      %parallel_loop3A_253 = arith.index_cast %parallel_loop3A_250 : i32 to index
      %parallel_loop3A_254 = tpu.vector_load %arg13[%parallel_loop3A_252, %parallel_loop3A_253] {strides = array<i32>} : memref<16x640xf32, #tpu.memory_space<vmem>>, vector<16xf32>,
      %parallel_loop3A_255 = arith.addf %parallel_loop3A_248, %parallel_loop3A_254 : vector<16xf32>
      %parallel_loop3A_256 = arith.constant 16 : i32
      %parallel_loop3A_257 = arith.muli %parallel_loop3A_144, %parallel_loop3A_256 : i32
      %parallel_loop3A_258 = arith.index_cast %parallel_loop3A_257 : i32 to index
      %parallel_loop3A_259 = tpu.vector_load %arg12[%parallel_loop3A_258] {strides = array<i32>} : memref<640xf32, #tpu.memory_space<vmem>>, vector<16xf32>,
      tpu.vector_store %arg12[%parallel_loop3A_258], %parallel_loop3A_255 {strides = array<i32>} : memref<640xf32, #tpu.memory_space<vmem>>, vector<16xf32>,
    } {sc.loop_unroll_factor = 2 : i64, sc.parallel_access}
    %barrier3A_78 = arith.constant 0 : index
    tpu.barrier barrier_id(%barrier3A_78)
    %parallel_loop3A_79 = arith.constant 0 : i32
    %parallel_loop3A_80 = arith.constant 40 : i32
    %parallel_loop3A_81 = arith.constant 1 : i32
    scf.for %parallel_loop3A_144 = %parallel_loop3A_79 to %parallel_loop3A_80 step %parallel_loop3A_81  : i32 {
      %parallel_loop3A_145 = arith.constant 16 : i32
      %parallel_loop3A_146 = arith.muli %parallel_loop3A_144, %parallel_loop3A_145 : i32
      %parallel_loop3A_147 = arith.index_cast %parallel_loop3A_146 : i32 to index
      %parallel_loop3A_148 = tpu.vector_load %arg14[%parallel_loop3A_147] {strides = array<i32>} : memref<640xf32, #tpu.memory_space<vmem>>, vector<16xf32>,
      %parallel_loop3A_149 = arith.constant 16 : i32
      %parallel_loop3A_150 = arith.muli %parallel_loop3A_144, %parallel_loop3A_149 : i32
      %parallel_loop3A_151 = arith.index_cast %parallel_loop3A_150 : i32 to index
      %parallel_loop3A_152 = tpu.vector_load %arg12[%parallel_loop3A_151] {strides = array<i32>} : memref<640xf32, #tpu.memory_space<vmem>>, vector<16xf32>,
      %parallel_loop3A_153 = arith.addf %parallel_loop3A_152, %parallel_loop3A_148 : vector<16xf32>
      %parallel_loop3A_154 = arith.mulf %parallel_loop3A_148, %parallel_loop3A_153 : vector<16xf32>
      %parallel_loop3A_155 = arith.constant 16 : i32
      %parallel_loop3A_156 = arith.muli %parallel_loop3A_144, %parallel_loop3A_155 : i32
      %parallel_loop3A_157 = arith.index_cast %parallel_loop3A_156 : i32 to index
      %parallel_loop3A_158 = tpu.vector_load %arg19[%parallel_loop3A_157] {strides = array<i32>} : memref<640xf32, #tpu.memory_space<vmem>>, vector<16xf32>,
      tpu.vector_store %arg19[%parallel_loop3A_157], %parallel_loop3A_154 {strides = array<i32>} : memref<640xf32, #tpu.memory_space<vmem>>, vector<16xf32>,
    } {sc.loop_unroll_factor = 1 : i64, sc.parallel_access}
    "tpu.region"() ({
      %run_scoped3A = tpu.sem_alloc : memref<!tpu.dma_semaphore, #tpu.memory_space<semaphore_mem>>
      %dma_start3A_144 = tpu.memref_slice %arg23[%mul3A_2] : memref<20480xf32, #tpu.memory_space<vmem_shared>> -> memref<640xf32, #tpu.memory_space<vmem_shared>>
      %dma_start3A_145 = tpu.memref_slice %arg23[%mul3A_2] : memref<20480xf32, #tpu.memory_space<vmem_shared>> -> memref<640xf32, #tpu.memory_space<vmem_shared>>
      tpu.enqueue_dma source(%arg16 : memref<640xf32, #tpu.memory_space<vmem>>) target(%dma_start3A_145 : memref<640xf32, #tpu.memory_space<vmem_shared>>) target_semaphore(%run_scoped3A : memref<!tpu.dma_semaphore, #tpu.memory_space<semaphore_mem>>)
      %dma_wait3A_146 = tpu.memref_slice %arg23[%mul3A_2] : memref<20480xf32, #tpu.memory_space<vmem_shared>> -> memref<640xf32, #tpu.memory_space<vmem_shared>>
      %dma_wait3A_147 = tpu.memref_slice %arg23[%mul3A_2] : memref<20480xf32, #tpu.memory_space<vmem_shared>> -> memref<640xf32, #tpu.memory_space<vmem_shared>>
      tpu.wait_dma2 semaphore(%run_scoped3A : memref<!tpu.dma_semaphore, #tpu.memory_space<semaphore_mem>>) src(%arg16 : memref<640xf32, #tpu.memory_space<vmem>>) dst(%dma_wait3A_147 : memref<640xf32, #tpu.memory_space<vmem_shared>>)
      tpu.yield
    }) : () -> ()
    %add3A_82 = arith.constant 10240 : i32
    %add3A_83 = arith.addi %add3A_82, %mul3A_2 : i32
    "tpu.region"() ({
      %run_scoped3A = tpu.sem_alloc : memref<!tpu.dma_semaphore, #tpu.memory_space<semaphore_mem>>
      %dma_start3A_144 = tpu.memref_slice %arg23[%add3A_83] : memref<20480xf32, #tpu.memory_space<vmem_shared>> -> memref<640xf32, #tpu.memory_space<vmem_shared>>
      %dma_start3A_145 = tpu.memref_slice %arg23[%add3A_83] : memref<20480xf32, #tpu.memory_space<vmem_shared>> -> memref<640xf32, #tpu.memory_space<vmem_shared>>
      tpu.enqueue_dma source(%arg17 : memref<640xf32, #tpu.memory_space<vmem>>) target(%dma_start3A_145 : memref<640xf32, #tpu.memory_space<vmem_shared>>) target_semaphore(%run_scoped3A : memref<!tpu.dma_semaphore, #tpu.memory_space<semaphore_mem>>)
      %dma_wait3A_146 = tpu.memref_slice %arg23[%add3A_83] : memref<20480xf32, #tpu.memory_space<vmem_shared>> -> memref<640xf32, #tpu.memory_space<vmem_shared>>
      %dma_wait3A_147 = tpu.memref_slice %arg23[%add3A_83] : memref<20480xf32, #tpu.memory_space<vmem_shared>> -> memref<640xf32, #tpu.memory_space<vmem_shared>>
      tpu.wait_dma2 semaphore(%run_scoped3A : memref<!tpu.dma_semaphore, #tpu.memory_space<semaphore_mem>>) src(%arg17 : memref<640xf32, #tpu.memory_space<vmem>>) dst(%dma_wait3A_147 : memref<640xf32, #tpu.memory_space<vmem_shared>>)
      tpu.yield
    }) : () -> ()
    %barrier3A_84 = arith.constant 0 : index
    tpu.barrier barrier_id(%barrier3A_84)
    "tpu.region"() ({
      %run_scoped3A = tpu.sem_alloc : memref<!tpu.dma_semaphore, #tpu.memory_space<semaphore_mem>>
      %dma_start3A_144 = arith.constant 0 : i32
      %dma_start3A_145 = tpu.memref_slice %arg10[%dma_start3A_144] : memref<30720xf32, #tpu.memory_space<vmem>> -> memref<20480xf32, #tpu.memory_space<vmem>>
      %dma_start3A_146 = arith.constant 0 : i32
      %dma_start3A_147 = tpu.memref_slice %arg10[%dma_start3A_146] : memref<30720xf32, #tpu.memory_space<vmem>> -> memref<20480xf32, #tpu.memory_space<vmem>>
      tpu.enqueue_dma source(%arg23 : memref<20480xf32, #tpu.memory_space<vmem_shared>>) target(%dma_start3A_147 : memref<20480xf32, #tpu.memory_space<vmem>>) target_semaphore(%run_scoped3A : memref<!tpu.dma_semaphore, #tpu.memory_space<semaphore_mem>>)
      %dma_wait3A_148 = arith.constant 0 : i32
      %dma_wait3A_149 = tpu.memref_slice %arg10[%dma_wait3A_148] : memref<30720xf32, #tpu.memory_space<vmem>> -> memref<20480xf32, #tpu.memory_space<vmem>>
      %dma_wait3A_150 = arith.constant 0 : i32
      %dma_wait3A_151 = tpu.memref_slice %arg10[%dma_wait3A_150] : memref<30720xf32, #tpu.memory_space<vmem>> -> memref<20480xf32, #tpu.memory_space<vmem>>
      tpu.wait_dma2 semaphore(%run_scoped3A : memref<!tpu.dma_semaphore, #tpu.memory_space<semaphore_mem>>) src(%arg23 : memref<20480xf32, #tpu.memory_space<vmem_shared>>) dst(%dma_wait3A_151 : memref<20480xf32, #tpu.memory_space<vmem>>)
      tpu.yield
    }) : () -> ()
    %broadcast_in_dim3A_85 = arith.constant 0.000000e+00 : f32
    %broadcast_in_dim3A_86 = vector.broadcast %broadcast_in_dim3A_85 : f32 to vector<16xf32>
    %parallel_loop3A_87 = arith.constant 0 : i32
    %parallel_loop3A_88 = arith.constant 1280 : i32
    %parallel_loop3A_89 = arith.constant 1 : i32
    scf.for %parallel_loop3A_144 = %parallel_loop3A_87 to %parallel_loop3A_88 step %parallel_loop3A_89  : i32 {
      %parallel_loop3A_145 = arith.constant 16 : i32
      %parallel_loop3A_146 = arith.muli %parallel_loop3A_144, %parallel_loop3A_145 : i32
      %parallel_loop3A_147 = arith.constant 0 : i32
      %parallel_loop3A_148 = arith.addi %parallel_loop3A_147, %parallel_loop3A_146 : i32
      %parallel_loop3A_149 = arith.index_cast %parallel_loop3A_148 : i32 to index
      %parallel_loop3A_150 = tpu.vector_load %arg11[%parallel_loop3A_149] {strides = array<i32>} : memref<30720xf32, #tpu.memory_space<vmem>>, vector<16xf32>,
      tpu.vector_store %arg11[%parallel_loop3A_149], %broadcast_in_dim3A_86 {strides = array<i32>} : memref<30720xf32, #tpu.memory_space<vmem>>, vector<16xf32>,
    } {sc.loop_unroll_factor = 8 : i64, sc.parallel_access}
    %parallel_loop3A_90 = arith.constant 0 : i32
    %parallel_loop3A_91 = arith.constant 1250 : i32
    %parallel_loop3A_92 = arith.constant 1 : i32
    scf.for %parallel_loop3A_144 = %parallel_loop3A_90 to %parallel_loop3A_91 step %parallel_loop3A_92  : i32 {
      %parallel_loop3A_145 = arith.constant 16 : i32
      %parallel_loop3A_146 = arith.muli %parallel_loop3A_144, %parallel_loop3A_145 : i32
      %parallel_loop3A_147 = arith.index_cast %parallel_loop3A_146 : i32 to index
      %parallel_loop3A_148 = tpu.vector_load %arg8[%parallel_loop3A_147] {strides = array<i32>} : memref<20000xi32, #tpu.memory_space<vmem>>, vector<16xi32>,
      %parallel_loop3A_149 = arith.constant 16 : i32
      %parallel_loop3A_150 = arith.muli %parallel_loop3A_144, %parallel_loop3A_149 : i32
      %parallel_loop3A_151 = arith.index_cast %parallel_loop3A_150 : i32 to index
      %parallel_loop3A_152 = tpu.vector_load %arg9[%parallel_loop3A_151] {strides = array<i32>} : memref<20000xi32, #tpu.memory_space<vmem>>, vector<16xi32>,
      %parallel_loop3A_153 = tpu.vector_load_idx %arg10[%parallel_loop3A_148] : memref<30720xf32, #tpu.memory_space<vmem>>[vector<16xi32>], vector<16xf32>,
      %parallel_loop3A_154 = arith.addi %parallel_loop3A_148, %broadcast_in_dim3A_46 : vector<16xi32>
      %parallel_loop3A_155 = tpu.vector_load_idx %arg10[%parallel_loop3A_154] : memref<30720xf32, #tpu.memory_space<vmem>>[vector<16xi32>], vector<16xf32>,
      tpu.vector_store_idx %arg11[%parallel_loop3A_152], %parallel_loop3A_153 {add = true} : memref<30720xf32, #tpu.memory_space<vmem>>[vector<16xi32>], vector<16xf32>,
      %parallel_loop3A_156 = arith.addi %parallel_loop3A_152, %broadcast_in_dim3A_46 : vector<16xi32>
      tpu.vector_store_idx %arg11[%parallel_loop3A_156], %parallel_loop3A_155 {add = true} : memref<30720xf32, #tpu.memory_space<vmem>>[vector<16xi32>], vector<16xf32>,
    } {sc.loop_unroll_factor = 8 : i64, sc.parallel_access}
    %eq3A_93 = arith.constant 15 : i32
    %eq3A_94 = arith.cmpi eq, %arg1, %eq3A_93 : i32
    %jit3A_95 = arith.constant 25 : i32
    %jit3A_96 = arith.constant 40 : i32
    %select_n3A_97 = arith.select %eq3A_94, %jit3A_95, %jit3A_96 : i32
    "tpu.region"() ({
      %run_scoped3A = tpu.sem_alloc : memref<!tpu.dma_semaphore, #tpu.memory_space<semaphore_mem>>
      %dma_start3A_144 = arith.constant 0 : i32
      %dma_start3A_145 = tpu.memref_slice %arg11[%dma_start3A_144] : memref<30720xf32, #tpu.memory_space<vmem>> -> memref<10240xf32, #tpu.memory_space<vmem>>
      %dma_start3A_146 = arith.constant 0 : i32
      %dma_start3A_147 = tpu.memref_slice %arg22[%arg1, %dma_start3A_146] : memref<16x10240xf32, #tpu.memory_space<vmem_shared>> -> memref<1x10240xf32, #tpu.memory_space<vmem_shared>>
      %dma_start3A_148 = tpu.memref_squeeze %dma_start3A_147 : memref<1x10240xf32, #tpu.memory_space<vmem_shared>> -> memref<10240xf32, #tpu.memory_space<vmem_shared>>
      %dma_start3A_149 = arith.constant 0 : i32
      %dma_start3A_150 = tpu.memref_slice %arg22[%arg1, %dma_start3A_149] : memref<16x10240xf32, #tpu.memory_space<vmem_shared>> -> memref<1x10240xf32, #tpu.memory_space<vmem_shared>>
      %dma_start3A_151 = tpu.memref_squeeze %dma_start3A_150 : memref<1x10240xf32, #tpu.memory_space<vmem_shared>> -> memref<10240xf32, #tpu.memory_space<vmem_shared>>
      %dma_start3A_152 = arith.constant 0 : i32
      %dma_start3A_153 = tpu.memref_slice %arg11[%dma_start3A_152] : memref<30720xf32, #tpu.memory_space<vmem>> -> memref<10240xf32, #tpu.memory_space<vmem>>
      tpu.enqueue_dma source(%dma_start3A_153 : memref<10240xf32, #tpu.memory_space<vmem>>) target(%dma_start3A_151 : memref<10240xf32, #tpu.memory_space<vmem_shared>>) target_semaphore(%run_scoped3A : memref<!tpu.dma_semaphore, #tpu.memory_space<semaphore_mem>>)
      %dma_wait3A_154 = arith.constant 0 : i32
      %dma_wait3A_155 = tpu.memref_slice %arg11[%dma_wait3A_154] : memref<30720xf32, #tpu.memory_space<vmem>> -> memref<10240xf32, #tpu.memory_space<vmem>>
      %dma_wait3A_156 = arith.constant 0 : i32
      %dma_wait3A_157 = tpu.memref_slice %arg22[%arg1, %dma_wait3A_156] : memref<16x10240xf32, #tpu.memory_space<vmem_shared>> -> memref<1x10240xf32, #tpu.memory_space<vmem_shared>>
      %dma_wait3A_158 = tpu.memref_squeeze %dma_wait3A_157 : memref<1x10240xf32, #tpu.memory_space<vmem_shared>> -> memref<10240xf32, #tpu.memory_space<vmem_shared>>
      %dma_wait3A_159 = arith.constant 0 : i32
      %dma_wait3A_160 = tpu.memref_slice %arg22[%arg1, %dma_wait3A_159] : memref<16x10240xf32, #tpu.memory_space<vmem_shared>> -> memref<1x10240xf32, #tpu.memory_space<vmem_shared>>
      %dma_wait3A_161 = tpu.memref_squeeze %dma_wait3A_160 : memref<1x10240xf32, #tpu.memory_space<vmem_shared>> -> memref<10240xf32, #tpu.memory_space<vmem_shared>>
      %dma_wait3A_162 = arith.constant 0 : i32
      %dma_wait3A_163 = tpu.memref_slice %arg11[%dma_wait3A_162] : memref<30720xf32, #tpu.memory_space<vmem>> -> memref<10240xf32, #tpu.memory_space<vmem>>
      tpu.wait_dma2 semaphore(%run_scoped3A : memref<!tpu.dma_semaphore, #tpu.memory_space<semaphore_mem>>) src(%dma_wait3A_163 : memref<10240xf32, #tpu.memory_space<vmem>>) dst(%dma_wait3A_161 : memref<10240xf32, #tpu.memory_space<vmem_shared>>)
      tpu.yield
    }) : () -> ()
    %barrier3A_98 = arith.constant 0 : index
    tpu.barrier barrier_id(%barrier3A_98)
    %add3A_99 = arith.constant 0 : i32
    %add3A_100 = arith.addi %add3A_99, %mul3A_2 : i32
    "tpu.region"() ({
      %run_scoped3A = tpu.sem_alloc : memref<!tpu.dma_semaphore, #tpu.memory_space<semaphore_mem>>
      %dma_start3A_144 = arith.constant 0 : i32
      %dma_start3A_145 = tpu.memref_slice %arg22[%dma_start3A_144, %add3A_100] : memref<16x10240xf32, #tpu.memory_space<vmem_shared>> -> memref<16x640xf32, #tpu.memory_space<vmem_shared>>
      %dma_start3A_146 = arith.constant 0 : i32
      %dma_start3A_147 = tpu.memref_slice %arg22[%dma_start3A_146, %add3A_100] : memref<16x10240xf32, #tpu.memory_space<vmem_shared>> -> memref<16x640xf32, #tpu.memory_space<vmem_shared>>
      tpu.enqueue_dma source(%dma_start3A_147 : memref<16x640xf32, #tpu.memory_space<vmem_shared>>) target(%arg13 : memref<16x640xf32, #tpu.memory_space<vmem>>) target_semaphore(%run_scoped3A : memref<!tpu.dma_semaphore, #tpu.memory_space<semaphore_mem>>)
      %dma_wait3A_148 = arith.constant 0 : i32
      %dma_wait3A_149 = tpu.memref_slice %arg22[%dma_wait3A_148, %add3A_100] : memref<16x10240xf32, #tpu.memory_space<vmem_shared>> -> memref<16x640xf32, #tpu.memory_space<vmem_shared>>
      %dma_wait3A_150 = arith.constant 0 : i32
      %dma_wait3A_151 = tpu.memref_slice %arg22[%dma_wait3A_150, %add3A_100] : memref<16x10240xf32, #tpu.memory_space<vmem_shared>> -> memref<16x640xf32, #tpu.memory_space<vmem_shared>>
      tpu.wait_dma2 semaphore(%run_scoped3A : memref<!tpu.dma_semaphore, #tpu.memory_space<semaphore_mem>>) src(%dma_wait3A_151 : memref<16x640xf32, #tpu.memory_space<vmem_shared>>) dst(%arg13 : memref<16x640xf32, #tpu.memory_space<vmem>>)
      tpu.yield
    }) : () -> ()
    %parallel_loop3A_101 = arith.constant 0 : i32
    %parallel_loop3A_102 = arith.constant 40 : i32
    %parallel_loop3A_103 = arith.constant 1 : i32
    scf.for %parallel_loop3A_144 = %parallel_loop3A_101 to %parallel_loop3A_102 step %parallel_loop3A_103  : i32 {
      %parallel_loop3A_145 = arith.constant 16 : i32
      %parallel_loop3A_146 = arith.muli %parallel_loop3A_144, %parallel_loop3A_145 : i32
      %parallel_loop3A_147 = arith.constant 0 : i32
      %parallel_loop3A_148 = arith.index_cast %parallel_loop3A_147 : i32 to index
      %parallel_loop3A_149 = arith.index_cast %parallel_loop3A_146 : i32 to index
      %parallel_loop3A_150 = tpu.vector_load %arg13[%parallel_loop3A_148, %parallel_loop3A_149] {strides = array<i32>} : memref<16x640xf32, #tpu.memory_space<vmem>>, vector<16xf32>,
      %parallel_loop3A_151 = arith.constant 16 : i32
      %parallel_loop3A_152 = arith.muli %parallel_loop3A_144, %parallel_loop3A_151 : i32
      %parallel_loop3A_153 = arith.constant 1 : i32
      %parallel_loop3A_154 = arith.index_cast %parallel_loop3A_153 : i32 to index
      %parallel_loop3A_155 = arith.index_cast %parallel_loop3A_152 : i32 to index
      %parallel_loop3A_156 = tpu.vector_load %arg13[%parallel_loop3A_154, %parallel_loop3A_155] {strides = array<i32>} : memref<16x640xf32, #tpu.memory_space<vmem>>, vector<16xf32>,
      %parallel_loop3A_157 = arith.addf %parallel_loop3A_150, %parallel_loop3A_156 : vector<16xf32>
      %parallel_loop3A_158 = arith.constant 16 : i32
      %parallel_loop3A_159 = arith.muli %parallel_loop3A_144, %parallel_loop3A_158 : i32
      %parallel_loop3A_160 = arith.constant 2 : i32
      %parallel_loop3A_161 = arith.index_cast %parallel_loop3A_160 : i32 to index
      %parallel_loop3A_162 = arith.index_cast %parallel_loop3A_159 : i32 to index
      %parallel_loop3A_163 = tpu.vector_load %arg13[%parallel_loop3A_161, %parallel_loop3A_162] {strides = array<i32>} : memref<16x640xf32, #tpu.memory_space<vmem>>, vector<16xf32>,
      %parallel_loop3A_164 = arith.addf %parallel_loop3A_157, %parallel_loop3A_163 : vector<16xf32>
      %parallel_loop3A_165 = arith.constant 16 : i32
      %parallel_loop3A_166 = arith.muli %parallel_loop3A_144, %parallel_loop3A_165 : i32
      %parallel_loop3A_167 = arith.constant 3 : i32
      %parallel_loop3A_168 = arith.index_cast %parallel_loop3A_167 : i32 to index
      %parallel_loop3A_169 = arith.index_cast %parallel_loop3A_166 : i32 to index
      %parallel_loop3A_170 = tpu.vector_load %arg13[%parallel_loop3A_168, %parallel_loop3A_169] {strides = array<i32>} : memref<16x640xf32, #tpu.memory_space<vmem>>, vector<16xf32>,
      %parallel_loop3A_171 = arith.addf %parallel_loop3A_164, %parallel_loop3A_170 : vector<16xf32>
      %parallel_loop3A_172 = arith.constant 16 : i32
      %parallel_loop3A_173 = arith.muli %parallel_loop3A_144, %parallel_loop3A_172 : i32
      %parallel_loop3A_174 = arith.constant 4 : i32
      %parallel_loop3A_175 = arith.index_cast %parallel_loop3A_174 : i32 to index
      %parallel_loop3A_176 = arith.index_cast %parallel_loop3A_173 : i32 to index
      %parallel_loop3A_177 = tpu.vector_load %arg13[%parallel_loop3A_175, %parallel_loop3A_176] {strides = array<i32>} : memref<16x640xf32, #tpu.memory_space<vmem>>, vector<16xf32>,
      %parallel_loop3A_178 = arith.addf %parallel_loop3A_171, %parallel_loop3A_177 : vector<16xf32>
      %parallel_loop3A_179 = arith.constant 16 : i32
      %parallel_loop3A_180 = arith.muli %parallel_loop3A_144, %parallel_loop3A_179 : i32
      %parallel_loop3A_181 = arith.constant 5 : i32
      %parallel_loop3A_182 = arith.index_cast %parallel_loop3A_181 : i32 to index
      %parallel_loop3A_183 = arith.index_cast %parallel_loop3A_180 : i32 to index
      %parallel_loop3A_184 = tpu.vector_load %arg13[%parallel_loop3A_182, %parallel_loop3A_183] {strides = array<i32>} : memref<16x640xf32, #tpu.memory_space<vmem>>, vector<16xf32>,
      %parallel_loop3A_185 = arith.addf %parallel_loop3A_178, %parallel_loop3A_184 : vector<16xf32>
      %parallel_loop3A_186 = arith.constant 16 : i32
      %parallel_loop3A_187 = arith.muli %parallel_loop3A_144, %parallel_loop3A_186 : i32
      %parallel_loop3A_188 = arith.constant 6 : i32
      %parallel_loop3A_189 = arith.index_cast %parallel_loop3A_188 : i32 to index
      %parallel_loop3A_190 = arith.index_cast %parallel_loop3A_187 : i32 to index
      %parallel_loop3A_191 = tpu.vector_load %arg13[%parallel_loop3A_189, %parallel_loop3A_190] {strides = array<i32>} : memref<16x640xf32, #tpu.memory_space<vmem>>, vector<16xf32>,
      %parallel_loop3A_192 = arith.addf %parallel_loop3A_185, %parallel_loop3A_191 : vector<16xf32>
      %parallel_loop3A_193 = arith.constant 16 : i32
      %parallel_loop3A_194 = arith.muli %parallel_loop3A_144, %parallel_loop3A_193 : i32
      %parallel_loop3A_195 = arith.constant 7 : i32
      %parallel_loop3A_196 = arith.index_cast %parallel_loop3A_195 : i32 to index
      %parallel_loop3A_197 = arith.index_cast %parallel_loop3A_194 : i32 to index
      %parallel_loop3A_198 = tpu.vector_load %arg13[%parallel_loop3A_196, %parallel_loop3A_197] {strides = array<i32>} : memref<16x640xf32, #tpu.memory_space<vmem>>, vector<16xf32>,
      %parallel_loop3A_199 = arith.addf %parallel_loop3A_192, %parallel_loop3A_198 : vector<16xf32>
      %parallel_loop3A_200 = arith.constant 16 : i32
      %parallel_loop3A_201 = arith.muli %parallel_loop3A_144, %parallel_loop3A_200 : i32
      %parallel_loop3A_202 = arith.constant 8 : i32
      %parallel_loop3A_203 = arith.index_cast %parallel_loop3A_202 : i32 to index
      %parallel_loop3A_204 = arith.index_cast %parallel_loop3A_201 : i32 to index
      %parallel_loop3A_205 = tpu.vector_load %arg13[%parallel_loop3A_203, %parallel_loop3A_204] {strides = array<i32>} : memref<16x640xf32, #tpu.memory_space<vmem>>, vector<16xf32>,
      %parallel_loop3A_206 = arith.addf %parallel_loop3A_199, %parallel_loop3A_205 : vector<16xf32>
      %parallel_loop3A_207 = arith.constant 16 : i32
      %parallel_loop3A_208 = arith.muli %parallel_loop3A_144, %parallel_loop3A_207 : i32
      %parallel_loop3A_209 = arith.constant 9 : i32
      %parallel_loop3A_210 = arith.index_cast %parallel_loop3A_209 : i32 to index
      %parallel_loop3A_211 = arith.index_cast %parallel_loop3A_208 : i32 to index
      %parallel_loop3A_212 = tpu.vector_load %arg13[%parallel_loop3A_210, %parallel_loop3A_211] {strides = array<i32>} : memref<16x640xf32, #tpu.memory_space<vmem>>, vector<16xf32>,
      %parallel_loop3A_213 = arith.addf %parallel_loop3A_206, %parallel_loop3A_212 : vector<16xf32>
      %parallel_loop3A_214 = arith.constant 16 : i32
      %parallel_loop3A_215 = arith.muli %parallel_loop3A_144, %parallel_loop3A_214 : i32
      %parallel_loop3A_216 = arith.constant 10 : i32
      %parallel_loop3A_217 = arith.index_cast %parallel_loop3A_216 : i32 to index
      %parallel_loop3A_218 = arith.index_cast %parallel_loop3A_215 : i32 to index
      %parallel_loop3A_219 = tpu.vector_load %arg13[%parallel_loop3A_217, %parallel_loop3A_218] {strides = array<i32>} : memref<16x640xf32, #tpu.memory_space<vmem>>, vector<16xf32>,
      %parallel_loop3A_220 = arith.addf %parallel_loop3A_213, %parallel_loop3A_219 : vector<16xf32>
      %parallel_loop3A_221 = arith.constant 16 : i32
      %parallel_loop3A_222 = arith.muli %parallel_loop3A_144, %parallel_loop3A_221 : i32
      %parallel_loop3A_223 = arith.constant 11 : i32
      %parallel_loop3A_224 = arith.index_cast %parallel_loop3A_223 : i32 to index
      %parallel_loop3A_225 = arith.index_cast %parallel_loop3A_222 : i32 to index
      %parallel_loop3A_226 = tpu.vector_load %arg13[%parallel_loop3A_224, %parallel_loop3A_225] {strides = array<i32>} : memref<16x640xf32, #tpu.memory_space<vmem>>, vector<16xf32>,
      %parallel_loop3A_227 = arith.addf %parallel_loop3A_220, %parallel_loop3A_226 : vector<16xf32>
      %parallel_loop3A_228 = arith.constant 16 : i32
      %parallel_loop3A_229 = arith.muli %parallel_loop3A_144, %parallel_loop3A_228 : i32
      %parallel_loop3A_230 = arith.constant 12 : i32
      %parallel_loop3A_231 = arith.index_cast %parallel_loop3A_230 : i32 to index
      %parallel_loop3A_232 = arith.index_cast %parallel_loop3A_229 : i32 to index
      %parallel_loop3A_233 = tpu.vector_load %arg13[%parallel_loop3A_231, %parallel_loop3A_232] {strides = array<i32>} : memref<16x640xf32, #tpu.memory_space<vmem>>, vector<16xf32>,
      %parallel_loop3A_234 = arith.addf %parallel_loop3A_227, %parallel_loop3A_233 : vector<16xf32>
      %parallel_loop3A_235 = arith.constant 16 : i32
      %parallel_loop3A_236 = arith.muli %parallel_loop3A_144, %parallel_loop3A_235 : i32
      %parallel_loop3A_237 = arith.constant 13 : i32
      %parallel_loop3A_238 = arith.index_cast %parallel_loop3A_237 : i32 to index
      %parallel_loop3A_239 = arith.index_cast %parallel_loop3A_236 : i32 to index
      %parallel_loop3A_240 = tpu.vector_load %arg13[%parallel_loop3A_238, %parallel_loop3A_239] {strides = array<i32>} : memref<16x640xf32, #tpu.memory_space<vmem>>, vector<16xf32>,
      %parallel_loop3A_241 = arith.addf %parallel_loop3A_234, %parallel_loop3A_240 : vector<16xf32>
      %parallel_loop3A_242 = arith.constant 16 : i32
      %parallel_loop3A_243 = arith.muli %parallel_loop3A_144, %parallel_loop3A_242 : i32
      %parallel_loop3A_244 = arith.constant 14 : i32
      %parallel_loop3A_245 = arith.index_cast %parallel_loop3A_244 : i32 to index
      %parallel_loop3A_246 = arith.index_cast %parallel_loop3A_243 : i32 to index
      %parallel_loop3A_247 = tpu.vector_load %arg13[%parallel_loop3A_245, %parallel_loop3A_246] {strides = array<i32>} : memref<16x640xf32, #tpu.memory_space<vmem>>, vector<16xf32>,
      %parallel_loop3A_248 = arith.addf %parallel_loop3A_241, %parallel_loop3A_247 : vector<16xf32>
      %parallel_loop3A_249 = arith.constant 16 : i32
      %parallel_loop3A_250 = arith.muli %parallel_loop3A_144, %parallel_loop3A_249 : i32
      %parallel_loop3A_251 = arith.constant 15 : i32
      %parallel_loop3A_252 = arith.index_cast %parallel_loop3A_251 : i32 to index
      %parallel_loop3A_253 = arith.index_cast %parallel_loop3A_250 : i32 to index
      %parallel_loop3A_254 = tpu.vector_load %arg13[%parallel_loop3A_252, %parallel_loop3A_253] {strides = array<i32>} : memref<16x640xf32, #tpu.memory_space<vmem>>, vector<16xf32>,
      %parallel_loop3A_255 = arith.addf %parallel_loop3A_248, %parallel_loop3A_254 : vector<16xf32>
      %parallel_loop3A_256 = arith.constant 16 : i32
      %parallel_loop3A_257 = arith.muli %parallel_loop3A_144, %parallel_loop3A_256 : i32
      %parallel_loop3A_258 = arith.index_cast %parallel_loop3A_257 : i32 to index
      %parallel_loop3A_259 = tpu.vector_load %arg12[%parallel_loop3A_258] {strides = array<i32>} : memref<640xf32, #tpu.memory_space<vmem>>, vector<16xf32>,
      tpu.vector_store %arg12[%parallel_loop3A_258], %parallel_loop3A_255 {strides = array<i32>} : memref<640xf32, #tpu.memory_space<vmem>>, vector<16xf32>,
    } {sc.loop_unroll_factor = 2 : i64, sc.parallel_access}
    %barrier3A_104 = arith.constant 0 : index
    tpu.barrier barrier_id(%barrier3A_104)
    %broadcast_in_dim3A_105 = arith.constant 0.000000e+00 : f32
    %broadcast_in_dim3A_106 = vector.broadcast %broadcast_in_dim3A_105 : f32 to vector<16xf32>
    %while3A = arith.constant 0 : i32
    %while3A_107 = arith.subi %select_n3A_97, %while3A : i32
    %while3A_108 = arith.addi %while3A, %while3A_107 : i32
    %while3A_109 = arith.constant 1 : i32
    %while3A_110 = arith.divsi %while3A_107, %while3A_109 : i32
    %while3A_111 = arith.muli %while3A_110, %while3A_109 : i32
    %while3A_112 = arith.addi %while3A, %while3A_111 : i32
    %while3A_113 = arith.constant 1 : i32
    %while3A_114 = scf.for %while3A_144 = %while3A to %while3A_112 step %while3A_113 iter_args(%while3A_145 = %broadcast_in_dim3A_106) -> (vector<16xf32>)  : i32 {
      %mul3A_146 = arith.constant 16 : i32
      %mul3A_147 = arith.muli %while3A_144, %mul3A_146 : i32
      %get3A_148 = arith.index_cast %mul3A_147 : i32 to index
      %get3A_149 = tpu.vector_load %arg14[%get3A_148] {strides = array<i32>} : memref<640xf32, #tpu.memory_space<vmem>>, vector<16xf32>,
      %mul3A_150 = arith.constant 16 : i32
      %mul3A_151 = arith.muli %while3A_144, %mul3A_150 : i32
      %get3A_152 = arith.index_cast %mul3A_151 : i32 to index
      %get3A_153 = tpu.vector_load %arg12[%get3A_152] {strides = array<i32>} : memref<640xf32, #tpu.memory_space<vmem>>, vector<16xf32>,
      %mul3A_154 = arith.constant 16 : i32
      %mul3A_155 = arith.muli %while3A_144, %mul3A_154 : i32
      %get3A_156 = arith.index_cast %mul3A_155 : i32 to index
      %get3A_157 = tpu.vector_load %arg16[%get3A_156] {strides = array<i32>} : memref<640xf32, #tpu.memory_space<vmem>>, vector<16xf32>,
      %add3A_158 = arith.addf %get3A_153, %get3A_157 : vector<16xf32>
      %mul3A_159 = arith.mulf %get3A_149, %add3A_158 : vector<16xf32>
      %mul3A_160 = arith.constant 16 : i32
      %mul3A_161 = arith.muli %while3A_144, %mul3A_160 : i32
      %get3A_162 = arith.index_cast %mul3A_161 : i32 to index
      %get3A_163 = tpu.vector_load %arg19[%get3A_162] {strides = array<i32>} : memref<640xf32, #tpu.memory_space<vmem>>, vector<16xf32>,
      %mul3A_164 = vector.broadcast %reduce_sum3A_12 : f32 to vector<16xf32>
      %mul3A_165 = arith.mulf %mul3A_164, %get3A_163 : vector<16xf32>
      %add3A_166 = arith.addf %mul3A_159, %mul3A_165 : vector<16xf32>
      %add3A_167 = vector.broadcast %reduce_sum3A_22 : f32 to vector<16xf32>
      %add3A_168 = arith.addf %add3A_166, %add3A_167 : vector<16xf32>
      %neg3A = arith.constant 0.000000e+00 : f32
      %neg3A_169 = vector.broadcast %neg3A : f32 to vector<16xf32>
      %neg3A_170 = arith.subf %neg3A_169, %add3A_168 : vector<16xf32>
      %exp3A = math.exp %neg3A_170 : vector<16xf32>
      %add3A_171 = arith.constant 1.000000e+00 : f32
      %add3A_172 = vector.broadcast %add3A_171 : f32 to vector<16xf32>
      %add3A_173 = arith.addf %add3A_172, %exp3A : vector<16xf32>
      %div3A = arith.constant 1.000000e+00 : f32
      %div3A_174 = vector.broadcast %div3A : f32 to vector<16xf32>
      %div3A_175 = arith.divf %div3A_174, %add3A_173 : vector<16xf32>
      %bitcast3A = vector.bitcast %div3A_175 : vector<16xf32> to vector<16xi32>
      %broadcast_in_dim3A_176 = arith.constant 23 : i32
      %broadcast_in_dim3A_177 = vector.broadcast %broadcast_in_dim3A_176 : i32 to vector<16xi32>
      %shift_right_arithmetic3A = arith.shrsi %bitcast3A, %broadcast_in_dim3A_177 : vector<16xi32>
      %sub3A = arith.constant 127 : i32
      %sub3A_178 = vector.broadcast %sub3A : i32 to vector<16xi32>
      %sub3A_179 = arith.subi %shift_right_arithmetic3A, %sub3A_178 : vector<16xi32>
      %broadcast_in_dim3A_180 = arith.constant 8388607 : i32
      %broadcast_in_dim3A_181 = vector.broadcast %broadcast_in_dim3A_180 : i32 to vector<16xi32>
      %and3A = arith.andi %bitcast3A, %broadcast_in_dim3A_181 : vector<16xi32>
      %broadcast_in_dim3A_182 = arith.constant 1065353216 : i32
      %broadcast_in_dim3A_183 = vector.broadcast %broadcast_in_dim3A_182 : i32 to vector<16xi32>
      %or3A = arith.ori %and3A, %broadcast_in_dim3A_183 : vector<16xi32>
      %bitcast3A_184 = vector.bitcast %or3A : vector<16xi32> to vector<16xf32>
      %sub3A_185 = arith.constant 1.000000e+00 : f32
      %sub3A_186 = vector.broadcast %sub3A_185 : f32 to vector<16xf32>
      %sub3A_187 = arith.subf %bitcast3A_184, %sub3A_186 : vector<16xf32>
      %add3A_188 = arith.constant 1.000000e+00 : f32
      %add3A_189 = vector.broadcast %add3A_188 : f32 to vector<16xf32>
      %add3A_190 = arith.addf %bitcast3A_184, %add3A_189 : vector<16xf32>
      %div3A_191 = arith.divf %sub3A_187, %add3A_190 : vector<16xf32>
      %mul3A_192 = arith.mulf %div3A_191, %div3A_191 : vector<16xf32>
      %mul3A_193 = arith.constant 2.000000e+00 : f32
      %mul3A_194 = vector.broadcast %mul3A_193 : f32 to vector<16xf32>
      %mul3A_195 = arith.mulf %mul3A_194, %div3A_191 : vector<16xf32>
      %mul3A_196 = arith.constant 0.142857149 : f32
      %mul3A_197 = vector.broadcast %mul3A_196 : f32 to vector<16xf32>
      %mul3A_198 = arith.mulf %mul3A_192, %mul3A_197 : vector<16xf32>
      %add3A_199 = arith.constant 2.000000e-01 : f32
      %add3A_200 = vector.broadcast %add3A_199 : f32 to vector<16xf32>
      %add3A_201 = arith.addf %add3A_200, %mul3A_198 : vector<16xf32>
      %mul3A_202 = arith.mulf %mul3A_192, %add3A_201 : vector<16xf32>
      %add3A_203 = arith.constant 0.333333343 : f32
      %add3A_204 = vector.broadcast %add3A_203 : f32 to vector<16xf32>
      %add3A_205 = arith.addf %add3A_204, %mul3A_202 : vector<16xf32>
      %mul3A_206 = arith.mulf %mul3A_192, %add3A_205 : vector<16xf32>
      %add3A_207 = arith.constant 1.000000e+00 : f32
      %add3A_208 = vector.broadcast %add3A_207 : f32 to vector<16xf32>
      %add3A_209 = arith.addf %add3A_208, %mul3A_206 : vector<16xf32>
      %mul3A_210 = arith.mulf %mul3A_195, %add3A_209 : vector<16xf32>
      %convert_element_type3A_211 = arith.sitofp %sub3A_179 : vector<16xi32> to vector<16xf32>
      %mul3A_212 = arith.constant 0.693147182 : f32
      %mul3A_213 = vector.broadcast %mul3A_212 : f32 to vector<16xf32>
      %mul3A_214 = arith.mulf %convert_element_type3A_211, %mul3A_213 : vector<16xf32>
      %add3A_215 = arith.addf %mul3A_214, %mul3A_210 : vector<16xf32>
      %max3A = arith.constant -1.000000e+02 : f32
      %max3A_216 = vector.broadcast %max3A : f32 to vector<16xf32>
      %max3A_217 = arith.maximumf %add3A_215, %max3A_216 : vector<16xf32>
      %add3A_218 = arith.addf %while3A_145, %max3A_217 : vector<16xf32>
      scf.yield %add3A_218 : vector<16xf32>
    }
    %while3A_115 = arith.constant 1 : i32
    %while3A_116 = scf.for %while3A_144 = %while3A_112 to %while3A_108 step %while3A_115 iter_args(%while3A_145 = %while3A_114) -> (vector<16xf32>)  : i32 {
      %mul3A_146 = arith.constant 16 : i32
      %mul3A_147 = arith.muli %while3A_144, %mul3A_146 : i32
      %get3A_148 = arith.index_cast %mul3A_147 : i32 to index
      %get3A_149 = tpu.vector_load %arg14[%get3A_148] {strides = array<i32>} : memref<640xf32, #tpu.memory_space<vmem>>, vector<16xf32>,
      %mul3A_150 = arith.constant 16 : i32
      %mul3A_151 = arith.muli %while3A_144, %mul3A_150 : i32
      %get3A_152 = arith.index_cast %mul3A_151 : i32 to index
      %get3A_153 = tpu.vector_load %arg12[%get3A_152] {strides = array<i32>} : memref<640xf32, #tpu.memory_space<vmem>>, vector<16xf32>,
      %mul3A_154 = arith.constant 16 : i32
      %mul3A_155 = arith.muli %while3A_144, %mul3A_154 : i32
      %get3A_156 = arith.index_cast %mul3A_155 : i32 to index
      %get3A_157 = tpu.vector_load %arg16[%get3A_156] {strides = array<i32>} : memref<640xf32, #tpu.memory_space<vmem>>, vector<16xf32>,
      %add3A_158 = arith.addf %get3A_153, %get3A_157 : vector<16xf32>
      %mul3A_159 = arith.mulf %get3A_149, %add3A_158 : vector<16xf32>
      %mul3A_160 = arith.constant 16 : i32
      %mul3A_161 = arith.muli %while3A_144, %mul3A_160 : i32
      %get3A_162 = arith.index_cast %mul3A_161 : i32 to index
      %get3A_163 = tpu.vector_load %arg19[%get3A_162] {strides = array<i32>} : memref<640xf32, #tpu.memory_space<vmem>>, vector<16xf32>,
      %mul3A_164 = vector.broadcast %reduce_sum3A_12 : f32 to vector<16xf32>
      %mul3A_165 = arith.mulf %mul3A_164, %get3A_163 : vector<16xf32>
      %add3A_166 = arith.addf %mul3A_159, %mul3A_165 : vector<16xf32>
      %add3A_167 = vector.broadcast %reduce_sum3A_22 : f32 to vector<16xf32>
      %add3A_168 = arith.addf %add3A_166, %add3A_167 : vector<16xf32>
      %neg3A = arith.constant 0.000000e+00 : f32
      %neg3A_169 = vector.broadcast %neg3A : f32 to vector<16xf32>
      %neg3A_170 = arith.subf %neg3A_169, %add3A_168 : vector<16xf32>
      %exp3A = math.exp %neg3A_170 : vector<16xf32>
      %add3A_171 = arith.constant 1.000000e+00 : f32
      %add3A_172 = vector.broadcast %add3A_171 : f32 to vector<16xf32>
      %add3A_173 = arith.addf %add3A_172, %exp3A : vector<16xf32>
      %div3A = arith.constant 1.000000e+00 : f32
      %div3A_174 = vector.broadcast %div3A : f32 to vector<16xf32>
      %div3A_175 = arith.divf %div3A_174, %add3A_173 : vector<16xf32>
      %bitcast3A = vector.bitcast %div3A_175 : vector<16xf32> to vector<16xi32>
      %broadcast_in_dim3A_176 = arith.constant 23 : i32
      %broadcast_in_dim3A_177 = vector.broadcast %broadcast_in_dim3A_176 : i32 to vector<16xi32>
      %shift_right_arithmetic3A = arith.shrsi %bitcast3A, %broadcast_in_dim3A_177 : vector<16xi32>
      %sub3A = arith.constant 127 : i32
      %sub3A_178 = vector.broadcast %sub3A : i32 to vector<16xi32>
      %sub3A_179 = arith.subi %shift_right_arithmetic3A, %sub3A_178 : vector<16xi32>
      %broadcast_in_dim3A_180 = arith.constant 8388607 : i32
      %broadcast_in_dim3A_181 = vector.broadcast %broadcast_in_dim3A_180 : i32 to vector<16xi32>
      %and3A = arith.andi %bitcast3A, %broadcast_in_dim3A_181 : vector<16xi32>
      %broadcast_in_dim3A_182 = arith.constant 1065353216 : i32
      %broadcast_in_dim3A_183 = vector.broadcast %broadcast_in_dim3A_182 : i32 to vector<16xi32>
      %or3A = arith.ori %and3A, %broadcast_in_dim3A_183 : vector<16xi32>
      %bitcast3A_184 = vector.bitcast %or3A : vector<16xi32> to vector<16xf32>
      %sub3A_185 = arith.constant 1.000000e+00 : f32
      %sub3A_186 = vector.broadcast %sub3A_185 : f32 to vector<16xf32>
      %sub3A_187 = arith.subf %bitcast3A_184, %sub3A_186 : vector<16xf32>
      %add3A_188 = arith.constant 1.000000e+00 : f32
      %add3A_189 = vector.broadcast %add3A_188 : f32 to vector<16xf32>
      %add3A_190 = arith.addf %bitcast3A_184, %add3A_189 : vector<16xf32>
      %div3A_191 = arith.divf %sub3A_187, %add3A_190 : vector<16xf32>
      %mul3A_192 = arith.mulf %div3A_191, %div3A_191 : vector<16xf32>
      %mul3A_193 = arith.constant 2.000000e+00 : f32
      %mul3A_194 = vector.broadcast %mul3A_193 : f32 to vector<16xf32>
      %mul3A_195 = arith.mulf %mul3A_194, %div3A_191 : vector<16xf32>
      %mul3A_196 = arith.constant 0.142857149 : f32
      %mul3A_197 = vector.broadcast %mul3A_196 : f32 to vector<16xf32>
      %mul3A_198 = arith.mulf %mul3A_192, %mul3A_197 : vector<16xf32>
      %add3A_199 = arith.constant 2.000000e-01 : f32
      %add3A_200 = vector.broadcast %add3A_199 : f32 to vector<16xf32>
      %add3A_201 = arith.addf %add3A_200, %mul3A_198 : vector<16xf32>
      %mul3A_202 = arith.mulf %mul3A_192, %add3A_201 : vector<16xf32>
      %add3A_203 = arith.constant 0.333333343 : f32
      %add3A_204 = vector.broadcast %add3A_203 : f32 to vector<16xf32>
      %add3A_205 = arith.addf %add3A_204, %mul3A_202 : vector<16xf32>
      %mul3A_206 = arith.mulf %mul3A_192, %add3A_205 : vector<16xf32>
      %add3A_207 = arith.constant 1.000000e+00 : f32
      %add3A_208 = vector.broadcast %add3A_207 : f32 to vector<16xf32>
      %add3A_209 = arith.addf %add3A_208, %mul3A_206 : vector<16xf32>
      %mul3A_210 = arith.mulf %mul3A_195, %add3A_209 : vector<16xf32>
      %convert_element_type3A_211 = arith.sitofp %sub3A_179 : vector<16xi32> to vector<16xf32>
      %mul3A_212 = arith.constant 0.693147182 : f32
      %mul3A_213 = vector.broadcast %mul3A_212 : f32 to vector<16xf32>
      %mul3A_214 = arith.mulf %convert_element_type3A_211, %mul3A_213 : vector<16xf32>
      %add3A_215 = arith.addf %mul3A_214, %mul3A_210 : vector<16xf32>
      %max3A = arith.constant -1.000000e+02 : f32
      %max3A_216 = vector.broadcast %max3A : f32 to vector<16xf32>
      %max3A_217 = arith.maximumf %add3A_215, %max3A_216 : vector<16xf32>
      %add3A_218 = arith.addf %while3A_145, %max3A_217 : vector<16xf32>
      scf.yield %add3A_218 : vector<16xf32>
    }
    "tpu.region"() ({
      %run_scoped3A = tpu.sem_alloc : memref<!tpu.dma_semaphore, #tpu.memory_space<semaphore_mem>>
      %dma_start3A_144 = arith.constant 10240 : i32
      %dma_start3A_145 = tpu.memref_slice %arg11[%dma_start3A_144] : memref<30720xf32, #tpu.memory_space<vmem>> -> memref<10240xf32, #tpu.memory_space<vmem>>
      %dma_start3A_146 = arith.constant 0 : i32
      %dma_start3A_147 = tpu.memref_slice %arg22[%arg1, %dma_start3A_146] : memref<16x10240xf32, #tpu.memory_space<vmem_shared>> -> memref<1x10240xf32, #tpu.memory_space<vmem_shared>>
      %dma_start3A_148 = tpu.memref_squeeze %dma_start3A_147 : memref<1x10240xf32, #tpu.memory_space<vmem_shared>> -> memref<10240xf32, #tpu.memory_space<vmem_shared>>
      %dma_start3A_149 = arith.constant 0 : i32
      %dma_start3A_150 = tpu.memref_slice %arg22[%arg1, %dma_start3A_149] : memref<16x10240xf32, #tpu.memory_space<vmem_shared>> -> memref<1x10240xf32, #tpu.memory_space<vmem_shared>>
      %dma_start3A_151 = tpu.memref_squeeze %dma_start3A_150 : memref<1x10240xf32, #tpu.memory_space<vmem_shared>> -> memref<10240xf32, #tpu.memory_space<vmem_shared>>
      %dma_start3A_152 = arith.constant 10240 : i32
      %dma_start3A_153 = tpu.memref_slice %arg11[%dma_start3A_152] : memref<30720xf32, #tpu.memory_space<vmem>> -> memref<10240xf32, #tpu.memory_space<vmem>>
      tpu.enqueue_dma source(%dma_start3A_153 : memref<10240xf32, #tpu.memory_space<vmem>>) target(%dma_start3A_151 : memref<10240xf32, #tpu.memory_space<vmem_shared>>) target_semaphore(%run_scoped3A : memref<!tpu.dma_semaphore, #tpu.memory_space<semaphore_mem>>)
      %dma_wait3A_154 = arith.constant 10240 : i32
      %dma_wait3A_155 = tpu.memref_slice %arg11[%dma_wait3A_154] : memref<30720xf32, #tpu.memory_space<vmem>> -> memref<10240xf32, #tpu.memory_space<vmem>>
      %dma_wait3A_156 = arith.constant 0 : i32
      %dma_wait3A_157 = tpu.memref_slice %arg22[%arg1, %dma_wait3A_156] : memref<16x10240xf32, #tpu.memory_space<vmem_shared>> -> memref<1x10240xf32, #tpu.memory_space<vmem_shared>>
      %dma_wait3A_158 = tpu.memref_squeeze %dma_wait3A_157 : memref<1x10240xf32, #tpu.memory_space<vmem_shared>> -> memref<10240xf32, #tpu.memory_space<vmem_shared>>
      %dma_wait3A_159 = arith.constant 0 : i32
      %dma_wait3A_160 = tpu.memref_slice %arg22[%arg1, %dma_wait3A_159] : memref<16x10240xf32, #tpu.memory_space<vmem_shared>> -> memref<1x10240xf32, #tpu.memory_space<vmem_shared>>
      %dma_wait3A_161 = tpu.memref_squeeze %dma_wait3A_160 : memref<1x10240xf32, #tpu.memory_space<vmem_shared>> -> memref<10240xf32, #tpu.memory_space<vmem_shared>>
      %dma_wait3A_162 = arith.constant 10240 : i32
      %dma_wait3A_163 = tpu.memref_slice %arg11[%dma_wait3A_162] : memref<30720xf32, #tpu.memory_space<vmem>> -> memref<10240xf32, #tpu.memory_space<vmem>>
      tpu.wait_dma2 semaphore(%run_scoped3A : memref<!tpu.dma_semaphore, #tpu.memory_space<semaphore_mem>>) src(%dma_wait3A_163 : memref<10240xf32, #tpu.memory_space<vmem>>) dst(%dma_wait3A_161 : memref<10240xf32, #tpu.memory_space<vmem_shared>>)
      tpu.yield
    }) : () -> ()
    %barrier3A_117 = arith.constant 0 : index
    tpu.barrier barrier_id(%barrier3A_117)
    %add3A_118 = arith.constant 0 : i32
    %add3A_119 = arith.addi %add3A_118, %mul3A_2 : i32
    "tpu.region"() ({
      %run_scoped3A = tpu.sem_alloc : memref<!tpu.dma_semaphore, #tpu.memory_space<semaphore_mem>>
      %dma_start3A_144 = arith.constant 0 : i32
      %dma_start3A_145 = tpu.memref_slice %arg22[%dma_start3A_144, %add3A_119] : memref<16x10240xf32, #tpu.memory_space<vmem_shared>> -> memref<16x640xf32, #tpu.memory_space<vmem_shared>>
      %dma_start3A_146 = arith.constant 0 : i32
      %dma_start3A_147 = tpu.memref_slice %arg22[%dma_start3A_146, %add3A_119] : memref<16x10240xf32, #tpu.memory_space<vmem_shared>> -> memref<16x640xf32, #tpu.memory_space<vmem_shared>>
      tpu.enqueue_dma source(%dma_start3A_147 : memref<16x640xf32, #tpu.memory_space<vmem_shared>>) target(%arg13 : memref<16x640xf32, #tpu.memory_space<vmem>>) target_semaphore(%run_scoped3A : memref<!tpu.dma_semaphore, #tpu.memory_space<semaphore_mem>>)
      %dma_wait3A_148 = arith.constant 0 : i32
      %dma_wait3A_149 = tpu.memref_slice %arg22[%dma_wait3A_148, %add3A_119] : memref<16x10240xf32, #tpu.memory_space<vmem_shared>> -> memref<16x640xf32, #tpu.memory_space<vmem_shared>>
      %dma_wait3A_150 = arith.constant 0 : i32
      %dma_wait3A_151 = tpu.memref_slice %arg22[%dma_wait3A_150, %add3A_119] : memref<16x10240xf32, #tpu.memory_space<vmem_shared>> -> memref<16x640xf32, #tpu.memory_space<vmem_shared>>
      tpu.wait_dma2 semaphore(%run_scoped3A : memref<!tpu.dma_semaphore, #tpu.memory_space<semaphore_mem>>) src(%dma_wait3A_151 : memref<16x640xf32, #tpu.memory_space<vmem_shared>>) dst(%arg13 : memref<16x640xf32, #tpu.memory_space<vmem>>)
      tpu.yield
    }) : () -> ()
    %parallel_loop3A_120 = arith.constant 0 : i32
    %parallel_loop3A_121 = arith.constant 40 : i32
    %parallel_loop3A_122 = arith.constant 1 : i32
    scf.for %parallel_loop3A_144 = %parallel_loop3A_120 to %parallel_loop3A_121 step %parallel_loop3A_122  : i32 {
      %parallel_loop3A_145 = arith.constant 16 : i32
      %parallel_loop3A_146 = arith.muli %parallel_loop3A_144, %parallel_loop3A_145 : i32
      %parallel_loop3A_147 = arith.constant 0 : i32
      %parallel_loop3A_148 = arith.index_cast %parallel_loop3A_147 : i32 to index
      %parallel_loop3A_149 = arith.index_cast %parallel_loop3A_146 : i32 to index
      %parallel_loop3A_150 = tpu.vector_load %arg13[%parallel_loop3A_148, %parallel_loop3A_149] {strides = array<i32>} : memref<16x640xf32, #tpu.memory_space<vmem>>, vector<16xf32>,
      %parallel_loop3A_151 = arith.constant 16 : i32
      %parallel_loop3A_152 = arith.muli %parallel_loop3A_144, %parallel_loop3A_151 : i32
      %parallel_loop3A_153 = arith.constant 1 : i32
      %parallel_loop3A_154 = arith.index_cast %parallel_loop3A_153 : i32 to index
      %parallel_loop3A_155 = arith.index_cast %parallel_loop3A_152 : i32 to index
      %parallel_loop3A_156 = tpu.vector_load %arg13[%parallel_loop3A_154, %parallel_loop3A_155] {strides = array<i32>} : memref<16x640xf32, #tpu.memory_space<vmem>>, vector<16xf32>,
      %parallel_loop3A_157 = arith.addf %parallel_loop3A_150, %parallel_loop3A_156 : vector<16xf32>
      %parallel_loop3A_158 = arith.constant 16 : i32
      %parallel_loop3A_159 = arith.muli %parallel_loop3A_144, %parallel_loop3A_158 : i32
      %parallel_loop3A_160 = arith.constant 2 : i32
      %parallel_loop3A_161 = arith.index_cast %parallel_loop3A_160 : i32 to index
      %parallel_loop3A_162 = arith.index_cast %parallel_loop3A_159 : i32 to index
      %parallel_loop3A_163 = tpu.vector_load %arg13[%parallel_loop3A_161, %parallel_loop3A_162] {strides = array<i32>} : memref<16x640xf32, #tpu.memory_space<vmem>>, vector<16xf32>,
      %parallel_loop3A_164 = arith.addf %parallel_loop3A_157, %parallel_loop3A_163 : vector<16xf32>
      %parallel_loop3A_165 = arith.constant 16 : i32
      %parallel_loop3A_166 = arith.muli %parallel_loop3A_144, %parallel_loop3A_165 : i32
      %parallel_loop3A_167 = arith.constant 3 : i32
      %parallel_loop3A_168 = arith.index_cast %parallel_loop3A_167 : i32 to index
      %parallel_loop3A_169 = arith.index_cast %parallel_loop3A_166 : i32 to index
      %parallel_loop3A_170 = tpu.vector_load %arg13[%parallel_loop3A_168, %parallel_loop3A_169] {strides = array<i32>} : memref<16x640xf32, #tpu.memory_space<vmem>>, vector<16xf32>,
      %parallel_loop3A_171 = arith.addf %parallel_loop3A_164, %parallel_loop3A_170 : vector<16xf32>
      %parallel_loop3A_172 = arith.constant 16 : i32
      %parallel_loop3A_173 = arith.muli %parallel_loop3A_144, %parallel_loop3A_172 : i32
      %parallel_loop3A_174 = arith.constant 4 : i32
      %parallel_loop3A_175 = arith.index_cast %parallel_loop3A_174 : i32 to index
      %parallel_loop3A_176 = arith.index_cast %parallel_loop3A_173 : i32 to index
      %parallel_loop3A_177 = tpu.vector_load %arg13[%parallel_loop3A_175, %parallel_loop3A_176] {strides = array<i32>} : memref<16x640xf32, #tpu.memory_space<vmem>>, vector<16xf32>,
      %parallel_loop3A_178 = arith.addf %parallel_loop3A_171, %parallel_loop3A_177 : vector<16xf32>
      %parallel_loop3A_179 = arith.constant 16 : i32
      %parallel_loop3A_180 = arith.muli %parallel_loop3A_144, %parallel_loop3A_179 : i32
      %parallel_loop3A_181 = arith.constant 5 : i32
      %parallel_loop3A_182 = arith.index_cast %parallel_loop3A_181 : i32 to index
      %parallel_loop3A_183 = arith.index_cast %parallel_loop3A_180 : i32 to index
      %parallel_loop3A_184 = tpu.vector_load %arg13[%parallel_loop3A_182, %parallel_loop3A_183] {strides = array<i32>} : memref<16x640xf32, #tpu.memory_space<vmem>>, vector<16xf32>,
      %parallel_loop3A_185 = arith.addf %parallel_loop3A_178, %parallel_loop3A_184 : vector<16xf32>
      %parallel_loop3A_186 = arith.constant 16 : i32
      %parallel_loop3A_187 = arith.muli %parallel_loop3A_144, %parallel_loop3A_186 : i32
      %parallel_loop3A_188 = arith.constant 6 : i32
      %parallel_loop3A_189 = arith.index_cast %parallel_loop3A_188 : i32 to index
      %parallel_loop3A_190 = arith.index_cast %parallel_loop3A_187 : i32 to index
      %parallel_loop3A_191 = tpu.vector_load %arg13[%parallel_loop3A_189, %parallel_loop3A_190] {strides = array<i32>} : memref<16x640xf32, #tpu.memory_space<vmem>>, vector<16xf32>,
      %parallel_loop3A_192 = arith.addf %parallel_loop3A_185, %parallel_loop3A_191 : vector<16xf32>
      %parallel_loop3A_193 = arith.constant 16 : i32
      %parallel_loop3A_194 = arith.muli %parallel_loop3A_144, %parallel_loop3A_193 : i32
      %parallel_loop3A_195 = arith.constant 7 : i32
      %parallel_loop3A_196 = arith.index_cast %parallel_loop3A_195 : i32 to index
      %parallel_loop3A_197 = arith.index_cast %parallel_loop3A_194 : i32 to index
      %parallel_loop3A_198 = tpu.vector_load %arg13[%parallel_loop3A_196, %parallel_loop3A_197] {strides = array<i32>} : memref<16x640xf32, #tpu.memory_space<vmem>>, vector<16xf32>,
      %parallel_loop3A_199 = arith.addf %parallel_loop3A_192, %parallel_loop3A_198 : vector<16xf32>
      %parallel_loop3A_200 = arith.constant 16 : i32
      %parallel_loop3A_201 = arith.muli %parallel_loop3A_144, %parallel_loop3A_200 : i32
      %parallel_loop3A_202 = arith.constant 8 : i32
      %parallel_loop3A_203 = arith.index_cast %parallel_loop3A_202 : i32 to index
      %parallel_loop3A_204 = arith.index_cast %parallel_loop3A_201 : i32 to index
      %parallel_loop3A_205 = tpu.vector_load %arg13[%parallel_loop3A_203, %parallel_loop3A_204] {strides = array<i32>} : memref<16x640xf32, #tpu.memory_space<vmem>>, vector<16xf32>,
      %parallel_loop3A_206 = arith.addf %parallel_loop3A_199, %parallel_loop3A_205 : vector<16xf32>
      %parallel_loop3A_207 = arith.constant 16 : i32
      %parallel_loop3A_208 = arith.muli %parallel_loop3A_144, %parallel_loop3A_207 : i32
      %parallel_loop3A_209 = arith.constant 9 : i32
      %parallel_loop3A_210 = arith.index_cast %parallel_loop3A_209 : i32 to index
      %parallel_loop3A_211 = arith.index_cast %parallel_loop3A_208 : i32 to index
      %parallel_loop3A_212 = tpu.vector_load %arg13[%parallel_loop3A_210, %parallel_loop3A_211] {strides = array<i32>} : memref<16x640xf32, #tpu.memory_space<vmem>>, vector<16xf32>,
      %parallel_loop3A_213 = arith.addf %parallel_loop3A_206, %parallel_loop3A_212 : vector<16xf32>
      %parallel_loop3A_214 = arith.constant 16 : i32
      %parallel_loop3A_215 = arith.muli %parallel_loop3A_144, %parallel_loop3A_214 : i32
      %parallel_loop3A_216 = arith.constant 10 : i32
      %parallel_loop3A_217 = arith.index_cast %parallel_loop3A_216 : i32 to index
      %parallel_loop3A_218 = arith.index_cast %parallel_loop3A_215 : i32 to index
      %parallel_loop3A_219 = tpu.vector_load %arg13[%parallel_loop3A_217, %parallel_loop3A_218] {strides = array<i32>} : memref<16x640xf32, #tpu.memory_space<vmem>>, vector<16xf32>,
      %parallel_loop3A_220 = arith.addf %parallel_loop3A_213, %parallel_loop3A_219 : vector<16xf32>
      %parallel_loop3A_221 = arith.constant 16 : i32
      %parallel_loop3A_222 = arith.muli %parallel_loop3A_144, %parallel_loop3A_221 : i32
      %parallel_loop3A_223 = arith.constant 11 : i32
      %parallel_loop3A_224 = arith.index_cast %parallel_loop3A_223 : i32 to index
      %parallel_loop3A_225 = arith.index_cast %parallel_loop3A_222 : i32 to index
      %parallel_loop3A_226 = tpu.vector_load %arg13[%parallel_loop3A_224, %parallel_loop3A_225] {strides = array<i32>} : memref<16x640xf32, #tpu.memory_space<vmem>>, vector<16xf32>,
      %parallel_loop3A_227 = arith.addf %parallel_loop3A_220, %parallel_loop3A_226 : vector<16xf32>
      %parallel_loop3A_228 = arith.constant 16 : i32
      %parallel_loop3A_229 = arith.muli %parallel_loop3A_144, %parallel_loop3A_228 : i32
      %parallel_loop3A_230 = arith.constant 12 : i32
      %parallel_loop3A_231 = arith.index_cast %parallel_loop3A_230 : i32 to index
      %parallel_loop3A_232 = arith.index_cast %parallel_loop3A_229 : i32 to index
      %parallel_loop3A_233 = tpu.vector_load %arg13[%parallel_loop3A_231, %parallel_loop3A_232] {strides = array<i32>} : memref<16x640xf32, #tpu.memory_space<vmem>>, vector<16xf32>,
      %parallel_loop3A_234 = arith.addf %parallel_loop3A_227, %parallel_loop3A_233 : vector<16xf32>
      %parallel_loop3A_235 = arith.constant 16 : i32
      %parallel_loop3A_236 = arith.muli %parallel_loop3A_144, %parallel_loop3A_235 : i32
      %parallel_loop3A_237 = arith.constant 13 : i32
      %parallel_loop3A_238 = arith.index_cast %parallel_loop3A_237 : i32 to index
      %parallel_loop3A_239 = arith.index_cast %parallel_loop3A_236 : i32 to index
      %parallel_loop3A_240 = tpu.vector_load %arg13[%parallel_loop3A_238, %parallel_loop3A_239] {strides = array<i32>} : memref<16x640xf32, #tpu.memory_space<vmem>>, vector<16xf32>,
      %parallel_loop3A_241 = arith.addf %parallel_loop3A_234, %parallel_loop3A_240 : vector<16xf32>
      %parallel_loop3A_242 = arith.constant 16 : i32
      %parallel_loop3A_243 = arith.muli %parallel_loop3A_144, %parallel_loop3A_242 : i32
      %parallel_loop3A_244 = arith.constant 14 : i32
      %parallel_loop3A_245 = arith.index_cast %parallel_loop3A_244 : i32 to index
      %parallel_loop3A_246 = arith.index_cast %parallel_loop3A_243 : i32 to index
      %parallel_loop3A_247 = tpu.vector_load %arg13[%parallel_loop3A_245, %parallel_loop3A_246] {strides = array<i32>} : memref<16x640xf32, #tpu.memory_space<vmem>>, vector<16xf32>,
      %parallel_loop3A_248 = arith.addf %parallel_loop3A_241, %parallel_loop3A_247 : vector<16xf32>
      %parallel_loop3A_249 = arith.constant 16 : i32
      %parallel_loop3A_250 = arith.muli %parallel_loop3A_144, %parallel_loop3A_249 : i32
      %parallel_loop3A_251 = arith.constant 15 : i32
      %parallel_loop3A_252 = arith.index_cast %parallel_loop3A_251 : i32 to index
      %parallel_loop3A_253 = arith.index_cast %parallel_loop3A_250 : i32 to index
      %parallel_loop3A_254 = tpu.vector_load %arg13[%parallel_loop3A_252, %parallel_loop3A_253] {strides = array<i32>} : memref<16x640xf32, #tpu.memory_space<vmem>>, vector<16xf32>,
      %parallel_loop3A_255 = arith.addf %parallel_loop3A_248, %parallel_loop3A_254 : vector<16xf32>
      %parallel_loop3A_256 = arith.constant 16 : i32
      %parallel_loop3A_257 = arith.muli %parallel_loop3A_144, %parallel_loop3A_256 : i32
      %parallel_loop3A_258 = arith.index_cast %parallel_loop3A_257 : i32 to index
      %parallel_loop3A_259 = tpu.vector_load %arg12[%parallel_loop3A_258] {strides = array<i32>} : memref<640xf32, #tpu.memory_space<vmem>>, vector<16xf32>,
      tpu.vector_store %arg12[%parallel_loop3A_258], %parallel_loop3A_255 {strides = array<i32>} : memref<640xf32, #tpu.memory_space<vmem>>, vector<16xf32>,
    } {sc.loop_unroll_factor = 2 : i64, sc.parallel_access}
    %barrier3A_123 = arith.constant 0 : index
    tpu.barrier barrier_id(%barrier3A_123)
    %while3A_124 = arith.constant 0 : i32
    %while3A_125 = arith.subi %select_n3A_97, %while3A_124 : i32
    %while3A_126 = arith.addi %while3A_124, %while3A_125 : i32
    %while3A_127 = arith.constant 1 : i32
    %while3A_128 = arith.divsi %while3A_125, %while3A_127 : i32
    %while3A_129 = arith.muli %while3A_128, %while3A_127 : i32
    %while3A_130 = arith.addi %while3A_124, %while3A_129 : i32
    %while3A_131 = arith.constant 1 : i32
    %while3A_132 = scf.for %while3A_144 = %while3A_124 to %while3A_130 step %while3A_131 iter_args(%while3A_145 = %while3A_116) -> (vector<16xf32>)  : i32 {
      %mul3A_146 = arith.constant 16 : i32
      %mul3A_147 = arith.muli %while3A_144, %mul3A_146 : i32
      %get3A_148 = arith.index_cast %mul3A_147 : i32 to index
      %get3A_149 = tpu.vector_load %arg14[%get3A_148] {strides = array<i32>} : memref<640xf32, #tpu.memory_space<vmem>>, vector<16xf32>,
      %mul3A_150 = arith.constant 16 : i32
      %mul3A_151 = arith.muli %while3A_144, %mul3A_150 : i32
      %get3A_152 = arith.index_cast %mul3A_151 : i32 to index
      %get3A_153 = tpu.vector_load %arg12[%get3A_152] {strides = array<i32>} : memref<640xf32, #tpu.memory_space<vmem>>, vector<16xf32>,
      %mul3A_154 = arith.constant 16 : i32
      %mul3A_155 = arith.muli %while3A_144, %mul3A_154 : i32
      %get3A_156 = arith.index_cast %mul3A_155 : i32 to index
      %get3A_157 = tpu.vector_load %arg17[%get3A_156] {strides = array<i32>} : memref<640xf32, #tpu.memory_space<vmem>>, vector<16xf32>,
      %add3A_158 = arith.addf %get3A_153, %get3A_157 : vector<16xf32>
      %mul3A_159 = arith.mulf %get3A_149, %add3A_158 : vector<16xf32>
      %mul3A_160 = arith.constant 16 : i32
      %mul3A_161 = arith.muli %while3A_144, %mul3A_160 : i32
      %get3A_162 = arith.index_cast %mul3A_161 : i32 to index
      %get3A_163 = tpu.vector_load %arg19[%get3A_162] {strides = array<i32>} : memref<640xf32, #tpu.memory_space<vmem>>, vector<16xf32>,
      %mul3A_164 = vector.broadcast %reduce_sum3A_12 : f32 to vector<16xf32>
      %mul3A_165 = arith.mulf %mul3A_164, %get3A_163 : vector<16xf32>
      %add3A_166 = arith.addf %mul3A_159, %mul3A_165 : vector<16xf32>
      %add3A_167 = vector.broadcast %reduce_sum3A_22 : f32 to vector<16xf32>
      %add3A_168 = arith.addf %add3A_166, %add3A_167 : vector<16xf32>
      %neg3A = arith.constant 0.000000e+00 : f32
      %neg3A_169 = vector.broadcast %neg3A : f32 to vector<16xf32>
      %neg3A_170 = arith.subf %neg3A_169, %add3A_168 : vector<16xf32>
      %exp3A = math.exp %neg3A_170 : vector<16xf32>
      %add3A_171 = arith.constant 1.000000e+00 : f32
      %add3A_172 = vector.broadcast %add3A_171 : f32 to vector<16xf32>
      %add3A_173 = arith.addf %add3A_172, %exp3A : vector<16xf32>
      %div3A = arith.constant 1.000000e+00 : f32
      %div3A_174 = vector.broadcast %div3A : f32 to vector<16xf32>
      %div3A_175 = arith.divf %div3A_174, %add3A_173 : vector<16xf32>
      %sub3A = arith.constant 1.000000e+00 : f32
      %sub3A_176 = vector.broadcast %sub3A : f32 to vector<16xf32>
      %sub3A_177 = arith.subf %sub3A_176, %div3A_175 : vector<16xf32>
      %bitcast3A = vector.bitcast %sub3A_177 : vector<16xf32> to vector<16xi32>
      %broadcast_in_dim3A_178 = arith.constant 23 : i32
      %broadcast_in_dim3A_179 = vector.broadcast %broadcast_in_dim3A_178 : i32 to vector<16xi32>
      %shift_right_arithmetic3A = arith.shrsi %bitcast3A, %broadcast_in_dim3A_179 : vector<16xi32>
      %sub3A_180 = arith.constant 127 : i32
      %sub3A_181 = vector.broadcast %sub3A_180 : i32 to vector<16xi32>
      %sub3A_182 = arith.subi %shift_right_arithmetic3A, %sub3A_181 : vector<16xi32>
      %broadcast_in_dim3A_183 = arith.constant 8388607 : i32
      %broadcast_in_dim3A_184 = vector.broadcast %broadcast_in_dim3A_183 : i32 to vector<16xi32>
      %and3A = arith.andi %bitcast3A, %broadcast_in_dim3A_184 : vector<16xi32>
      %broadcast_in_dim3A_185 = arith.constant 1065353216 : i32
      %broadcast_in_dim3A_186 = vector.broadcast %broadcast_in_dim3A_185 : i32 to vector<16xi32>
      %or3A = arith.ori %and3A, %broadcast_in_dim3A_186 : vector<16xi32>
      %bitcast3A_187 = vector.bitcast %or3A : vector<16xi32> to vector<16xf32>
      %sub3A_188 = arith.constant 1.000000e+00 : f32
      %sub3A_189 = vector.broadcast %sub3A_188 : f32 to vector<16xf32>
      %sub3A_190 = arith.subf %bitcast3A_187, %sub3A_189 : vector<16xf32>
      %add3A_191 = arith.constant 1.000000e+00 : f32
      %add3A_192 = vector.broadcast %add3A_191 : f32 to vector<16xf32>
      %add3A_193 = arith.addf %bitcast3A_187, %add3A_192 : vector<16xf32>
      %div3A_194 = arith.divf %sub3A_190, %add3A_193 : vector<16xf32>
      %mul3A_195 = arith.mulf %div3A_194, %div3A_194 : vector<16xf32>
      %mul3A_196 = arith.constant 2.000000e+00 : f32
      %mul3A_197 = vector.broadcast %mul3A_196 : f32 to vector<16xf32>
      %mul3A_198 = arith.mulf %mul3A_197, %div3A_194 : vector<16xf32>
      %mul3A_199 = arith.constant 0.142857149 : f32
      %mul3A_200 = vector.broadcast %mul3A_199 : f32 to vector<16xf32>
      %mul3A_201 = arith.mulf %mul3A_195, %mul3A_200 : vector<16xf32>
      %add3A_202 = arith.constant 2.000000e-01 : f32
      %add3A_203 = vector.broadcast %add3A_202 : f32 to vector<16xf32>
      %add3A_204 = arith.addf %add3A_203, %mul3A_201 : vector<16xf32>
      %mul3A_205 = arith.mulf %mul3A_195, %add3A_204 : vector<16xf32>
      %add3A_206 = arith.constant 0.333333343 : f32
      %add3A_207 = vector.broadcast %add3A_206 : f32 to vector<16xf32>
      %add3A_208 = arith.addf %add3A_207, %mul3A_205 : vector<16xf32>
      %mul3A_209 = arith.mulf %mul3A_195, %add3A_208 : vector<16xf32>
      %add3A_210 = arith.constant 1.000000e+00 : f32
      %add3A_211 = vector.broadcast %add3A_210 : f32 to vector<16xf32>
      %add3A_212 = arith.addf %add3A_211, %mul3A_209 : vector<16xf32>
      %mul3A_213 = arith.mulf %mul3A_198, %add3A_212 : vector<16xf32>
      %convert_element_type3A_214 = arith.sitofp %sub3A_182 : vector<16xi32> to vector<16xf32>
      %mul3A_215 = arith.constant 0.693147182 : f32
      %mul3A_216 = vector.broadcast %mul3A_215 : f32 to vector<16xf32>
      %mul3A_217 = arith.mulf %convert_element_type3A_214, %mul3A_216 : vector<16xf32>
      %add3A_218 = arith.addf %mul3A_217, %mul3A_213 : vector<16xf32>
      %max3A = arith.constant -1.000000e+02 : f32
      %max3A_219 = vector.broadcast %max3A : f32 to vector<16xf32>
      %max3A_220 = arith.maximumf %add3A_218, %max3A_219 : vector<16xf32>
      %add3A_221 = arith.addf %while3A_145, %max3A_220 : vector<16xf32>
      scf.yield %add3A_221 : vector<16xf32>
    }
    %while3A_133 = arith.constant 1 : i32
    %while3A_134 = scf.for %while3A_144 = %while3A_130 to %while3A_126 step %while3A_133 iter_args(%while3A_145 = %while3A_132) -> (vector<16xf32>)  : i32 {
      %mul3A_146 = arith.constant 16 : i32
      %mul3A_147 = arith.muli %while3A_144, %mul3A_146 : i32
      %get3A_148 = arith.index_cast %mul3A_147 : i32 to index
      %get3A_149 = tpu.vector_load %arg14[%get3A_148] {strides = array<i32>} : memref<640xf32, #tpu.memory_space<vmem>>, vector<16xf32>,
      %mul3A_150 = arith.constant 16 : i32
      %mul3A_151 = arith.muli %while3A_144, %mul3A_150 : i32
      %get3A_152 = arith.index_cast %mul3A_151 : i32 to index
      %get3A_153 = tpu.vector_load %arg12[%get3A_152] {strides = array<i32>} : memref<640xf32, #tpu.memory_space<vmem>>, vector<16xf32>,
      %mul3A_154 = arith.constant 16 : i32
      %mul3A_155 = arith.muli %while3A_144, %mul3A_154 : i32
      %get3A_156 = arith.index_cast %mul3A_155 : i32 to index
      %get3A_157 = tpu.vector_load %arg17[%get3A_156] {strides = array<i32>} : memref<640xf32, #tpu.memory_space<vmem>>, vector<16xf32>,
      %add3A_158 = arith.addf %get3A_153, %get3A_157 : vector<16xf32>
      %mul3A_159 = arith.mulf %get3A_149, %add3A_158 : vector<16xf32>
      %mul3A_160 = arith.constant 16 : i32
      %mul3A_161 = arith.muli %while3A_144, %mul3A_160 : i32
      %get3A_162 = arith.index_cast %mul3A_161 : i32 to index
      %get3A_163 = tpu.vector_load %arg19[%get3A_162] {strides = array<i32>} : memref<640xf32, #tpu.memory_space<vmem>>, vector<16xf32>,
      %mul3A_164 = vector.broadcast %reduce_sum3A_12 : f32 to vector<16xf32>
      %mul3A_165 = arith.mulf %mul3A_164, %get3A_163 : vector<16xf32>
      %add3A_166 = arith.addf %mul3A_159, %mul3A_165 : vector<16xf32>
      %add3A_167 = vector.broadcast %reduce_sum3A_22 : f32 to vector<16xf32>
      %add3A_168 = arith.addf %add3A_166, %add3A_167 : vector<16xf32>
      %neg3A = arith.constant 0.000000e+00 : f32
      %neg3A_169 = vector.broadcast %neg3A : f32 to vector<16xf32>
      %neg3A_170 = arith.subf %neg3A_169, %add3A_168 : vector<16xf32>
      %exp3A = math.exp %neg3A_170 : vector<16xf32>
      %add3A_171 = arith.constant 1.000000e+00 : f32
      %add3A_172 = vector.broadcast %add3A_171 : f32 to vector<16xf32>
      %add3A_173 = arith.addf %add3A_172, %exp3A : vector<16xf32>
      %div3A = arith.constant 1.000000e+00 : f32
      %div3A_174 = vector.broadcast %div3A : f32 to vector<16xf32>
      %div3A_175 = arith.divf %div3A_174, %add3A_173 : vector<16xf32>
      %sub3A = arith.constant 1.000000e+00 : f32
      %sub3A_176 = vector.broadcast %sub3A : f32 to vector<16xf32>
      %sub3A_177 = arith.subf %sub3A_176, %div3A_175 : vector<16xf32>
      %bitcast3A = vector.bitcast %sub3A_177 : vector<16xf32> to vector<16xi32>
      %broadcast_in_dim3A_178 = arith.constant 23 : i32
      %broadcast_in_dim3A_179 = vector.broadcast %broadcast_in_dim3A_178 : i32 to vector<16xi32>
      %shift_right_arithmetic3A = arith.shrsi %bitcast3A, %broadcast_in_dim3A_179 : vector<16xi32>
      %sub3A_180 = arith.constant 127 : i32
      %sub3A_181 = vector.broadcast %sub3A_180 : i32 to vector<16xi32>
      %sub3A_182 = arith.subi %shift_right_arithmetic3A, %sub3A_181 : vector<16xi32>
      %broadcast_in_dim3A_183 = arith.constant 8388607 : i32
      %broadcast_in_dim3A_184 = vector.broadcast %broadcast_in_dim3A_183 : i32 to vector<16xi32>
      %and3A = arith.andi %bitcast3A, %broadcast_in_dim3A_184 : vector<16xi32>
      %broadcast_in_dim3A_185 = arith.constant 1065353216 : i32
      %broadcast_in_dim3A_186 = vector.broadcast %broadcast_in_dim3A_185 : i32 to vector<16xi32>
      %or3A = arith.ori %and3A, %broadcast_in_dim3A_186 : vector<16xi32>
      %bitcast3A_187 = vector.bitcast %or3A : vector<16xi32> to vector<16xf32>
      %sub3A_188 = arith.constant 1.000000e+00 : f32
      %sub3A_189 = vector.broadcast %sub3A_188 : f32 to vector<16xf32>
      %sub3A_190 = arith.subf %bitcast3A_187, %sub3A_189 : vector<16xf32>
      %add3A_191 = arith.constant 1.000000e+00 : f32
      %add3A_192 = vector.broadcast %add3A_191 : f32 to vector<16xf32>
      %add3A_193 = arith.addf %bitcast3A_187, %add3A_192 : vector<16xf32>
      %div3A_194 = arith.divf %sub3A_190, %add3A_193 : vector<16xf32>
      %mul3A_195 = arith.mulf %div3A_194, %div3A_194 : vector<16xf32>
      %mul3A_196 = arith.constant 2.000000e+00 : f32
      %mul3A_197 = vector.broadcast %mul3A_196 : f32 to vector<16xf32>
      %mul3A_198 = arith.mulf %mul3A_197, %div3A_194 : vector<16xf32>
      %mul3A_199 = arith.constant 0.142857149 : f32
      %mul3A_200 = vector.broadcast %mul3A_199 : f32 to vector<16xf32>
      %mul3A_201 = arith.mulf %mul3A_195, %mul3A_200 : vector<16xf32>
      %add3A_202 = arith.constant 2.000000e-01 : f32
      %add3A_203 = vector.broadcast %add3A_202 : f32 to vector<16xf32>
      %add3A_204 = arith.addf %add3A_203, %mul3A_201 : vector<16xf32>
      %mul3A_205 = arith.mulf %mul3A_195, %add3A_204 : vector<16xf32>
      %add3A_206 = arith.constant 0.333333343 : f32
      %add3A_207 = vector.broadcast %add3A_206 : f32 to vector<16xf32>
      %add3A_208 = arith.addf %add3A_207, %mul3A_205 : vector<16xf32>
      %mul3A_209 = arith.mulf %mul3A_195, %add3A_208 : vector<16xf32>
      %add3A_210 = arith.constant 1.000000e+00 : f32
      %add3A_211 = vector.broadcast %add3A_210 : f32 to vector<16xf32>
      %add3A_212 = arith.addf %add3A_211, %mul3A_209 : vector<16xf32>
      %mul3A_213 = arith.mulf %mul3A_198, %add3A_212 : vector<16xf32>
      %convert_element_type3A_214 = arith.sitofp %sub3A_182 : vector<16xi32> to vector<16xf32>
      %mul3A_215 = arith.constant 0.693147182 : f32
      %mul3A_216 = vector.broadcast %mul3A_215 : f32 to vector<16xf32>
      %mul3A_217 = arith.mulf %convert_element_type3A_214, %mul3A_216 : vector<16xf32>
      %add3A_218 = arith.addf %mul3A_217, %mul3A_213 : vector<16xf32>
      %max3A = arith.constant -1.000000e+02 : f32
      %max3A_219 = vector.broadcast %max3A : f32 to vector<16xf32>
      %max3A_220 = arith.maximumf %add3A_218, %max3A_219 : vector<16xf32>
      %add3A_221 = arith.addf %while3A_145, %max3A_220 : vector<16xf32>
      scf.yield %add3A_221 : vector<16xf32>
    }
    %swap3A = arith.constant 0 : index
    %swap3A_135 = tpu.vector_load %arg21[%swap3A] {strides = array<i32>} : memref<16xf32, #tpu.memory_space<vmem>>, vector<16xf32>,
    tpu.vector_store %arg21[%swap3A], %while3A_134 {strides = array<i32>} : memref<16xf32, #tpu.memory_space<vmem>>, vector<16xf32>,
    %mul3A_136 = arith.constant 16 : i32
    %mul3A_137 = arith.muli %arg1, %mul3A_136 : i32
    "tpu.region"() ({
      %run_scoped3A = tpu.sem_alloc : memref<!tpu.dma_semaphore, #tpu.memory_space<semaphore_mem>>
      %dma_start3A_144 = tpu.memref_slice %arg23[%mul3A_137] : memref<20480xf32, #tpu.memory_space<vmem_shared>> -> memref<16xf32, #tpu.memory_space<vmem_shared>>
      %dma_start3A_145 = tpu.memref_slice %arg23[%mul3A_137] : memref<20480xf32, #tpu.memory_space<vmem_shared>> -> memref<16xf32, #tpu.memory_space<vmem_shared>>
      tpu.enqueue_dma source(%arg21 : memref<16xf32, #tpu.memory_space<vmem>>) target(%dma_start3A_145 : memref<16xf32, #tpu.memory_space<vmem_shared>>) target_semaphore(%run_scoped3A : memref<!tpu.dma_semaphore, #tpu.memory_space<semaphore_mem>>)
      %dma_wait3A_146 = tpu.memref_slice %arg23[%mul3A_137] : memref<20480xf32, #tpu.memory_space<vmem_shared>> -> memref<16xf32, #tpu.memory_space<vmem_shared>>
      %dma_wait3A_147 = tpu.memref_slice %arg23[%mul3A_137] : memref<20480xf32, #tpu.memory_space<vmem_shared>> -> memref<16xf32, #tpu.memory_space<vmem_shared>>
      tpu.wait_dma2 semaphore(%run_scoped3A : memref<!tpu.dma_semaphore, #tpu.memory_space<semaphore_mem>>) src(%arg21 : memref<16xf32, #tpu.memory_space<vmem>>) dst(%dma_wait3A_147 : memref<16xf32, #tpu.memory_space<vmem_shared>>)
      tpu.yield
    }) : () -> ()
    %barrier3A_138 = arith.constant 0 : index
    tpu.barrier barrier_id(%barrier3A_138)
    %eq3A_139 = arith.constant 0 : i32
    %eq3A_140 = arith.cmpi eq, %arg1, %eq3A_139 : i32
    %convert_element_type3A_141 = arith.extui %eq3A_140 : i1 to i32
    %cond3A_142 = arith.constant 0 : i32
    %cond3A_143 = arith.cmpi ne, %convert_element_type3A_141, %cond3A_142 : i32
    scf.if %cond3A_143 {
      "tpu.region"() ({
        %run_scoped3A = tpu.sem_alloc : memref<!tpu.dma_semaphore, #tpu.memory_space<semaphore_mem>>
        %dma_start3A_206 = arith.constant 0 : i32
        %dma_start3A_207 = tpu.memref_slice %arg12[%dma_start3A_206] : memref<640xf32, #tpu.memory_space<vmem>> -> memref<256xf32, #tpu.memory_space<vmem>>
        %dma_start3A_208 = arith.constant 0 : i32
        %dma_start3A_209 = tpu.memref_slice %arg23[%dma_start3A_208] : memref<20480xf32, #tpu.memory_space<vmem_shared>> -> memref<256xf32, #tpu.memory_space<vmem_shared>>
        %dma_start3A_210 = arith.constant 0 : i32
        %dma_start3A_211 = tpu.memref_slice %arg12[%dma_start3A_210] : memref<640xf32, #tpu.memory_space<vmem>> -> memref<256xf32, #tpu.memory_space<vmem>>
        %dma_start3A_212 = arith.constant 0 : i32
        %dma_start3A_213 = tpu.memref_slice %arg23[%dma_start3A_212] : memref<20480xf32, #tpu.memory_space<vmem_shared>> -> memref<256xf32, #tpu.memory_space<vmem_shared>>
        tpu.enqueue_dma source(%dma_start3A_213 : memref<256xf32, #tpu.memory_space<vmem_shared>>) target(%dma_start3A_211 : memref<256xf32, #tpu.memory_space<vmem>>) target_semaphore(%run_scoped3A : memref<!tpu.dma_semaphore, #tpu.memory_space<semaphore_mem>>)
        %dma_wait3A_214 = arith.constant 0 : i32
        %dma_wait3A_215 = tpu.memref_slice %arg12[%dma_wait3A_214] : memref<640xf32, #tpu.memory_space<vmem>> -> memref<256xf32, #tpu.memory_space<vmem>>
        %dma_wait3A_216 = arith.constant 0 : i32
        %dma_wait3A_217 = tpu.memref_slice %arg23[%dma_wait3A_216] : memref<20480xf32, #tpu.memory_space<vmem_shared>> -> memref<256xf32, #tpu.memory_space<vmem_shared>>
        %dma_wait3A_218 = arith.constant 0 : i32
        %dma_wait3A_219 = tpu.memref_slice %arg12[%dma_wait3A_218] : memref<640xf32, #tpu.memory_space<vmem>> -> memref<256xf32, #tpu.memory_space<vmem>>
        %dma_wait3A_220 = arith.constant 0 : i32
        %dma_wait3A_221 = tpu.memref_slice %arg23[%dma_wait3A_220] : memref<20480xf32, #tpu.memory_space<vmem_shared>> -> memref<256xf32, #tpu.memory_space<vmem_shared>>
        tpu.wait_dma2 semaphore(%run_scoped3A : memref<!tpu.dma_semaphore, #tpu.memory_space<semaphore_mem>>) src(%dma_wait3A_221 : memref<256xf32, #tpu.memory_space<vmem_shared>>) dst(%dma_wait3A_219 : memref<256xf32, #tpu.memory_space<vmem>>)
        tpu.yield
      }) : () -> ()
      %get3A_144 = arith.constant 0 : index
      %get3A_145 = tpu.vector_load %arg12[%get3A_144] {strides = array<i32>} : memref<640xf32, #tpu.memory_space<vmem>>, vector<16xf32>,
      %get3A_146 = arith.constant 16 : index
      %get3A_147 = tpu.vector_load %arg12[%get3A_146] {strides = array<i32>} : memref<640xf32, #tpu.memory_space<vmem>>, vector<16xf32>,
      %add3A_148 = arith.addf %get3A_145, %get3A_147 : vector<16xf32>
      %get3A_149 = arith.constant 32 : index
      %get3A_150 = tpu.vector_load %arg12[%get3A_149] {strides = array<i32>} : memref<640xf32, #tpu.memory_space<vmem>>, vector<16xf32>,
      %add3A_151 = arith.addf %add3A_148, %get3A_150 : vector<16xf32>
      %get3A_152 = arith.constant 48 : index
      %get3A_153 = tpu.vector_load %arg12[%get3A_152] {strides = array<i32>} : memref<640xf32, #tpu.memory_space<vmem>>, vector<16xf32>,
      %add3A_154 = arith.addf %add3A_151, %get3A_153 : vector<16xf32>
      %get3A_155 = arith.constant 64 : index
      %get3A_156 = tpu.vector_load %arg12[%get3A_155] {strides = array<i32>} : memref<640xf32, #tpu.memory_space<vmem>>, vector<16xf32>,
      %add3A_157 = arith.addf %add3A_154, %get3A_156 : vector<16xf32>
      %get3A_158 = arith.constant 80 : index
      %get3A_159 = tpu.vector_load %arg12[%get3A_158] {strides = array<i32>} : memref<640xf32, #tpu.memory_space<vmem>>, vector<16xf32>,
      %add3A_160 = arith.addf %add3A_157, %get3A_159 : vector<16xf32>
      %get3A_161 = arith.constant 96 : index
      %get3A_162 = tpu.vector_load %arg12[%get3A_161] {strides = array<i32>} : memref<640xf32, #tpu.memory_space<vmem>>, vector<16xf32>,
      %add3A_163 = arith.addf %add3A_160, %get3A_162 : vector<16xf32>
      %get3A_164 = arith.constant 112 : index
      %get3A_165 = tpu.vector_load %arg12[%get3A_164] {strides = array<i32>} : memref<640xf32, #tpu.memory_space<vmem>>, vector<16xf32>,
      %add3A_166 = arith.addf %add3A_163, %get3A_165 : vector<16xf32>
      %get3A_167 = arith.constant 128 : index
      %get3A_168 = tpu.vector_load %arg12[%get3A_167] {strides = array<i32>} : memref<640xf32, #tpu.memory_space<vmem>>, vector<16xf32>,
      %add3A_169 = arith.addf %add3A_166, %get3A_168 : vector<16xf32>
      %get3A_170 = arith.constant 144 : index
      %get3A_171 = tpu.vector_load %arg12[%get3A_170] {strides = array<i32>} : memref<640xf32, #tpu.memory_space<vmem>>, vector<16xf32>,
      %add3A_172 = arith.addf %add3A_169, %get3A_171 : vector<16xf32>
      %get3A_173 = arith.constant 160 : index
      %get3A_174 = tpu.vector_load %arg12[%get3A_173] {strides = array<i32>} : memref<640xf32, #tpu.memory_space<vmem>>, vector<16xf32>,
      %add3A_175 = arith.addf %add3A_172, %get3A_174 : vector<16xf32>
      %get3A_176 = arith.constant 176 : index
      %get3A_177 = tpu.vector_load %arg12[%get3A_176] {strides = array<i32>} : memref<640xf32, #tpu.memory_space<vmem>>, vector<16xf32>,
      %add3A_178 = arith.addf %add3A_175, %get3A_177 : vector<16xf32>
      %get3A_179 = arith.constant 192 : index
      %get3A_180 = tpu.vector_load %arg12[%get3A_179] {strides = array<i32>} : memref<640xf32, #tpu.memory_space<vmem>>, vector<16xf32>,
      %add3A_181 = arith.addf %add3A_178, %get3A_180 : vector<16xf32>
      %get3A_182 = arith.constant 208 : index
      %get3A_183 = tpu.vector_load %arg12[%get3A_182] {strides = array<i32>} : memref<640xf32, #tpu.memory_space<vmem>>, vector<16xf32>,
      %add3A_184 = arith.addf %add3A_181, %get3A_183 : vector<16xf32>
      %get3A_185 = arith.constant 224 : index
      %get3A_186 = tpu.vector_load %arg12[%get3A_185] {strides = array<i32>} : memref<640xf32, #tpu.memory_space<vmem>>, vector<16xf32>,
      %add3A_187 = arith.addf %add3A_184, %get3A_186 : vector<16xf32>
      %get3A_188 = arith.constant 240 : index
      %get3A_189 = tpu.vector_load %arg12[%get3A_188] {strides = array<i32>} : memref<640xf32, #tpu.memory_space<vmem>>, vector<16xf32>,
      %add3A_190 = arith.addf %add3A_187, %get3A_189 : vector<16xf32>
      %reduce_sum3A_191 = arith.constant true
      %reduce_sum3A_192 = vector.broadcast %reduce_sum3A_191 : i1 to vector<16xi1>
      %reduce_sum3A_193 = tpu.scan <sum>, %add3A_190 masked %reduce_sum3A_192 : vector<16xf32>, vector<16xi1> -> vector<16xf32>
      %reduce_sum3A_194 = vector.extract %reduce_sum3A_193[15] : f32 from vector<16xf32>
      %eq3A_195 = arith.constant 0 : i32
      %eq3A_196 = vector.broadcast %eq3A_195 : i32 to vector<16xi32>
      %eq3A_197 = arith.cmpi eq, %iota3A, %eq3A_196 : vector<16xi32>
      %mul3A_198 = arith.constant -5.000000e-05 : f32
      %mul3A_199 = arith.mulf %reduce_sum3A_194, %mul3A_198 : f32
      %jit3A_200 = arith.constant 0.000000e+00 : f32
      %broadcast_in_dim3A_201 = vector.broadcast %mul3A_199 : f32 to vector<16xf32>
      %broadcast_in_dim3A_202 = vector.broadcast %jit3A_200 : f32 to vector<16xf32>
      %select_n3A_203 = arith.select %eq3A_197, %broadcast_in_dim3A_201, %broadcast_in_dim3A_202 : vector<16xi1>, vector<16xf32>
      %swap3A_204 = arith.constant 0 : index
      %swap3A_205 = tpu.vector_load %arg21[%swap3A_204] {strides = array<i32>} : memref<16xf32, #tpu.memory_space<vmem>>, vector<16xf32>,
      tpu.vector_store %arg21[%swap3A_204], %select_n3A_203 {strides = array<i32>} : memref<16xf32, #tpu.memory_space<vmem>>, vector<16xf32>,
      "tpu.region"() ({
        %run_scoped3A = tpu.sem_alloc : memref<!tpu.dma_semaphore, #tpu.memory_space<semaphore_mem>>
        tpu.enqueue_dma source(%arg21 : memref<16xf32, #tpu.memory_space<vmem>>) target(%arg7 : memref<16xf32, #tpu.memory_space<hbm>>) target_semaphore(%run_scoped3A : memref<!tpu.dma_semaphore, #tpu.memory_space<semaphore_mem>>)
        tpu.wait_dma2 semaphore(%run_scoped3A : memref<!tpu.dma_semaphore, #tpu.memory_space<semaphore_mem>>) src(%arg21 : memref<16xf32, #tpu.memory_space<vmem>>) dst(%arg7 : memref<16xf32, #tpu.memory_space<hbm>>)
        tpu.yield
      }) : () -> ()
    } else {
    }
    return
  }
}

#map = affine_map<(d0, d1) -> (0)>
module attributes {stable_mosaic.version = 14 : i64} {
  func.func @_sc_a_body(%arg0: i32, %arg1: i32, %arg2: memref<640000xi32, #tpu.memory_space<hbm>>, %arg3: memref<10240xf32, #tpu.memory_space<hbm>>, %arg4: memref<10240xf32, #tpu.memory_space<hbm>>, %arg5: memref<10240xf32, #tpu.memory_space<hbm>>, %arg6: memref<20000xi32, #tpu.memory_space<vmem>>, %arg7: memref<20000xi32, #tpu.memory_space<vmem>>, %arg8: memref<10240xf32, #tpu.memory_space<vmem>>, %arg9: memref<10240xf32, #tpu.memory_space<vmem>>, %arg10: memref<640xf32, #tpu.memory_space<vmem>>, %arg11: memref<16x640xf32, #tpu.memory_space<vmem>>, %arg12: memref<640xf32, #tpu.memory_space<vmem>>, %arg13: memref<640xf32, #tpu.memory_space<vmem>>, %arg14: memref<640xf32, #tpu.memory_space<vmem>>, %arg15: memref<16x10240xf32, #tpu.memory_space<vmem_shared>>, %arg16: memref<10240xf32, #tpu.memory_space<vmem_shared>>, %arg17: memref<!tpu.dma_semaphore, #tpu.memory_space<semaphore_mem>>, %arg18: memref<!tpu.dma_semaphore, #tpu.memory_space<semaphore_mem>>) attributes {dimension_semantics = [#tpu.dimension_semantics<core_parallel>, #tpu.dimension_semantics<subcore_parallel>], iteration_bounds = array<i64: 1, 16>, scalar_prefetch = 0 : i64, scratch_operands = 13 : i64, tpu.core_type = #tpu.core_type<sc_vector_subcore>, window_params = [{transform_indices = #map}, {transform_indices = #map}, {transform_indices = #map}, {transform_indices = #map}]} {
    %mul3A = arith.constant 20000 : i32
    %mul3A_0 = arith.muli %arg1, %mul3A : i32
    %mul3A_1 = arith.constant 640 : i32
    %mul3A_2 = arith.muli %arg1, %mul3A_1 : i32
    %dma_start3A = tpu.memref_slice %arg2[%mul3A_0] : memref<640000xi32, #tpu.memory_space<hbm>> -> memref<20000xi32, #tpu.memory_space<hbm>>
    %dma_start3A_3 = tpu.memref_slice %arg2[%mul3A_0] : memref<640000xi32, #tpu.memory_space<hbm>> -> memref<20000xi32, #tpu.memory_space<hbm>>
    tpu.enqueue_dma source(%dma_start3A_3 : memref<20000xi32, #tpu.memory_space<hbm>>) target(%arg6 : memref<20000xi32, #tpu.memory_space<vmem>>) target_semaphore(%arg17 : memref<!tpu.dma_semaphore, #tpu.memory_space<semaphore_mem>>)
    %add3A = arith.constant 320000 : i32
    %add3A_4 = arith.addi %add3A, %mul3A_0 : i32
    %dma_start3A_5 = tpu.memref_slice %arg2[%add3A_4] : memref<640000xi32, #tpu.memory_space<hbm>> -> memref<20000xi32, #tpu.memory_space<hbm>>
    %dma_start3A_6 = tpu.memref_slice %arg2[%add3A_4] : memref<640000xi32, #tpu.memory_space<hbm>> -> memref<20000xi32, #tpu.memory_space<hbm>>
    tpu.enqueue_dma source(%dma_start3A_6 : memref<20000xi32, #tpu.memory_space<hbm>>) target(%arg7 : memref<20000xi32, #tpu.memory_space<vmem>>) target_semaphore(%arg18 : memref<!tpu.dma_semaphore, #tpu.memory_space<semaphore_mem>>)
    %broadcast_in_dim3A = arith.constant 1.000000e+00 : f32
    %broadcast_in_dim3A_7 = vector.broadcast %broadcast_in_dim3A : f32 to vector<16xf32>
    %broadcast_in_dim3A_8 = arith.constant 0.000000e+00 : f32
    %broadcast_in_dim3A_9 = vector.broadcast %broadcast_in_dim3A_8 : f32 to vector<16xf32>
    %parallel_loop3A = arith.constant 0 : i32
    %parallel_loop3A_10 = arith.constant 640 : i32
    %parallel_loop3A_11 = arith.constant 1 : i32
    scf.for %parallel_loop3A_64 = %parallel_loop3A to %parallel_loop3A_10 step %parallel_loop3A_11  : i32 {
      %parallel_loop3A_65 = arith.constant 16 : i32
      %parallel_loop3A_66 = arith.muli %parallel_loop3A_64, %parallel_loop3A_65 : i32
      %parallel_loop3A_67 = arith.constant 0 : i32
      %parallel_loop3A_68 = arith.addi %parallel_loop3A_67, %parallel_loop3A_66 : i32
      %parallel_loop3A_69 = arith.index_cast %parallel_loop3A_68 : i32 to index
      %parallel_loop3A_70 = tpu.vector_load %arg9[%parallel_loop3A_69] {strides = array<i32>} : memref<10240xf32, #tpu.memory_space<vmem>>, vector<16xf32>,
      tpu.vector_store %arg9[%parallel_loop3A_69], %broadcast_in_dim3A_9 {strides = array<i32>} : memref<10240xf32, #tpu.memory_space<vmem>>, vector<16xf32>,
    } {sc.loop_unroll_factor = 8 : i64, sc.parallel_access}
    %dma_wait3A = tpu.memref_slice %arg2[%mul3A_0] : memref<640000xi32, #tpu.memory_space<hbm>> -> memref<20000xi32, #tpu.memory_space<hbm>>
    %dma_wait3A_12 = tpu.memref_slice %arg2[%mul3A_0] : memref<640000xi32, #tpu.memory_space<hbm>> -> memref<20000xi32, #tpu.memory_space<hbm>>
    tpu.wait_dma2 semaphore(%arg17 : memref<!tpu.dma_semaphore, #tpu.memory_space<semaphore_mem>>) src(%dma_wait3A_12 : memref<20000xi32, #tpu.memory_space<hbm>>) dst(%arg6 : memref<20000xi32, #tpu.memory_space<vmem>>)
    %dma_wait3A_13 = tpu.memref_slice %arg2[%add3A_4] : memref<640000xi32, #tpu.memory_space<hbm>> -> memref<20000xi32, #tpu.memory_space<hbm>>
    %dma_wait3A_14 = tpu.memref_slice %arg2[%add3A_4] : memref<640000xi32, #tpu.memory_space<hbm>> -> memref<20000xi32, #tpu.memory_space<hbm>>
    tpu.wait_dma2 semaphore(%arg18 : memref<!tpu.dma_semaphore, #tpu.memory_space<semaphore_mem>>) src(%dma_wait3A_14 : memref<20000xi32, #tpu.memory_space<hbm>>) dst(%arg7 : memref<20000xi32, #tpu.memory_space<vmem>>)
    %parallel_loop3A_15 = arith.constant 0 : i32
    %parallel_loop3A_16 = arith.constant 1250 : i32
    %parallel_loop3A_17 = arith.constant 1 : i32
    scf.for %parallel_loop3A_64 = %parallel_loop3A_15 to %parallel_loop3A_16 step %parallel_loop3A_17  : i32 {
      %parallel_loop3A_65 = arith.constant 16 : i32
      %parallel_loop3A_66 = arith.muli %parallel_loop3A_64, %parallel_loop3A_65 : i32
      %parallel_loop3A_67 = arith.index_cast %parallel_loop3A_66 : i32 to index
      %parallel_loop3A_68 = tpu.vector_load %arg7[%parallel_loop3A_67] {strides = array<i32>} : memref<20000xi32, #tpu.memory_space<vmem>>, vector<16xi32>,
      tpu.vector_store_idx %arg9[%parallel_loop3A_68], %broadcast_in_dim3A_7 {add = true} : memref<10240xf32, #tpu.memory_space<vmem>>[vector<16xi32>], vector<16xf32>,
    } {sc.loop_unroll_factor = 8 : i64, sc.parallel_access}
    "tpu.region"() ({
      %run_scoped3A = tpu.sem_alloc : memref<!tpu.dma_semaphore, #tpu.memory_space<semaphore_mem>>
      %dma_start3A_64 = arith.constant 0 : i32
      %dma_start3A_65 = tpu.memref_slice %arg15[%arg1, %dma_start3A_64] : memref<16x10240xf32, #tpu.memory_space<vmem_shared>> -> memref<1x10240xf32, #tpu.memory_space<vmem_shared>>
      %dma_start3A_66 = tpu.memref_squeeze %dma_start3A_65 : memref<1x10240xf32, #tpu.memory_space<vmem_shared>> -> memref<10240xf32, #tpu.memory_space<vmem_shared>>
      %dma_start3A_67 = arith.constant 0 : i32
      %dma_start3A_68 = tpu.memref_slice %arg15[%arg1, %dma_start3A_67] : memref<16x10240xf32, #tpu.memory_space<vmem_shared>> -> memref<1x10240xf32, #tpu.memory_space<vmem_shared>>
      %dma_start3A_69 = tpu.memref_squeeze %dma_start3A_68 : memref<1x10240xf32, #tpu.memory_space<vmem_shared>> -> memref<10240xf32, #tpu.memory_space<vmem_shared>>
      tpu.enqueue_dma source(%arg9 : memref<10240xf32, #tpu.memory_space<vmem>>) target(%dma_start3A_69 : memref<10240xf32, #tpu.memory_space<vmem_shared>>) target_semaphore(%run_scoped3A : memref<!tpu.dma_semaphore, #tpu.memory_space<semaphore_mem>>)
      %dma_wait3A_70 = arith.constant 0 : i32
      %dma_wait3A_71 = tpu.memref_slice %arg15[%arg1, %dma_wait3A_70] : memref<16x10240xf32, #tpu.memory_space<vmem_shared>> -> memref<1x10240xf32, #tpu.memory_space<vmem_shared>>
      %dma_wait3A_72 = tpu.memref_squeeze %dma_wait3A_71 : memref<1x10240xf32, #tpu.memory_space<vmem_shared>> -> memref<10240xf32, #tpu.memory_space<vmem_shared>>
      %dma_wait3A_73 = arith.constant 0 : i32
      %dma_wait3A_74 = tpu.memref_slice %arg15[%arg1, %dma_wait3A_73] : memref<16x10240xf32, #tpu.memory_space<vmem_shared>> -> memref<1x10240xf32, #tpu.memory_space<vmem_shared>>
      %dma_wait3A_75 = tpu.memref_squeeze %dma_wait3A_74 : memref<1x10240xf32, #tpu.memory_space<vmem_shared>> -> memref<10240xf32, #tpu.memory_space<vmem_shared>>
      tpu.wait_dma2 semaphore(%run_scoped3A : memref<!tpu.dma_semaphore, #tpu.memory_space<semaphore_mem>>) src(%arg9 : memref<10240xf32, #tpu.memory_space<vmem>>) dst(%dma_wait3A_75 : memref<10240xf32, #tpu.memory_space<vmem_shared>>)
      tpu.yield
    }) : () -> ()
    %barrier3A = arith.constant 0 : index
    tpu.barrier barrier_id(%barrier3A)
    %add3A_18 = arith.constant 0 : i32
    %add3A_19 = arith.addi %add3A_18, %mul3A_2 : i32
    "tpu.region"() ({
      %run_scoped3A = tpu.sem_alloc : memref<!tpu.dma_semaphore, #tpu.memory_space<semaphore_mem>>
      %dma_start3A_64 = arith.constant 0 : i32
      %dma_start3A_65 = tpu.memref_slice %arg15[%dma_start3A_64, %add3A_19] : memref<16x10240xf32, #tpu.memory_space<vmem_shared>> -> memref<16x640xf32, #tpu.memory_space<vmem_shared>>
      %dma_start3A_66 = arith.constant 0 : i32
      %dma_start3A_67 = tpu.memref_slice %arg15[%dma_start3A_66, %add3A_19] : memref<16x10240xf32, #tpu.memory_space<vmem_shared>> -> memref<16x640xf32, #tpu.memory_space<vmem_shared>>
      tpu.enqueue_dma source(%dma_start3A_67 : memref<16x640xf32, #tpu.memory_space<vmem_shared>>) target(%arg11 : memref<16x640xf32, #tpu.memory_space<vmem>>) target_semaphore(%run_scoped3A : memref<!tpu.dma_semaphore, #tpu.memory_space<semaphore_mem>>)
      %dma_wait3A_68 = arith.constant 0 : i32
      %dma_wait3A_69 = tpu.memref_slice %arg15[%dma_wait3A_68, %add3A_19] : memref<16x10240xf32, #tpu.memory_space<vmem_shared>> -> memref<16x640xf32, #tpu.memory_space<vmem_shared>>
      %dma_wait3A_70 = arith.constant 0 : i32
      %dma_wait3A_71 = tpu.memref_slice %arg15[%dma_wait3A_70, %add3A_19] : memref<16x10240xf32, #tpu.memory_space<vmem_shared>> -> memref<16x640xf32, #tpu.memory_space<vmem_shared>>
      tpu.wait_dma2 semaphore(%run_scoped3A : memref<!tpu.dma_semaphore, #tpu.memory_space<semaphore_mem>>) src(%dma_wait3A_71 : memref<16x640xf32, #tpu.memory_space<vmem_shared>>) dst(%arg11 : memref<16x640xf32, #tpu.memory_space<vmem>>)
      tpu.yield
    }) : () -> ()
    %parallel_loop3A_20 = arith.constant 0 : i32
    %parallel_loop3A_21 = arith.constant 40 : i32
    %parallel_loop3A_22 = arith.constant 1 : i32
    scf.for %parallel_loop3A_64 = %parallel_loop3A_20 to %parallel_loop3A_21 step %parallel_loop3A_22  : i32 {
      %parallel_loop3A_65 = arith.constant 16 : i32
      %parallel_loop3A_66 = arith.muli %parallel_loop3A_64, %parallel_loop3A_65 : i32
      %parallel_loop3A_67 = arith.constant 0 : i32
      %parallel_loop3A_68 = arith.index_cast %parallel_loop3A_67 : i32 to index
      %parallel_loop3A_69 = arith.index_cast %parallel_loop3A_66 : i32 to index
      %parallel_loop3A_70 = tpu.vector_load %arg11[%parallel_loop3A_68, %parallel_loop3A_69] {strides = array<i32>} : memref<16x640xf32, #tpu.memory_space<vmem>>, vector<16xf32>,
      %parallel_loop3A_71 = arith.constant 16 : i32
      %parallel_loop3A_72 = arith.muli %parallel_loop3A_64, %parallel_loop3A_71 : i32
      %parallel_loop3A_73 = arith.constant 1 : i32
      %parallel_loop3A_74 = arith.index_cast %parallel_loop3A_73 : i32 to index
      %parallel_loop3A_75 = arith.index_cast %parallel_loop3A_72 : i32 to index
      %parallel_loop3A_76 = tpu.vector_load %arg11[%parallel_loop3A_74, %parallel_loop3A_75] {strides = array<i32>} : memref<16x640xf32, #tpu.memory_space<vmem>>, vector<16xf32>,
      %parallel_loop3A_77 = arith.addf %parallel_loop3A_70, %parallel_loop3A_76 : vector<16xf32>
      %parallel_loop3A_78 = arith.constant 16 : i32
      %parallel_loop3A_79 = arith.muli %parallel_loop3A_64, %parallel_loop3A_78 : i32
      %parallel_loop3A_80 = arith.constant 2 : i32
      %parallel_loop3A_81 = arith.index_cast %parallel_loop3A_80 : i32 to index
      %parallel_loop3A_82 = arith.index_cast %parallel_loop3A_79 : i32 to index
      %parallel_loop3A_83 = tpu.vector_load %arg11[%parallel_loop3A_81, %parallel_loop3A_82] {strides = array<i32>} : memref<16x640xf32, #tpu.memory_space<vmem>>, vector<16xf32>,
      %parallel_loop3A_84 = arith.addf %parallel_loop3A_77, %parallel_loop3A_83 : vector<16xf32>
      %parallel_loop3A_85 = arith.constant 16 : i32
      %parallel_loop3A_86 = arith.muli %parallel_loop3A_64, %parallel_loop3A_85 : i32
      %parallel_loop3A_87 = arith.constant 3 : i32
      %parallel_loop3A_88 = arith.index_cast %parallel_loop3A_87 : i32 to index
      %parallel_loop3A_89 = arith.index_cast %parallel_loop3A_86 : i32 to index
      %parallel_loop3A_90 = tpu.vector_load %arg11[%parallel_loop3A_88, %parallel_loop3A_89] {strides = array<i32>} : memref<16x640xf32, #tpu.memory_space<vmem>>, vector<16xf32>,
      %parallel_loop3A_91 = arith.addf %parallel_loop3A_84, %parallel_loop3A_90 : vector<16xf32>
      %parallel_loop3A_92 = arith.constant 16 : i32
      %parallel_loop3A_93 = arith.muli %parallel_loop3A_64, %parallel_loop3A_92 : i32
      %parallel_loop3A_94 = arith.constant 4 : i32
      %parallel_loop3A_95 = arith.index_cast %parallel_loop3A_94 : i32 to index
      %parallel_loop3A_96 = arith.index_cast %parallel_loop3A_93 : i32 to index
      %parallel_loop3A_97 = tpu.vector_load %arg11[%parallel_loop3A_95, %parallel_loop3A_96] {strides = array<i32>} : memref<16x640xf32, #tpu.memory_space<vmem>>, vector<16xf32>,
      %parallel_loop3A_98 = arith.addf %parallel_loop3A_91, %parallel_loop3A_97 : vector<16xf32>
      %parallel_loop3A_99 = arith.constant 16 : i32
      %parallel_loop3A_100 = arith.muli %parallel_loop3A_64, %parallel_loop3A_99 : i32
      %parallel_loop3A_101 = arith.constant 5 : i32
      %parallel_loop3A_102 = arith.index_cast %parallel_loop3A_101 : i32 to index
      %parallel_loop3A_103 = arith.index_cast %parallel_loop3A_100 : i32 to index
      %parallel_loop3A_104 = tpu.vector_load %arg11[%parallel_loop3A_102, %parallel_loop3A_103] {strides = array<i32>} : memref<16x640xf32, #tpu.memory_space<vmem>>, vector<16xf32>,
      %parallel_loop3A_105 = arith.addf %parallel_loop3A_98, %parallel_loop3A_104 : vector<16xf32>
      %parallel_loop3A_106 = arith.constant 16 : i32
      %parallel_loop3A_107 = arith.muli %parallel_loop3A_64, %parallel_loop3A_106 : i32
      %parallel_loop3A_108 = arith.constant 6 : i32
      %parallel_loop3A_109 = arith.index_cast %parallel_loop3A_108 : i32 to index
      %parallel_loop3A_110 = arith.index_cast %parallel_loop3A_107 : i32 to index
      %parallel_loop3A_111 = tpu.vector_load %arg11[%parallel_loop3A_109, %parallel_loop3A_110] {strides = array<i32>} : memref<16x640xf32, #tpu.memory_space<vmem>>, vector<16xf32>,
      %parallel_loop3A_112 = arith.addf %parallel_loop3A_105, %parallel_loop3A_111 : vector<16xf32>
      %parallel_loop3A_113 = arith.constant 16 : i32
      %parallel_loop3A_114 = arith.muli %parallel_loop3A_64, %parallel_loop3A_113 : i32
      %parallel_loop3A_115 = arith.constant 7 : i32
      %parallel_loop3A_116 = arith.index_cast %parallel_loop3A_115 : i32 to index
      %parallel_loop3A_117 = arith.index_cast %parallel_loop3A_114 : i32 to index
      %parallel_loop3A_118 = tpu.vector_load %arg11[%parallel_loop3A_116, %parallel_loop3A_117] {strides = array<i32>} : memref<16x640xf32, #tpu.memory_space<vmem>>, vector<16xf32>,
      %parallel_loop3A_119 = arith.addf %parallel_loop3A_112, %parallel_loop3A_118 : vector<16xf32>
      %parallel_loop3A_120 = arith.constant 16 : i32
      %parallel_loop3A_121 = arith.muli %parallel_loop3A_64, %parallel_loop3A_120 : i32
      %parallel_loop3A_122 = arith.constant 8 : i32
      %parallel_loop3A_123 = arith.index_cast %parallel_loop3A_122 : i32 to index
      %parallel_loop3A_124 = arith.index_cast %parallel_loop3A_121 : i32 to index
      %parallel_loop3A_125 = tpu.vector_load %arg11[%parallel_loop3A_123, %parallel_loop3A_124] {strides = array<i32>} : memref<16x640xf32, #tpu.memory_space<vmem>>, vector<16xf32>,
      %parallel_loop3A_126 = arith.addf %parallel_loop3A_119, %parallel_loop3A_125 : vector<16xf32>
      %parallel_loop3A_127 = arith.constant 16 : i32
      %parallel_loop3A_128 = arith.muli %parallel_loop3A_64, %parallel_loop3A_127 : i32
      %parallel_loop3A_129 = arith.constant 9 : i32
      %parallel_loop3A_130 = arith.index_cast %parallel_loop3A_129 : i32 to index
      %parallel_loop3A_131 = arith.index_cast %parallel_loop3A_128 : i32 to index
      %parallel_loop3A_132 = tpu.vector_load %arg11[%parallel_loop3A_130, %parallel_loop3A_131] {strides = array<i32>} : memref<16x640xf32, #tpu.memory_space<vmem>>, vector<16xf32>,
      %parallel_loop3A_133 = arith.addf %parallel_loop3A_126, %parallel_loop3A_132 : vector<16xf32>
      %parallel_loop3A_134 = arith.constant 16 : i32
      %parallel_loop3A_135 = arith.muli %parallel_loop3A_64, %parallel_loop3A_134 : i32
      %parallel_loop3A_136 = arith.constant 10 : i32
      %parallel_loop3A_137 = arith.index_cast %parallel_loop3A_136 : i32 to index
      %parallel_loop3A_138 = arith.index_cast %parallel_loop3A_135 : i32 to index
      %parallel_loop3A_139 = tpu.vector_load %arg11[%parallel_loop3A_137, %parallel_loop3A_138] {strides = array<i32>} : memref<16x640xf32, #tpu.memory_space<vmem>>, vector<16xf32>,
      %parallel_loop3A_140 = arith.addf %parallel_loop3A_133, %parallel_loop3A_139 : vector<16xf32>
      %parallel_loop3A_141 = arith.constant 16 : i32
      %parallel_loop3A_142 = arith.muli %parallel_loop3A_64, %parallel_loop3A_141 : i32
      %parallel_loop3A_143 = arith.constant 11 : i32
      %parallel_loop3A_144 = arith.index_cast %parallel_loop3A_143 : i32 to index
      %parallel_loop3A_145 = arith.index_cast %parallel_loop3A_142 : i32 to index
      %parallel_loop3A_146 = tpu.vector_load %arg11[%parallel_loop3A_144, %parallel_loop3A_145] {strides = array<i32>} : memref<16x640xf32, #tpu.memory_space<vmem>>, vector<16xf32>,
      %parallel_loop3A_147 = arith.addf %parallel_loop3A_140, %parallel_loop3A_146 : vector<16xf32>
      %parallel_loop3A_148 = arith.constant 16 : i32
      %parallel_loop3A_149 = arith.muli %parallel_loop3A_64, %parallel_loop3A_148 : i32
      %parallel_loop3A_150 = arith.constant 12 : i32
      %parallel_loop3A_151 = arith.index_cast %parallel_loop3A_150 : i32 to index
      %parallel_loop3A_152 = arith.index_cast %parallel_loop3A_149 : i32 to index
      %parallel_loop3A_153 = tpu.vector_load %arg11[%parallel_loop3A_151, %parallel_loop3A_152] {strides = array<i32>} : memref<16x640xf32, #tpu.memory_space<vmem>>, vector<16xf32>,
      %parallel_loop3A_154 = arith.addf %parallel_loop3A_147, %parallel_loop3A_153 : vector<16xf32>
      %parallel_loop3A_155 = arith.constant 16 : i32
      %parallel_loop3A_156 = arith.muli %parallel_loop3A_64, %parallel_loop3A_155 : i32
      %parallel_loop3A_157 = arith.constant 13 : i32
      %parallel_loop3A_158 = arith.index_cast %parallel_loop3A_157 : i32 to index
      %parallel_loop3A_159 = arith.index_cast %parallel_loop3A_156 : i32 to index
      %parallel_loop3A_160 = tpu.vector_load %arg11[%parallel_loop3A_158, %parallel_loop3A_159] {strides = array<i32>} : memref<16x640xf32, #tpu.memory_space<vmem>>, vector<16xf32>,
      %parallel_loop3A_161 = arith.addf %parallel_loop3A_154, %parallel_loop3A_160 : vector<16xf32>
      %parallel_loop3A_162 = arith.constant 16 : i32
      %parallel_loop3A_163 = arith.muli %parallel_loop3A_64, %parallel_loop3A_162 : i32
      %parallel_loop3A_164 = arith.constant 14 : i32
      %parallel_loop3A_165 = arith.index_cast %parallel_loop3A_164 : i32 to index
      %parallel_loop3A_166 = arith.index_cast %parallel_loop3A_163 : i32 to index
      %parallel_loop3A_167 = tpu.vector_load %arg11[%parallel_loop3A_165, %parallel_loop3A_166] {strides = array<i32>} : memref<16x640xf32, #tpu.memory_space<vmem>>, vector<16xf32>,
      %parallel_loop3A_168 = arith.addf %parallel_loop3A_161, %parallel_loop3A_167 : vector<16xf32>
      %parallel_loop3A_169 = arith.constant 16 : i32
      %parallel_loop3A_170 = arith.muli %parallel_loop3A_64, %parallel_loop3A_169 : i32
      %parallel_loop3A_171 = arith.constant 15 : i32
      %parallel_loop3A_172 = arith.index_cast %parallel_loop3A_171 : i32 to index
      %parallel_loop3A_173 = arith.index_cast %parallel_loop3A_170 : i32 to index
      %parallel_loop3A_174 = tpu.vector_load %arg11[%parallel_loop3A_172, %parallel_loop3A_173] {strides = array<i32>} : memref<16x640xf32, #tpu.memory_space<vmem>>, vector<16xf32>,
      %parallel_loop3A_175 = arith.addf %parallel_loop3A_168, %parallel_loop3A_174 : vector<16xf32>
      %parallel_loop3A_176 = arith.constant 16 : i32
      %parallel_loop3A_177 = arith.muli %parallel_loop3A_64, %parallel_loop3A_176 : i32
      %parallel_loop3A_178 = arith.index_cast %parallel_loop3A_177 : i32 to index
      %parallel_loop3A_179 = tpu.vector_load %arg10[%parallel_loop3A_178] {strides = array<i32>} : memref<640xf32, #tpu.memory_space<vmem>>, vector<16xf32>,
      tpu.vector_store %arg10[%parallel_loop3A_178], %parallel_loop3A_175 {strides = array<i32>} : memref<640xf32, #tpu.memory_space<vmem>>, vector<16xf32>,
    } {sc.loop_unroll_factor = 2 : i64, sc.parallel_access}
    %parallel_loop3A_23 = arith.constant 0 : i32
    %parallel_loop3A_24 = arith.constant 40 : i32
    %parallel_loop3A_25 = arith.constant 1 : i32
    scf.for %parallel_loop3A_64 = %parallel_loop3A_23 to %parallel_loop3A_24 step %parallel_loop3A_25  : i32 {
      %parallel_loop3A_65 = arith.constant 16 : i32
      %parallel_loop3A_66 = arith.muli %parallel_loop3A_64, %parallel_loop3A_65 : i32
      %parallel_loop3A_67 = arith.index_cast %parallel_loop3A_66 : i32 to index
      %parallel_loop3A_68 = tpu.vector_load %arg10[%parallel_loop3A_67] {strides = array<i32>} : memref<640xf32, #tpu.memory_space<vmem>>, vector<16xf32>,
      %parallel_loop3A_69 = arith.constant 1.000000e+00 : f32
      %parallel_loop3A_70 = vector.broadcast %parallel_loop3A_69 : f32 to vector<16xf32>
      %parallel_loop3A_71 = arith.addf %parallel_loop3A_68, %parallel_loop3A_70 : vector<16xf32>
      %parallel_loop3A_72 = arith.constant 1597463007 : i32
      %parallel_loop3A_73 = vector.broadcast %parallel_loop3A_72 : i32 to vector<16xi32>
      %parallel_loop3A_74 = vector.bitcast %parallel_loop3A_71 : vector<16xf32> to vector<16xi32>
      %parallel_loop3A_75 = arith.constant 1 : i32
      %parallel_loop3A_76 = vector.broadcast %parallel_loop3A_75 : i32 to vector<16xi32>
      %parallel_loop3A_77 = arith.shrui %parallel_loop3A_74, %parallel_loop3A_76 : vector<16xi32>
      %parallel_loop3A_78 = arith.subi %parallel_loop3A_73, %parallel_loop3A_77 : vector<16xi32>
      %parallel_loop3A_79 = vector.bitcast %parallel_loop3A_78 : vector<16xi32> to vector<16xf32>
      %parallel_loop3A_80 = arith.constant 5.000000e-01 : f32
      %parallel_loop3A_81 = vector.broadcast %parallel_loop3A_80 : f32 to vector<16xf32>
      %parallel_loop3A_82 = arith.mulf %parallel_loop3A_81, %parallel_loop3A_71 : vector<16xf32>
      %parallel_loop3A_83 = arith.mulf %parallel_loop3A_82, %parallel_loop3A_79 : vector<16xf32>
      %parallel_loop3A_84 = arith.mulf %parallel_loop3A_83, %parallel_loop3A_79 : vector<16xf32>
      %parallel_loop3A_85 = arith.constant 1.500000e+00 : f32
      %parallel_loop3A_86 = vector.broadcast %parallel_loop3A_85 : f32 to vector<16xf32>
      %parallel_loop3A_87 = arith.subf %parallel_loop3A_86, %parallel_loop3A_84 : vector<16xf32>
      %parallel_loop3A_88 = arith.mulf %parallel_loop3A_79, %parallel_loop3A_87 : vector<16xf32>
      %parallel_loop3A_89 = arith.constant 5.000000e-01 : f32
      %parallel_loop3A_90 = vector.broadcast %parallel_loop3A_89 : f32 to vector<16xf32>
      %parallel_loop3A_91 = arith.mulf %parallel_loop3A_90, %parallel_loop3A_71 : vector<16xf32>
      %parallel_loop3A_92 = arith.mulf %parallel_loop3A_91, %parallel_loop3A_88 : vector<16xf32>
      %parallel_loop3A_93 = arith.mulf %parallel_loop3A_92, %parallel_loop3A_88 : vector<16xf32>
      %parallel_loop3A_94 = arith.constant 1.500000e+00 : f32
      %parallel_loop3A_95 = vector.broadcast %parallel_loop3A_94 : f32 to vector<16xf32>
      %parallel_loop3A_96 = arith.subf %parallel_loop3A_95, %parallel_loop3A_93 : vector<16xf32>
      %parallel_loop3A_97 = arith.mulf %parallel_loop3A_88, %parallel_loop3A_96 : vector<16xf32>
      %parallel_loop3A_98 = arith.constant 5.000000e-01 : f32
      %parallel_loop3A_99 = vector.broadcast %parallel_loop3A_98 : f32 to vector<16xf32>
      %parallel_loop3A_100 = arith.mulf %parallel_loop3A_99, %parallel_loop3A_71 : vector<16xf32>
      %parallel_loop3A_101 = arith.mulf %parallel_loop3A_100, %parallel_loop3A_97 : vector<16xf32>
      %parallel_loop3A_102 = arith.mulf %parallel_loop3A_101, %parallel_loop3A_97 : vector<16xf32>
      %parallel_loop3A_103 = arith.constant 1.500000e+00 : f32
      %parallel_loop3A_104 = vector.broadcast %parallel_loop3A_103 : f32 to vector<16xf32>
      %parallel_loop3A_105 = arith.subf %parallel_loop3A_104, %parallel_loop3A_102 : vector<16xf32>
      %parallel_loop3A_106 = arith.mulf %parallel_loop3A_97, %parallel_loop3A_105 : vector<16xf32>
      %parallel_loop3A_107 = arith.constant 16 : i32
      %parallel_loop3A_108 = arith.muli %parallel_loop3A_64, %parallel_loop3A_107 : i32
      %parallel_loop3A_109 = arith.index_cast %parallel_loop3A_108 : i32 to index
      %parallel_loop3A_110 = tpu.vector_load %arg12[%parallel_loop3A_109] {strides = array<i32>} : memref<640xf32, #tpu.memory_space<vmem>>, vector<16xf32>,
      tpu.vector_store %arg12[%parallel_loop3A_109], %parallel_loop3A_106 {strides = array<i32>} : memref<640xf32, #tpu.memory_space<vmem>>, vector<16xf32>,
    } {sc.loop_unroll_factor = 1 : i64, sc.parallel_access}
    %barrier3A_26 = arith.constant 0 : index
    tpu.barrier barrier_id(%barrier3A_26)
    "tpu.region"() ({
      %run_scoped3A = tpu.sem_alloc : memref<!tpu.dma_semaphore, #tpu.memory_space<semaphore_mem>>
      %dma_start3A_64 = tpu.memref_slice %arg16[%mul3A_2] : memref<10240xf32, #tpu.memory_space<vmem_shared>> -> memref<640xf32, #tpu.memory_space<vmem_shared>>
      %dma_start3A_65 = tpu.memref_slice %arg16[%mul3A_2] : memref<10240xf32, #tpu.memory_space<vmem_shared>> -> memref<640xf32, #tpu.memory_space<vmem_shared>>
      tpu.enqueue_dma source(%arg12 : memref<640xf32, #tpu.memory_space<vmem>>) target(%dma_start3A_65 : memref<640xf32, #tpu.memory_space<vmem_shared>>) target_semaphore(%run_scoped3A : memref<!tpu.dma_semaphore, #tpu.memory_space<semaphore_mem>>)
      %dma_wait3A_66 = tpu.memref_slice %arg16[%mul3A_2] : memref<10240xf32, #tpu.memory_space<vmem_shared>> -> memref<640xf32, #tpu.memory_space<vmem_shared>>
      %dma_wait3A_67 = tpu.memref_slice %arg16[%mul3A_2] : memref<10240xf32, #tpu.memory_space<vmem_shared>> -> memref<640xf32, #tpu.memory_space<vmem_shared>>
      tpu.wait_dma2 semaphore(%run_scoped3A : memref<!tpu.dma_semaphore, #tpu.memory_space<semaphore_mem>>) src(%arg12 : memref<640xf32, #tpu.memory_space<vmem>>) dst(%dma_wait3A_67 : memref<640xf32, #tpu.memory_space<vmem_shared>>)
      tpu.yield
    }) : () -> ()
    "tpu.region"() ({
      %run_scoped3A = tpu.sem_alloc : memref<!tpu.dma_semaphore, #tpu.memory_space<semaphore_mem>>
      %dma_start3A_64 = tpu.memref_slice %arg3[%mul3A_2] : memref<10240xf32, #tpu.memory_space<hbm>> -> memref<640xf32, #tpu.memory_space<hbm>>
      %dma_start3A_65 = tpu.memref_slice %arg3[%mul3A_2] : memref<10240xf32, #tpu.memory_space<hbm>> -> memref<640xf32, #tpu.memory_space<hbm>>
      tpu.enqueue_dma source(%arg12 : memref<640xf32, #tpu.memory_space<vmem>>) target(%dma_start3A_65 : memref<640xf32, #tpu.memory_space<hbm>>) target_semaphore(%run_scoped3A : memref<!tpu.dma_semaphore, #tpu.memory_space<semaphore_mem>>)
      %dma_wait3A_66 = tpu.memref_slice %arg3[%mul3A_2] : memref<10240xf32, #tpu.memory_space<hbm>> -> memref<640xf32, #tpu.memory_space<hbm>>
      %dma_wait3A_67 = tpu.memref_slice %arg3[%mul3A_2] : memref<10240xf32, #tpu.memory_space<hbm>> -> memref<640xf32, #tpu.memory_space<hbm>>
      tpu.wait_dma2 semaphore(%run_scoped3A : memref<!tpu.dma_semaphore, #tpu.memory_space<semaphore_mem>>) src(%arg12 : memref<640xf32, #tpu.memory_space<vmem>>) dst(%dma_wait3A_67 : memref<640xf32, #tpu.memory_space<hbm>>)
      tpu.yield
    }) : () -> ()
    %barrier3A_27 = arith.constant 0 : index
    tpu.barrier barrier_id(%barrier3A_27)
    "tpu.region"() ({
      %run_scoped3A = tpu.sem_alloc : memref<!tpu.dma_semaphore, #tpu.memory_space<semaphore_mem>>
      tpu.enqueue_dma source(%arg16 : memref<10240xf32, #tpu.memory_space<vmem_shared>>) target(%arg8 : memref<10240xf32, #tpu.memory_space<vmem>>) target_semaphore(%run_scoped3A : memref<!tpu.dma_semaphore, #tpu.memory_space<semaphore_mem>>)
      tpu.wait_dma2 semaphore(%run_scoped3A : memref<!tpu.dma_semaphore, #tpu.memory_space<semaphore_mem>>) src(%arg16 : memref<10240xf32, #tpu.memory_space<vmem_shared>>) dst(%arg8 : memref<10240xf32, #tpu.memory_space<vmem>>)
      tpu.yield
    }) : () -> ()
    %broadcast_in_dim3A_28 = arith.constant 0.000000e+00 : f32
    %broadcast_in_dim3A_29 = vector.broadcast %broadcast_in_dim3A_28 : f32 to vector<16xf32>
    %parallel_loop3A_30 = arith.constant 0 : i32
    %parallel_loop3A_31 = arith.constant 640 : i32
    %parallel_loop3A_32 = arith.constant 1 : i32
    scf.for %parallel_loop3A_64 = %parallel_loop3A_30 to %parallel_loop3A_31 step %parallel_loop3A_32  : i32 {
      %parallel_loop3A_65 = arith.constant 16 : i32
      %parallel_loop3A_66 = arith.muli %parallel_loop3A_64, %parallel_loop3A_65 : i32
      %parallel_loop3A_67 = arith.constant 0 : i32
      %parallel_loop3A_68 = arith.addi %parallel_loop3A_67, %parallel_loop3A_66 : i32
      %parallel_loop3A_69 = arith.index_cast %parallel_loop3A_68 : i32 to index
      %parallel_loop3A_70 = tpu.vector_load %arg9[%parallel_loop3A_69] {strides = array<i32>} : memref<10240xf32, #tpu.memory_space<vmem>>, vector<16xf32>,
      tpu.vector_store %arg9[%parallel_loop3A_69], %broadcast_in_dim3A_29 {strides = array<i32>} : memref<10240xf32, #tpu.memory_space<vmem>>, vector<16xf32>,
    } {sc.loop_unroll_factor = 8 : i64, sc.parallel_access}
    %parallel_loop3A_33 = arith.constant 0 : i32
    %parallel_loop3A_34 = arith.constant 1250 : i32
    %parallel_loop3A_35 = arith.constant 1 : i32
    scf.for %parallel_loop3A_64 = %parallel_loop3A_33 to %parallel_loop3A_34 step %parallel_loop3A_35  : i32 {
      %parallel_loop3A_65 = arith.constant 16 : i32
      %parallel_loop3A_66 = arith.muli %parallel_loop3A_64, %parallel_loop3A_65 : i32
      %parallel_loop3A_67 = arith.index_cast %parallel_loop3A_66 : i32 to index
      %parallel_loop3A_68 = tpu.vector_load %arg6[%parallel_loop3A_67] {strides = array<i32>} : memref<20000xi32, #tpu.memory_space<vmem>>, vector<16xi32>,
      %parallel_loop3A_69 = arith.constant 16 : i32
      %parallel_loop3A_70 = arith.muli %parallel_loop3A_64, %parallel_loop3A_69 : i32
      %parallel_loop3A_71 = arith.index_cast %parallel_loop3A_70 : i32 to index
      %parallel_loop3A_72 = tpu.vector_load %arg7[%parallel_loop3A_71] {strides = array<i32>} : memref<20000xi32, #tpu.memory_space<vmem>>, vector<16xi32>,
      %parallel_loop3A_73 = tpu.vector_load_idx %arg8[%parallel_loop3A_72] : memref<10240xf32, #tpu.memory_space<vmem>>[vector<16xi32>], vector<16xf32>,
      tpu.vector_store_idx %arg9[%parallel_loop3A_68], %parallel_loop3A_73 {add = true} : memref<10240xf32, #tpu.memory_space<vmem>>[vector<16xi32>], vector<16xf32>,
    } {sc.loop_unroll_factor = 8 : i64, sc.parallel_access}
    "tpu.region"() ({
      %run_scoped3A = tpu.sem_alloc : memref<!tpu.dma_semaphore, #tpu.memory_space<semaphore_mem>>
      %dma_start3A_64 = arith.constant 0 : i32
      %dma_start3A_65 = tpu.memref_slice %arg15[%arg1, %dma_start3A_64] : memref<16x10240xf32, #tpu.memory_space<vmem_shared>> -> memref<1x10240xf32, #tpu.memory_space<vmem_shared>>
      %dma_start3A_66 = tpu.memref_squeeze %dma_start3A_65 : memref<1x10240xf32, #tpu.memory_space<vmem_shared>> -> memref<10240xf32, #tpu.memory_space<vmem_shared>>
      %dma_start3A_67 = arith.constant 0 : i32
      %dma_start3A_68 = tpu.memref_slice %arg15[%arg1, %dma_start3A_67] : memref<16x10240xf32, #tpu.memory_space<vmem_shared>> -> memref<1x10240xf32, #tpu.memory_space<vmem_shared>>
      %dma_start3A_69 = tpu.memref_squeeze %dma_start3A_68 : memref<1x10240xf32, #tpu.memory_space<vmem_shared>> -> memref<10240xf32, #tpu.memory_space<vmem_shared>>
      tpu.enqueue_dma source(%arg9 : memref<10240xf32, #tpu.memory_space<vmem>>) target(%dma_start3A_69 : memref<10240xf32, #tpu.memory_space<vmem_shared>>) target_semaphore(%run_scoped3A : memref<!tpu.dma_semaphore, #tpu.memory_space<semaphore_mem>>)
      %dma_wait3A_70 = arith.constant 0 : i32
      %dma_wait3A_71 = tpu.memref_slice %arg15[%arg1, %dma_wait3A_70] : memref<16x10240xf32, #tpu.memory_space<vmem_shared>> -> memref<1x10240xf32, #tpu.memory_space<vmem_shared>>
      %dma_wait3A_72 = tpu.memref_squeeze %dma_wait3A_71 : memref<1x10240xf32, #tpu.memory_space<vmem_shared>> -> memref<10240xf32, #tpu.memory_space<vmem_shared>>
      %dma_wait3A_73 = arith.constant 0 : i32
      %dma_wait3A_74 = tpu.memref_slice %arg15[%arg1, %dma_wait3A_73] : memref<16x10240xf32, #tpu.memory_space<vmem_shared>> -> memref<1x10240xf32, #tpu.memory_space<vmem_shared>>
      %dma_wait3A_75 = tpu.memref_squeeze %dma_wait3A_74 : memref<1x10240xf32, #tpu.memory_space<vmem_shared>> -> memref<10240xf32, #tpu.memory_space<vmem_shared>>
      tpu.wait_dma2 semaphore(%run_scoped3A : memref<!tpu.dma_semaphore, #tpu.memory_space<semaphore_mem>>) src(%arg9 : memref<10240xf32, #tpu.memory_space<vmem>>) dst(%dma_wait3A_75 : memref<10240xf32, #tpu.memory_space<vmem_shared>>)
      tpu.yield
    }) : () -> ()
    %barrier3A_36 = arith.constant 0 : index
    tpu.barrier barrier_id(%barrier3A_36)
    %add3A_37 = arith.constant 0 : i32
    %add3A_38 = arith.addi %add3A_37, %mul3A_2 : i32
    "tpu.region"() ({
      %run_scoped3A = tpu.sem_alloc : memref<!tpu.dma_semaphore, #tpu.memory_space<semaphore_mem>>
      %dma_start3A_64 = arith.constant 0 : i32
      %dma_start3A_65 = tpu.memref_slice %arg15[%dma_start3A_64, %add3A_38] : memref<16x10240xf32, #tpu.memory_space<vmem_shared>> -> memref<16x640xf32, #tpu.memory_space<vmem_shared>>
      %dma_start3A_66 = arith.constant 0 : i32
      %dma_start3A_67 = tpu.memref_slice %arg15[%dma_start3A_66, %add3A_38] : memref<16x10240xf32, #tpu.memory_space<vmem_shared>> -> memref<16x640xf32, #tpu.memory_space<vmem_shared>>
      tpu.enqueue_dma source(%dma_start3A_67 : memref<16x640xf32, #tpu.memory_space<vmem_shared>>) target(%arg11 : memref<16x640xf32, #tpu.memory_space<vmem>>) target_semaphore(%run_scoped3A : memref<!tpu.dma_semaphore, #tpu.memory_space<semaphore_mem>>)
      %dma_wait3A_68 = arith.constant 0 : i32
      %dma_wait3A_69 = tpu.memref_slice %arg15[%dma_wait3A_68, %add3A_38] : memref<16x10240xf32, #tpu.memory_space<vmem_shared>> -> memref<16x640xf32, #tpu.memory_space<vmem_shared>>
      %dma_wait3A_70 = arith.constant 0 : i32
      %dma_wait3A_71 = tpu.memref_slice %arg15[%dma_wait3A_70, %add3A_38] : memref<16x10240xf32, #tpu.memory_space<vmem_shared>> -> memref<16x640xf32, #tpu.memory_space<vmem_shared>>
      tpu.wait_dma2 semaphore(%run_scoped3A : memref<!tpu.dma_semaphore, #tpu.memory_space<semaphore_mem>>) src(%dma_wait3A_71 : memref<16x640xf32, #tpu.memory_space<vmem_shared>>) dst(%arg11 : memref<16x640xf32, #tpu.memory_space<vmem>>)
      tpu.yield
    }) : () -> ()
    %parallel_loop3A_39 = arith.constant 0 : i32
    %parallel_loop3A_40 = arith.constant 40 : i32
    %parallel_loop3A_41 = arith.constant 1 : i32
    scf.for %parallel_loop3A_64 = %parallel_loop3A_39 to %parallel_loop3A_40 step %parallel_loop3A_41  : i32 {
      %parallel_loop3A_65 = arith.constant 16 : i32
      %parallel_loop3A_66 = arith.muli %parallel_loop3A_64, %parallel_loop3A_65 : i32
      %parallel_loop3A_67 = arith.constant 0 : i32
      %parallel_loop3A_68 = arith.index_cast %parallel_loop3A_67 : i32 to index
      %parallel_loop3A_69 = arith.index_cast %parallel_loop3A_66 : i32 to index
      %parallel_loop3A_70 = tpu.vector_load %arg11[%parallel_loop3A_68, %parallel_loop3A_69] {strides = array<i32>} : memref<16x640xf32, #tpu.memory_space<vmem>>, vector<16xf32>,
      %parallel_loop3A_71 = arith.constant 16 : i32
      %parallel_loop3A_72 = arith.muli %parallel_loop3A_64, %parallel_loop3A_71 : i32
      %parallel_loop3A_73 = arith.constant 1 : i32
      %parallel_loop3A_74 = arith.index_cast %parallel_loop3A_73 : i32 to index
      %parallel_loop3A_75 = arith.index_cast %parallel_loop3A_72 : i32 to index
      %parallel_loop3A_76 = tpu.vector_load %arg11[%parallel_loop3A_74, %parallel_loop3A_75] {strides = array<i32>} : memref<16x640xf32, #tpu.memory_space<vmem>>, vector<16xf32>,
      %parallel_loop3A_77 = arith.addf %parallel_loop3A_70, %parallel_loop3A_76 : vector<16xf32>
      %parallel_loop3A_78 = arith.constant 16 : i32
      %parallel_loop3A_79 = arith.muli %parallel_loop3A_64, %parallel_loop3A_78 : i32
      %parallel_loop3A_80 = arith.constant 2 : i32
      %parallel_loop3A_81 = arith.index_cast %parallel_loop3A_80 : i32 to index
      %parallel_loop3A_82 = arith.index_cast %parallel_loop3A_79 : i32 to index
      %parallel_loop3A_83 = tpu.vector_load %arg11[%parallel_loop3A_81, %parallel_loop3A_82] {strides = array<i32>} : memref<16x640xf32, #tpu.memory_space<vmem>>, vector<16xf32>,
      %parallel_loop3A_84 = arith.addf %parallel_loop3A_77, %parallel_loop3A_83 : vector<16xf32>
      %parallel_loop3A_85 = arith.constant 16 : i32
      %parallel_loop3A_86 = arith.muli %parallel_loop3A_64, %parallel_loop3A_85 : i32
      %parallel_loop3A_87 = arith.constant 3 : i32
      %parallel_loop3A_88 = arith.index_cast %parallel_loop3A_87 : i32 to index
      %parallel_loop3A_89 = arith.index_cast %parallel_loop3A_86 : i32 to index
      %parallel_loop3A_90 = tpu.vector_load %arg11[%parallel_loop3A_88, %parallel_loop3A_89] {strides = array<i32>} : memref<16x640xf32, #tpu.memory_space<vmem>>, vector<16xf32>,
      %parallel_loop3A_91 = arith.addf %parallel_loop3A_84, %parallel_loop3A_90 : vector<16xf32>
      %parallel_loop3A_92 = arith.constant 16 : i32
      %parallel_loop3A_93 = arith.muli %parallel_loop3A_64, %parallel_loop3A_92 : i32
      %parallel_loop3A_94 = arith.constant 4 : i32
      %parallel_loop3A_95 = arith.index_cast %parallel_loop3A_94 : i32 to index
      %parallel_loop3A_96 = arith.index_cast %parallel_loop3A_93 : i32 to index
      %parallel_loop3A_97 = tpu.vector_load %arg11[%parallel_loop3A_95, %parallel_loop3A_96] {strides = array<i32>} : memref<16x640xf32, #tpu.memory_space<vmem>>, vector<16xf32>,
      %parallel_loop3A_98 = arith.addf %parallel_loop3A_91, %parallel_loop3A_97 : vector<16xf32>
      %parallel_loop3A_99 = arith.constant 16 : i32
      %parallel_loop3A_100 = arith.muli %parallel_loop3A_64, %parallel_loop3A_99 : i32
      %parallel_loop3A_101 = arith.constant 5 : i32
      %parallel_loop3A_102 = arith.index_cast %parallel_loop3A_101 : i32 to index
      %parallel_loop3A_103 = arith.index_cast %parallel_loop3A_100 : i32 to index
      %parallel_loop3A_104 = tpu.vector_load %arg11[%parallel_loop3A_102, %parallel_loop3A_103] {strides = array<i32>} : memref<16x640xf32, #tpu.memory_space<vmem>>, vector<16xf32>,
      %parallel_loop3A_105 = arith.addf %parallel_loop3A_98, %parallel_loop3A_104 : vector<16xf32>
      %parallel_loop3A_106 = arith.constant 16 : i32
      %parallel_loop3A_107 = arith.muli %parallel_loop3A_64, %parallel_loop3A_106 : i32
      %parallel_loop3A_108 = arith.constant 6 : i32
      %parallel_loop3A_109 = arith.index_cast %parallel_loop3A_108 : i32 to index
      %parallel_loop3A_110 = arith.index_cast %parallel_loop3A_107 : i32 to index
      %parallel_loop3A_111 = tpu.vector_load %arg11[%parallel_loop3A_109, %parallel_loop3A_110] {strides = array<i32>} : memref<16x640xf32, #tpu.memory_space<vmem>>, vector<16xf32>,
      %parallel_loop3A_112 = arith.addf %parallel_loop3A_105, %parallel_loop3A_111 : vector<16xf32>
      %parallel_loop3A_113 = arith.constant 16 : i32
      %parallel_loop3A_114 = arith.muli %parallel_loop3A_64, %parallel_loop3A_113 : i32
      %parallel_loop3A_115 = arith.constant 7 : i32
      %parallel_loop3A_116 = arith.index_cast %parallel_loop3A_115 : i32 to index
      %parallel_loop3A_117 = arith.index_cast %parallel_loop3A_114 : i32 to index
      %parallel_loop3A_118 = tpu.vector_load %arg11[%parallel_loop3A_116, %parallel_loop3A_117] {strides = array<i32>} : memref<16x640xf32, #tpu.memory_space<vmem>>, vector<16xf32>,
      %parallel_loop3A_119 = arith.addf %parallel_loop3A_112, %parallel_loop3A_118 : vector<16xf32>
      %parallel_loop3A_120 = arith.constant 16 : i32
      %parallel_loop3A_121 = arith.muli %parallel_loop3A_64, %parallel_loop3A_120 : i32
      %parallel_loop3A_122 = arith.constant 8 : i32
      %parallel_loop3A_123 = arith.index_cast %parallel_loop3A_122 : i32 to index
      %parallel_loop3A_124 = arith.index_cast %parallel_loop3A_121 : i32 to index
      %parallel_loop3A_125 = tpu.vector_load %arg11[%parallel_loop3A_123, %parallel_loop3A_124] {strides = array<i32>} : memref<16x640xf32, #tpu.memory_space<vmem>>, vector<16xf32>,
      %parallel_loop3A_126 = arith.addf %parallel_loop3A_119, %parallel_loop3A_125 : vector<16xf32>
      %parallel_loop3A_127 = arith.constant 16 : i32
      %parallel_loop3A_128 = arith.muli %parallel_loop3A_64, %parallel_loop3A_127 : i32
      %parallel_loop3A_129 = arith.constant 9 : i32
      %parallel_loop3A_130 = arith.index_cast %parallel_loop3A_129 : i32 to index
      %parallel_loop3A_131 = arith.index_cast %parallel_loop3A_128 : i32 to index
      %parallel_loop3A_132 = tpu.vector_load %arg11[%parallel_loop3A_130, %parallel_loop3A_131] {strides = array<i32>} : memref<16x640xf32, #tpu.memory_space<vmem>>, vector<16xf32>,
      %parallel_loop3A_133 = arith.addf %parallel_loop3A_126, %parallel_loop3A_132 : vector<16xf32>
      %parallel_loop3A_134 = arith.constant 16 : i32
      %parallel_loop3A_135 = arith.muli %parallel_loop3A_64, %parallel_loop3A_134 : i32
      %parallel_loop3A_136 = arith.constant 10 : i32
      %parallel_loop3A_137 = arith.index_cast %parallel_loop3A_136 : i32 to index
      %parallel_loop3A_138 = arith.index_cast %parallel_loop3A_135 : i32 to index
      %parallel_loop3A_139 = tpu.vector_load %arg11[%parallel_loop3A_137, %parallel_loop3A_138] {strides = array<i32>} : memref<16x640xf32, #tpu.memory_space<vmem>>, vector<16xf32>,
      %parallel_loop3A_140 = arith.addf %parallel_loop3A_133, %parallel_loop3A_139 : vector<16xf32>
      %parallel_loop3A_141 = arith.constant 16 : i32
      %parallel_loop3A_142 = arith.muli %parallel_loop3A_64, %parallel_loop3A_141 : i32
      %parallel_loop3A_143 = arith.constant 11 : i32
      %parallel_loop3A_144 = arith.index_cast %parallel_loop3A_143 : i32 to index
      %parallel_loop3A_145 = arith.index_cast %parallel_loop3A_142 : i32 to index
      %parallel_loop3A_146 = tpu.vector_load %arg11[%parallel_loop3A_144, %parallel_loop3A_145] {strides = array<i32>} : memref<16x640xf32, #tpu.memory_space<vmem>>, vector<16xf32>,
      %parallel_loop3A_147 = arith.addf %parallel_loop3A_140, %parallel_loop3A_146 : vector<16xf32>
      %parallel_loop3A_148 = arith.constant 16 : i32
      %parallel_loop3A_149 = arith.muli %parallel_loop3A_64, %parallel_loop3A_148 : i32
      %parallel_loop3A_150 = arith.constant 12 : i32
      %parallel_loop3A_151 = arith.index_cast %parallel_loop3A_150 : i32 to index
      %parallel_loop3A_152 = arith.index_cast %parallel_loop3A_149 : i32 to index
      %parallel_loop3A_153 = tpu.vector_load %arg11[%parallel_loop3A_151, %parallel_loop3A_152] {strides = array<i32>} : memref<16x640xf32, #tpu.memory_space<vmem>>, vector<16xf32>,
      %parallel_loop3A_154 = arith.addf %parallel_loop3A_147, %parallel_loop3A_153 : vector<16xf32>
      %parallel_loop3A_155 = arith.constant 16 : i32
      %parallel_loop3A_156 = arith.muli %parallel_loop3A_64, %parallel_loop3A_155 : i32
      %parallel_loop3A_157 = arith.constant 13 : i32
      %parallel_loop3A_158 = arith.index_cast %parallel_loop3A_157 : i32 to index
      %parallel_loop3A_159 = arith.index_cast %parallel_loop3A_156 : i32 to index
      %parallel_loop3A_160 = tpu.vector_load %arg11[%parallel_loop3A_158, %parallel_loop3A_159] {strides = array<i32>} : memref<16x640xf32, #tpu.memory_space<vmem>>, vector<16xf32>,
      %parallel_loop3A_161 = arith.addf %parallel_loop3A_154, %parallel_loop3A_160 : vector<16xf32>
      %parallel_loop3A_162 = arith.constant 16 : i32
      %parallel_loop3A_163 = arith.muli %parallel_loop3A_64, %parallel_loop3A_162 : i32
      %parallel_loop3A_164 = arith.constant 14 : i32
      %parallel_loop3A_165 = arith.index_cast %parallel_loop3A_164 : i32 to index
      %parallel_loop3A_166 = arith.index_cast %parallel_loop3A_163 : i32 to index
      %parallel_loop3A_167 = tpu.vector_load %arg11[%parallel_loop3A_165, %parallel_loop3A_166] {strides = array<i32>} : memref<16x640xf32, #tpu.memory_space<vmem>>, vector<16xf32>,
      %parallel_loop3A_168 = arith.addf %parallel_loop3A_161, %parallel_loop3A_167 : vector<16xf32>
      %parallel_loop3A_169 = arith.constant 16 : i32
      %parallel_loop3A_170 = arith.muli %parallel_loop3A_64, %parallel_loop3A_169 : i32
      %parallel_loop3A_171 = arith.constant 15 : i32
      %parallel_loop3A_172 = arith.index_cast %parallel_loop3A_171 : i32 to index
      %parallel_loop3A_173 = arith.index_cast %parallel_loop3A_170 : i32 to index
      %parallel_loop3A_174 = tpu.vector_load %arg11[%parallel_loop3A_172, %parallel_loop3A_173] {strides = array<i32>} : memref<16x640xf32, #tpu.memory_space<vmem>>, vector<16xf32>,
      %parallel_loop3A_175 = arith.addf %parallel_loop3A_168, %parallel_loop3A_174 : vector<16xf32>
      %parallel_loop3A_176 = arith.constant 16 : i32
      %parallel_loop3A_177 = arith.muli %parallel_loop3A_64, %parallel_loop3A_176 : i32
      %parallel_loop3A_178 = arith.index_cast %parallel_loop3A_177 : i32 to index
      %parallel_loop3A_179 = tpu.vector_load %arg10[%parallel_loop3A_178] {strides = array<i32>} : memref<640xf32, #tpu.memory_space<vmem>>, vector<16xf32>,
      tpu.vector_store %arg10[%parallel_loop3A_178], %parallel_loop3A_175 {strides = array<i32>} : memref<640xf32, #tpu.memory_space<vmem>>, vector<16xf32>,
    } {sc.loop_unroll_factor = 2 : i64, sc.parallel_access}
    %parallel_loop3A_42 = arith.constant 0 : i32
    %parallel_loop3A_43 = arith.constant 40 : i32
    %parallel_loop3A_44 = arith.constant 1 : i32
    scf.for %parallel_loop3A_64 = %parallel_loop3A_42 to %parallel_loop3A_43 step %parallel_loop3A_44  : i32 {
      %parallel_loop3A_65 = arith.constant 16 : i32
      %parallel_loop3A_66 = arith.muli %parallel_loop3A_64, %parallel_loop3A_65 : i32
      %parallel_loop3A_67 = arith.index_cast %parallel_loop3A_66 : i32 to index
      %parallel_loop3A_68 = tpu.vector_load %arg12[%parallel_loop3A_67] {strides = array<i32>} : memref<640xf32, #tpu.memory_space<vmem>>, vector<16xf32>,
      %parallel_loop3A_69 = arith.constant 16 : i32
      %parallel_loop3A_70 = arith.muli %parallel_loop3A_64, %parallel_loop3A_69 : i32
      %parallel_loop3A_71 = arith.index_cast %parallel_loop3A_70 : i32 to index
      %parallel_loop3A_72 = tpu.vector_load %arg10[%parallel_loop3A_71] {strides = array<i32>} : memref<640xf32, #tpu.memory_space<vmem>>, vector<16xf32>,
      %parallel_loop3A_73 = arith.addf %parallel_loop3A_72, %parallel_loop3A_68 : vector<16xf32>
      %parallel_loop3A_74 = arith.mulf %parallel_loop3A_68, %parallel_loop3A_73 : vector<16xf32>
      %parallel_loop3A_75 = arith.constant 16 : i32
      %parallel_loop3A_76 = arith.muli %parallel_loop3A_64, %parallel_loop3A_75 : i32
      %parallel_loop3A_77 = arith.index_cast %parallel_loop3A_76 : i32 to index
      %parallel_loop3A_78 = tpu.vector_load %arg14[%parallel_loop3A_77] {strides = array<i32>} : memref<640xf32, #tpu.memory_space<vmem>>, vector<16xf32>,
      tpu.vector_store %arg14[%parallel_loop3A_77], %parallel_loop3A_74 {strides = array<i32>} : memref<640xf32, #tpu.memory_space<vmem>>, vector<16xf32>,
      %parallel_loop3A_79 = arith.mulf %parallel_loop3A_68, %parallel_loop3A_74 : vector<16xf32>
      %parallel_loop3A_80 = arith.constant 16 : i32
      %parallel_loop3A_81 = arith.muli %parallel_loop3A_64, %parallel_loop3A_80 : i32
      %parallel_loop3A_82 = arith.index_cast %parallel_loop3A_81 : i32 to index
      %parallel_loop3A_83 = tpu.vector_load %arg13[%parallel_loop3A_82] {strides = array<i32>} : memref<640xf32, #tpu.memory_space<vmem>>, vector<16xf32>,
      tpu.vector_store %arg13[%parallel_loop3A_82], %parallel_loop3A_79 {strides = array<i32>} : memref<640xf32, #tpu.memory_space<vmem>>, vector<16xf32>,
    } {sc.loop_unroll_factor = 1 : i64, sc.parallel_access}
    "tpu.region"() ({
      %run_scoped3A = tpu.sem_alloc : memref<!tpu.dma_semaphore, #tpu.memory_space<semaphore_mem>>
      %dma_start3A_64 = tpu.memref_slice %arg4[%mul3A_2] : memref<10240xf32, #tpu.memory_space<hbm>> -> memref<640xf32, #tpu.memory_space<hbm>>
      %dma_start3A_65 = tpu.memref_slice %arg4[%mul3A_2] : memref<10240xf32, #tpu.memory_space<hbm>> -> memref<640xf32, #tpu.memory_space<hbm>>
      tpu.enqueue_dma source(%arg14 : memref<640xf32, #tpu.memory_space<vmem>>) target(%dma_start3A_65 : memref<640xf32, #tpu.memory_space<hbm>>) target_semaphore(%run_scoped3A : memref<!tpu.dma_semaphore, #tpu.memory_space<semaphore_mem>>)
      %dma_wait3A_66 = tpu.memref_slice %arg4[%mul3A_2] : memref<10240xf32, #tpu.memory_space<hbm>> -> memref<640xf32, #tpu.memory_space<hbm>>
      %dma_wait3A_67 = tpu.memref_slice %arg4[%mul3A_2] : memref<10240xf32, #tpu.memory_space<hbm>> -> memref<640xf32, #tpu.memory_space<hbm>>
      tpu.wait_dma2 semaphore(%run_scoped3A : memref<!tpu.dma_semaphore, #tpu.memory_space<semaphore_mem>>) src(%arg14 : memref<640xf32, #tpu.memory_space<vmem>>) dst(%dma_wait3A_67 : memref<640xf32, #tpu.memory_space<hbm>>)
      tpu.yield
    }) : () -> ()
    %barrier3A_45 = arith.constant 0 : index
    tpu.barrier barrier_id(%barrier3A_45)
    "tpu.region"() ({
      %run_scoped3A = tpu.sem_alloc : memref<!tpu.dma_semaphore, #tpu.memory_space<semaphore_mem>>
      %dma_start3A_64 = tpu.memref_slice %arg16[%mul3A_2] : memref<10240xf32, #tpu.memory_space<vmem_shared>> -> memref<640xf32, #tpu.memory_space<vmem_shared>>
      %dma_start3A_65 = tpu.memref_slice %arg16[%mul3A_2] : memref<10240xf32, #tpu.memory_space<vmem_shared>> -> memref<640xf32, #tpu.memory_space<vmem_shared>>
      tpu.enqueue_dma source(%arg13 : memref<640xf32, #tpu.memory_space<vmem>>) target(%dma_start3A_65 : memref<640xf32, #tpu.memory_space<vmem_shared>>) target_semaphore(%run_scoped3A : memref<!tpu.dma_semaphore, #tpu.memory_space<semaphore_mem>>)
      %dma_wait3A_66 = tpu.memref_slice %arg16[%mul3A_2] : memref<10240xf32, #tpu.memory_space<vmem_shared>> -> memref<640xf32, #tpu.memory_space<vmem_shared>>
      %dma_wait3A_67 = tpu.memref_slice %arg16[%mul3A_2] : memref<10240xf32, #tpu.memory_space<vmem_shared>> -> memref<640xf32, #tpu.memory_space<vmem_shared>>
      tpu.wait_dma2 semaphore(%run_scoped3A : memref<!tpu.dma_semaphore, #tpu.memory_space<semaphore_mem>>) src(%arg13 : memref<640xf32, #tpu.memory_space<vmem>>) dst(%dma_wait3A_67 : memref<640xf32, #tpu.memory_space<vmem_shared>>)
      tpu.yield
    }) : () -> ()
    %barrier3A_46 = arith.constant 0 : index
    tpu.barrier barrier_id(%barrier3A_46)
    "tpu.region"() ({
      %run_scoped3A = tpu.sem_alloc : memref<!tpu.dma_semaphore, #tpu.memory_space<semaphore_mem>>
      tpu.enqueue_dma source(%arg16 : memref<10240xf32, #tpu.memory_space<vmem_shared>>) target(%arg8 : memref<10240xf32, #tpu.memory_space<vmem>>) target_semaphore(%run_scoped3A : memref<!tpu.dma_semaphore, #tpu.memory_space<semaphore_mem>>)
      tpu.wait_dma2 semaphore(%run_scoped3A : memref<!tpu.dma_semaphore, #tpu.memory_space<semaphore_mem>>) src(%arg16 : memref<10240xf32, #tpu.memory_space<vmem_shared>>) dst(%arg8 : memref<10240xf32, #tpu.memory_space<vmem>>)
      tpu.yield
    }) : () -> ()
    %broadcast_in_dim3A_47 = arith.constant 0.000000e+00 : f32
    %broadcast_in_dim3A_48 = vector.broadcast %broadcast_in_dim3A_47 : f32 to vector<16xf32>
    %parallel_loop3A_49 = arith.constant 0 : i32
    %parallel_loop3A_50 = arith.constant 640 : i32
    %parallel_loop3A_51 = arith.constant 1 : i32
    scf.for %parallel_loop3A_64 = %parallel_loop3A_49 to %parallel_loop3A_50 step %parallel_loop3A_51  : i32 {
      %parallel_loop3A_65 = arith.constant 16 : i32
      %parallel_loop3A_66 = arith.muli %parallel_loop3A_64, %parallel_loop3A_65 : i32
      %parallel_loop3A_67 = arith.constant 0 : i32
      %parallel_loop3A_68 = arith.addi %parallel_loop3A_67, %parallel_loop3A_66 : i32
      %parallel_loop3A_69 = arith.index_cast %parallel_loop3A_68 : i32 to index
      %parallel_loop3A_70 = tpu.vector_load %arg9[%parallel_loop3A_69] {strides = array<i32>} : memref<10240xf32, #tpu.memory_space<vmem>>, vector<16xf32>,
      tpu.vector_store %arg9[%parallel_loop3A_69], %broadcast_in_dim3A_48 {strides = array<i32>} : memref<10240xf32, #tpu.memory_space<vmem>>, vector<16xf32>,
    } {sc.loop_unroll_factor = 8 : i64, sc.parallel_access}
    %parallel_loop3A_52 = arith.constant 0 : i32
    %parallel_loop3A_53 = arith.constant 1250 : i32
    %parallel_loop3A_54 = arith.constant 1 : i32
    scf.for %parallel_loop3A_64 = %parallel_loop3A_52 to %parallel_loop3A_53 step %parallel_loop3A_54  : i32 {
      %parallel_loop3A_65 = arith.constant 16 : i32
      %parallel_loop3A_66 = arith.muli %parallel_loop3A_64, %parallel_loop3A_65 : i32
      %parallel_loop3A_67 = arith.index_cast %parallel_loop3A_66 : i32 to index
      %parallel_loop3A_68 = tpu.vector_load %arg6[%parallel_loop3A_67] {strides = array<i32>} : memref<20000xi32, #tpu.memory_space<vmem>>, vector<16xi32>,
      %parallel_loop3A_69 = arith.constant 16 : i32
      %parallel_loop3A_70 = arith.muli %parallel_loop3A_64, %parallel_loop3A_69 : i32
      %parallel_loop3A_71 = arith.index_cast %parallel_loop3A_70 : i32 to index
      %parallel_loop3A_72 = tpu.vector_load %arg7[%parallel_loop3A_71] {strides = array<i32>} : memref<20000xi32, #tpu.memory_space<vmem>>, vector<16xi32>,
      %parallel_loop3A_73 = tpu.vector_load_idx %arg8[%parallel_loop3A_72] : memref<10240xf32, #tpu.memory_space<vmem>>[vector<16xi32>], vector<16xf32>,
      tpu.vector_store_idx %arg9[%parallel_loop3A_68], %parallel_loop3A_73 {add = true} : memref<10240xf32, #tpu.memory_space<vmem>>[vector<16xi32>], vector<16xf32>,
    } {sc.loop_unroll_factor = 8 : i64, sc.parallel_access}
    "tpu.region"() ({
      %run_scoped3A = tpu.sem_alloc : memref<!tpu.dma_semaphore, #tpu.memory_space<semaphore_mem>>
      %dma_start3A_64 = arith.constant 0 : i32
      %dma_start3A_65 = tpu.memref_slice %arg15[%arg1, %dma_start3A_64] : memref<16x10240xf32, #tpu.memory_space<vmem_shared>> -> memref<1x10240xf32, #tpu.memory_space<vmem_shared>>
      %dma_start3A_66 = tpu.memref_squeeze %dma_start3A_65 : memref<1x10240xf32, #tpu.memory_space<vmem_shared>> -> memref<10240xf32, #tpu.memory_space<vmem_shared>>
      %dma_start3A_67 = arith.constant 0 : i32
      %dma_start3A_68 = tpu.memref_slice %arg15[%arg1, %dma_start3A_67] : memref<16x10240xf32, #tpu.memory_space<vmem_shared>> -> memref<1x10240xf32, #tpu.memory_space<vmem_shared>>
      %dma_start3A_69 = tpu.memref_squeeze %dma_start3A_68 : memref<1x10240xf32, #tpu.memory_space<vmem_shared>> -> memref<10240xf32, #tpu.memory_space<vmem_shared>>
      tpu.enqueue_dma source(%arg9 : memref<10240xf32, #tpu.memory_space<vmem>>) target(%dma_start3A_69 : memref<10240xf32, #tpu.memory_space<vmem_shared>>) target_semaphore(%run_scoped3A : memref<!tpu.dma_semaphore, #tpu.memory_space<semaphore_mem>>)
      %dma_wait3A_70 = arith.constant 0 : i32
      %dma_wait3A_71 = tpu.memref_slice %arg15[%arg1, %dma_wait3A_70] : memref<16x10240xf32, #tpu.memory_space<vmem_shared>> -> memref<1x10240xf32, #tpu.memory_space<vmem_shared>>
      %dma_wait3A_72 = tpu.memref_squeeze %dma_wait3A_71 : memref<1x10240xf32, #tpu.memory_space<vmem_shared>> -> memref<10240xf32, #tpu.memory_space<vmem_shared>>
      %dma_wait3A_73 = arith.constant 0 : i32
      %dma_wait3A_74 = tpu.memref_slice %arg15[%arg1, %dma_wait3A_73] : memref<16x10240xf32, #tpu.memory_space<vmem_shared>> -> memref<1x10240xf32, #tpu.memory_space<vmem_shared>>
      %dma_wait3A_75 = tpu.memref_squeeze %dma_wait3A_74 : memref<1x10240xf32, #tpu.memory_space<vmem_shared>> -> memref<10240xf32, #tpu.memory_space<vmem_shared>>
      tpu.wait_dma2 semaphore(%run_scoped3A : memref<!tpu.dma_semaphore, #tpu.memory_space<semaphore_mem>>) src(%arg9 : memref<10240xf32, #tpu.memory_space<vmem>>) dst(%dma_wait3A_75 : memref<10240xf32, #tpu.memory_space<vmem_shared>>)
      tpu.yield
    }) : () -> ()
    %barrier3A_55 = arith.constant 0 : index
    tpu.barrier barrier_id(%barrier3A_55)
    %add3A_56 = arith.constant 0 : i32
    %add3A_57 = arith.addi %add3A_56, %mul3A_2 : i32
    "tpu.region"() ({
      %run_scoped3A = tpu.sem_alloc : memref<!tpu.dma_semaphore, #tpu.memory_space<semaphore_mem>>
      %dma_start3A_64 = arith.constant 0 : i32
      %dma_start3A_65 = tpu.memref_slice %arg15[%dma_start3A_64, %add3A_57] : memref<16x10240xf32, #tpu.memory_space<vmem_shared>> -> memref<16x640xf32, #tpu.memory_space<vmem_shared>>
      %dma_start3A_66 = arith.constant 0 : i32
      %dma_start3A_67 = tpu.memref_slice %arg15[%dma_start3A_66, %add3A_57] : memref<16x10240xf32, #tpu.memory_space<vmem_shared>> -> memref<16x640xf32, #tpu.memory_space<vmem_shared>>
      tpu.enqueue_dma source(%dma_start3A_67 : memref<16x640xf32, #tpu.memory_space<vmem_shared>>) target(%arg11 : memref<16x640xf32, #tpu.memory_space<vmem>>) target_semaphore(%run_scoped3A : memref<!tpu.dma_semaphore, #tpu.memory_space<semaphore_mem>>)
      %dma_wait3A_68 = arith.constant 0 : i32
      %dma_wait3A_69 = tpu.memref_slice %arg15[%dma_wait3A_68, %add3A_57] : memref<16x10240xf32, #tpu.memory_space<vmem_shared>> -> memref<16x640xf32, #tpu.memory_space<vmem_shared>>
      %dma_wait3A_70 = arith.constant 0 : i32
      %dma_wait3A_71 = tpu.memref_slice %arg15[%dma_wait3A_70, %add3A_57] : memref<16x10240xf32, #tpu.memory_space<vmem_shared>> -> memref<16x640xf32, #tpu.memory_space<vmem_shared>>
      tpu.wait_dma2 semaphore(%run_scoped3A : memref<!tpu.dma_semaphore, #tpu.memory_space<semaphore_mem>>) src(%dma_wait3A_71 : memref<16x640xf32, #tpu.memory_space<vmem_shared>>) dst(%arg11 : memref<16x640xf32, #tpu.memory_space<vmem>>)
      tpu.yield
    }) : () -> ()
    %parallel_loop3A_58 = arith.constant 0 : i32
    %parallel_loop3A_59 = arith.constant 40 : i32
    %parallel_loop3A_60 = arith.constant 1 : i32
    scf.for %parallel_loop3A_64 = %parallel_loop3A_58 to %parallel_loop3A_59 step %parallel_loop3A_60  : i32 {
      %parallel_loop3A_65 = arith.constant 16 : i32
      %parallel_loop3A_66 = arith.muli %parallel_loop3A_64, %parallel_loop3A_65 : i32
      %parallel_loop3A_67 = arith.constant 0 : i32
      %parallel_loop3A_68 = arith.index_cast %parallel_loop3A_67 : i32 to index
      %parallel_loop3A_69 = arith.index_cast %parallel_loop3A_66 : i32 to index
      %parallel_loop3A_70 = tpu.vector_load %arg11[%parallel_loop3A_68, %parallel_loop3A_69] {strides = array<i32>} : memref<16x640xf32, #tpu.memory_space<vmem>>, vector<16xf32>,
      %parallel_loop3A_71 = arith.constant 16 : i32
      %parallel_loop3A_72 = arith.muli %parallel_loop3A_64, %parallel_loop3A_71 : i32
      %parallel_loop3A_73 = arith.constant 1 : i32
      %parallel_loop3A_74 = arith.index_cast %parallel_loop3A_73 : i32 to index
      %parallel_loop3A_75 = arith.index_cast %parallel_loop3A_72 : i32 to index
      %parallel_loop3A_76 = tpu.vector_load %arg11[%parallel_loop3A_74, %parallel_loop3A_75] {strides = array<i32>} : memref<16x640xf32, #tpu.memory_space<vmem>>, vector<16xf32>,
      %parallel_loop3A_77 = arith.addf %parallel_loop3A_70, %parallel_loop3A_76 : vector<16xf32>
      %parallel_loop3A_78 = arith.constant 16 : i32
      %parallel_loop3A_79 = arith.muli %parallel_loop3A_64, %parallel_loop3A_78 : i32
      %parallel_loop3A_80 = arith.constant 2 : i32
      %parallel_loop3A_81 = arith.index_cast %parallel_loop3A_80 : i32 to index
      %parallel_loop3A_82 = arith.index_cast %parallel_loop3A_79 : i32 to index
      %parallel_loop3A_83 = tpu.vector_load %arg11[%parallel_loop3A_81, %parallel_loop3A_82] {strides = array<i32>} : memref<16x640xf32, #tpu.memory_space<vmem>>, vector<16xf32>,
      %parallel_loop3A_84 = arith.addf %parallel_loop3A_77, %parallel_loop3A_83 : vector<16xf32>
      %parallel_loop3A_85 = arith.constant 16 : i32
      %parallel_loop3A_86 = arith.muli %parallel_loop3A_64, %parallel_loop3A_85 : i32
      %parallel_loop3A_87 = arith.constant 3 : i32
      %parallel_loop3A_88 = arith.index_cast %parallel_loop3A_87 : i32 to index
      %parallel_loop3A_89 = arith.index_cast %parallel_loop3A_86 : i32 to index
      %parallel_loop3A_90 = tpu.vector_load %arg11[%parallel_loop3A_88, %parallel_loop3A_89] {strides = array<i32>} : memref<16x640xf32, #tpu.memory_space<vmem>>, vector<16xf32>,
      %parallel_loop3A_91 = arith.addf %parallel_loop3A_84, %parallel_loop3A_90 : vector<16xf32>
      %parallel_loop3A_92 = arith.constant 16 : i32
      %parallel_loop3A_93 = arith.muli %parallel_loop3A_64, %parallel_loop3A_92 : i32
      %parallel_loop3A_94 = arith.constant 4 : i32
      %parallel_loop3A_95 = arith.index_cast %parallel_loop3A_94 : i32 to index
      %parallel_loop3A_96 = arith.index_cast %parallel_loop3A_93 : i32 to index
      %parallel_loop3A_97 = tpu.vector_load %arg11[%parallel_loop3A_95, %parallel_loop3A_96] {strides = array<i32>} : memref<16x640xf32, #tpu.memory_space<vmem>>, vector<16xf32>,
      %parallel_loop3A_98 = arith.addf %parallel_loop3A_91, %parallel_loop3A_97 : vector<16xf32>
      %parallel_loop3A_99 = arith.constant 16 : i32
      %parallel_loop3A_100 = arith.muli %parallel_loop3A_64, %parallel_loop3A_99 : i32
      %parallel_loop3A_101 = arith.constant 5 : i32
      %parallel_loop3A_102 = arith.index_cast %parallel_loop3A_101 : i32 to index
      %parallel_loop3A_103 = arith.index_cast %parallel_loop3A_100 : i32 to index
      %parallel_loop3A_104 = tpu.vector_load %arg11[%parallel_loop3A_102, %parallel_loop3A_103] {strides = array<i32>} : memref<16x640xf32, #tpu.memory_space<vmem>>, vector<16xf32>,
      %parallel_loop3A_105 = arith.addf %parallel_loop3A_98, %parallel_loop3A_104 : vector<16xf32>
      %parallel_loop3A_106 = arith.constant 16 : i32
      %parallel_loop3A_107 = arith.muli %parallel_loop3A_64, %parallel_loop3A_106 : i32
      %parallel_loop3A_108 = arith.constant 6 : i32
      %parallel_loop3A_109 = arith.index_cast %parallel_loop3A_108 : i32 to index
      %parallel_loop3A_110 = arith.index_cast %parallel_loop3A_107 : i32 to index
      %parallel_loop3A_111 = tpu.vector_load %arg11[%parallel_loop3A_109, %parallel_loop3A_110] {strides = array<i32>} : memref<16x640xf32, #tpu.memory_space<vmem>>, vector<16xf32>,
      %parallel_loop3A_112 = arith.addf %parallel_loop3A_105, %parallel_loop3A_111 : vector<16xf32>
      %parallel_loop3A_113 = arith.constant 16 : i32
      %parallel_loop3A_114 = arith.muli %parallel_loop3A_64, %parallel_loop3A_113 : i32
      %parallel_loop3A_115 = arith.constant 7 : i32
      %parallel_loop3A_116 = arith.index_cast %parallel_loop3A_115 : i32 to index
      %parallel_loop3A_117 = arith.index_cast %parallel_loop3A_114 : i32 to index
      %parallel_loop3A_118 = tpu.vector_load %arg11[%parallel_loop3A_116, %parallel_loop3A_117] {strides = array<i32>} : memref<16x640xf32, #tpu.memory_space<vmem>>, vector<16xf32>,
      %parallel_loop3A_119 = arith.addf %parallel_loop3A_112, %parallel_loop3A_118 : vector<16xf32>
      %parallel_loop3A_120 = arith.constant 16 : i32
      %parallel_loop3A_121 = arith.muli %parallel_loop3A_64, %parallel_loop3A_120 : i32
      %parallel_loop3A_122 = arith.constant 8 : i32
      %parallel_loop3A_123 = arith.index_cast %parallel_loop3A_122 : i32 to index
      %parallel_loop3A_124 = arith.index_cast %parallel_loop3A_121 : i32 to index
      %parallel_loop3A_125 = tpu.vector_load %arg11[%parallel_loop3A_123, %parallel_loop3A_124] {strides = array<i32>} : memref<16x640xf32, #tpu.memory_space<vmem>>, vector<16xf32>,
      %parallel_loop3A_126 = arith.addf %parallel_loop3A_119, %parallel_loop3A_125 : vector<16xf32>
      %parallel_loop3A_127 = arith.constant 16 : i32
      %parallel_loop3A_128 = arith.muli %parallel_loop3A_64, %parallel_loop3A_127 : i32
      %parallel_loop3A_129 = arith.constant 9 : i32
      %parallel_loop3A_130 = arith.index_cast %parallel_loop3A_129 : i32 to index
      %parallel_loop3A_131 = arith.index_cast %parallel_loop3A_128 : i32 to index
      %parallel_loop3A_132 = tpu.vector_load %arg11[%parallel_loop3A_130, %parallel_loop3A_131] {strides = array<i32>} : memref<16x640xf32, #tpu.memory_space<vmem>>, vector<16xf32>,
      %parallel_loop3A_133 = arith.addf %parallel_loop3A_126, %parallel_loop3A_132 : vector<16xf32>
      %parallel_loop3A_134 = arith.constant 16 : i32
      %parallel_loop3A_135 = arith.muli %parallel_loop3A_64, %parallel_loop3A_134 : i32
      %parallel_loop3A_136 = arith.constant 10 : i32
      %parallel_loop3A_137 = arith.index_cast %parallel_loop3A_136 : i32 to index
      %parallel_loop3A_138 = arith.index_cast %parallel_loop3A_135 : i32 to index
      %parallel_loop3A_139 = tpu.vector_load %arg11[%parallel_loop3A_137, %parallel_loop3A_138] {strides = array<i32>} : memref<16x640xf32, #tpu.memory_space<vmem>>, vector<16xf32>,
      %parallel_loop3A_140 = arith.addf %parallel_loop3A_133, %parallel_loop3A_139 : vector<16xf32>
      %parallel_loop3A_141 = arith.constant 16 : i32
      %parallel_loop3A_142 = arith.muli %parallel_loop3A_64, %parallel_loop3A_141 : i32
      %parallel_loop3A_143 = arith.constant 11 : i32
      %parallel_loop3A_144 = arith.index_cast %parallel_loop3A_143 : i32 to index
      %parallel_loop3A_145 = arith.index_cast %parallel_loop3A_142 : i32 to index
      %parallel_loop3A_146 = tpu.vector_load %arg11[%parallel_loop3A_144, %parallel_loop3A_145] {strides = array<i32>} : memref<16x640xf32, #tpu.memory_space<vmem>>, vector<16xf32>,
      %parallel_loop3A_147 = arith.addf %parallel_loop3A_140, %parallel_loop3A_146 : vector<16xf32>
      %parallel_loop3A_148 = arith.constant 16 : i32
      %parallel_loop3A_149 = arith.muli %parallel_loop3A_64, %parallel_loop3A_148 : i32
      %parallel_loop3A_150 = arith.constant 12 : i32
      %parallel_loop3A_151 = arith.index_cast %parallel_loop3A_150 : i32 to index
      %parallel_loop3A_152 = arith.index_cast %parallel_loop3A_149 : i32 to index
      %parallel_loop3A_153 = tpu.vector_load %arg11[%parallel_loop3A_151, %parallel_loop3A_152] {strides = array<i32>} : memref<16x640xf32, #tpu.memory_space<vmem>>, vector<16xf32>,
      %parallel_loop3A_154 = arith.addf %parallel_loop3A_147, %parallel_loop3A_153 : vector<16xf32>
      %parallel_loop3A_155 = arith.constant 16 : i32
      %parallel_loop3A_156 = arith.muli %parallel_loop3A_64, %parallel_loop3A_155 : i32
      %parallel_loop3A_157 = arith.constant 13 : i32
      %parallel_loop3A_158 = arith.index_cast %parallel_loop3A_157 : i32 to index
      %parallel_loop3A_159 = arith.index_cast %parallel_loop3A_156 : i32 to index
      %parallel_loop3A_160 = tpu.vector_load %arg11[%parallel_loop3A_158, %parallel_loop3A_159] {strides = array<i32>} : memref<16x640xf32, #tpu.memory_space<vmem>>, vector<16xf32>,
      %parallel_loop3A_161 = arith.addf %parallel_loop3A_154, %parallel_loop3A_160 : vector<16xf32>
      %parallel_loop3A_162 = arith.constant 16 : i32
      %parallel_loop3A_163 = arith.muli %parallel_loop3A_64, %parallel_loop3A_162 : i32
      %parallel_loop3A_164 = arith.constant 14 : i32
      %parallel_loop3A_165 = arith.index_cast %parallel_loop3A_164 : i32 to index
      %parallel_loop3A_166 = arith.index_cast %parallel_loop3A_163 : i32 to index
      %parallel_loop3A_167 = tpu.vector_load %arg11[%parallel_loop3A_165, %parallel_loop3A_166] {strides = array<i32>} : memref<16x640xf32, #tpu.memory_space<vmem>>, vector<16xf32>,
      %parallel_loop3A_168 = arith.addf %parallel_loop3A_161, %parallel_loop3A_167 : vector<16xf32>
      %parallel_loop3A_169 = arith.constant 16 : i32
      %parallel_loop3A_170 = arith.muli %parallel_loop3A_64, %parallel_loop3A_169 : i32
      %parallel_loop3A_171 = arith.constant 15 : i32
      %parallel_loop3A_172 = arith.index_cast %parallel_loop3A_171 : i32 to index
      %parallel_loop3A_173 = arith.index_cast %parallel_loop3A_170 : i32 to index
      %parallel_loop3A_174 = tpu.vector_load %arg11[%parallel_loop3A_172, %parallel_loop3A_173] {strides = array<i32>} : memref<16x640xf32, #tpu.memory_space<vmem>>, vector<16xf32>,
      %parallel_loop3A_175 = arith.addf %parallel_loop3A_168, %parallel_loop3A_174 : vector<16xf32>
      %parallel_loop3A_176 = arith.constant 16 : i32
      %parallel_loop3A_177 = arith.muli %parallel_loop3A_64, %parallel_loop3A_176 : i32
      %parallel_loop3A_178 = arith.index_cast %parallel_loop3A_177 : i32 to index
      %parallel_loop3A_179 = tpu.vector_load %arg10[%parallel_loop3A_178] {strides = array<i32>} : memref<640xf32, #tpu.memory_space<vmem>>, vector<16xf32>,
      tpu.vector_store %arg10[%parallel_loop3A_178], %parallel_loop3A_175 {strides = array<i32>} : memref<640xf32, #tpu.memory_space<vmem>>, vector<16xf32>,
    } {sc.loop_unroll_factor = 2 : i64, sc.parallel_access}
    %parallel_loop3A_61 = arith.constant 0 : i32
    %parallel_loop3A_62 = arith.constant 40 : i32
    %parallel_loop3A_63 = arith.constant 1 : i32
    scf.for %parallel_loop3A_64 = %parallel_loop3A_61 to %parallel_loop3A_62 step %parallel_loop3A_63  : i32 {
      %parallel_loop3A_65 = arith.constant 16 : i32
      %parallel_loop3A_66 = arith.muli %parallel_loop3A_64, %parallel_loop3A_65 : i32
      %parallel_loop3A_67 = arith.index_cast %parallel_loop3A_66 : i32 to index
      %parallel_loop3A_68 = tpu.vector_load %arg12[%parallel_loop3A_67] {strides = array<i32>} : memref<640xf32, #tpu.memory_space<vmem>>, vector<16xf32>,
      %parallel_loop3A_69 = arith.constant 16 : i32
      %parallel_loop3A_70 = arith.muli %parallel_loop3A_64, %parallel_loop3A_69 : i32
      %parallel_loop3A_71 = arith.index_cast %parallel_loop3A_70 : i32 to index
      %parallel_loop3A_72 = tpu.vector_load %arg10[%parallel_loop3A_71] {strides = array<i32>} : memref<640xf32, #tpu.memory_space<vmem>>, vector<16xf32>,
      %parallel_loop3A_73 = arith.constant 16 : i32
      %parallel_loop3A_74 = arith.muli %parallel_loop3A_64, %parallel_loop3A_73 : i32
      %parallel_loop3A_75 = arith.index_cast %parallel_loop3A_74 : i32 to index
      %parallel_loop3A_76 = tpu.vector_load %arg13[%parallel_loop3A_75] {strides = array<i32>} : memref<640xf32, #tpu.memory_space<vmem>>, vector<16xf32>,
      %parallel_loop3A_77 = arith.addf %parallel_loop3A_72, %parallel_loop3A_76 : vector<16xf32>
      %parallel_loop3A_78 = arith.mulf %parallel_loop3A_68, %parallel_loop3A_77 : vector<16xf32>
      %parallel_loop3A_79 = arith.constant 16 : i32
      %parallel_loop3A_80 = arith.muli %parallel_loop3A_64, %parallel_loop3A_79 : i32
      %parallel_loop3A_81 = arith.index_cast %parallel_loop3A_80 : i32 to index
      %parallel_loop3A_82 = tpu.vector_load %arg14[%parallel_loop3A_81] {strides = array<i32>} : memref<640xf32, #tpu.memory_space<vmem>>, vector<16xf32>,
      tpu.vector_store %arg14[%parallel_loop3A_81], %parallel_loop3A_78 {strides = array<i32>} : memref<640xf32, #tpu.memory_space<vmem>>, vector<16xf32>,
    } {sc.loop_unroll_factor = 1 : i64, sc.parallel_access}
    "tpu.region"() ({
      %run_scoped3A = tpu.sem_alloc : memref<!tpu.dma_semaphore, #tpu.memory_space<semaphore_mem>>
      %dma_start3A_64 = tpu.memref_slice %arg5[%mul3A_2] : memref<10240xf32, #tpu.memory_space<hbm>> -> memref<640xf32, #tpu.memory_space<hbm>>
      %dma_start3A_65 = tpu.memref_slice %arg5[%mul3A_2] : memref<10240xf32, #tpu.memory_space<hbm>> -> memref<640xf32, #tpu.memory_space<hbm>>
      tpu.enqueue_dma source(%arg14 : memref<640xf32, #tpu.memory_space<vmem>>) target(%dma_start3A_65 : memref<640xf32, #tpu.memory_space<hbm>>) target_semaphore(%run_scoped3A : memref<!tpu.dma_semaphore, #tpu.memory_space<semaphore_mem>>)
      %dma_wait3A_66 = tpu.memref_slice %arg5[%mul3A_2] : memref<10240xf32, #tpu.memory_space<hbm>> -> memref<640xf32, #tpu.memory_space<hbm>>
      %dma_wait3A_67 = tpu.memref_slice %arg5[%mul3A_2] : memref<10240xf32, #tpu.memory_space<hbm>> -> memref<640xf32, #tpu.memory_space<hbm>>
      tpu.wait_dma2 semaphore(%run_scoped3A : memref<!tpu.dma_semaphore, #tpu.memory_space<semaphore_mem>>) src(%arg14 : memref<640xf32, #tpu.memory_space<vmem>>) dst(%dma_wait3A_67 : memref<640xf32, #tpu.memory_space<hbm>>)
      tpu.yield
    }) : () -> ()
    return
  }
}

module attributes {stable_mosaic.version = 14 : i64} {
  func.func @_tc_b_body(%arg0: memref<10000x128xf32, #tpu.memory_space<vmem>>, %arg1: memref<10240x1xf32, #tpu.memory_space<vmem>>, %arg2: memref<10240x1xf32, #tpu.memory_space<vmem>>, %arg3: memref<128x128xf32, #tpu.memory_space<vmem>>, %arg4: memref<128x128xf32, #tpu.memory_space<vmem>>, %arg5: memref<128x128xf32, #tpu.memory_space<vmem>>, %arg6: memref<1x128xf32, #tpu.memory_space<vmem>>, %arg7: memref<1x128xf32, #tpu.memory_space<vmem>>, %arg8: memref<10240x1xf32, #tpu.memory_space<vmem>>, %arg9: memref<1x128xf32, #tpu.memory_space<vmem>>) attributes {dimension_semantics = [], scalar_prefetch = 0 : i64, scratch_operands = 0 : i64, tpu.core_type = #tpu.core_type<tc>} {
    %get3A = arith.constant 0 : index
    %get3A_0 = arith.constant 0 : index
    %get3A_1 = vector.load %arg0[%get3A, %get3A_0] : memref<10000x128xf32, #tpu.memory_space<vmem>>, vector<10000x128xf32>
    %get3A_2 = arith.constant 0 : index
    %get3A_3 = arith.constant 0 : index
    %get3A_4 = vector.load %arg1[%get3A_2, %get3A_3] : memref<10240x1xf32, #tpu.memory_space<vmem>>, vector<10000x1xf32>
    %get3A_5 = arith.constant 0 : index
    %get3A_6 = arith.constant 0 : index
    %get3A_7 = vector.load %arg2[%get3A_5, %get3A_6] : memref<10240x1xf32, #tpu.memory_space<vmem>>, vector<10000x1xf32>
    %reduce_sum3A = vector.shape_cast %get3A_7 : vector<10000x1xf32> to vector<1x10000x1xf32>
    %reduce_sum3A_8 = arith.constant dense<0.000000e+00> : vector<1xf32>
    %reduce_sum3A_9 = vector.multi_reduction <add>, %reduce_sum3A, %reduce_sum3A_8 [1, 2] : vector<1x10000x1xf32> to vector<1xf32>
    %reduce_sum3A_10 = vector.shape_cast %reduce_sum3A_9 : vector<1xf32> to vector<1x1x1xf32>
    %reduce_sum3A_11 = vector.extract %reduce_sum3A_10[0, 0, 0] : f32 from vector<1x1x1xf32>
    %dot_general3A = arith.constant dense<0.000000e+00> : vector<1x128xf32>
    %dot_general3A_12 = tpu.matmul %get3A_4, %get3A_1, %dot_general3A {dimension_numbers = #tpu.dot_dimension_numbers<[0], [0], [1], [1], [0, 1, 1, 1], [], []>, transpose_lhs_hint = false} : vector<10000x1xf32>, vector<10000x128xf32>, vector<1x128xf32> -> vector<1x128xf32>
    %get3A_13 = arith.constant 0 : index
    %get3A_14 = arith.constant 0 : index
    %get3A_15 = vector.load %arg3[%get3A_13, %get3A_14] : memref<128x128xf32, #tpu.memory_space<vmem>>, vector<128x128xf32>
    %dot_general3A_16 = arith.constant dense<0.000000e+00> : vector<1x128xf32>
    %dot_general3A_17 = tpu.matmul %dot_general3A_12, %get3A_15, %dot_general3A_16 {dimension_numbers = #tpu.dot_dimension_numbers<[1], [1], [0], [0], [0, 0, 1, 0], [], []>, transpose_lhs_hint = false} : vector<1x128xf32>, vector<128x128xf32>, vector<1x128xf32> -> vector<1x128xf32>
    %mul3A = arith.constant 9.99999974E-5 : f32
    %mul3A_18 = vector.broadcast %mul3A : f32 to vector<1x128xf32>
    %mul3A_19 = arith.mulf %dot_general3A_17, %mul3A_18 : vector<1x128xf32>
    %div3A = arith.constant 1.000000e+04 : f32
    %div3A_20 = arith.divf %reduce_sum3A_11, %div3A : f32
    %get3A_21 = arith.constant 0 : index
    %get3A_22 = arith.constant 0 : index
    %get3A_23 = vector.load %arg6[%get3A_21, %get3A_22] : memref<1x128xf32, #tpu.memory_space<vmem>>, vector<1x128xf32>
    %mul3A_24 = vector.broadcast %div3A_20 : f32 to vector<1x128xf32>
    %mul3A_25 = arith.mulf %mul3A_24, %get3A_23 : vector<1x128xf32>
    %add3A = arith.addf %mul3A_19, %mul3A_25 : vector<1x128xf32>
    %get3A_26 = arith.constant 0 : index
    %get3A_27 = arith.constant 0 : index
    %get3A_28 = vector.load %arg4[%get3A_26, %get3A_27] : memref<128x128xf32, #tpu.memory_space<vmem>>, vector<128x128xf32>
    %dot_general3A_29 = arith.constant dense<0.000000e+00> : vector<1x128xf32>
    %dot_general3A_30 = tpu.matmul %add3A, %get3A_28, %dot_general3A_29 {dimension_numbers = #tpu.dot_dimension_numbers<[1], [1], [0], [0], [0, 0, 1, 0], [], []>, transpose_lhs_hint = false} : vector<1x128xf32>, vector<128x128xf32>, vector<1x128xf32> -> vector<1x128xf32>
    %get3A_31 = arith.constant 0 : index
    %get3A_32 = arith.constant 0 : index
    %get3A_33 = vector.load %arg7[%get3A_31, %get3A_32] : memref<1x128xf32, #tpu.memory_space<vmem>>, vector<1x128xf32>
    %add3A_34 = arith.addf %dot_general3A_30, %get3A_33 : vector<1x128xf32>
    %logistic3A = arith.negf %add3A_34 : vector<1x128xf32>
    %logistic3A_35 = math.exp %logistic3A : vector<1x128xf32>
    %logistic3A_36 = arith.constant 1.000000e+00 : f32
    %logistic3A_37 = vector.broadcast %logistic3A_36 : f32 to vector<1x128xf32>
    %logistic3A_38 = arith.addf %logistic3A_37, %logistic3A_35 : vector<1x128xf32>
    %logistic3A_39 = arith.divf %logistic3A_37, %logistic3A_38 : vector<1x128xf32>
    %get3A_40 = arith.constant 0 : index
    %get3A_41 = arith.constant 0 : index
    %get3A_42 = vector.load %arg5[%get3A_40, %get3A_41] : memref<128x128xf32, #tpu.memory_space<vmem>>, vector<128x128xf32>
    %dot_general3A_43 = arith.constant dense<0.000000e+00> : vector<1x128xf32>
    %dot_general3A_44 = tpu.matmul %logistic3A_39, %get3A_42, %dot_general3A_43 {dimension_numbers = #tpu.dot_dimension_numbers<[1], [0], [0], [1], [0, 0, 1, 1], [], []>, transpose_lhs_hint = false} : vector<1x128xf32>, vector<128x128xf32>, vector<1x128xf32> -> vector<1x128xf32>
    %get3A_45 = arith.constant 0 : index
    %get3A_46 = arith.constant 0 : index
    %get3A_47 = vector.load %arg4[%get3A_45, %get3A_46] : memref<128x128xf32, #tpu.memory_space<vmem>>, vector<128x128xf32>
    %dot_general3A_48 = arith.constant dense<0.000000e+00> : vector<1x128xf32>
    %dot_general3A_49 = tpu.matmul %dot_general3A_44, %get3A_47, %dot_general3A_48 {dimension_numbers = #tpu.dot_dimension_numbers<[1], [0], [0], [1], [0, 0, 1, 1], [], []>, transpose_lhs_hint = false} : vector<1x128xf32>, vector<128x128xf32>, vector<1x128xf32> -> vector<1x128xf32>
    %get3A_50 = arith.constant 0 : index
    %get3A_51 = arith.constant 0 : index
    %get3A_52 = vector.load %arg3[%get3A_50, %get3A_51] : memref<128x128xf32, #tpu.memory_space<vmem>>, vector<128x128xf32>
    %dot_general3A_53 = arith.constant dense<0.000000e+00> : vector<1x128xf32>
    %dot_general3A_54 = tpu.matmul %dot_general3A_49, %get3A_52, %dot_general3A_53 {dimension_numbers = #tpu.dot_dimension_numbers<[1], [0], [0], [1], [0, 0, 1, 1], [], []>, transpose_lhs_hint = false} : vector<1x128xf32>, vector<128x128xf32>, vector<1x128xf32> -> vector<1x128xf32>
    %dot_general3A_55 = arith.constant dense<0.000000e+00> : vector<10000x1xf32>
    %dot_general3A_56 = tpu.matmul %get3A_1, %dot_general3A_54, %dot_general3A_55 {dimension_numbers = #tpu.dot_dimension_numbers<[1], [1], [0], [0], [0, 0, 1, 0], [], []>, transpose_lhs_hint = false} : vector<10000x128xf32>, vector<1x128xf32>, vector<10000x1xf32> -> vector<10000x1xf32>
    %swap3A = arith.constant 0 : index
    %swap3A_57 = arith.constant 0 : index
    %swap3A_58 = vector.load %arg8[%swap3A, %swap3A_57] : memref<10240x1xf32, #tpu.memory_space<vmem>>, vector<10000x1xf32>
    tpu.vector_store %arg8[%swap3A, %swap3A_57], %dot_general3A_56 {strides = array<i32>} : memref<10240x1xf32, #tpu.memory_space<vmem>>, vector<10000x1xf32>,
    %broadcast_in_dim3A = arith.constant 0.000000e+00 : f32
    %broadcast_in_dim3A_59 = vector.broadcast %broadcast_in_dim3A : f32 to vector<240x1xf32>
    %swap3A_60 = arith.constant 10000 : index
    %swap3A_61 = arith.constant 0 : index
    %swap3A_62 = vector.load %arg8[%swap3A_60, %swap3A_61] : memref<10240x1xf32, #tpu.memory_space<vmem>>, vector<240x1xf32>
    tpu.vector_store %arg8[%swap3A_60, %swap3A_61], %broadcast_in_dim3A_59 {strides = array<i32>} : memref<10240x1xf32, #tpu.memory_space<vmem>>, vector<240x1xf32>,
    %get3A_63 = arith.constant 0 : index
    %get3A_64 = arith.constant 0 : index
    %get3A_65 = vector.load %arg6[%get3A_63, %get3A_64] : memref<1x128xf32, #tpu.memory_space<vmem>>, vector<1x128xf32>
    %mul3A_66 = arith.mulf %get3A_65, %dot_general3A_49 : vector<1x128xf32>
    %reduce_sum3A_67 = vector.shape_cast %mul3A_66 : vector<1x128xf32> to vector<1x1x128xf32>
    %reduce_sum3A_68 = arith.constant dense<0.000000e+00> : vector<1xf32>
    %reduce_sum3A_69 = vector.multi_reduction <add>, %reduce_sum3A_67, %reduce_sum3A_68 [1, 2] : vector<1x1x128xf32> to vector<1xf32>
    %reduce_sum3A_70 = vector.shape_cast %reduce_sum3A_69 : vector<1xf32> to vector<1x1x1xf32>
    %reduce_sum3A_71 = vector.extract %reduce_sum3A_70[0, 0, 0] : f32 from vector<1x1x1xf32>
    %get3A_72 = arith.constant 0 : index
    %get3A_73 = arith.constant 0 : index
    %get3A_74 = vector.load %arg7[%get3A_72, %get3A_73] : memref<1x128xf32, #tpu.memory_space<vmem>>, vector<1x128xf32>
    %mul3A_75 = arith.mulf %get3A_74, %dot_general3A_44 : vector<1x128xf32>
    %reduce_sum3A_76 = vector.shape_cast %mul3A_75 : vector<1x128xf32> to vector<1x1x128xf32>
    %reduce_sum3A_77 = arith.constant dense<0.000000e+00> : vector<1xf32>
    %reduce_sum3A_78 = vector.multi_reduction <add>, %reduce_sum3A_76, %reduce_sum3A_77 [1, 2] : vector<1x1x128xf32> to vector<1xf32>
    %reduce_sum3A_79 = vector.shape_cast %reduce_sum3A_78 : vector<1xf32> to vector<1x1x1xf32>
    %reduce_sum3A_80 = vector.extract %reduce_sum3A_79[0, 0, 0] : f32 from vector<1x1x1xf32>
    %iota3A = tpu.iota {dimensions = array<i32: 1>} : vector<1x128xi32>
    %eq3A = arith.constant 0 : i32
    %eq3A_81 = vector.broadcast %eq3A : i32 to vector<1x128xi32>
    %eq3A_82 = arith.cmpi eq, %iota3A, %eq3A_81 : vector<1x128xi32>
    %jit3A = arith.constant 0.000000e+00 : f32
    %broadcast_in_dim3A_83 = vector.broadcast %reduce_sum3A_71 : f32 to vector<1x128xf32>
    %broadcast_in_dim3A_84 = vector.broadcast %jit3A : f32 to vector<1x128xf32>
    %select_n3A = arith.select %eq3A_82, %broadcast_in_dim3A_83, %broadcast_in_dim3A_84 : vector<1x128xi1>, vector<1x128xf32>
    %eq3A_85 = arith.constant 1 : i32
    %eq3A_86 = vector.broadcast %eq3A_85 : i32 to vector<1x128xi32>
    %eq3A_87 = arith.cmpi eq, %iota3A, %eq3A_86 : vector<1x128xi32>
    %jit3A_88 = arith.constant 0.000000e+00 : f32
    %broadcast_in_dim3A_89 = vector.broadcast %reduce_sum3A_80 : f32 to vector<1x128xf32>
    %broadcast_in_dim3A_90 = vector.broadcast %jit3A_88 : f32 to vector<1x128xf32>
    %select_n3A_91 = arith.select %eq3A_87, %broadcast_in_dim3A_89, %broadcast_in_dim3A_90 : vector<1x128xi1>, vector<1x128xf32>
    %add3A_92 = arith.addf %select_n3A, %select_n3A_91 : vector<1x128xf32>
    %swap3A_93 = arith.constant 0 : index
    %swap3A_94 = arith.constant 0 : index
    %swap3A_95 = vector.load %arg9[%swap3A_93, %swap3A_94] : memref<1x128xf32, #tpu.memory_space<vmem>>, vector<1x128xf32>
    tpu.vector_store %arg9[%swap3A_93, %swap3A_94], %add3A_92 {strides = array<i32>} : memref<1x128xf32, #tpu.memory_space<vmem>>, vector<1x128xf32>,
    return
  }
}

</mosaic_0001>

<sc_bundles>
// kernel: kernel.5.cloned.1.call-start
scs
__scs_entry_jumppad:
0x0: {  	(pc) =	sbr.rel $0x88, $3  }
0x1: {  	(tag) =	ssettag $0x0;
	lr =	simm.s32 $0x1  }
0x2: {  	[smem:$0x3F99] =	sst lr;
	_ =	strace $0xD0000000  }
0x3: {  	_ = 	snop  }
0x4: {  	_ = 	snop  }
0x5: {  	_ = 	snop  }
0x6: {  	_ = 	snop  }
0x7: {  	_ = 	snop  }
__scs_overlays_trampoline_lowered:
0x8: {  	[smem:$0x3FA8] =	sst s0  }
0x9: {  	[smem:$0x3FA9] =	sst s1  }
0xa: {  	[smem:$0x3FAA] =	sst s2  }
0xb: {  	[smem:$0x3FAB] =	sst s3  }
0xc: {  	[smem:$0x3FAC] =	sst s4  }
0xd: {  	[smem:$0x3FAD] =	sst s5  }
0xe: {  	[smem:$0x3FAE] =	sst s6  }
0xf: {  	[smem:$0x3FAF] =	sst s7  }
0x10: {  	[smem:$0x3FB0] =	sst s8  }
0x11: {  	[smem:$0x3FB1] =	sst s9;
	s0 =	simm.s32 @!p0 $0x0  }
0x12: {  	s1 =	sld [smem:$0x3F97];
	s0 =	simm.s32 @p0 $0x1  }
0x13: {  	[smem:$0x3FB2] =	sst s0;
	s0 =	simm.s32 @!p1 $0x0  }
0x14: {  	s2 =	sld [smem:$0x3F96];
	s0 =	simm.s32 @p1 $0x1  }
0x15: {  	[smem:$0x3FB3] =	sst s0;
	s0 =	simm.s32 @!p2 $0x0  }
0x16: {  	s3 =	sld [smem:$0x3FDB];
	s0 =	simm.s32 @p2 $0x1  }
0x17: {  	s4 =	simm.s32 $0x1BF5;
	[smem:$0x3FB5] =	sst s0  }
0x18: {  	s0 =	sld [smem:$0x3F98];
	_ =	swait.ge [sflag:s4], $0x0  }
0x19: {  	s7 =	sld [smem:$0x3F99]  }
0x1a: {  	s8 =	sadd.s32 $0xFFFFE003, lr  }
0x1b: {  	s9 =	sadd.s32 $0xFFFFFEF7, lr;
	s5 =	simm.s32 $0xFFFFFFFF;
	p2 =	slt.u32 s8, $0xFFFFF086  }
0x1c: {  	p1 =	slt.u32 s9, $0xF7A;
	s5 =	simm.s32 @!p2 $0x0  }
0x1d: {  	s5 =	simm.s32 @p1 $0x1;
	p0 =	seq.s32 s7, s2  }
0x1e: {  	s7 =	smul.u32 @!p0 $0xF7A, s2;
	p2 =	seq.s32 @!p0 s5, $0x0  }
0x1f: {  	s9 =	smul.u32 $0xF7A, s1;
	s8 =	simm.s32 @!p0 $0x1BF5;
	p2 =	por !p2, p0  }
0x20: {  	[sflag:s8] =	ssyncset.s32 @!p0 $0xFFFFF086;
	s6 =	sadd.s32 @!p0 s3, s7;
	s7 =	simm.s32 @!p0 $0x108  }
0x21: {  	s3 =	sadd.s32 s3, s9;
	s6 =	sadd.s32 @!p0 $0x88, s6;
	s7 =	simm.s32 @p2 $0x1082  }
0x22: {  	[simem:s7], [sflag:s8] =	dma.local @!p0 [hbm:s6], $0xF7A  }
0x23: {  	s9 =	sor.u32 $0xD0000000, s2;
	s6 =	simm.s32 $0x108;
	_ =	swait.ge @!p0 [sflag:s8], $0x0  }
0x24: {  	s3 =	sadd.s32 $0x88, s3;
	s6 =	simm.s32 @!p1 $0x1082;
	[sflag:s4] =	ssyncset.s32 $0xFFFFF086  }
0x25: {  	[simem:s6], [sflag:s4] =	dma.local [hbm:s3], $0xF7A  }
0x26: {  	[smem:$0x3F99] =	sst s1;
	(tag) =	ssettag s2;
	_ =	strace s9  }
0x27: {  	s1 =	sld [smem:$0x3FA9]  }
0x28: {  	s2 =	sld [smem:$0x3FAA]  }
0x29: {  	s4 =	sld [smem:$0x3FAC]  }
0x2a: {  	p0 =	seq.s32 s5, $0x0;
	s5 =	sld [smem:$0x3FAD]  }
0x2b: {  	s6 =	sld [smem:$0x3FAE]  }
0x2c: {  	s7 =	sld [smem:$0x3FAF]  }
0x2d: {  	s3 =	simm.s32 $0x108;
	s8 =	sld [smem:$0x3FB0]  }
0x2e: {  	s3 =	simm.s32 @!p0 $0x1082;
	s9 =	sld [smem:$0x3FB1]  }
0x2f: {  	lr =	sadd.s32 s0, s3;
	s0 =	sld [smem:$0x3FA8]  }
0x30: {  	s3 =	sld [smem:$0x3FAB]  }
0x31: {  	[smem:$0x3FB4] =	sst s10  }
0x32: {  	s10 =	sld [smem:$0x3FB2];
	_ =	sdelay $0x3  }
0x33: {  	p0 =	seq.s32 s10, $0x1;
	s10 =	sld [smem:$0x3FB4];
	_ =	sdelay $0x3  }
0x34: {  	[smem:$0x3FB4] =	sst s10  }
0x35: {  	s10 =	sld [smem:$0x3FB3];
	_ =	sdelay $0x3  }
0x36: {  	p1 =	seq.s32 s10, $0x1;
	s10 =	sld [smem:$0x3FB4];
	_ =	sdelay $0x3  }
0x37: {  	[smem:$0x3FB4] =	sst s10  }
0x38: {  	s10 =	sld [smem:$0x3FB5]  }
0x39: {  	_ = 	snop;
	(pc) =	sbr.ind lr, $3  }
0x3a: {  	_ = 	snop  }
0x3b: {  	_ = 	snop  }
0x3c: {  	p2 =	seq.s32 s10, $0x1;
	s10 =	sld [smem:$0x3FB4]  }
0x3d: {  	_ =	shalt  }
0x3e: {  	_ =	shalt  }
0x3f: {  	_ =	shalt  }
0x40: {  	_ =	shalt  }
0x41: {  	_ =	shalt  }
0x42: {  	_ =	shalt  }
0x43: {  	_ =	shalt  }
0x44: {  	_ =	shalt  }
0x45: {  	_ =	shalt  }
0x46: {  	_ =	shalt  }
0x47: {  	_ =	shalt  }
0x48: {  	_ =	shalt  }
0x49: {  	_ =	shalt  }
0x4a: {  	_ =	shalt  }
0x4b: {  	_ =	shalt  }
0x4c: {  	_ =	shalt  }
0x4d: {  	_ =	shalt  }
0x4e: {  	_ =	shalt  }
0x4f: {  	_ =	shalt  }
0x50: {  	_ =	shalt  }
0x51: {  	_ =	shalt  }
0x52: {  	_ =	shalt  }
0x53: {  	_ =	shalt  }
0x54: {  	_ =	shalt  }
0x55: {  	_ =	shalt  }
0x56: {  	_ =	shalt  }
0x57: {  	_ =	shalt  }
0x58: {  	_ =	shalt  }
0x59: {  	_ =	shalt  }
0x5a: {  	_ =	shalt  }
0x5b: {  	_ =	shalt  }
0x5c: {  	_ =	shalt  }
0x5d: {  	_ =	shalt  }
0x5e: {  	_ =	shalt  }
0x5f: {  	_ =	shalt  }
0x60: {  	_ =	shalt  }
0x61: {  	_ =	shalt  }
0x62: {  	_ =	shalt  }
0x63: {  	_ =	shalt  }
0x64: {  	_ =	shalt  }
0x65: {  	_ =	shalt  }
0x66: {  	_ =	shalt  }
0x67: {  	_ =	shalt  }
0x68: {  	_ =	shalt  }
0x69: {  	_ =	shalt  }
0x6a: {  	_ =	shalt  }
0x6b: {  	_ =	shalt  }
0x6c: {  	_ =	shalt  }
0x6d: {  	_ =	shalt  }
0x6e: {  	_ =	shalt  }
0x6f: {  	_ =	shalt  }
0x70: {  	_ =	shalt  }
0x71: {  	_ =	shalt  }
0x72: {  	_ =	shalt  }
0x73: {  	_ =	shalt  }
0x74: {  	_ =	shalt  }
0x75: {  	_ =	shalt  }
0x76: {  	_ =	shalt  }
0x77: {  	_ =	shalt  }
0x78: {  	_ =	shalt  }
0x79: {  	_ =	shalt  }
0x7a: {  	_ =	shalt  }
0x7b: {  	_ =	shalt  }
0x7c: {  	_ =	shalt  }
0x7d: {  	_ =	shalt  }
0x7e: {  	_ =	shalt  }
0x7f: {  	_ =	shalt  }
0x80: {  	_ =	shalt  }
0x81: {  	_ =	shalt  }
0x82: {  	_ =	shalt  }
0x83: {  	_ =	shalt  }
0x84: {  	_ =	shalt  }
0x85: {  	_ =	shalt  }
0x86: {  	_ =	shalt  }
0x87: {  	_ =	shalt  }
.Lfunc_end0:
.L_simem_size_0:
called_computation_lowered:
.L_overlay_start_0:
0x88: {  	s0 =	sld [smem:$0x3FD9]  }
0x89: {  	s1 =	sld [smem:$0x3FFE];
	_ =	sdelay $0x3  }
0x8a: {  	s0 =	sadd.s32 s1, s0  }
0x8b: {  	[smem:$0x3FC0] =	sst s0  }
0x8c: {  	_ = 	snop  }
0x8d: {  	(tm) =	ssettm $0x1  }
0x8e: {  	s15 =	sld [smem:$0x3FFB];
	_ =	sdelay $0x3  }
0x8f: {  	_ =	strace s15  }
0x90: {  	s0 =	sld [smem:$0x3FFC];
	_ =	sdelay $0x3  }
0x91: {  	_ =	strace s0  }
0x92: {  	s0 =	sld [smem:$0x3FFD];
	_ =	sdelay $0x3  }
0x93: {  	_ =	strace s0  }
0x94: {  	_ =	strace $0x8FFFFFFF  }
0x95: {  	s16 =	sld [smem:$0x3FDB];
	_ =	sdelay $0x1  }
0x96: {  	s17 =	simm.s32 $_scs_section_size  }
0x97: {  	s2 =	simm.s32 $_size__tile_overlayer_lowered;
	s3 =	simm.s32 $_tile_overlayer_lowered  }
0x98: {  	s20 =	simm.s32 $0x1BFF;
	s19 =	sshll.u32 s3, $0x1;
	s0 =	sadd.s32 s17, s16  }
0x99: {  	s4 =	simm.s32 $0x0;
	s18 =	sshll.u32 s2, $0x1;
	s2 =	sadd.s32 s19, s0  }
0x9a: {  	[timem:s4], [sflag:s20] =	dma.local [hbm:s2], s18  }
0x9b: {  	_ =	swait.ge [sflag:s20], s18  }
0x9c: {  	s1 =	ssub.s32 $0x0, s18;
	[sflag:s20] =	ssyncset.done $0x0  }
0x9d: {  	[sflag:s20] =	ssyncadd.s32 s1;
	_ =	sdelay $0x1  }
0x9e: {  	s21 =	simm.s32 $0x1B8B  }
0x9f: {  	_ =	swait.ge [sflag:s21], $0x1  }
0xa0: {  	[sflag:s21] =	ssyncset.done $0x0  }
0xa1: {  	s23 =	simm.s32 $0x1B8E;
	s22 =	sld [smem:$0x3FFE];
	[sflag:s21] =	ssyncadd.s32 $0xFFFFFFFF  }
0xa2: {  	s24 =	simm.s32 $execute0_lowered;
	[smem:$0x3FD2] =	sst s23  }
0xa3: {  	s2 =	sshll.u32 s24, $0x1;
	_ =	strace $0x80000046;
	[dreg:$0x1] =	wrdreg $0xFFFFFFFF  }
0xa4: {  	s25 =	simm.s32 $_size_execute0_lowered;
	s0 =	sadd.s32 s0, s2;
	[dreg:$0x0] =	wrdreg $0x0  }
0xa5: {  	s2 =	sshll.u32 s25, $0x1;
	[dreg:$0x2] =	wrdreg s0  }
0xa6: {  	[dreg:$0x3] =	wrdreg s2  }
0xa7: {  	[dreg:$0x4] =	wrdreg $0xC0  }
0xa8: {  	_ =	task [dreg:s4], $0x5FFFF  }
0xa9: {  	[dreg:$0x1] =	wrdreg $0xFFFFFFFF  }
0xaa: {  	[dreg:$0x0] =	wrdreg $0x60  }
0xab: {  	[dreg:$0x2] =	wrdreg s22  }
0xac: {  	[dreg:$0x3] =	wrdreg $0x11F000  }
0xad: {  	[dreg:$0x4] =	wrdreg $0x147000  }
0xae: {  	[dreg:$0x5] =	wrdreg $0x9  }
0xaf: {  	_ =	task.clear_ibuf [dreg:s4], $0x6FFFF;
	_ =	strace $0x90000046  }
0xb0: {  	s26 =	simm.s32 $0x9;
	_ =	strace $0x80000048  }
0xb1: {  	_ =	swait.ge [sflag:s26], $0x1  }
0xb2: {  	[sflag:s26] =	ssyncadd.s32 $0xFFFFFFFF  }
0xb3: {  	_ =	strace $0x90000048  }
0xb4: {  	_ =	sfence  }
0xb5: {  	s28 =	sld [smem:$0x0];
	_ =	sdelay $0x1  }
0xb6: {  	s29 =	srdreg.scid  }
0xb7: {  	s30 =	sshll.u32 s29, $0xD;
	s31 =	sshrl.u32 s29, $0x2  }
0xb8: {  	s1 =	sand.u32 $0x1, s29;
	s2 =	sand.u32 $0x4000, s30;
	s0 =	sadd.s32 s31, s28  }
0xb9: {  	s1 =	sor.u32 s2, s1;
	s0 =	sshll.u32 s0, $0x11  }
0xba: {  	s0 =	sor.u32 s0, s1  }
0xbb: {  	s0 =	sadd.s32 $0x8F2B, s0  }
0xbc: {  	[sflag:s0] =	ssyncadd.remote.s32 $0x1  }
0xbd: {  	_ =	sfence.sel $0xFFFF  }
0xbe: {  	[dreg:$0x0] =	wrdreg $0xFFFFFFFF;
	(pc) =	sbr.abs _section_cstart, $3  }
0xbf: {  	[dreg:$0x1] =	wrdreg $0xFFFFFFFF  }
0xc0: {  	_ =	task.clear_ibuf [dreg:s4], $0x2FFFF;
	_ =	strace $0x9FFFFFFF  }
0xc1: {  	(tm) =	ssettm $0x7FFFFFFF  }
tec
execute0_lowered:
.L_overlay_start_1:
0x0: {  	(tag) =	ssettag $0x1  }
0x1: {  	s0 =	stileid.u32  }
0x2: {  	s2 =	rddreg [dreg:$0x0];
	s3 =	smul.u32 $0x4E20, s0  }
0x3: {  	s4 =	rddreg [dreg:$0x1]  }
0x4: {  	s5 =	rddreg [dreg:$0x2];
	s6 =	simm.s32 $0x0;
	s3 =	sshrl.u32 s3, $0x3  }
0x5: {  	[smem:$0x7FF] =	sst s6;
	s3 =	sadd.s32 s3, s2  }
0x6: {  	s1 =	rddreg [dreg:$0x3];
	_ =	strace $0x80000047;
	s7 =	sadd.s32 $0x2000, s3  }
0x7: {  	[tilespmem:s6], [sflag:$0x1] =	stream.linear.gather [hbm4b:s7+s6], $0x4E20, $0x38;
	[tilespmem:$0x14980] =	vst v63  }
0x8: {  	s31 =	simm.s32 $0x4E80;
	s3 =	sadd.s32 $0xBC40, s3  }
0x9: {  	[tilespmem:s31], [sflag:$0x2] =	stream.linear.gather [hbm4b:s3+s6], $0x4E20, $0x38;
	[tilespmem:$0x14980] =	vst v63  }
0xa: {  	v0 =	vimm.f32 $0.0e+00;
	s3 =	simm.s32 $0xC540  }
0xb: {  	[tilespmem:s3+$0xFFFFFFC0] =	vst v0  }
0xc: {  	[tilespmem:s3+$0x30] =	vst v0  }
0xd: {  	[tilespmem:s3+$0x20] =	vst v0  }
0xe: {  	[tilespmem:s3+$0x10] =	vst v0  }
0xf: {  	[tilespmem:s3+$0x0] =	vst v0  }
0x10: {  	s8 =	sadd.s32 $0x16600, s2;
	[tilespmem:s3+$0xFFFFFFF0] =	vst v0  }
0x11: {  	s7 =	simm.s32 $0x0;
	s6 =	sadd.s32 $0x15A00, s2;
	s2 =	sadd.s32 $0x16000, s2;
	[tilespmem:s3+$0xFFFFFFE0] =	vst v0  }
.LBB2_1:
0x12: {  	s7 =	sadd.s32 $0x8, s7;
	[tilespmem:s3+$0xFFFFFFD0] =	vst v0;
	s3 =	sadd.s32 $0x80, s3  }
0x13: {  	[tilespmem:s3+$0xFFFFFFC0] =	vst v0;
	p0 =	slt.u32 s7, $0x278  }
0x14: {  	[tilespmem:s3+$0x30] =	vst v0  }
.Ltmp0:
0x15: {  	[tilespmem:s3+$0x20] =	vst v0;
	(pc) =	sbr.rel @p0 .LBB2_1-.Ltmp0, $4  }
0x16: {  	[tilespmem:s3+$0x10] =	vst v0  }
0x17: {  	[tilespmem:s3+$0x0] =	vst v0  }
0x18: {  	[tilespmem:s3+$0xFFFFFFF0] =	vst v0  }
0x19: {  	[tilespmem:s3+$0xFFFFFFE0] =	vst v0  }
0x1a: {  	[tilespmem:s3+$0xFFFFFFD0] =	vst v0;
	s30 =	simm.s32 $0x1  }
0x1b: {  	_ =	swait.ge [sflag:s30], $0x4E20  }
0x1c: {  	[sflag:s30] =	ssyncset.done $0x0  }
0x1d: {  	s31 =	simm.s32 $0x2;
	[sflag:s30] =	ssyncadd.s32 $0xFFFFB1E0  }
0x1e: {  	_ =	swait.ge [sflag:s31], $0x4E20  }
0x1f: {  	[sflag:s31] =	ssyncset.done $0x0  }
0x20: {  	s3 =	simm.s32 $0x4EC0;
	[sflag:s31] =	ssyncadd.s32 $0xFFFFB1E0  }
0x21: {  	v2 =	vld [tilespmem:s3+$0xFFFFFFC0]  }
0x22: {  	v3 =	vld [tilespmem:s3+$0x30]  }
0x23: {  	v4 =	vld [tilespmem:s3+$0x20]  }
0x24: {  	v5 =	vld [tilespmem:s3+$0x10]  }
0x25: {  	v6 =	vld [tilespmem:s3+$0x0]  }
0x26: {  	v7 =	vld [tilespmem:s3+$0xFFFFFFF0]  }
0x27: {  	v8 =	vld [tilespmem:s3+$0xFFFFFFE0]  }
0x28: {  	v0 =	vimm.f32 $1.000000000e+00;
	s7 =	simm.s32 $0xC500;
	v1 =	vld [tilespmem:s3+$0xFFFFFFD0]  }
0x29: {  	[tilespmem:v2+s7+$0x0] =	vst.idx.add.f32.msk $0xffff, v0  }
0x2a: {  	[tilespmem:v3+s7+$0x0] =	vst.idx.add.f32.msk $0xffff, v0  }
0x2b: {  	[tilespmem:v4+s7+$0x0] =	vst.idx.add.f32.msk $0xffff, v0  }
0x2c: {  	[tilespmem:v5+s7+$0x0] =	vst.idx.add.f32.msk $0xffff, v0  }
0x2d: {  	[tilespmem:v6+s7+$0x0] =	vst.idx.add.f32.msk $0xffff, v0  }
0x2e: {  	[tilespmem:v7+s7+$0x0] =	vst.idx.add.f32.msk $0xffff, v0  }
0x2f: {  	s9 =	simm.s32 $0x0;
	[tilespmem:v8+s7+$0x0] =	vst.idx.add.f32.msk $0xffff, v0  }
.LBB2_3:
0x30: {  	s9 =	sadd.s32 $0x8, s9;
	[tilespmem:v1+s7+$0x0] =	vst.idx.add.f32.msk $0xffff, v0;
	s3 =	sadd.s32 $0x80, s3  }
0x31: {  	v2 =	vld [tilespmem:s3+$0xFFFFFFC0];
	p0 =	slt.u32 s9, $0x4D8  }
0x32: {  	v3 =	vld [tilespmem:s3+$0x30]  }
0x33: {  	v4 =	vld [tilespmem:s3+$0x20]  }
0x34: {  	v5 =	vld [tilespmem:s3+$0x10]  }
0x35: {  	v6 =	vld [tilespmem:s3+$0x0]  }
0x36: {  	v7 =	vld [tilespmem:s3+$0xFFFFFFF0]  }
0x37: {  	v8 =	vld [tilespmem:s3+$0xFFFFFFE0]  }
0x38: {  	v1 =	vld [tilespmem:s3+$0xFFFFFFD0]  }
0x39: {  	[tilespmem:v2+s7+$0x0] =	vst.idx.add.f32.msk $0xffff, v0  }
0x3a: {  	[tilespmem:v3+s7+$0x0] =	vst.idx.add.f32.msk $0xffff, v0  }
.Ltmp1:
0x3b: {  	[tilespmem:v4+s7+$0x0] =	vst.idx.add.f32.msk $0xffff, v0;
	(pc) =	sbr.rel @p0 .LBB2_3-.Ltmp1, $4  }
0x3c: {  	[tilespmem:v5+s7+$0x0] =	vst.idx.add.f32.msk $0xffff, v0  }
0x3d: {  	[tilespmem:v6+s7+$0x0] =	vst.idx.add.f32.msk $0xffff, v0  }
0x3e: {  	[tilespmem:v7+s7+$0x0] =	vst.idx.add.f32.msk $0xffff, v0  }
0x3f: {  	[tilespmem:v8+s7+$0x0] =	vst.idx.add.f32.msk $0xffff, v0  }
0x40: {  	_ =	sdelay $0x3  }
0x41: {  	[tilespmem:v1+s7+$0x0] =	vst.idx.add.f32.msk $0xffff, v0;
	s3 =	simm.s32 $0x0;
	v0 =	vimm.f32 $1.000000000e+00;
	s7 =	simm.s32 $0xC500  }
.LBB2_5:
0x42: {  	s9 =	sshra.s32 s3, $0x2  }
0x43: {  	v1 =	vld [tilespmem:s9+$0x9C80];
	_ =	sdelay $0x2  }
0x44: {  	p0 =	sne.s32 s3, $0x40  }
.Ltmp2:
0x45: {  	_ = 	snop;
	(pc) =	sbr.rel @p0 .LBB2_5-.Ltmp2, $2  }
0x46: {  	_ =	sdelay $0x2  }
0x47: {  	s3 =	sadd.s32 $0x40, s3;
	[tilespmem:v1+s7+$0x0] =	vst.idx.add.f32.msk $0xffff, v0  }
0x48: {  	s3 =	sshrl.u32 s0, $0x3  }
0x49: {  	s3 =	smul.u32 $0x50000, s3;
	_ =	sdelay $0x1  }
0x4a: {  	s7 =	sshll.u32 s0, $0x7;
	s14 =	simm.s32 $0x80;
	s3 =	sshrl.u32 s3, $0x2  }
0x4b: {  	s9 =	simm.s32 $0x400;
	s7 =	sand.u32 $0x380, s7;
	s3 =	sadd.s32 s3, s4  }
0x4c: {  	s10 =	simm.s32 $0xC500;
	s15 =	simm.s32 $0x3;
	s3 =	sadd.s32 s7, s3  }
0x4d: {  	[spmem:s3] =	stream.strided.scatter [tilespmem:s10], [sflag:$0x3], $0x2800, s9, s14, $0x38;
	[tilespmem:$0x14980] =	vst v63  }
0x4e: {  	s16 =	smul.u32 $0x5000, s0;
	_ =	swait.ge [sflag:s15], $0x2800  }
0x4f: {  	s17 =	simm.s32 $0x1400;
	s18 =	simm.s32 $0x14000;
	[sflag:s15] =	ssyncset.done $0x0  }
0x50: {  	s11 =	simm.s32 $0xEF80;
	s9 =	sshrl.u32 s16, $0x2;
	[sflag:s15] =	ssyncadd.s32 $0xFFFFD800  }
0x51: {  	s13 =	simm.s32 $0x0;
	s4 =	sadd.s32 s9, s4;
	[bflag:$0x0] =	sbarrier.arrive $0xFFFF  }
0x52: {  	[tilespmem:s11], [sflag:$0x3] =	stream.strided.gather [spmem:s4], $0x2800, s18, s17, $0x38;
	[tilespmem:$0x14980] =	vst v63  }
0x53: {  	s10 =	sand.u32 $0x1C00, s13;
	s9 =	sand.u32 $0x60, s13;
	_ =	swait.ge [sflag:s15], $0x2800  }
0x54: {  	s19 =	sadd.s32 $0xEF80, s10;
	s12 =	sor.u32 $0x10, s9;
	[sflag:s15] =	ssyncset.done $0x0  }
0x55: {  	s20 =	sor.u32 s12, s19;
	[sflag:s15] =	ssyncadd.s32 $0xFFFFD800  }
0x56: {  	v0 =	vld [tilespmem:s20+$0x0]  }
0x57: {  	s11 =	sor.u32 s9, s19;
	v1 =	vld [tilespmem:s20+$0x80]  }
0x58: {  	v2 =	vld [tilespmem:s11+$0x0]  }
0x59: {  	v3 =	vld [tilespmem:s20+$0x100]  }
0x5a: {  	v4 =	vld [tilespmem:s11+$0x80]  }
0x5b: {  	v5 =	vld [tilespmem:s20+$0x180]  }
0x5c: {  	v6 =	vld [tilespmem:s11+$0x100]  }
0x5d: {  	v7 =	vld [tilespmem:s20+$0x200]  }
0x5e: {  	v8 =	vld [tilespmem:s11+$0x180]  }
0x5f: {  	v9 =	vld [tilespmem:s20+$0x280]  }
0x60: {  	v10 =	vld [tilespmem:s11+$0x200]  }
0x61: {  	v11 =	vld [tilespmem:s20+$0x300]  }
0x62: {  	v12 =	vld [tilespmem:s11+$0x280]  }
0x63: {  	s14 =	sor.u32 $0x10380, s10;
	v13 =	vld [tilespmem:s20+$0x380]  }
0x64: {  	s21 =	sor.u32 s12, s14;
	v14 =	vld [tilespmem:s11+$0x300]  }
0x65: {  	v15 =	vld [tilespmem:s21+$0x0]  }
0x66: {  	s24 =	sadd.s32 $0x10480, s10;
	s23 =	sor.u32 s9, s14;
	v16 =	vld [tilespmem:s11+$0x380]  }
0x67: {  	s28 =	sadd.s32 $0x10500, s10;
	s25 =	sor.u32 s12, s24;
	v18 =	vld [tilespmem:s23+$0x0]  }
0x68: {  	s29 =	sor.u32 s12, s28;
	v19 =	vld [tilespmem:s25+$0x0]  }
0x69: {  	s16 =	sadd.s32 $0x10600, s10;
	s30 =	sor.u32 s9, s24;
	v21 =	vld [tilespmem:s29+$0x0]  }
0x6a: {  	s31 =	sadd.s32 $0x10580, s10;
	s17 =	sor.u32 s12, s16;
	v22 =	vld [tilespmem:s30+$0x0]  }
0x6b: {  	s18 =	sor.u32 s9, s31;
	s15 =	sadd.s32 $0x10400, s10;
	v25 =	vld [tilespmem:s17+$0x0]  }
0x6c: {  	s22 =	sor.u32 s12, s15;
	v26 =	vld [tilespmem:s18+$0x0]  }
0x6d: {  	s26 =	sor.u32 s9, s15;
	v17 =	vld [tilespmem:s22+$0x0]  }
0x6e: {  	s7 =	simm.s32 $0x20;
	s19 =	sadd.s32 $0x10680, s10;
	s11 =	sor.u32 s12, s31;
	v20 =	vld [tilespmem:s26+$0x0]  }
0x6f: {  	s15 =	sor.u32 s9, s28;
	s21 =	sor.u32 s9, s16;
	s16 =	simm.s32 $0x100;
	v23 =	vld [tilespmem:s11+$0x0]  }
0x70: {  	s20 =	sor.u32 s12, s19;
	s17 =	sor.u32 s9, s19;
	v24 =	vld [tilespmem:s15+$0x0];
	s14 =	sand.u32 $0x1C00, s16  }
0x71: {  	s22 =	sadd.s32 $0x10700, s10;
	v27 =	vld [tilespmem:s20+$0x0];
	s10 =	sand.u32 $0x60, s7;
	s25 =	sadd.s32 $0xEF80, s14  }
0x72: {  	v28 =	vld [tilespmem:s21+$0x0];
	s24 =	sor.u32 s9, s22;
	s9 =	sor.u32 $0x10, s10;
	s28 =	sor.u32 s10, s25;
	v0 =	vadd.f32 v1, v0  }
0x73: {  	s26 =	sor.u32 s9, s25;
	v49 =	vld [tilespmem:s28+$0x80];
	v1 =	vadd.f32 v4, v2  }
0x74: {  	v50 =	vld [tilespmem:s26+$0x180];
	v0 =	vadd.f32 v3, v0  }
0x75: {  	v51 =	vld [tilespmem:s26+$0x200];
	v1 =	vadd.f32 v6, v1  }
0x76: {  	v6 =	vld [tilespmem:s26+$0x0];
	v0 =	vadd.f32 v5, v0  }
0x77: {  	v1 =	vadd.f32 v8, v1;
	v5 =	vld [tilespmem:s26+$0x80]  }
0x78: {  	v52 =	vld [tilespmem:s26+$0x280];
	v0 =	vadd.f32 v7, v0  }
0x79: {  	v1 =	vadd.f32 v10, v1;
	v7 =	vld [tilespmem:s26+$0x100]  }
0x7a: {  	v8 =	vld [tilespmem:s28+$0x0];
	v0 =	vadd.f32 v9, v0  }
0x7b: {  	v53 =	vld [tilespmem:s28+$0x200];
	v1 =	vadd.f32 v12, v1  }
0x7c: {  	v5 =	vadd.f32 v5, v6;
	v6 =	vld [tilespmem:s28+$0x100];
	v0 =	vadd.f32 v11, v0  }
0x7d: {  	v54 =	vld [tilespmem:s26+$0x300];
	v1 =	vadd.f32 v14, v1  }
0x7e: {  	s29 =	sor.u32 $0x10380, s14;
	v5 =	vadd.f32 v7, v5;
	v7 =	vld [tilespmem:s28+$0x180];
	v0 =	vadd.f32 v13, v0  }
0x7f: {  	s30 =	sor.u32 s9, s29;
	v55 =	vld [tilespmem:s26+$0x380];
	v8 =	vadd.f32 v49, v8;
	v1 =	vadd.f32 v16, v1  }
0x80: {  	v56 =	vld [tilespmem:s30+$0x0];
	v5 =	vadd.f32 v50, v5;
	v0 =	vadd.f32 v15, v0  }
0x81: {  	s31 =	sadd.s32 $0x10400, s14;
	v57 =	vld [tilespmem:s28+$0x380];
	v1 =	vadd.f32 v18, v1;
	v6 =	vadd.f32 v6, v8  }
0x82: {  	s16 =	sor.u32 s9, s31;
	v8 =	vld [tilespmem:s28+$0x280];
	v5 =	vadd.f32 v51, v5;
	v0 =	vadd.f32 v17, v0  }
0x83: {  	s18 =	sadd.s32 $0x10480, s14;
	v58 =	vld [tilespmem:s16+$0x0];
	v1 =	vadd.f32 v20, v1;
	v6 =	vadd.f32 v7, v6  }
0x84: {  	s19 =	sor.u32 s9, s18;
	v7 =	vld [tilespmem:s28+$0x300];
	v5 =	vadd.f32 v52, v5;
	v0 =	vadd.f32 v19, v0  }
0x85: {  	s23 =	sor.u32 s12, s22;
	v59 =	vld [tilespmem:s19+$0x0];
	v1 =	vadd.f32 v22, v1;
	v6 =	vadd.f32 v53, v6  }
0x86: {  	v2 =	vld [tilespmem:s23+$0x0];
	v5 =	vadd.f32 v54, v5;
	v0 =	vadd.f32 v21, v0  }
0x87: {  	s15 =	sor.u32 s10, s29;
	v4 =	vld [tilespmem:s17+$0x0];
	v1 =	vadd.f32 v24, v1;
	v6 =	vadd.f32 v8, v6  }
0x88: {  	v8 =	vld [tilespmem:s15+$0x0];
	v5 =	vadd.f32 v55, v5;
	v0 =	vadd.f32 v23, v0  }
0x89: {  	s21 =	sadd.s32 $0x10500, s14;
	s20 =	sor.u32 s10, s31;
	v3 =	vld [tilespmem:s24+$0x0];
	v1 =	vadd.f32 v26, v1;
	v6 =	vadd.f32 v7, v6  }
0x8a: {  	s22 =	sor.u32 s9, s21;
	v7 =	vld [tilespmem:s20+$0x0];
	v5 =	vadd.f32 v56, v5;
	v0 =	vadd.f32 v25, v0  }
0x8b: {  	v60 =	vld [tilespmem:s22+$0x0];
	s23 =	sor.u32 s10, s18;
	s24 =	sadd.s32 $0x10580, s14;
	v1 =	vadd.f32 v28, v1;
	v6 =	vadd.f32 v57, v6  }
0x8c: {  	v61 =	vld [tilespmem:s23+$0x0];
	s25 =	sor.u32 s9, s24;
	v5 =	vadd.f32 v58, v5;
	v62 =	vadd.f32 v27, v0  }
0x8d: {  	v63 =	vld [tilespmem:s25+$0x0];
	s26 =	sor.u32 s10, s21;
	s28 =	sadd.s32 $0x10600, s14;
	v1 =	vadd.f32 v4, v1;
	v4 =	vadd.f32 v8, v6  }
0x8e: {  	s11 =	simm.s32 $0xED00;
	s29 =	sor.u32 s9, s28;
	v0 =	vld [tilespmem:s26+$0x0];
	v5 =	vadd.f32 v59, v5;
	v6 =	vadd.f32 v2, v62  }
0x8f: {  	s19 =	sadd.s32 $0x10680, s14;
	s18 =	sand.u32 $0x380, s13;
	s16 =	sor.u32 s10, s24;
	v8 =	vadd.f32 v3, v1;
	v1 =	vld [tilespmem:s29+$0x0];
	v4 =	vadd.f32 v7, v4  }
0x90: {  	s30 =	sor.u32 s9, s19;
	s17 =	sadd.s32 $0x10700, s14;
	s12 =	sor.u32 s12, s18;
	v2 =	vld [tilespmem:s16+$0x0];
	v5 =	vadd.f32 v60, v5  }
0x91: {  	s13 =	simm.s32 $0x2;
	s18 =	sor.u32 s9, s17;
	s31 =	sor.u32 s10, s28;
	v3 =	vld [tilespmem:s30+$0x0];
	[tilespmem:s12+$0xED00] =	vst v6;
	v6 =	vadd.f32 v61, v4  }
0x92: {  	s14 =	simm.s32 $0x40;
	s16 =	sor.u32 s10, s19;
	[tilespmem:s11+$0x0] =	vst v8;
	v4 =	vld [tilespmem:s31+$0x0];
	s12 =	simm.s32 $0x200;
	v5 =	vadd.f32 v63, v5  }
.LBB2_7:
0x93: {  	s15 =	sand.u32 $0x1C00, s12;
	v0 =	vadd.f32 v0, v6;
	s17 =	sor.u32 s10, s17;
	s10 =	sand.u32 $0x60, s14;
	v6 =	vld [tilespmem:s18+$0x0]  }
0x94: {  	s13 =	sadd.s32 $0x2, s13;
	s18 =	sadd.s32 $0xEF80, s15;
	s19 =	sor.u32 $0x10, s10;
	v7 =	vld [tilespmem:s16+$0x0];
	v1 =	vadd.f32 v1, v5  }
0x95: {  	p0 =	slt.u32 s13, $0x26;
	s16 =	sor.u32 s10, s18;
	s18 =	sor.u32 s19, s18;
	v0 =	vadd.f32 v2, v0;
	v2 =	vld [tilespmem:s17+$0x0]  }
0x96: {  	v5 =	vld [tilespmem:s18+$0x0];
	v1 =	vadd.f32 v3, v1  }
0x97: {  	v3 =	vld [tilespmem:s18+$0x80];
	v0 =	vadd.f32 v4, v0  }
0x98: {  	s17 =	sand.u32 $0x380, s7;
	s7 =	smov.u32 s14;
	v4 =	vld [tilespmem:s16+$0x0];
	v1 =	vadd.f32 v6, v1  }
0x99: {  	s17 =	sor.u32 s9, s17;
	s9 =	smov.u32 s19;
	v6 =	vld [tilespmem:s18+$0x100];
	v0 =	vadd.f32 v7, v0  }
0x9a: {  	v7 =	vld [tilespmem:s16+$0x80];
	[tilespmem:s17+$0xED00] =	vst v1  }
0x9b: {  	v1 =	vld [tilespmem:s18+$0x180];
	v0 =	vadd.f32 v2, v0  }
0x9c: {  	s11 =	sadd.s32 $0x20, s11;
	v2 =	vld [tilespmem:s16+$0x100];
	v3 =	vadd.f32 v3, v5  }
0x9d: {  	v5 =	vld [tilespmem:s18+$0x200];
	[tilespmem:s11+$0x0] =	vst v0  }
0x9e: {  	v0 =	vld [tilespmem:s16+$0x180];
	v3 =	vadd.f32 v6, v3  }
0x9f: {  	v4 =	vadd.f32 v7, v4;
	v6 =	vld [tilespmem:s18+$0x280]  }
0xa0: {  	v7 =	vld [tilespmem:s16+$0x200];
	v1 =	vadd.f32 v1, v3  }
0xa1: {  	v2 =	vadd.f32 v2, v4;
	v3 =	vld [tilespmem:s18+$0x300]  }
0xa2: {  	v4 =	vld [tilespmem:s16+$0x280];
	v1 =	vadd.f32 v5, v1  }
0xa3: {  	s17 =	sor.u32 $0x10380, s15;
	v0 =	vadd.f32 v0, v2;
	v2 =	vld [tilespmem:s18+$0x380]  }
0xa4: {  	s18 =	sor.u32 s10, s17;
	s17 =	sor.u32 s9, s17;
	v5 =	vld [tilespmem:s16+$0x300];
	v1 =	vadd.f32 v6, v1  }
0xa5: {  	s19 =	sadd.s32 $0x10400, s15;
	v0 =	vadd.f32 v7, v0;
	v6 =	vld [tilespmem:s17+$0x0]  }
0xa6: {  	s17 =	sor.u32 s9, s19;
	v7 =	vld [tilespmem:s16+$0x380];
	s16 =	sor.u32 s10, s19;
	v1 =	vadd.f32 v3, v1  }
0xa7: {  	s19 =	sadd.s32 $0x10480, s15;
	v0 =	vadd.f32 v4, v0;
	v3 =	vld [tilespmem:s17+$0x0]  }
0xa8: {  	s17 =	sor.u32 s10, s19;
	v4 =	vld [tilespmem:s18+$0x0];
	v1 =	vadd.f32 v2, v1;
	s18 =	sor.u32 s9, s19  }
0xa9: {  	s19 =	sadd.s32 $0x10500, s15;
	v0 =	vadd.f32 v5, v0;
	v2 =	vld [tilespmem:s18+$0x0]  }
0xaa: {  	s18 =	sor.u32 s9, s19;
	v5 =	vld [tilespmem:s16+$0x0];
	s16 =	sor.u32 s10, s19;
	v1 =	vadd.f32 v6, v1  }
0xab: {  	s19 =	sadd.s32 $0x10580, s15;
	v0 =	vadd.f32 v7, v0;
	v6 =	vld [tilespmem:s18+$0x0]  }
0xac: {  	s18 =	sor.u32 s9, s19;
	v7 =	vld [tilespmem:s17+$0x0];
	s17 =	sor.u32 s10, s19;
	v1 =	vadd.f32 v3, v1  }
0xad: {  	s19 =	sadd.s32 $0x10600, s15;
	v3 =	vadd.f32 v4, v0;
	v8 =	vld [tilespmem:s18+$0x0]  }
.Ltmp3:
0xae: {  	s18 =	sor.u32 s10, s19;
	v0 =	vld [tilespmem:s16+$0x0];
	v4 =	vadd.f32 v2, v1;
	s16 =	sor.u32 s9, s19;
	(pc) =	sbr.rel @p0 .LBB2_7-.Ltmp3, $4  }
0xaf: {  	s19 =	sadd.s32 $0x10680, s15;
	v3 =	vadd.f32 v5, v3;
	v1 =	vld [tilespmem:s16+$0x0]  }
0xb0: {  	s16 =	sor.u32 s10, s19;
	s19 =	sor.u32 s9, s19;
	v2 =	vld [tilespmem:s17+$0x0];
	v5 =	vadd.f32 v6, v4  }
0xb1: {  	s17 =	sadd.s32 $0x10700, s15;
	v6 =	vadd.f32 v7, v3;
	v3 =	vld [tilespmem:s19+$0x0]  }
0xb2: {  	s12 =	sadd.s32 $0x100, s12;
	s14 =	sadd.s32 $0x20, s14;
	v4 =	vld [tilespmem:s18+$0x0];
	v5 =	vadd.f32 v8, v5;
	s18 =	sor.u32 s9, s17  }
0xb3: {  	v0 =	vadd.f32 v0, v6  }
0xb4: {  	v6 =	vld [tilespmem:s16+$0x0]  }
0xb5: {  	s10 =	sor.u32 s10, s17;
	v7 =	vld [tilespmem:s18+$0x0];
	v0 =	vadd.f32 v2, v0  }
0xb6: {  	v1 =	vadd.f32 v1, v5;
	v2 =	vld [tilespmem:s10+$0x0]  }
0xb7: {  	v0 =	vadd.f32 v4, v0  }
0xb8: {  	v1 =	vadd.f32 v3, v1  }
0xb9: {  	v0 =	vadd.f32 v6, v0  }
0xba: {  	s7 =	sand.u32 $0x380, s7;
	v1 =	vadd.f32 v7, v1  }
0xbb: {  	s7 =	sor.u32 s9, s7;
	v0 =	vadd.f32 v2, v0  }
0xbc: {  	s31 =	sadd.s32 $0x20, s11;
	[tilespmem:s7+$0xED00] =	vst v1  }
0xbd: {  	s9 =	simm.s32 $0x0;
	[tilespmem:s31+$0x0] =	vst v0  }
0xbe: {  	v0 =	vld [tilespmem:s9+$0xED00];
	_ =	sdelay $0x4  }
0xbf: {  	s7 =	simm.s32 $0x10;
	v0 =	vadd.f32 $1.000000000e+00, v0  }
0xc0: {  	v1 =	vld [tilespmem:s7+$0xED00]  }
0xc1: {  	v2 =	vshrl.u32 v0, $0x1;
	v3 =	vmul.f32 $5.000000000e-01, v0  }
0xc2: {  	v0 =	vsub.s32 $0x5F3759DF, v2  }
0xc3: {  	v2 =	vmul.f32 v0, v3  }
0xc4: {  	s10 =	simm.s32 $0x20  }
0xc5: {  	v4 =	vld [tilespmem:s10+$0xED00];
	v1 =	vadd.f32 $1.000000000e+00, v1;
	v2 =	vmul.f32 v0, v2;
	_ =	sdelay $0x1  }
0xc6: {  	v5 =	vshrl.u32 v1, $0x1;
	v7 =	vmul.f32 $5.000000000e-01, v1;
	v1 =	vsub.f32 $1.500000000e+00, v2  }
0xc7: {  	v2 =	vsub.s32 $0x5F3759DF, v5  }
0xc8: {  	v5 =	vmul.f32 v2, v7;
	v1 =	vmul.f32 v0, v1  }
0xc9: {  	s11 =	simm.s32 $0x30;
	v0 =	vadd.f32 $1.000000000e+00, v4  }
0xca: {  	v4 =	vld [tilespmem:s11+$0xED00];
	v5 =	vmul.f32 v2, v5;
	v6 =	vmul.f32 v1, v3  }
0xcb: {  	v8 =	vshrl.u32 v0, $0x1;
	v0 =	vmul.f32 $5.000000000e-01, v0  }
0xcc: {  	v5 =	vsub.f32 $1.500000000e+00, v5;
	v8 =	vsub.s32 $0x5F3759DF, v8;
	v6 =	vmul.f32 v6, v1  }
0xcd: {  	v9 =	vmul.f32 v8, v0  }
0xce: {  	v2 =	vmul.f32 v2, v5;
	v5 =	vsub.f32 $1.500000000e+00, v6  }
0xcf: {  	v4 =	vadd.f32 $1.000000000e+00, v4;
	v9 =	vmul.f32 v8, v9  }
0xd0: {  	s12 =	simm.s32 $0x40;
	v10 =	vmul.f32 v2, v7;
	v5 =	vmul.f32 v5, v1  }
0xd1: {  	v6 =	vld [tilespmem:s12+$0xED00];
	v11 =	vshrl.u32 v4, $0x1;
	v1 =	vmul.f32 $5.000000000e-01, v4;
	v4 =	vsub.f32 $1.500000000e+00, v9  }
0xd2: {  	v12 =	vsub.s32 $0x5F3759DF, v11;
	v9 =	vmul.f32 v10, v2;
	v3 =	vmul.f32 v5, v3  }
0xd3: {  	v10 =	vmul.f32 v12, v1;
	v4 =	vmul.f32 v8, v4  }
0xd4: {  	v8 =	vsub.f32 $1.500000000e+00, v9;
	v3 =	vmul.f32 v3, v5  }
0xd5: {  	v9 =	vmul.f32 v12, v10;
	v10 =	vmul.f32 v4, v0  }
0xd6: {  	s13 =	simm.s32 $0x50;
	v6 =	vadd.f32 $1.000000000e+00, v6;
	v2 =	vmul.f32 v8, v2  }
0xd7: {  	v13 =	vsub.f32 $1.500000000e+00, v3;
	v14 =	vsub.f32 $1.500000000e+00, v9;
	v9 =	vmul.f32 v10, v4;
	v10 =	vld [tilespmem:s13+$0xED00]  }
0xd8: {  	v11 =	vshrl.u32 v6, $0x1;
	v3 =	vmul.f32 $5.000000000e-01, v6  }
0xd9: {  	v6 =	vsub.s32 $0x5F3759DF, v11;
	v8 =	vmul.f32 v2, v7;
	v5 =	vmul.f32 v13, v5  }
0xda: {  	s14 =	simm.s32 $0x180;
	v11 =	vmul.f32 v6, v3;
	v7 =	vmul.f32 v12, v14  }
.LBB2_9:
0xdb: {  	s15 =	sshra.s32 s14, $0x2  }
0xdc: {  	v12 =	vadd.f32 $1.000000000e+00, v10;
	v9 =	vsub.f32 $1.500000000e+00, v9;
	v8 =	vmul.f32 v8, v2;
	[tilespmem:s9+$0x11780] =	vst v5;
	s9 =	smov.u32 s7;
	s7 =	smov.u32 s10;
	p0 =	sne.s32 s14, $0x9C0  }
.Ltmp4:
0xdd: {  	s10 =	smov.u32 s11;
	s11 =	smov.u32 s12;
	v10 =	vld [tilespmem:s15+$0xED00];
	v5 =	vmul.f32 v6, v11;
	v11 =	vmul.f32 v7, v1;
	(pc) =	sbr.rel @p0 .LBB2_9-.Ltmp4, $4  }
0xde: {  	s14 =	sadd.s32 $0x40, s14;
	s12 =	smov.u32 s13;
	v13 =	vshrl.u32 v12, $0x1;
	v14 =	vmul.f32 v9, v4;
	v15 =	vsub.f32 $1.500000000e+00, v8;
	v4 =	vmovc v7  }
0xdf: {  	s13 =	smov.u32 s15;
	v12 =	vmul.f32 $5.000000000e-01, v12;
	v7 =	vsub.f32 $1.500000000e+00, v5;
	v9 =	vmul.f32 v11, v4  }
0xe0: {  	v13 =	vsub.s32 $0x5F3759DF, v13;
	v8 =	vmul.f32 v14, v0;
	v5 =	vmul.f32 v15, v2;
	v2 =	vmovc v14;
	v0 =	vmovc v1  }
0xe1: {  	v11 =	vmul.f32 v13, v12;
	v1 =	vmovc v3;
	v3 =	vmovc v12;
	v7 =	vmul.f32 v6, v7;
	v6 =	vmov v13  }
0xe2: {  	v10 =	vadd.f32 $1.000000000e+00, v10;
	_ =	sdelay $0x1  }
0xe3: {  	v12 =	vshrl.u32 v10, $0x1;
	v10 =	vmul.f32 $5.000000000e-01, v10  }
0xe4: {  	v12 =	vsub.s32 $0x5F3759DF, v12  }
0xe5: {  	v13 =	vmul.f32 v12, v10  }
0xe6: {  	v11 =	vmul.f32 v6, v11  }
0xe7: {  	v13 =	vmul.f32 v12, v13  }
0xe8: {  	v11 =	vsub.f32 $1.500000000e+00, v11  }
0xe9: {  	v13 =	vsub.f32 $1.500000000e+00, v13  }
0xea: {  	v56 =	vmul.f32 v6, v11  }
0xeb: {  	v57 =	vmul.f32 v7, v1;
	v12 =	vmul.f32 v12, v13  }
0xec: {  	v58 =	vmul.f32 v56, v3  }
0xed: {  	v11 =	vmul.f32 v57, v7;
	v14 =	vmul.f32 v12, v10  }
0xee: {  	v9 =	vsub.f32 $1.500000000e+00, v9;
	v13 =	vmul.f32 v58, v56  }
0xef: {  	v11 =	vsub.f32 $1.500000000e+00, v11;
	v14 =	vmul.f32 v14, v12  }
0xf0: {  	v4 =	vmul.f32 v9, v4;
	v59 =	vsub.f32 $1.500000000e+00, v13  }
0xf1: {  	v8 =	vmul.f32 v8, v2;
	v60 =	vmul.f32 v11, v7;
	v61 =	vsub.f32 $1.500000000e+00, v14  }
0xf2: {  	v0 =	vmul.f32 v4, v0;
	v6 =	vmul.f32 v59, v56  }
0xf3: {  	v1 =	vmul.f32 v60, v1;
	v62 =	vmul.f32 v61, v12  }
0xf4: {  	v0 =	vmul.f32 v0, v4;
	v3 =	vmul.f32 v6, v3  }
0xf5: {  	v8 =	vsub.f32 $1.500000000e+00, v8;
	v1 =	vmul.f32 v1, v60;
	v10 =	vmul.f32 v62, v10  }
0xf6: {  	v0 =	vsub.f32 $1.500000000e+00, v0;
	v3 =	vmul.f32 v3, v6  }
0xf7: {  	v2 =	vmul.f32 v8, v2;
	v1 =	vsub.f32 $1.500000000e+00, v1;
	v63 =	vmul.f32 v10, v62  }
0xf8: {  	[tilespmem:s9+$0x11780] =	vst v5;
	v0 =	vmul.f32 v0, v4;
	v3 =	vsub.f32 $1.500000000e+00, v3  }
0xf9: {  	[tilespmem:s7+$0x11780] =	vst v2;
	v1 =	vmul.f32 v1, v60;
	v2 =	vsub.f32 $1.500000000e+00, v63  }
0xfa: {  	[tilespmem:s10+$0x11780] =	vst v0;
	v0 =	vmul.f32 v3, v6  }
0xfb: {  	[tilespmem:s11+$0x11780] =	vst v1;
	v1 =	vmul.f32 v2, v62  }
0xfc: {  	s26 =	smul.u32 $0x280, s0;
	[tilespmem:s12+$0x11780] =	vst v0  }
0xfd: {  	s28 =	simm.s32 $0x11780;
	[tilespmem:s13+$0x11780] =	vst v1  }
0xfe: {  	s29 =	simm.s32 $0x3;
	s9 =	sadd.s32 s26, s5;
	[bflag:$0x0] =	sbarrier.arrive $0xFFFF  }
0xff: {  	[spmem:s9] =	stream.linear.scatter [tilespmem:s28], [sflag:$0x3], $0x280, $0x38;
	[tilespmem:$0x14980] =	vst v63  }
0x100: {  	_ =	swait.ge [sflag:s29], $0x280  }
0x101: {  	s7 =	sshrl.u32 s26, $0x3;
	[sflag:s29] =	ssyncset.done $0x0  }
0x102: {  	s30 =	simm.s32 $0x0;
	s8 =	sadd.s32 s8, s7;
	[sflag:s29] =	ssyncadd.s32 $0xFFFFFD80  }
0x103: {  	[hbm4b:s8+s30] =	stream.linear.scatter [tilespmem:s28], [sflag:$0x3], $0x280, $0x38;
	[tilespmem:$0x14980] =	vst v63  }
0x104: {  	_ =	swait.ge [sflag:s29], $0x280  }
0x105: {  	[sflag:s29] =	ssyncset.done $0x0  }
0x106: {  	[sflag:s29] =	ssyncadd.s32 $0xFFFFFD80  }
0x107: {  	s31 =	simm.s32 $0x9D00;
	[bflag:$0x0] =	sbarrier.arrive $0xFFFF  }
0x108: {  	[tilespmem:s31], [sflag:$0x3] =	stream.linear.gather [spmem:s5], $0x2800, $0x38;
	[tilespmem:$0x14980] =	vst v63  }
0x109: {  	_ =	swait.ge [sflag:s29], $0x2800  }
0x10a: {  	[sflag:s29] =	ssyncset.done $0x0  }
0x10b: {  	v0 =	vimm.f32 $0.0e+00;
	s8 =	simm.s32 $0xC540;
	[sflag:s29] =	ssyncadd.s32 $0xFFFFD800  }
0x10c: {  	[tilespmem:s8+$0xFFFFFFC0] =	vst v0  }
0x10d: {  	[tilespmem:s8+$0x30] =	vst v0  }
0x10e: {  	[tilespmem:s8+$0x20] =	vst v0  }
0x10f: {  	[tilespmem:s8+$0x10] =	vst v0  }
0x110: {  	[tilespmem:s8+$0x0] =	vst v0  }
0x111: {  	[tilespmem:s8+$0xFFFFFFF0] =	vst v0  }
0x112: {  	s10 =	simm.s32 $0x0;
	[tilespmem:s8+$0xFFFFFFE0] =	vst v0  }
.LBB2_11:
0x113: {  	s10 =	sadd.s32 $0x8, s10;
	[tilespmem:s8+$0xFFFFFFD0] =	vst v0;
	s8 =	sadd.s32 $0x80, s8  }
0x114: {  	[tilespmem:s8+$0xFFFFFFC0] =	vst v0;
	p0 =	slt.u32 s10, $0x278  }
0x115: {  	[tilespmem:s8+$0x30] =	vst v0  }
.Ltmp5:
0x116: {  	[tilespmem:s8+$0x20] =	vst v0;
	(pc) =	sbr.rel @p0 .LBB2_11-.Ltmp5, $4  }
0x117: {  	[tilespmem:s8+$0x10] =	vst v0  }
0x118: {  	[tilespmem:s8+$0x0] =	vst v0  }
0x119: {  	[tilespmem:s8+$0xFFFFFFF0] =	vst v0  }
0x11a: {  	[tilespmem:s8+$0xFFFFFFE0] =	vst v0  }
0x11b: {  	[tilespmem:s8+$0xFFFFFFD0] =	vst v0;
	s11 =	simm.s32 $0x4EC0  }
0x11c: {  	v0 =	vld [tilespmem:s11+$0x30]  }
0x11d: {  	v1 =	vld [tilespmem:s11+$0xFFFFFFC0]  }
0x11e: {  	v2 =	vld [tilespmem:s11+$0xFFFFFFD0]  }
0x11f: {  	v3 =	vld [tilespmem:s11+$0xFFFFFFE0]  }
0x120: {  	v4 =	vld [tilespmem:s11+$0xFFFFFFF0]  }
0x121: {  	s8 =	simm.s32 $0x40;
	v5 =	vld [tilespmem:s11+$0x0]  }
0x122: {  	v6 =	vld [tilespmem:s8+$0x30]  }
0x123: {  	v7 =	vld [tilespmem:s11+$0x10]  }
0x124: {  	v9 =	vld [tilespmem:s11+$0x20]  }
0x125: {  	v62 =	vld [tilespmem:s8+$0xFFFFFFD0]  }
0x126: {  	v63 =	vld [tilespmem:s8+$0xFFFFFFE0]  }
0x127: {  	v10 =	vld [tilespmem:s8+$0xFFFFFFF0]  }
0x128: {  	v11 =	vld [tilespmem:s8+$0x0]  }
0x129: {  	v12 =	vld [tilespmem:s8+$0x10]  }
0x12a: {  	s10 =	simm.s32 $0x9D00;
	v13 =	vld [tilespmem:s8+$0x20]  }
0x12b: {  	v8 =	vld.idx.msk [tilespmem:v0+s10+$0x0], $0xffff  }
0x12c: {  	v0 =	vld.idx.msk [tilespmem:v1+s10+$0x0], $0xffff  }
0x12d: {  	v2 =	vld.idx.msk [tilespmem:v2+s10+$0x0], $0xffff  }
0x12e: {  	v3 =	vld.idx.msk [tilespmem:v3+s10+$0x0], $0xffff  }
0x12f: {  	v4 =	vld.idx.msk [tilespmem:v4+s10+$0x0], $0xffff  }
0x130: {  	v5 =	vld.idx.msk [tilespmem:v5+s10+$0x0], $0xffff  }
0x131: {  	v61 =	vld.idx.msk [tilespmem:v7+s10+$0x0], $0xffff  }
0x132: {  	v9 =	vld.idx.msk [tilespmem:v9+s10+$0x0], $0xffff  }
0x133: {  	s11 =	simm.s32 $0xC500;
	v1 =	vld [tilespmem:s8+$0xFFFFFFC0]  }
0x134: {  	[tilespmem:v6+s11+$0x0] =	vst.idx.add.f32.msk $0xffff, v8  }
0x135: {  	[tilespmem:v62+s11+$0x0] =	vst.idx.add.f32.msk $0xffff, v2  }
0x136: {  	[tilespmem:v63+s11+$0x0] =	vst.idx.add.f32.msk $0xffff, v3  }
0x137: {  	[tilespmem:v10+s11+$0x0] =	vst.idx.add.f32.msk $0xffff, v4  }
0x138: {  	[tilespmem:v11+s11+$0x0] =	vst.idx.add.f32.msk $0xffff, v5  }
0x139: {  	[tilespmem:v12+s11+$0x0] =	vst.idx.add.f32.msk $0xffff, v61  }
0x13a: {  	s12 =	simm.s32 $0x0;
	s13 =	simm.s32 $0x4F40;
	[tilespmem:v13+s11+$0x0] =	vst.idx.add.f32.msk $0xffff, v9  }
.LBB2_13:
0x13b: {  	v2 =	vld [tilespmem:s13+$0x30];
	s12 =	sadd.s32 $0x8, s12  }
0x13c: {  	v3 =	vld [tilespmem:s13+$0xFFFFFFC0];
	p0 =	slt.u32 s12, $0x4D8  }
0x13d: {  	v4 =	vld [tilespmem:s13+$0xFFFFFFD0]  }
0x13e: {  	v5 =	vld [tilespmem:s13+$0xFFFFFFE0]  }
0x13f: {  	v6 =	vld [tilespmem:s13+$0xFFFFFFF0]  }
0x140: {  	s8 =	sadd.s32 $0x80, s8;
	v7 =	vld [tilespmem:s13+$0x0]  }
0x141: {  	v8 =	vld [tilespmem:s8+$0x30]  }
0x142: {  	v9 =	vld [tilespmem:s13+$0x10]  }
0x143: {  	v2 =	vld.idx.msk [tilespmem:v2+s10+$0x0], $0xffff  }
0x144: {  	v10 =	vld [tilespmem:s13+$0x20]  }
0x145: {  	v3 =	vld.idx.msk [tilespmem:v3+s10+$0x0], $0xffff  }
0x146: {  	v4 =	vld.idx.msk [tilespmem:v4+s10+$0x0], $0xffff  }
0x147: {  	v5 =	vld.idx.msk [tilespmem:v5+s10+$0x0], $0xffff  }
0x148: {  	v6 =	vld.idx.msk [tilespmem:v6+s10+$0x0], $0xffff  }
0x149: {  	[tilespmem:v8+s11+$0x0] =	vst.idx.add.f32.msk $0xffff, v2  }
0x14a: {  	v2 =	vld.idx.msk [tilespmem:v7+s10+$0x0], $0xffff  }
0x14b: {  	v7 =	vld.idx.msk [tilespmem:v9+s10+$0x0], $0xffff  }
0x14c: {  	v8 =	vld.idx.msk [tilespmem:v10+s10+$0x0], $0xffff  }
0x14d: {  	v9 =	vld [tilespmem:s8+$0xFFFFFFD0]  }
0x14e: {  	v10 =	vld [tilespmem:s8+$0xFFFFFFE0]  }
0x14f: {  	v11 =	vld [tilespmem:s8+$0xFFFFFFF0]  }
0x150: {  	v12 =	vld [tilespmem:s8+$0x0]  }
0x151: {  	v13 =	vld [tilespmem:s8+$0x10]  }
0x152: {  	v14 =	vld [tilespmem:s8+$0x20]  }
0x153: {  	v15 =	vld [tilespmem:s8+$0xFFFFFFC0]  }
0x154: {  	[tilespmem:v1+s11+$0x0] =	vst.idx.add.f32.msk $0xffff, v0;
	v0 =	vmov v3  }
0x155: {  	[tilespmem:v9+s11+$0x0] =	vst.idx.add.f32.msk $0xffff, v4  }
.Ltmp6:
0x156: {  	[tilespmem:v10+s11+$0x0] =	vst.idx.add.f32.msk $0xffff, v5;
	(pc) =	sbr.rel @p0 .LBB2_13-.Ltmp6, $4  }
0x157: {  	[tilespmem:v11+s11+$0x0] =	vst.idx.add.f32.msk $0xffff, v6  }
0x158: {  	[tilespmem:v12+s11+$0x0] =	vst.idx.add.f32.msk $0xffff, v2;
	v1 =	vmov v15  }
0x159: {  	[tilespmem:v13+s11+$0x0] =	vst.idx.add.f32.msk $0xffff, v7  }
0x15a: {  	s13 =	sadd.s32 $0x80, s13;
	[tilespmem:v14+s11+$0x0] =	vst.idx.add.f32.msk $0xffff, v8  }
0x15b: {  	_ =	sdelay $0x3  }
0x15c: {  	[tilespmem:v1+s11+$0x0] =	vst.idx.add.f32.msk $0xffff, v0;
	s8 =	simm.s32 $0x0;
	s10 =	simm.s32 $0x9D00;
	s11 =	simm.s32 $0xC500  }
.LBB2_15:
0x15d: {  	s12 =	sshra.s32 s8, $0x2  }
0x15e: {  	v0 =	vld [tilespmem:s12+$0x9C80];
	_ =	sdelay $0x4  }
0x15f: {  	v1 =	vld [tilespmem:s12+$0x4E00];
	_ =	sdelay $0x2  }
0x160: {  	p0 =	sne.s32 s8, $0x40;
	v0 =	vld.idx.msk [tilespmem:v0+s10+$0x0], $0xffff  }
.Ltmp7:
0x161: {  	_ = 	snop;
	(pc) =	sbr.rel @p0 .LBB2_15-.Ltmp7, $2  }
0x162: {  	_ =	sdelay $0x2  }
0x163: {  	s8 =	sadd.s32 $0x40, s8;
	[tilespmem:v1+s11+$0x0] =	vst.idx.add.f32.msk $0xffff, v0  }
0x164: {  	s8 =	simm.s32 $0x80  }
0x165: {  	s10 =	simm.s32 $0x400;
	s11 =	simm.s32 $0xC500;
	s25 =	simm.s32 $0x3  }
0x166: {  	[spmem:s3] =	stream.strided.scatter [tilespmem:s11], [sflag:$0x3], $0x2800, s10, s8, $0x38;
	[tilespmem:$0x14980] =	vst v63  }
0x167: {  	_ =	swait.ge [sflag:s25], $0x2800  }
0x168: {  	[sflag:s25] =	ssyncset.done $0x0  }
0x169: {  	s26 =	simm.s32 $0x1400;
	s28 =	simm.s32 $0x14000;
	[sflag:s25] =	ssyncadd.s32 $0xFFFFD800  }
0x16a: {  	s12 =	simm.s32 $0xEF80;
	s14 =	simm.s32 $0x0;
	[bflag:$0x0] =	sbarrier.arrive $0xFFFF  }
0x16b: {  	[tilespmem:s12], [sflag:$0x3] =	stream.strided.gather [spmem:s4], $0x2800, s28, s26, $0x38;
	[tilespmem:$0x14980] =	vst v63  }
0x16c: {  	s10 =	sand.u32 $0x60, s14;
	s11 =	sand.u32 $0x1C00, s14;
	_ =	swait.ge [sflag:s25], $0x2800  }
0x16d: {  	s29 =	sadd.s32 $0xEF80, s11;
	s13 =	sor.u32 $0x10, s10;
	[sflag:s25] =	ssyncset.done $0x0  }
0x16e: {  	s30 =	sor.u32 s13, s29;
	[sflag:s25] =	ssyncadd.s32 $0xFFFFD800  }
0x16f: {  	v0 =	vld [tilespmem:s30+$0x0]  }
0x170: {  	s12 =	sor.u32 s10, s29;
	v1 =	vld [tilespmem:s30+$0x80]  }
0x171: {  	v2 =	vld [tilespmem:s12+$0x0]  }
0x172: {  	v3 =	vld [tilespmem:s30+$0x100]  }
0x173: {  	v4 =	vld [tilespmem:s12+$0x80]  }
0x174: {  	v5 =	vld [tilespmem:s30+$0x180]  }
0x175: {  	v6 =	vld [tilespmem:s12+$0x100]  }
0x176: {  	v7 =	vld [tilespmem:s30+$0x200]  }
0x177: {  	v8 =	vld [tilespmem:s12+$0x180]  }
0x178: {  	v9 =	vld [tilespmem:s30+$0x280]  }
0x179: {  	v10 =	vld [tilespmem:s12+$0x200]  }
0x17a: {  	v11 =	vld [tilespmem:s30+$0x300]  }
0x17b: {  	v12 =	vld [tilespmem:s12+$0x280]  }
0x17c: {  	s15 =	sor.u32 $0x10380, s11;
	v13 =	vld [tilespmem:s30+$0x380]  }
0x17d: {  	s31 =	sor.u32 s13, s15;
	v14 =	vld [tilespmem:s12+$0x300]  }
0x17e: {  	v15 =	vld [tilespmem:s31+$0x0]  }
0x17f: {  	s18 =	sadd.s32 $0x10480, s11;
	s17 =	sor.u32 s10, s15;
	v16 =	vld [tilespmem:s12+$0x380]  }
0x180: {  	s16 =	sadd.s32 $0x10400, s11;
	s19 =	sor.u32 s13, s18;
	v18 =	vld [tilespmem:s17+$0x0]  }
0x181: {  	s21 =	sadd.s32 $0x10500, s11;
	s20 =	sor.u32 s10, s16;
	v19 =	vld [tilespmem:s19+$0x0]  }
0x182: {  	s22 =	sor.u32 s13, s21;
	v20 =	vld [tilespmem:s20+$0x0]  }
0x183: {  	s24 =	sadd.s32 $0x10580, s11;
	s23 =	sor.u32 s10, s18;
	v21 =	vld [tilespmem:s22+$0x0]  }
0x184: {  	s25 =	sor.u32 s13, s24;
	v22 =	vld [tilespmem:s23+$0x0]  }
0x185: {  	s26 =	sor.u32 s10, s21;
	s28 =	sadd.s32 $0x10600, s11;
	v23 =	vld [tilespmem:s25+$0x0]  }
0x186: {  	s29 =	sor.u32 s13, s28;
	v24 =	vld [tilespmem:s26+$0x0]  }
0x187: {  	s8 =	simm.s32 $0x20;
	s12 =	sor.u32 s13, s16;
	s30 =	sor.u32 s10, s24;
	v25 =	vld [tilespmem:s29+$0x0]  }
0x188: {  	s31 =	sadd.s32 $0x10680, s11;
	s19 =	sor.u32 s10, s28;
	s17 =	simm.s32 $0x100;
	v17 =	vld [tilespmem:s12+$0x0]  }
0x189: {  	s20 =	sadd.s32 $0x10700, s11;
	s11 =	sand.u32 $0x60, s8;
	v26 =	vld [tilespmem:s30+$0x0];
	s15 =	sand.u32 $0x1C00, s17  }
0x18a: {  	s18 =	sor.u32 s13, s31;
	v28 =	vld [tilespmem:s19+$0x0];
	s22 =	sor.u32 s10, s20;
	s23 =	sadd.s32 $0xEF80, s15  }
0x18b: {  	v27 =	vld [tilespmem:s18+$0x0];
	s18 =	sor.u32 s10, s31;
	s10 =	sor.u32 $0x10, s11;
	s25 =	sor.u32 s11, s23;
	v0 =	vadd.f32 v1, v0  }
0x18c: {  	s24 =	sor.u32 s10, s23;
	v49 =	vld [tilespmem:s25+$0x80];
	v1 =	vadd.f32 v4, v2  }
0x18d: {  	v50 =	vld [tilespmem:s24+$0x180];
	v0 =	vadd.f32 v3, v0  }
0x18e: {  	v51 =	vld [tilespmem:s24+$0x200];
	v1 =	vadd.f32 v6, v1  }
0x18f: {  	v6 =	vld [tilespmem:s24+$0x0];
	v0 =	vadd.f32 v5, v0  }
0x190: {  	v1 =	vadd.f32 v8, v1;
	v5 =	vld [tilespmem:s24+$0x80]  }
0x191: {  	v52 =	vld [tilespmem:s24+$0x280];
	v0 =	vadd.f32 v7, v0  }
0x192: {  	v1 =	vadd.f32 v10, v1;
	v7 =	vld [tilespmem:s24+$0x100]  }
0x193: {  	v8 =	vld [tilespmem:s25+$0x0];
	v0 =	vadd.f32 v9, v0  }
0x194: {  	v53 =	vld [tilespmem:s25+$0x200];
	v1 =	vadd.f32 v12, v1  }
0x195: {  	v5 =	vadd.f32 v5, v6;
	v6 =	vld [tilespmem:s25+$0x100];
	v0 =	vadd.f32 v11, v0  }
0x196: {  	v54 =	vld [tilespmem:s24+$0x300];
	v1 =	vadd.f32 v14, v1  }
0x197: {  	s26 =	sor.u32 $0x10380, s15;
	v5 =	vadd.f32 v7, v5;
	v7 =	vld [tilespmem:s25+$0x180];
	v0 =	vadd.f32 v13, v0  }
0x198: {  	s28 =	sor.u32 s10, s26;
	v55 =	vld [tilespmem:s24+$0x380];
	v8 =	vadd.f32 v49, v8;
	v1 =	vadd.f32 v16, v1  }
0x199: {  	v56 =	vld [tilespmem:s28+$0x0];
	v5 =	vadd.f32 v50, v5;
	v0 =	vadd.f32 v15, v0  }
0x19a: {  	s29 =	sadd.s32 $0x10400, s15;
	v57 =	vld [tilespmem:s25+$0x380];
	v1 =	vadd.f32 v18, v1;
	v6 =	vadd.f32 v6, v8  }
0x19b: {  	s30 =	sor.u32 s10, s29;
	v8 =	vld [tilespmem:s25+$0x280];
	v5 =	vadd.f32 v51, v5;
	v0 =	vadd.f32 v17, v0  }
0x19c: {  	s31 =	sadd.s32 $0x10480, s15;
	v58 =	vld [tilespmem:s30+$0x0];
	v1 =	vadd.f32 v20, v1;
	v6 =	vadd.f32 v7, v6  }
0x19d: {  	s19 =	sor.u32 s10, s31;
	v7 =	vld [tilespmem:s25+$0x300];
	v5 =	vadd.f32 v52, v5;
	v0 =	vadd.f32 v19, v0  }
0x19e: {  	s21 =	sor.u32 s13, s20;
	v59 =	vld [tilespmem:s19+$0x0];
	v1 =	vadd.f32 v22, v1;
	v6 =	vadd.f32 v53, v6  }
0x19f: {  	v2 =	vld [tilespmem:s21+$0x0];
	v5 =	vadd.f32 v54, v5;
	v0 =	vadd.f32 v21, v0  }
0x1a0: {  	s16 =	sor.u32 s11, s26;
	v4 =	vld [tilespmem:s18+$0x0];
	v1 =	vadd.f32 v24, v1;
	v6 =	vadd.f32 v8, v6  }
0x1a1: {  	v8 =	vld [tilespmem:s16+$0x0];
	v5 =	vadd.f32 v55, v5;
	v0 =	vadd.f32 v23, v0  }
0x1a2: {  	s20 =	sor.u32 s11, s29;
	s21 =	sadd.s32 $0x10500, s15;
	v3 =	vld [tilespmem:s22+$0x0];
	v1 =	vadd.f32 v26, v1;
	v6 =	vadd.f32 v7, v6  }
0x1a3: {  	s22 =	sor.u32 s10, s21;
	v7 =	vld [tilespmem:s20+$0x0];
	v5 =	vadd.f32 v56, v5;
	v0 =	vadd.f32 v25, v0  }
0x1a4: {  	s23 =	sor.u32 s11, s31;
	v60 =	vld [tilespmem:s22+$0x0];
	s24 =	sadd.s32 $0x10580, s15;
	v1 =	vadd.f32 v28, v1;
	v6 =	vadd.f32 v57, v6  }
0x1a5: {  	v61 =	vld [tilespmem:s23+$0x0];
	s25 =	sor.u32 s10, s24;
	v5 =	vadd.f32 v58, v5;
	v62 =	vadd.f32 v27, v0  }
0x1a6: {  	s28 =	sadd.s32 $0x10600, s15;
	s26 =	sor.u32 s11, s21;
	v63 =	vld [tilespmem:s25+$0x0];
	v1 =	vadd.f32 v4, v1;
	v4 =	vadd.f32 v8, v6  }
0x1a7: {  	s12 =	simm.s32 $0xED00;
	s29 =	sor.u32 s10, s28;
	v0 =	vld [tilespmem:s26+$0x0];
	v5 =	vadd.f32 v59, v5;
	v6 =	vadd.f32 v2, v62  }
0x1a8: {  	s19 =	sand.u32 $0x380, s14;
	s17 =	sor.u32 s11, s24;
	s20 =	sadd.s32 $0x10680, s15;
	v8 =	vadd.f32 v3, v1;
	v1 =	vld [tilespmem:s29+$0x0];
	v4 =	vadd.f32 v7, v4  }
0x1a9: {  	s13 =	sor.u32 s13, s19;
	s18 =	sadd.s32 $0x10700, s15;
	s30 =	sor.u32 s10, s20;
	v2 =	vld [tilespmem:s17+$0x0];
	v5 =	vadd.f32 v60, v5  }
0x1aa: {  	s14 =	simm.s32 $0x2;
	s31 =	sor.u32 s11, s28;
	s19 =	sor.u32 s10, s18;
	v3 =	vld [tilespmem:s30+$0x0];
	[tilespmem:s13+$0xED00] =	vst v6;
	v6 =	vadd.f32 v61, v4  }
0x1ab: {  	s15 =	simm.s32 $0x40;
	s17 =	sor.u32 s11, s20;
	[tilespmem:s12+$0x0] =	vst v8;
	v4 =	vld [tilespmem:s31+$0x0];
	s13 =	simm.s32 $0x200;
	v5 =	vadd.f32 v63, v5  }
.LBB2_17:
0x1ac: {  	s16 =	sand.u32 $0x1C00, s13;
	v0 =	vadd.f32 v0, v6;
	s18 =	sor.u32 s11, s18;
	s11 =	sand.u32 $0x60, s15;
	v6 =	vld [tilespmem:s19+$0x0]  }
0x1ad: {  	s14 =	sadd.s32 $0x2, s14;
	s19 =	sadd.s32 $0xEF80, s16;
	s20 =	sor.u32 $0x10, s11;
	v7 =	vld [tilespmem:s17+$0x0];
	v1 =	vadd.f32 v1, v5  }
0x1ae: {  	p0 =	slt.u32 s14, $0x26;
	s17 =	sor.u32 s11, s19;
	s19 =	sor.u32 s20, s19;
	v0 =	vadd.f32 v2, v0;
	v2 =	vld [tilespmem:s18+$0x0]  }
0x1af: {  	v5 =	vld [tilespmem:s19+$0x0];
	v1 =	vadd.f32 v3, v1  }
0x1b0: {  	v3 =	vld [tilespmem:s19+$0x80];
	v0 =	vadd.f32 v4, v0  }
0x1b1: {  	s18 =	sand.u32 $0x380, s8;
	s8 =	smov.u32 s15;
	v4 =	vld [tilespmem:s17+$0x0];
	v1 =	vadd.f32 v6, v1  }
0x1b2: {  	s18 =	sor.u32 s10, s18;
	s10 =	smov.u32 s20;
	v6 =	vld [tilespmem:s19+$0x100];
	v0 =	vadd.f32 v7, v0  }
0x1b3: {  	v7 =	vld [tilespmem:s17+$0x80];
	[tilespmem:s18+$0xED00] =	vst v1  }
0x1b4: {  	v1 =	vld [tilespmem:s19+$0x180];
	v0 =	vadd.f32 v2, v0  }
0x1b5: {  	s12 =	sadd.s32 $0x20, s12;
	v2 =	vld [tilespmem:s17+$0x100];
	v3 =	vadd.f32 v3, v5  }
0x1b6: {  	v5 =	vld [tilespmem:s19+$0x200];
	[tilespmem:s12+$0x0] =	vst v0  }
0x1b7: {  	v0 =	vld [tilespmem:s17+$0x180];
	v3 =	vadd.f32 v6, v3  }
0x1b8: {  	v4 =	vadd.f32 v7, v4;
	v6 =	vld [tilespmem:s19+$0x280]  }
0x1b9: {  	v7 =	vld [tilespmem:s17+$0x200];
	v1 =	vadd.f32 v1, v3  }
0x1ba: {  	v2 =	vadd.f32 v2, v4;
	v3 =	vld [tilespmem:s19+$0x300]  }
0x1bb: {  	v4 =	vld [tilespmem:s17+$0x280];
	v1 =	vadd.f32 v5, v1  }
0x1bc: {  	s18 =	sor.u32 $0x10380, s16;
	v0 =	vadd.f32 v0, v2;
	v2 =	vld [tilespmem:s19+$0x380]  }
0x1bd: {  	s19 =	sor.u32 s11, s18;
	s18 =	sor.u32 s10, s18;
	v5 =	vld [tilespmem:s17+$0x300];
	v1 =	vadd.f32 v6, v1  }
0x1be: {  	s20 =	sadd.s32 $0x10400, s16;
	v0 =	vadd.f32 v7, v0;
	v6 =	vld [tilespmem:s18+$0x0]  }
0x1bf: {  	s18 =	sor.u32 s10, s20;
	v7 =	vld [tilespmem:s17+$0x380];
	s17 =	sor.u32 s11, s20;
	v1 =	vadd.f32 v3, v1  }
0x1c0: {  	s20 =	sadd.s32 $0x10480, s16;
	v0 =	vadd.f32 v4, v0;
	v3 =	vld [tilespmem:s18+$0x0]  }
0x1c1: {  	s18 =	sor.u32 s11, s20;
	v4 =	vld [tilespmem:s19+$0x0];
	v1 =	vadd.f32 v2, v1;
	s19 =	sor.u32 s10, s20  }
0x1c2: {  	s20 =	sadd.s32 $0x10500, s16;
	v0 =	vadd.f32 v5, v0;
	v2 =	vld [tilespmem:s19+$0x0]  }
0x1c3: {  	s19 =	sor.u32 s10, s20;
	v5 =	vld [tilespmem:s17+$0x0];
	s17 =	sor.u32 s11, s20;
	v1 =	vadd.f32 v6, v1  }
0x1c4: {  	s20 =	sadd.s32 $0x10580, s16;
	v0 =	vadd.f32 v7, v0;
	v6 =	vld [tilespmem:s19+$0x0]  }
0x1c5: {  	s19 =	sor.u32 s10, s20;
	v7 =	vld [tilespmem:s18+$0x0];
	s18 =	sor.u32 s11, s20;
	v1 =	vadd.f32 v3, v1  }
0x1c6: {  	s20 =	sadd.s32 $0x10600, s16;
	v3 =	vadd.f32 v4, v0;
	v8 =	vld [tilespmem:s19+$0x0]  }
.Ltmp8:
0x1c7: {  	s19 =	sor.u32 s11, s20;
	v0 =	vld [tilespmem:s17+$0x0];
	v4 =	vadd.f32 v2, v1;
	s17 =	sor.u32 s10, s20;
	(pc) =	sbr.rel @p0 .LBB2_17-.Ltmp8, $4  }
0x1c8: {  	s20 =	sadd.s32 $0x10680, s16;
	v3 =	vadd.f32 v5, v3;
	v1 =	vld [tilespmem:s17+$0x0]  }
0x1c9: {  	s17 =	sor.u32 s11, s20;
	s20 =	sor.u32 s10, s20;
	v2 =	vld [tilespmem:s18+$0x0];
	v5 =	vadd.f32 v6, v4  }
0x1ca: {  	s18 =	sadd.s32 $0x10700, s16;
	v6 =	vadd.f32 v7, v3;
	v3 =	vld [tilespmem:s20+$0x0]  }
0x1cb: {  	s13 =	sadd.s32 $0x100, s13;
	s15 =	sadd.s32 $0x20, s15;
	v4 =	vld [tilespmem:s19+$0x0];
	v5 =	vadd.f32 v8, v5;
	s19 =	sor.u32 s10, s18  }
0x1cc: {  	v0 =	vadd.f32 v0, v6  }
0x1cd: {  	v63 =	vld [tilespmem:s17+$0x0]  }
0x1ce: {  	s11 =	sor.u32 s11, s18;
	v7 =	vld [tilespmem:s19+$0x0];
	v0 =	vadd.f32 v2, v0  }
0x1cf: {  	v1 =	vadd.f32 v1, v5;
	v2 =	vld [tilespmem:s11+$0x0]  }
0x1d0: {  	v0 =	vadd.f32 v4, v0  }
0x1d1: {  	v1 =	vadd.f32 v3, v1  }
0x1d2: {  	v0 =	vadd.f32 v63, v0  }
0x1d3: {  	s8 =	sand.u32 $0x380, s8;
	v1 =	vadd.f32 v7, v1  }
0x1d4: {  	s8 =	sor.u32 s10, s8;
	v0 =	vadd.f32 v2, v0  }
0x1d5: {  	s31 =	sadd.s32 $0x20, s12;
	[tilespmem:s8+$0xED00] =	vst v1  }
0x1d6: {  	s10 =	simm.s32 $0x0;
	[tilespmem:s31+$0x0] =	vst v0  }
0x1d7: {  	v2 =	vld [tilespmem:s10+$0x11780]  }
0x1d8: {  	v0 =	vld [tilespmem:s10+$0xED00];
	_ =	sdelay $0x4  }
0x1d9: {  	v0 =	vadd.f32 v0, v2  }
0x1da: {  	s8 =	simm.s32 $0x10  }
0x1db: {  	v3 =	vmul.f32 v0, v2;
	v0 =	vld [tilespmem:s8+$0x11780]  }
0x1dc: {  	v1 =	vld [tilespmem:s8+$0xED00];
	_ =	sdelay $0x2  }
0x1dd: {  	s11 =	simm.s32 $0x80;
	[tilespmem:s10+$0x11C80] =	vst v3;
	v2 =	vmul.f32 v3, v2  }
.LBB2_19:
0x1de: {  	s12 =	sshra.s32 s11, $0x2;
	v3 =	vmov v0;
	p0 =	sne.s32 s11, $0x9C0  }
.Ltmp9:
0x1df: {  	s11 =	sadd.s32 $0x40, s11;
	v0 =	vld [tilespmem:s12+$0x11780];
	v4 =	vadd.f32 v1, v3;
	[tilespmem:s10+$0x11A00] =	vst v2;
	(pc) =	sbr.rel @p0 .LBB2_19-.Ltmp9, $3  }
0x1e0: {  	s10 =	smov.u32 s8;
	s8 =	smov.u32 s12;
	v1 =	vld [tilespmem:s12+$0xED00]  }
0x1e1: {  	v2 =	vmul.f32 v4, v3;
	_ =	sdelay $0x1  }
0x1e2: {  	[tilespmem:s10+$0x11C80] =	vst v2;
	v2 =	vmul.f32 v2, v3  }
0x1e3: {  	_ = 	snop  }
0x1e4: {  	v1 =	vadd.f32 v1, v0;
	_ =	sdelay $0x1  }
0x1e5: {  	v1 =	vmul.f32 v1, v0;
	_ =	sdelay $0x1  }
0x1e6: {  	[tilespmem:s10+$0x11A00] =	vst v2;
	v0 =	vmul.f32 v1, v0  }
0x1e7: {  	s6 =	sadd.s32 s6, s7;
	[tilespmem:s8+$0x11C80] =	vst v1  }
0x1e8: {  	s26 =	simm.s32 $0x0;
	s28 =	simm.s32 $0x11C80;
	s29 =	simm.s32 $0x3;
	[tilespmem:s8+$0x11A00] =	vst v0  }
0x1e9: {  	[hbm4b:s6+s26] =	stream.linear.scatter [tilespmem:s28], [sflag:$0x3], $0x280, $0x38;
	[tilespmem:$0x14980] =	vst v63  }
0x1ea: {  	_ =	swait.ge [sflag:s29], $0x280  }
0x1eb: {  	[sflag:s29] =	ssyncset.done $0x0  }
0x1ec: {  	[sflag:s29] =	ssyncadd.s32 $0xFFFFFD80  }
0x1ed: {  	s30 =	simm.s32 $0x11A00;
	[bflag:$0x0] =	sbarrier.arrive $0xFFFF  }
0x1ee: {  	[spmem:s9] =	stream.linear.scatter [tilespmem:s30], [sflag:$0x3], $0x280, $0x38;
	[tilespmem:$0x14980] =	vst v63  }
0x1ef: {  	_ =	swait.ge [sflag:s29], $0x280  }
0x1f0: {  	[sflag:s29] =	ssyncset.done $0x0  }
0x1f1: {  	[sflag:s29] =	ssyncadd.s32 $0xFFFFFD80  }
0x1f2: {  	s31 =	simm.s32 $0x9D00;
	[bflag:$0x0] =	sbarrier.arrive $0xFFFF  }
0x1f3: {  	[tilespmem:s31], [sflag:$0x3] =	stream.linear.gather [spmem:s5], $0x2800, $0x38;
	[tilespmem:$0x14980] =	vst v63  }
0x1f4: {  	_ =	swait.ge [sflag:s29], $0x2800  }
0x1f5: {  	[sflag:s29] =	ssyncset.done $0x0  }
0x1f6: {  	v0 =	vimm.f32 $0.0e+00;
	s5 =	simm.s32 $0xC540;
	[sflag:s29] =	ssyncadd.s32 $0xFFFFD800  }
0x1f7: {  	[tilespmem:s5+$0xFFFFFFC0] =	vst v0  }
0x1f8: {  	[tilespmem:s5+$0x30] =	vst v0  }
0x1f9: {  	[tilespmem:s5+$0x20] =	vst v0  }
0x1fa: {  	[tilespmem:s5+$0x10] =	vst v0  }
0x1fb: {  	[tilespmem:s5+$0x0] =	vst v0  }
0x1fc: {  	[tilespmem:s5+$0xFFFFFFF0] =	vst v0  }
0x1fd: {  	s6 =	simm.s32 $0x0;
	[tilespmem:s5+$0xFFFFFFE0] =	vst v0  }
.LBB2_21:
0x1fe: {  	s6 =	sadd.s32 $0x8, s6;
	[tilespmem:s5+$0xFFFFFFD0] =	vst v0;
	s5 =	sadd.s32 $0x80, s5  }
0x1ff: {  	[tilespmem:s5+$0xFFFFFFC0] =	vst v0;
	p0 =	slt.u32 s6, $0x278  }
0x200: {  	[tilespmem:s5+$0x30] =	vst v0  }
.Ltmp10:
0x201: {  	[tilespmem:s5+$0x20] =	vst v0;
	(pc) =	sbr.rel @p0 .LBB2_21-.Ltmp10, $4  }
0x202: {  	[tilespmem:s5+$0x10] =	vst v0  }
0x203: {  	[tilespmem:s5+$0x0] =	vst v0  }
0x204: {  	[tilespmem:s5+$0xFFFFFFF0] =	vst v0  }
0x205: {  	[tilespmem:s5+$0xFFFFFFE0] =	vst v0  }
0x206: {  	[tilespmem:s5+$0xFFFFFFD0] =	vst v0;
	s8 =	simm.s32 $0x4EC0  }
0x207: {  	v0 =	vld [tilespmem:s8+$0x30]  }
0x208: {  	v1 =	vld [tilespmem:s8+$0xFFFFFFC0]  }
0x209: {  	v2 =	vld [tilespmem:s8+$0xFFFFFFD0]  }
0x20a: {  	v3 =	vld [tilespmem:s8+$0xFFFFFFE0]  }
0x20b: {  	v4 =	vld [tilespmem:s8+$0xFFFFFFF0]  }
0x20c: {  	s5 =	simm.s32 $0x40;
	v5 =	vld [tilespmem:s8+$0x0]  }
0x20d: {  	v6 =	vld [tilespmem:s5+$0x30]  }
0x20e: {  	v7 =	vld [tilespmem:s8+$0x10]  }
0x20f: {  	v9 =	vld [tilespmem:s8+$0x20]  }
0x210: {  	v62 =	vld [tilespmem:s5+$0xFFFFFFD0]  }
0x211: {  	v63 =	vld [tilespmem:s5+$0xFFFFFFE0]  }
0x212: {  	v10 =	vld [tilespmem:s5+$0xFFFFFFF0]  }
0x213: {  	v11 =	vld [tilespmem:s5+$0x0]  }
0x214: {  	v12 =	vld [tilespmem:s5+$0x10]  }
0x215: {  	s6 =	simm.s32 $0x9D00;
	v13 =	vld [tilespmem:s5+$0x20]  }
0x216: {  	v8 =	vld.idx.msk [tilespmem:v0+s6+$0x0], $0xffff  }
0x217: {  	v0 =	vld.idx.msk [tilespmem:v1+s6+$0x0], $0xffff  }
0x218: {  	v2 =	vld.idx.msk [tilespmem:v2+s6+$0x0], $0xffff  }
0x219: {  	v3 =	vld.idx.msk [tilespmem:v3+s6+$0x0], $0xffff  }
0x21a: {  	v4 =	vld.idx.msk [tilespmem:v4+s6+$0x0], $0xffff  }
0x21b: {  	v5 =	vld.idx.msk [tilespmem:v5+s6+$0x0], $0xffff  }
0x21c: {  	v61 =	vld.idx.msk [tilespmem:v7+s6+$0x0], $0xffff  }
0x21d: {  	v9 =	vld.idx.msk [tilespmem:v9+s6+$0x0], $0xffff  }
0x21e: {  	s8 =	simm.s32 $0xC500;
	v1 =	vld [tilespmem:s5+$0xFFFFFFC0]  }
0x21f: {  	[tilespmem:v6+s8+$0x0] =	vst.idx.add.f32.msk $0xffff, v8  }
0x220: {  	[tilespmem:v62+s8+$0x0] =	vst.idx.add.f32.msk $0xffff, v2  }
0x221: {  	[tilespmem:v63+s8+$0x0] =	vst.idx.add.f32.msk $0xffff, v3  }
0x222: {  	[tilespmem:v10+s8+$0x0] =	vst.idx.add.f32.msk $0xffff, v4  }
0x223: {  	[tilespmem:v11+s8+$0x0] =	vst.idx.add.f32.msk $0xffff, v5  }
0x224: {  	[tilespmem:v12+s8+$0x0] =	vst.idx.add.f32.msk $0xffff, v61  }
0x225: {  	s9 =	simm.s32 $0x0;
	s10 =	simm.s32 $0x4F40;
	[tilespmem:v13+s8+$0x0] =	vst.idx.add.f32.msk $0xffff, v9  }
.LBB2_23:
0x226: {  	v2 =	vld [tilespmem:s10+$0x30];
	s9 =	sadd.s32 $0x8, s9  }
0x227: {  	v3 =	vld [tilespmem:s10+$0xFFFFFFC0];
	p0 =	slt.u32 s9, $0x4D8  }
0x228: {  	v4 =	vld [tilespmem:s10+$0xFFFFFFD0]  }
0x229: {  	v5 =	vld [tilespmem:s10+$0xFFFFFFE0]  }
0x22a: {  	v6 =	vld [tilespmem:s10+$0xFFFFFFF0]  }
0x22b: {  	s5 =	sadd.s32 $0x80, s5;
	v7 =	vld [tilespmem:s10+$0x0]  }
0x22c: {  	v8 =	vld [tilespmem:s5+$0x30]  }
0x22d: {  	v9 =	vld [tilespmem:s10+$0x10]  }
0x22e: {  	v2 =	vld.idx.msk [tilespmem:v2+s6+$0x0], $0xffff  }
0x22f: {  	v10 =	vld [tilespmem:s10+$0x20]  }
0x230: {  	v3 =	vld.idx.msk [tilespmem:v3+s6+$0x0], $0xffff  }
0x231: {  	v4 =	vld.idx.msk [tilespmem:v4+s6+$0x0], $0xffff  }
0x232: {  	v5 =	vld.idx.msk [tilespmem:v5+s6+$0x0], $0xffff  }
0x233: {  	v6 =	vld.idx.msk [tilespmem:v6+s6+$0x0], $0xffff  }
0x234: {  	[tilespmem:v8+s8+$0x0] =	vst.idx.add.f32.msk $0xffff, v2  }
0x235: {  	v2 =	vld.idx.msk [tilespmem:v7+s6+$0x0], $0xffff  }
0x236: {  	v7 =	vld.idx.msk [tilespmem:v9+s6+$0x0], $0xffff  }
0x237: {  	v8 =	vld.idx.msk [tilespmem:v10+s6+$0x0], $0xffff  }
0x238: {  	v9 =	vld [tilespmem:s5+$0xFFFFFFD0]  }
0x239: {  	v10 =	vld [tilespmem:s5+$0xFFFFFFE0]  }
0x23a: {  	v11 =	vld [tilespmem:s5+$0xFFFFFFF0]  }
0x23b: {  	v12 =	vld [tilespmem:s5+$0x0]  }
0x23c: {  	v13 =	vld [tilespmem:s5+$0x10]  }
0x23d: {  	v14 =	vld [tilespmem:s5+$0x20]  }
0x23e: {  	v15 =	vld [tilespmem:s5+$0xFFFFFFC0]  }
0x23f: {  	[tilespmem:v1+s8+$0x0] =	vst.idx.add.f32.msk $0xffff, v0;
	v0 =	vmov v3  }
0x240: {  	[tilespmem:v9+s8+$0x0] =	vst.idx.add.f32.msk $0xffff, v4  }
.Ltmp11:
0x241: {  	[tilespmem:v10+s8+$0x0] =	vst.idx.add.f32.msk $0xffff, v5;
	(pc) =	sbr.rel @p0 .LBB2_23-.Ltmp11, $4  }
0x242: {  	[tilespmem:v11+s8+$0x0] =	vst.idx.add.f32.msk $0xffff, v6  }
0x243: {  	[tilespmem:v12+s8+$0x0] =	vst.idx.add.f32.msk $0xffff, v2;
	v1 =	vmov v15  }
0x244: {  	[tilespmem:v13+s8+$0x0] =	vst.idx.add.f32.msk $0xffff, v7  }
0x245: {  	s10 =	sadd.s32 $0x80, s10;
	[tilespmem:v14+s8+$0x0] =	vst.idx.add.f32.msk $0xffff, v8  }
0x246: {  	_ =	sdelay $0x3  }
0x247: {  	[tilespmem:v1+s8+$0x0] =	vst.idx.add.f32.msk $0xffff, v0;
	s5 =	simm.s32 $0x0;
	s6 =	simm.s32 $0x9D00;
	s8 =	simm.s32 $0xC500  }
.LBB2_25:
0x248: {  	s9 =	sshra.s32 s5, $0x2  }
0x249: {  	v0 =	vld [tilespmem:s9+$0x9C80];
	_ =	sdelay $0x4  }
0x24a: {  	v1 =	vld [tilespmem:s9+$0x4E00];
	_ =	sdelay $0x2  }
0x24b: {  	p0 =	sne.s32 s5, $0x40;
	v0 =	vld.idx.msk [tilespmem:v0+s6+$0x0], $0xffff  }
.Ltmp12:
0x24c: {  	_ = 	snop;
	(pc) =	sbr.rel @p0 .LBB2_25-.Ltmp12, $2  }
0x24d: {  	_ =	sdelay $0x2  }
0x24e: {  	s5 =	sadd.s32 $0x40, s5;
	[tilespmem:v1+s8+$0x0] =	vst.idx.add.f32.msk $0xffff, v0  }
0x24f: {  	s5 =	simm.s32 $0x80  }
0x250: {  	s6 =	simm.s32 $0x400;
	s8 =	simm.s32 $0xC500;
	s21 =	simm.s32 $0x3  }
0x251: {  	[spmem:s3] =	stream.strided.scatter [tilespmem:s8], [sflag:$0x3], $0x2800, s6, s5, $0x38;
	[tilespmem:$0x14980] =	vst v63  }
0x252: {  	_ =	swait.ge [sflag:s21], $0x2800  }
0x253: {  	[sflag:s21] =	ssyncset.done $0x0  }
0x254: {  	s22 =	simm.s32 $0x1400;
	s23 =	simm.s32 $0x14000;
	[sflag:s21] =	ssyncadd.s32 $0xFFFFD800  }
0x255: {  	s24 =	simm.s32 $0xEF80;
	s9 =	simm.s32 $0x0;
	[bflag:$0x0] =	sbarrier.arrive $0xFFFF  }
0x256: {  	[tilespmem:s24], [sflag:$0x3] =	stream.strided.gather [spmem:s4], $0x2800, s23, s22, $0x38;
	[tilespmem:$0x14980] =	vst v63  }
0x257: {  	s5 =	sand.u32 $0x1C00, s9;
	s4 =	sand.u32 $0x60, s9;
	_ =	swait.ge [sflag:s21], $0x2800  }
0x258: {  	s25 =	sadd.s32 $0xEF80, s5;
	s8 =	sor.u32 $0x10, s4;
	[sflag:s21] =	ssyncset.done $0x0  }
0x259: {  	s26 =	sor.u32 s8, s25;
	[sflag:s21] =	ssyncadd.s32 $0xFFFFD800  }
0x25a: {  	v0 =	vld [tilespmem:s26+$0x0]  }
0x25b: {  	s6 =	sor.u32 s4, s25;
	v1 =	vld [tilespmem:s26+$0x80]  }
0x25c: {  	v2 =	vld [tilespmem:s6+$0x0]  }
0x25d: {  	v3 =	vld [tilespmem:s26+$0x100]  }
0x25e: {  	v4 =	vld [tilespmem:s6+$0x80]  }
0x25f: {  	v5 =	vld [tilespmem:s26+$0x180]  }
0x260: {  	v6 =	vld [tilespmem:s6+$0x100]  }
0x261: {  	v7 =	vld [tilespmem:s26+$0x200]  }
0x262: {  	v8 =	vld [tilespmem:s6+$0x180]  }
0x263: {  	v9 =	vld [tilespmem:s26+$0x280]  }
0x264: {  	v10 =	vld [tilespmem:s6+$0x200]  }
0x265: {  	v11 =	vld [tilespmem:s26+$0x300]  }
0x266: {  	v12 =	vld [tilespmem:s6+$0x280]  }
0x267: {  	s10 =	sor.u32 $0x10380, s5;
	v13 =	vld [tilespmem:s26+$0x380]  }
0x268: {  	s28 =	sor.u32 s8, s10;
	v14 =	vld [tilespmem:s6+$0x300]  }
0x269: {  	s11 =	sadd.s32 $0x10400, s5;
	v15 =	vld [tilespmem:s28+$0x0]  }
0x26a: {  	s29 =	sor.u32 s8, s11;
	v16 =	vld [tilespmem:s6+$0x380]  }
0x26b: {  	s31 =	sadd.s32 $0x10480, s5;
	s30 =	sor.u32 s4, s10;
	v17 =	vld [tilespmem:s29+$0x0]  }
0x26c: {  	s12 =	sor.u32 s8, s31;
	v18 =	vld [tilespmem:s30+$0x0]  }
0x26d: {  	s14 =	sadd.s32 $0x10500, s5;
	s13 =	sor.u32 s4, s11;
	v19 =	vld [tilespmem:s12+$0x0]  }
0x26e: {  	s15 =	sor.u32 s8, s14;
	v20 =	vld [tilespmem:s13+$0x0]  }
0x26f: {  	s17 =	sadd.s32 $0x10580, s5;
	s16 =	sor.u32 s4, s31;
	v21 =	vld [tilespmem:s15+$0x0]  }
0x270: {  	s3 =	simm.s32 $0x20;
	s18 =	sor.u32 s8, s17;
	v22 =	vld [tilespmem:s16+$0x0]  }
0x271: {  	s20 =	sadd.s32 $0x10600, s5;
	s23 =	sadd.s32 $0x10680, s5;
	s19 =	sor.u32 s4, s14;
	v23 =	vld [tilespmem:s18+$0x0]  }
0x272: {  	s22 =	sor.u32 s4, s17;
	s24 =	sor.u32 s8, s23;
	s21 =	sor.u32 s8, s20;
	v24 =	vld [tilespmem:s19+$0x0]  }
0x273: {  	s25 =	sor.u32 s4, s20;
	v25 =	vld [tilespmem:s21+$0x0];
	s26 =	sadd.s32 $0x10700, s5;
	s12 =	simm.s32 $0x100  }
0x274: {  	v26 =	vld [tilespmem:s22+$0x0];
	s13 =	sor.u32 s4, s23;
	s5 =	sand.u32 $0x60, s3;
	s10 =	sand.u32 $0x1C00, s12  }
0x275: {  	v27 =	vld [tilespmem:s24+$0x0];
	s29 =	sor.u32 s4, s26;
	s4 =	sor.u32 $0x10, s5;
	s30 =	sadd.s32 $0xEF80, s10  }
0x276: {  	v28 =	vld [tilespmem:s25+$0x0];
	s31 =	sor.u32 s4, s30;
	v0 =	vadd.f32 v1, v0  }
0x277: {  	v50 =	vld [tilespmem:s31+$0x180];
	v1 =	vadd.f32 v4, v2  }
0x278: {  	v51 =	vld [tilespmem:s31+$0x200];
	v0 =	vadd.f32 v3, v0  }
0x279: {  	v4 =	vld [tilespmem:s13+$0x0];
	v1 =	vadd.f32 v6, v1  }
0x27a: {  	v6 =	vld [tilespmem:s31+$0x0];
	v0 =	vadd.f32 v5, v0  }
0x27b: {  	s13 =	sor.u32 s5, s30;
	v1 =	vadd.f32 v8, v1;
	v5 =	vld [tilespmem:s31+$0x80]  }
0x27c: {  	v49 =	vld [tilespmem:s13+$0x80];
	v0 =	vadd.f32 v7, v0  }
0x27d: {  	v1 =	vadd.f32 v10, v1;
	v7 =	vld [tilespmem:s31+$0x100]  }
0x27e: {  	v8 =	vld [tilespmem:s13+$0x0];
	v0 =	vadd.f32 v9, v0  }
0x27f: {  	v52 =	vld [tilespmem:s31+$0x280];
	v1 =	vadd.f32 v12, v1  }
0x280: {  	v5 =	vadd.f32 v5, v6;
	v6 =	vld [tilespmem:s13+$0x100];
	v0 =	vadd.f32 v11, v0  }
0x281: {  	v54 =	vld [tilespmem:s31+$0x300];
	v1 =	vadd.f32 v14, v1  }
0x282: {  	v5 =	vadd.f32 v7, v5;
	v7 =	vld [tilespmem:s13+$0x180];
	v0 =	vadd.f32 v13, v0  }
0x283: {  	s14 =	sor.u32 $0x10380, s10;
	v55 =	vld [tilespmem:s31+$0x380];
	v8 =	vadd.f32 v49, v8;
	v1 =	vadd.f32 v16, v1  }
0x284: {  	s15 =	sor.u32 s4, s14;
	v53 =	vld [tilespmem:s13+$0x200];
	v5 =	vadd.f32 v50, v5;
	v0 =	vadd.f32 v15, v0  }
0x285: {  	s16 =	sadd.s32 $0x10400, s10;
	v56 =	vld [tilespmem:s15+$0x0];
	v1 =	vadd.f32 v18, v1;
	v6 =	vadd.f32 v6, v8  }
0x286: {  	s17 =	sor.u32 s4, s16;
	v8 =	vld [tilespmem:s13+$0x280];
	v5 =	vadd.f32 v51, v5;
	v0 =	vadd.f32 v17, v0  }
0x287: {  	s18 =	sadd.s32 $0x10480, s10;
	v58 =	vld [tilespmem:s17+$0x0];
	v1 =	vadd.f32 v20, v1;
	v6 =	vadd.f32 v7, v6  }
0x288: {  	s19 =	sor.u32 s4, s18;
	v7 =	vld [tilespmem:s13+$0x300];
	v5 =	vadd.f32 v52, v5;
	v0 =	vadd.f32 v19, v0  }
0x289: {  	v59 =	vld [tilespmem:s19+$0x0];
	v1 =	vadd.f32 v22, v1;
	v6 =	vadd.f32 v53, v6  }
0x28a: {  	s28 =	sor.u32 s8, s26;
	v57 =	vld [tilespmem:s13+$0x380];
	v5 =	vadd.f32 v54, v5;
	v0 =	vadd.f32 v21, v0  }
0x28b: {  	s11 =	sor.u32 s5, s14;
	v2 =	vld [tilespmem:s28+$0x0];
	v1 =	vadd.f32 v24, v1;
	v6 =	vadd.f32 v8, v6  }
0x28c: {  	v8 =	vld [tilespmem:s11+$0x0];
	v5 =	vadd.f32 v55, v5;
	v0 =	vadd.f32 v23, v0  }
0x28d: {  	s21 =	sadd.s32 $0x10500, s10;
	s20 =	sor.u32 s5, s16;
	v3 =	vld [tilespmem:s29+$0x0];
	v1 =	vadd.f32 v26, v1;
	v6 =	vadd.f32 v7, v6  }
0x28e: {  	s22 =	sor.u32 s4, s21;
	v7 =	vld [tilespmem:s20+$0x0];
	v5 =	vadd.f32 v56, v5;
	v0 =	vadd.f32 v25, v0  }
0x28f: {  	s24 =	sadd.s32 $0x10580, s10;
	s23 =	sor.u32 s5, s18;
	v60 =	vld [tilespmem:s22+$0x0];
	v1 =	vadd.f32 v28, v1;
	v6 =	vadd.f32 v57, v6  }
0x290: {  	s25 =	sor.u32 s4, s24;
	v61 =	vld [tilespmem:s23+$0x0];
	v5 =	vadd.f32 v58, v5;
	v62 =	vadd.f32 v27, v0  }
0x291: {  	s26 =	sor.u32 s5, s21;
	v63 =	vld [tilespmem:s25+$0x0];
	s28 =	sadd.s32 $0x10600, s10;
	v1 =	vadd.f32 v4, v1;
	v4 =	vadd.f32 v8, v6  }
0x292: {  	s6 =	simm.s32 $0xED00;
	s29 =	sor.u32 s4, s28;
	v0 =	vld [tilespmem:s26+$0x0];
	v5 =	vadd.f32 v59, v5;
	v6 =	vadd.f32 v2, v62  }
0x293: {  	s14 =	sand.u32 $0x380, s9;
	s12 =	sor.u32 s5, s24;
	s15 =	sadd.s32 $0x10680, s10;
	v8 =	vadd.f32 v3, v1;
	v1 =	vld [tilespmem:s29+$0x0];
	v4 =	vadd.f32 v7, v4  }
0x294: {  	s9 =	simm.s32 $0x2;
	s8 =	sor.u32 s8, s14;
	s30 =	sor.u32 s4, s15;
	v2 =	vld [tilespmem:s12+$0x0];
	v5 =	vadd.f32 v60, v5  }
0x295: {  	s31 =	sor.u32 s5, s28;
	s13 =	sadd.s32 $0x10700, s10;
	s10 =	simm.s32 $0x40;
	v3 =	vld [tilespmem:s30+$0x0];
	[tilespmem:s8+$0xED00] =	vst v6;
	v6 =	vadd.f32 v61, v4  }
0x296: {  	s14 =	sor.u32 s4, s13;
	s12 =	sor.u32 s5, s15;
	[tilespmem:s6+$0x0] =	vst v8;
	v4 =	vld [tilespmem:s31+$0x0];
	s8 =	simm.s32 $0x200;
	v5 =	vadd.f32 v63, v5  }
.LBB2_27:
0x297: {  	s11 =	sand.u32 $0x1C00, s8;
	v0 =	vadd.f32 v0, v6;
	s13 =	sor.u32 s5, s13;
	s5 =	sand.u32 $0x60, s10;
	v6 =	vld [tilespmem:s14+$0x0]  }
0x298: {  	s9 =	sadd.s32 $0x2, s9;
	s14 =	sadd.s32 $0xEF80, s11;
	s15 =	sor.u32 $0x10, s5;
	v7 =	vld [tilespmem:s12+$0x0];
	v1 =	vadd.f32 v1, v5  }
0x299: {  	p0 =	slt.u32 s9, $0x26;
	s12 =	sor.u32 s5, s14;
	s14 =	sor.u32 s15, s14;
	v0 =	vadd.f32 v2, v0;
	v2 =	vld [tilespmem:s13+$0x0]  }
0x29a: {  	v5 =	vld [tilespmem:s14+$0x0];
	v1 =	vadd.f32 v3, v1  }
0x29b: {  	v3 =	vld [tilespmem:s14+$0x80];
	v0 =	vadd.f32 v4, v0  }
0x29c: {  	s13 =	sand.u32 $0x380, s3;
	s3 =	smov.u32 s10;
	v4 =	vld [tilespmem:s12+$0x0];
	v1 =	vadd.f32 v6, v1  }
0x29d: {  	s13 =	sor.u32 s4, s13;
	s4 =	smov.u32 s15;
	v6 =	vld [tilespmem:s14+$0x100];
	v0 =	vadd.f32 v7, v0  }
0x29e: {  	v7 =	vld [tilespmem:s12+$0x80];
	[tilespmem:s13+$0xED00] =	vst v1  }
0x29f: {  	v1 =	vld [tilespmem:s14+$0x180];
	v0 =	vadd.f32 v2, v0  }
0x2a0: {  	s6 =	sadd.s32 $0x20, s6;
	v2 =	vld [tilespmem:s12+$0x100];
	v3 =	vadd.f32 v3, v5  }
0x2a1: {  	v5 =	vld [tilespmem:s14+$0x200];
	[tilespmem:s6+$0x0] =	vst v0  }
0x2a2: {  	v0 =	vld [tilespmem:s12+$0x180];
	v3 =	vadd.f32 v6, v3  }
0x2a3: {  	v4 =	vadd.f32 v7, v4;
	v6 =	vld [tilespmem:s14+$0x280]  }
0x2a4: {  	v7 =	vld [tilespmem:s12+$0x200];
	v1 =	vadd.f32 v1, v3  }
0x2a5: {  	v2 =	vadd.f32 v2, v4;
	v3 =	vld [tilespmem:s14+$0x300]  }
0x2a6: {  	v4 =	vld [tilespmem:s12+$0x280];
	v1 =	vadd.f32 v5, v1  }
0x2a7: {  	s13 =	sor.u32 $0x10380, s11;
	v0 =	vadd.f32 v0, v2;
	v2 =	vld [tilespmem:s14+$0x380]  }
0x2a8: {  	s14 =	sor.u32 s5, s13;
	s13 =	sor.u32 s4, s13;
	v5 =	vld [tilespmem:s12+$0x300];
	v1 =	vadd.f32 v6, v1  }
0x2a9: {  	s15 =	sadd.s32 $0x10400, s11;
	v0 =	vadd.f32 v7, v0;
	v6 =	vld [tilespmem:s13+$0x0]  }
0x2aa: {  	s13 =	sor.u32 s4, s15;
	v7 =	vld [tilespmem:s12+$0x380];
	s12 =	sor.u32 s5, s15;
	v1 =	vadd.f32 v3, v1  }
0x2ab: {  	s15 =	sadd.s32 $0x10480, s11;
	v0 =	vadd.f32 v4, v0;
	v3 =	vld [tilespmem:s13+$0x0]  }
0x2ac: {  	s13 =	sor.u32 s5, s15;
	v4 =	vld [tilespmem:s14+$0x0];
	v1 =	vadd.f32 v2, v1;
	s14 =	sor.u32 s4, s15  }
0x2ad: {  	s15 =	sadd.s32 $0x10500, s11;
	v0 =	vadd.f32 v5, v0;
	v2 =	vld [tilespmem:s14+$0x0]  }
0x2ae: {  	s14 =	sor.u32 s4, s15;
	v5 =	vld [tilespmem:s12+$0x0];
	s12 =	sor.u32 s5, s15;
	v1 =	vadd.f32 v6, v1  }
0x2af: {  	s15 =	sadd.s32 $0x10580, s11;
	v0 =	vadd.f32 v7, v0;
	v6 =	vld [tilespmem:s14+$0x0]  }
0x2b0: {  	s14 =	sor.u32 s4, s15;
	v7 =	vld [tilespmem:s13+$0x0];
	s13 =	sor.u32 s5, s15;
	v1 =	vadd.f32 v3, v1  }
0x2b1: {  	s15 =	sadd.s32 $0x10600, s11;
	v3 =	vadd.f32 v4, v0;
	v8 =	vld [tilespmem:s14+$0x0]  }
.Ltmp13:
0x2b2: {  	s14 =	sor.u32 s5, s15;
	v0 =	vld [tilespmem:s12+$0x0];
	v4 =	vadd.f32 v2, v1;
	s12 =	sor.u32 s4, s15;
	(pc) =	sbr.rel @p0 .LBB2_27-.Ltmp13, $4  }
0x2b3: {  	s15 =	sadd.s32 $0x10680, s11;
	v3 =	vadd.f32 v5, v3;
	v1 =	vld [tilespmem:s12+$0x0]  }
0x2b4: {  	s12 =	sor.u32 s5, s15;
	s15 =	sor.u32 s4, s15;
	v2 =	vld [tilespmem:s13+$0x0];
	v5 =	vadd.f32 v6, v4  }
0x2b5: {  	s13 =	sadd.s32 $0x10700, s11;
	v6 =	vadd.f32 v7, v3;
	v3 =	vld [tilespmem:s15+$0x0]  }
0x2b6: {  	s8 =	sadd.s32 $0x100, s8;
	s10 =	sadd.s32 $0x20, s10;
	v4 =	vld [tilespmem:s14+$0x0];
	v5 =	vadd.f32 v8, v5;
	s14 =	sor.u32 s4, s13  }
0x2b7: {  	v0 =	vadd.f32 v0, v6  }
0x2b8: {  	v63 =	vld [tilespmem:s12+$0x0]  }
0x2b9: {  	s5 =	sor.u32 s5, s13;
	v7 =	vld [tilespmem:s14+$0x0];
	v0 =	vadd.f32 v2, v0  }
0x2ba: {  	v1 =	vadd.f32 v1, v5;
	v2 =	vld [tilespmem:s5+$0x0]  }
0x2bb: {  	v0 =	vadd.f32 v4, v0  }
0x2bc: {  	v1 =	vadd.f32 v3, v1  }
0x2bd: {  	v0 =	vadd.f32 v63, v0  }
0x2be: {  	s3 =	sand.u32 $0x380, s3;
	v1 =	vadd.f32 v7, v1  }
0x2bf: {  	s3 =	sor.u32 s4, s3;
	v0 =	vadd.f32 v2, v0  }
0x2c0: {  	s31 =	sadd.s32 $0x20, s6;
	[tilespmem:s3+$0xED00] =	vst v1  }
0x2c1: {  	s3 =	simm.s32 $0x0;
	[tilespmem:s31+$0x0] =	vst v0  }
0x2c2: {  	v0 =	vld [tilespmem:s3+$0xED00]  }
0x2c3: {  	v1 =	vld [tilespmem:s3+$0x11A00];
	_ =	sdelay $0x1  }
0x2c4: {  	v2 =	vld [tilespmem:s3+$0x11780]  }
0x2c5: {  	s4 =	simm.s32 $0x40  }
.LBB2_29:
0x2c6: {  	s5 =	sshra.s32 s4, $0x2;
	p0 =	sne.s32 s4, $0x9C0  }
.Ltmp14:
0x2c7: {  	s4 =	sadd.s32 $0x40, s4;
	v3 =	vadd.f32 v1, v0;
	v0 =	vld [tilespmem:s5+$0xED00];
	(pc) =	sbr.rel @p0 .LBB2_29-.Ltmp14, $4  }
0x2c8: {  	v1 =	vld [tilespmem:s5+$0x11A00]  }
0x2c9: {  	v3 =	vmul.f32 v3, v2  }
0x2ca: {  	v2 =	vld [tilespmem:s5+$0x11780]  }
0x2cb: {  	[tilespmem:s3+$0x11C80] =	vst v3;
	s3 =	smov.u32 s5  }
0x2cc: {  	_ = 	snop  }
0x2cd: {  	v0 =	vadd.f32 v1, v0;
	_ =	sdelay $0x1  }
0x2ce: {  	v0 =	vmul.f32 v0, v2  }
0x2cf: {  	s2 =	sadd.s32 s2, s7  }
0x2d0: {  	s30 =	simm.s32 $0x0;
	s4 =	simm.s32 $0x11C80;
	s31 =	simm.s32 $0x3;
	[tilespmem:s3+$0x11C80] =	vst v0  }
0x2d1: {  	[hbm4b:s2+s30] =	stream.linear.scatter [tilespmem:s4], [sflag:$0x3], $0x280, $0x38;
	[tilespmem:$0x14980] =	vst v63  }
0x2d2: {  	_ =	swait.ge [sflag:s31], $0x280  }
0x2d3: {  	[sflag:s31] =	ssyncset.done $0x0  }
0x2d4: {  	[sflag:s31] =	ssyncadd.s32 $0xFFFFFD80  }
0x2d5: {  	_ =	sfence.sel $0x180000  }
0x2d6: {  	[bflag:$0x0] =	sbarrier.arrive $0xFFFF  }
0x2d7: {  	p0 =	sne.s32 s0, $0x0;
	_ =	strace $0x90000047  }
0x2d8: {  	s0 =	sadd.s32 @!p0 $0x100000, s1;
	[bflag:$0x2] =	sbarrier.arrive $0xFFFF  }
0x2d9: {  	[sflag:s0] =	ssyncadd.tile.s32 @!p0 $0x1;
	_ =	shalt  }
.Lfunc_end2:
_tile_overlayer_lowered:
.L_overlay_start_2:
0x2da: {  	(tag) =	ssettag $0x2  }
0x2db: {  	s0 =	rddreg [dreg:$0x0];
	s2 =	stileid.u32  }
0x2dc: {  	s1 =	rddreg [dreg:$0x1];
	p0 =	sne.s32 s2, $0x0  }
0x2dd: {  	s3 =	rddreg [dreg:$0x2];
	[bflag:$0x3] =	sbarrier.arrive $0xFFFF;
	s2 =	simm.s32 @!p0 $0x1C03  }
0x2de: {  	[timem:s3], [sflag:s2] =	dma.local @!p0 [hbm:s0], s1  }
0x2df: {  	s0 =	simm.s32 @!p0 $0x3  }
0x2e0: {  	_ =	swait.ge @!p0 [sflag:s0], s1  }
0x2e1: {  	s1 =	ssub.s32 @!p0 $0x0, s1;
	[sflag:s0] =	ssyncset.done @!p0 $0x0  }
0x2e2: {  	[sflag:s0] =	ssyncadd.s32 @!p0 s1  }
0x2e3: {  	[bflag:$0x3] =	sbarrier.arrive $0xFFFF  }
0x2e4: {  	_ =	shalt  }

// kernel: kernel.8.cloned.1.call-start
scs
__scs_entry_jumppad:
0x0: {  	(pc) =	sbr.rel $0x88, $3  }
0x1: {  	(tag) =	ssettag $0x0;
	lr =	simm.s32 $0x1  }
0x2: {  	[smem:$0x3F99] =	sst lr;
	_ =	strace $0xD0000000  }
0x3: {  	_ = 	snop  }
0x4: {  	_ = 	snop  }
0x5: {  	_ = 	snop  }
0x6: {  	_ = 	snop  }
0x7: {  	_ = 	snop  }
__scs_overlays_trampoline_lowered:
0x8: {  	[smem:$0x3FA8] =	sst s0  }
0x9: {  	[smem:$0x3FA9] =	sst s1  }
0xa: {  	[smem:$0x3FAA] =	sst s2  }
0xb: {  	[smem:$0x3FAB] =	sst s3  }
0xc: {  	[smem:$0x3FAC] =	sst s4  }
0xd: {  	[smem:$0x3FAD] =	sst s5  }
0xe: {  	[smem:$0x3FAE] =	sst s6  }
0xf: {  	[smem:$0x3FAF] =	sst s7  }
0x10: {  	[smem:$0x3FB0] =	sst s8  }
0x11: {  	[smem:$0x3FB1] =	sst s9;
	s0 =	simm.s32 @!p0 $0x0  }
0x12: {  	s1 =	sld [smem:$0x3F97];
	s0 =	simm.s32 @p0 $0x1  }
0x13: {  	[smem:$0x3FB2] =	sst s0;
	s0 =	simm.s32 @!p1 $0x0  }
0x14: {  	s2 =	sld [smem:$0x3F96];
	s0 =	simm.s32 @p1 $0x1  }
0x15: {  	[smem:$0x3FB3] =	sst s0;
	s0 =	simm.s32 @!p2 $0x0  }
0x16: {  	s3 =	sld [smem:$0x3FDB];
	s0 =	simm.s32 @p2 $0x1  }
0x17: {  	s4 =	simm.s32 $0x1BF5;
	[smem:$0x3FB5] =	sst s0  }
0x18: {  	s0 =	sld [smem:$0x3F98];
	_ =	swait.ge [sflag:s4], $0x0  }
0x19: {  	s7 =	sld [smem:$0x3F99]  }
0x1a: {  	s8 =	sadd.s32 $0xFFFFE003, lr  }
0x1b: {  	s9 =	sadd.s32 $0xFFFFFEF7, lr;
	s5 =	simm.s32 $0xFFFFFFFF;
	p2 =	slt.u32 s8, $0xFFFFF086  }
0x1c: {  	p1 =	slt.u32 s9, $0xF7A;
	s5 =	simm.s32 @!p2 $0x0  }
0x1d: {  	s5 =	simm.s32 @p1 $0x1;
	p0 =	seq.s32 s7, s2  }
0x1e: {  	s7 =	smul.u32 @!p0 $0xF7A, s2;
	p2 =	seq.s32 @!p0 s5, $0x0  }
0x1f: {  	s9 =	smul.u32 $0xF7A, s1;
	s8 =	simm.s32 @!p0 $0x1BF5;
	p2 =	por !p2, p0  }
0x20: {  	[sflag:s8] =	ssyncset.s32 @!p0 $0xFFFFF086;
	s6 =	sadd.s32 @!p0 s3, s7;
	s7 =	simm.s32 @!p0 $0x108  }
0x21: {  	s3 =	sadd.s32 s3, s9;
	s6 =	sadd.s32 @!p0 $0x88, s6;
	s7 =	simm.s32 @p2 $0x1082  }
0x22: {  	[simem:s7], [sflag:s8] =	dma.local @!p0 [hbm:s6], $0xF7A  }
0x23: {  	s9 =	sor.u32 $0xD0000000, s2;
	s6 =	simm.s32 $0x108;
	_ =	swait.ge @!p0 [sflag:s8], $0x0  }
0x24: {  	s3 =	sadd.s32 $0x88, s3;
	s6 =	simm.s32 @!p1 $0x1082;
	[sflag:s4] =	ssyncset.s32 $0xFFFFF086  }
0x25: {  	[simem:s6], [sflag:s4] =	dma.local [hbm:s3], $0xF7A  }
0x26: {  	[smem:$0x3F99] =	sst s1;
	(tag) =	ssettag s2;
	_ =	strace s9  }
0x27: {  	s1 =	sld [smem:$0x3FA9]  }
0x28: {  	s2 =	sld [smem:$0x3FAA]  }
0x29: {  	s4 =	sld [smem:$0x3FAC]  }
0x2a: {  	p0 =	seq.s32 s5, $0x0;
	s5 =	sld [smem:$0x3FAD]  }
0x2b: {  	s6 =	sld [smem:$0x3FAE]  }
0x2c: {  	s7 =	sld [smem:$0x3FAF]  }
0x2d: {  	s3 =	simm.s32 $0x108;
	s8 =	sld [smem:$0x3FB0]  }
0x2e: {  	s3 =	simm.s32 @!p0 $0x1082;
	s9 =	sld [smem:$0x3FB1]  }
0x2f: {  	lr =	sadd.s32 s0, s3;
	s0 =	sld [smem:$0x3FA8]  }
0x30: {  	s3 =	sld [smem:$0x3FAB]  }
0x31: {  	[smem:$0x3FB4] =	sst s10  }
0x32: {  	s10 =	sld [smem:$0x3FB2];
	_ =	sdelay $0x3  }
0x33: {  	p0 =	seq.s32 s10, $0x1;
	s10 =	sld [smem:$0x3FB4];
	_ =	sdelay $0x3  }
0x34: {  	[smem:$0x3FB4] =	sst s10  }
0x35: {  	s10 =	sld [smem:$0x3FB3];
	_ =	sdelay $0x3  }
0x36: {  	p1 =	seq.s32 s10, $0x1;
	s10 =	sld [smem:$0x3FB4];
	_ =	sdelay $0x3  }
0x37: {  	[smem:$0x3FB4] =	sst s10  }
0x38: {  	s10 =	sld [smem:$0x3FB5]  }
0x39: {  	_ = 	snop;
	(pc) =	sbr.ind lr, $3  }
0x3a: {  	_ = 	snop  }
0x3b: {  	_ = 	snop  }
0x3c: {  	p2 =	seq.s32 s10, $0x1;
	s10 =	sld [smem:$0x3FB4]  }
0x3d: {  	_ =	shalt  }
0x3e: {  	_ =	shalt  }
0x3f: {  	_ =	shalt  }
0x40: {  	_ =	shalt  }
0x41: {  	_ =	shalt  }
0x42: {  	_ =	shalt  }
0x43: {  	_ =	shalt  }
0x44: {  	_ =	shalt  }
0x45: {  	_ =	shalt  }
0x46: {  	_ =	shalt  }
0x47: {  	_ =	shalt  }
0x48: {  	_ =	shalt  }
0x49: {  	_ =	shalt  }
0x4a: {  	_ =	shalt  }
0x4b: {  	_ =	shalt  }
0x4c: {  	_ =	shalt  }
0x4d: {  	_ =	shalt  }
0x4e: {  	_ =	shalt  }
0x4f: {  	_ =	shalt  }
0x50: {  	_ =	shalt  }
0x51: {  	_ =	shalt  }
0x52: {  	_ =	shalt  }
0x53: {  	_ =	shalt  }
0x54: {  	_ =	shalt  }
0x55: {  	_ =	shalt  }
0x56: {  	_ =	shalt  }
0x57: {  	_ =	shalt  }
0x58: {  	_ =	shalt  }
0x59: {  	_ =	shalt  }
0x5a: {  	_ =	shalt  }
0x5b: {  	_ =	shalt  }
0x5c: {  	_ =	shalt  }
0x5d: {  	_ =	shalt  }
0x5e: {  	_ =	shalt  }
0x5f: {  	_ =	shalt  }
0x60: {  	_ =	shalt  }
0x61: {  	_ =	shalt  }
0x62: {  	_ =	shalt  }
0x63: {  	_ =	shalt  }
0x64: {  	_ =	shalt  }
0x65: {  	_ =	shalt  }
0x66: {  	_ =	shalt  }
0x67: {  	_ =	shalt  }
0x68: {  	_ =	shalt  }
0x69: {  	_ =	shalt  }
0x6a: {  	_ =	shalt  }
0x6b: {  	_ =	shalt  }
0x6c: {  	_ =	shalt  }
0x6d: {  	_ =	shalt  }
0x6e: {  	_ =	shalt  }
0x6f: {  	_ =	shalt  }
0x70: {  	_ =	shalt  }
0x71: {  	_ =	shalt  }
0x72: {  	_ =	shalt  }
0x73: {  	_ =	shalt  }
0x74: {  	_ =	shalt  }
0x75: {  	_ =	shalt  }
0x76: {  	_ =	shalt  }
0x77: {  	_ =	shalt  }
0x78: {  	_ =	shalt  }
0x79: {  	_ =	shalt  }
0x7a: {  	_ =	shalt  }
0x7b: {  	_ =	shalt  }
0x7c: {  	_ =	shalt  }
0x7d: {  	_ =	shalt  }
0x7e: {  	_ =	shalt  }
0x7f: {  	_ =	shalt  }
0x80: {  	_ =	shalt  }
0x81: {  	_ =	shalt  }
0x82: {  	_ =	shalt  }
0x83: {  	_ =	shalt  }
0x84: {  	_ =	shalt  }
0x85: {  	_ =	shalt  }
0x86: {  	_ =	shalt  }
0x87: {  	_ =	shalt  }
.Lfunc_end0:
.L_simem_size_0:
called_computation.1_lowered:
.L_overlay_start_0:
0x88: {  	s0 =	sld [smem:$0x3FD9]  }
0x89: {  	s1 =	sld [smem:$0x3FFE];
	_ =	sdelay $0x3  }
0x8a: {  	s0 =	sadd.s32 s1, s0  }
0x8b: {  	[smem:$0x3FC0] =	sst s0  }
0x8c: {  	_ = 	snop  }
0x8d: {  	s0 =	sld [smem:$0x3FC2]  }
0x8e: {  	s16 =	sld [smem:$0x3FD0];
	(tm) =	ssettm $0x1  }
0x8f: {  	s2 =	sld [smem:$0x3FFB];
	_ =	sdelay $0x3  }
0x90: {  	_ =	strace s2  }
0x91: {  	s2 =	sld [smem:$0x3FFC];
	_ =	sdelay $0x3  }
0x92: {  	_ =	strace s2  }
0x93: {  	s2 =	sld [smem:$0x3FFD];
	_ =	sdelay $0x3  }
0x94: {  	_ =	strace s2  }
0x95: {  	_ =	strace $0x8FFFFFFF  }
0x96: {  	s17 =	sld [smem:$0x3FDB];
	_ =	sdelay $0x1  }
0x97: {  	s3 =	simm.s32 $_scs_section_size  }
0x98: {  	s4 =	simm.s32 $_size__tile_overlayer_lowered;
	s5 =	simm.s32 $_tile_overlayer_lowered  }
0x99: {  	s20 =	simm.s32 $0x1BFF;
	s19 =	sshll.u32 s5, $0x1;
	s2 =	sadd.s32 s3, s17  }
0x9a: {  	s6 =	simm.s32 $0x0;
	s18 =	sshll.u32 s4, $0x1;
	s4 =	sadd.s32 s19, s2  }
0x9b: {  	[timem:s6], [sflag:s20] =	dma.local [hbm:s4], s18  }
0x9c: {  	_ =	swait.ge [sflag:s20], s18  }
0x9d: {  	s3 =	ssub.s32 $0x0, s18;
	[sflag:s20] =	ssyncset.done $0x0  }
0x9e: {  	[sflag:s20] =	ssyncadd.s32 s3;
	_ =	sdelay $0x1  }
0x9f: {  	s21 =	simm.s32 $0x1B8B  }
0xa0: {  	_ =	swait.ge [sflag:s21], $0x1  }
0xa1: {  	[sflag:s21] =	ssyncset.done $0x0  }
0xa2: {  	s23 =	simm.s32 $0x1B8E;
	s22 =	sld [smem:$0x3FFE];
	[sflag:s21] =	ssyncadd.s32 $0xFFFFFFFF  }
0xa3: {  	s24 =	simm.s32 $execute0_lowered;
	[smem:$0x3FD2] =	sst s23  }
0xa4: {  	s4 =	sshll.u32 s24, $0x1;
	_ =	strace $0x80000049;
	[dreg:$0x1] =	wrdreg $0xFFFFFFFF  }
0xa5: {  	s25 =	simm.s32 $_size_execute0_lowered;
	s2 =	sadd.s32 s2, s4;
	[dreg:$0x0] =	wrdreg $0x0  }
0xa6: {  	s4 =	sshll.u32 s25, $0x1;
	[dreg:$0x2] =	wrdreg s2  }
0xa7: {  	[dreg:$0x3] =	wrdreg s4  }
0xa8: {  	[dreg:$0x4] =	wrdreg $0xC0  }
0xa9: {  	_ =	task [dreg:s6], $0x5FFFF  }
0xaa: {  	[dreg:$0x1] =	wrdreg $0xFFFFFFFF  }
0xab: {  	[dreg:$0x0] =	wrdreg $0x60  }
0xac: {  	[dreg:$0x2] =	wrdreg s22  }
0xad: {  	[dreg:$0x3] =	wrdreg s0  }
0xae: {  	[dreg:$0x4] =	wrdreg s16  }
0xaf: {  	[dreg:$0x5] =	wrdreg $0x1EF800  }
0xb0: {  	[dreg:$0x6] =	wrdreg $0x1C7800  }
0xb1: {  	[dreg:$0x7] =	wrdreg $0x9  }
0xb2: {  	_ =	task.clear_ibuf [dreg:s6], $0x8FFFF;
	_ =	strace $0x90000049  }
0xb3: {  	s26 =	simm.s32 $0x9;
	_ =	strace $0x8000004B  }
0xb4: {  	_ =	swait.ge [sflag:s26], $0x1  }
0xb5: {  	[sflag:s26] =	ssyncadd.s32 $0xFFFFFFFF  }
0xb6: {  	_ =	strace $0x9000004B  }
0xb7: {  	_ =	sfence  }
0xb8: {  	s28 =	sld [smem:$0x0];
	_ =	sdelay $0x1  }
0xb9: {  	s29 =	srdreg.scid  }
0xba: {  	s30 =	sshll.u32 s29, $0xD;
	s31 =	sshrl.u32 s29, $0x2  }
0xbb: {  	s1 =	sand.u32 $0x1, s29;
	s2 =	sand.u32 $0x4000, s30;
	s0 =	sadd.s32 s31, s28  }
0xbc: {  	s1 =	sor.u32 s2, s1;
	s0 =	sshll.u32 s0, $0x11  }
0xbd: {  	s0 =	sor.u32 s0, s1  }
0xbe: {  	s0 =	sadd.s32 $0x8F2B, s0  }
0xbf: {  	[sflag:s0] =	ssyncadd.remote.s32 $0x1  }
0xc0: {  	_ =	sfence.sel $0xFFFF  }
0xc1: {  	[dreg:$0x0] =	wrdreg $0xFFFFFFFF;
	(pc) =	sbr.abs _section_cstart, $3  }
0xc2: {  	[dreg:$0x1] =	wrdreg $0xFFFFFFFF  }
0xc3: {  	_ =	task.clear_ibuf [dreg:s6], $0x2FFFF;
	_ =	strace $0x9FFFFFFF  }
0xc4: {  	(tm) =	ssettm $0x7FFFFFFF  }
0xc5: {  	_ =	shalt  }
tec
execute0_lowered:
.L_overlay_start_1:
0x0: {  	(tag) =	ssettag $0x1  }
0x1: {  	s5 =	rddreg [dreg:$0x0]  }
0x2: {  	s8 =	rddreg [dreg:$0x1]  }
0x3: {  	s1 =	rddreg [dreg:$0x2];
	s3 =	stileid.u32  }
0x4: {  	s2 =	rddreg [dreg:$0x3];
	s7 =	smul.u32 $0x4E20, s3  }
0x5: {  	s4 =	rddreg [dreg:$0x4]  }
0x6: {  	s0 =	rddreg [dreg:$0x5];
	s6 =	simm.s32 $0x0;
	s7 =	sshrl.u32 s7, $0x3  }
0x7: {  	s12 =	simm.s32 $0x4E80;
	[smem:$0x7FF] =	sst s6;
	s9 =	sadd.s32 s7, s5  }
0x8: {  	s11 =	smul.u32 $0x280, s3;
	_ =	strace $0x8000004A;
	s10 =	sadd.s32 $0x2000, s9  }
0x9: {  	[tilespmem:s6], [sflag:$0x1] =	stream.linear.gather [hbm4b:s10+s6], $0x4E20, $0x38;
	[tilespmem:$0x1F480] =	vst v63  }
0xa: {  	s17 =	sadd.s32 $0x16600, s5;
	s9 =	sadd.s32 $0xBC40, s9;
	s10 =	sshrl.u32 s11, $0x3  }
0xb: {  	[tilespmem:s12], [sflag:$0x2] =	stream.linear.gather [hbm4b:s9+s6], $0x4E20, $0x38;
	[tilespmem:$0x1F480] =	vst v63  }
0xc: {  	s19 =	simm.s32 $0x1B780;
	s20 =	simm.s32 $0x3;
	s18 =	sadd.s32 s17, s10  }
0xd: {  	[tilespmem:s19], [sflag:$0x3] =	stream.linear.gather [hbm4b:s18+s6], $0x280, $0x38;
	[tilespmem:$0x1F480] =	vst v63  }
0xe: {  	_ =	swait.ge [sflag:s20], $0x280  }
0xf: {  	[sflag:s20] =	ssyncset.done $0x0  }
0x10: {  	s13 =	simm.s32 $0x1C680;
	s21 =	sadd.s32 $0x15A00, s5;
	[sflag:s20] =	ssyncadd.s32 $0xFFFFFD80  }
0x11: {  	[tilespmem:s13], [sflag:$0x3] =	stream.linear.gather [hbm4b:s21+s6], $0x10, $0x38;
	[tilespmem:$0x1F480] =	vst v63  }
0x12: {  	_ =	swait.ge [sflag:s20], $0x10  }
0x13: {  	[sflag:s20] =	ssyncset.done $0x0  }
0x14: {  	[sflag:s20] =	ssyncadd.s32 $0xFFFFFFF0  }
0x15: {  	v0 =	vld [tilespmem:$0x1C680];
	_ =	sdelay $0x3  }
0x16: {  	vm0 =	vmmov $0x1  }
0x17: {  	vm15 =	vcmask $0x308;
	v1 =	vnsel vm0, $0x0, v0  }
0x18: {  	v0 =	vsel vm15, $0x0, v0;
	(xrf2) =	vadd.scan.msk.f32 $0xffff, v1  }
0x19: {  	(xrf2) =	vadd.scan.msk.f32 $0xffff, v0;
	_ =	sdelay $0x6  }
0x1a: {  	p0 =	seq.s32 s3, $0xF  }
0x1b: {  	s14 =	simm.s32 @p0 $0x1BA00;
	s12 =	sadd.s32 @p0 $0x4B0, s8;
	s13 =	simm.s32 @p0 $0x0  }
0x1c: {  	[tilespmem:s14], [sflag:$0x3] =	stream.linear.gather @p0 [hbm4b:s12+s13], $0x190, $0x38;
	v1, _, _ =	vpop (xrf2);
	[tilespmem:$0x1F480] =	vst v63  }
0x1d: {  	s12 =	simm.s32 @p0 $0x3;
	v0, _, _ =	vpop (xrf2)  }
0x1e: {  	_ =	swait.ge @p0 [sflag:s12], $0x190  }
0x1f: {  	[sflag:s12] =	ssyncset.done @p0 $0x0  }
0x20: {  	v2 =	vimm.s32 @p0 $0x0;
	[sflag:s12] =	ssyncadd.s32 @p0 $0xFFFFFE70  }
0x21: {  	[tilespmem:$0x1BB90] =	vst @p0 v2  }
0x22: {  	[tilespmem:$0x1BBA0] =	vst @p0 v2  }
0x23: {  	[tilespmem:$0x1BBB0] =	vst @p0 v2  }
0x24: {  	[tilespmem:$0x1BBC0] =	vst @p0 v2  }
0x25: {  	[tilespmem:$0x1BBD0] =	vst @p0 v2  }
0x26: {  	[tilespmem:$0x1BBE0] =	vst @p0 v2  }
0x27: {  	[tilespmem:$0x1BBF0] =	vst @p0 v2  }
0x28: {  	[tilespmem:$0x1BC00] =	vst @p0 v2  }
0x29: {  	[tilespmem:$0x1BC10] =	vst @p0 v2  }
0x2a: {  	[tilespmem:$0x1BC20] =	vst @p0 v2  }
0x2b: {  	[tilespmem:$0x1BC30] =	vst @p0 v2  }
0x2c: {  	[tilespmem:$0x1BC40] =	vst @p0 v2  }
0x2d: {  	[tilespmem:$0x1BC50] =	vst @p0 v2  }
0x2e: {  	[tilespmem:$0x1BC60] =	vst @p0 v2  }
0x2f: {  	s8 =	sadd.s32 @!p0 s8, s10;
	s10 =	simm.s32 @!p0 $0x0;
	s12 =	simm.s32 @!p0 $0x1BA00;
	[tilespmem:$0x1BC70] =	vst @p0 v2  }
0x30: {  	[tilespmem:s12], [sflag:$0x3] =	stream.linear.gather @!p0 [hbm4b:s8+s10], $0x280, $0x38;
	[tilespmem:$0x1F480] =	vst v63  }
0x31: {  	s8 =	simm.s32 @!p0 $0x3  }
0x32: {  	_ =	swait.ge @!p0 [sflag:s8], $0x280  }
0x33: {  	[sflag:s8] =	ssyncset.done @!p0 $0x0  }
0x34: {  	s5 =	sadd.s32 $0x15C00, s5;
	s12 =	simm.s32 $0x9D00;
	[sflag:s8] =	ssyncadd.s32 @!p0 $0xFFFFFD80  }
0x35: {  	[tilespmem:s12], [sflag:$0x3] =	stream.linear.gather [hbm4b:s5+s6], $0x2800, $0x38;
	[tilespmem:$0x1F480] =	vst v63  }
0x36: {  	_ =	swait.ge [sflag:s20], $0x2800  }
0x37: {  	[sflag:s20] =	ssyncset.done $0x0  }
0x38: {  	s22 =	simm.s32 $0xED00;
	[sflag:s20] =	ssyncadd.s32 $0xFFFFD800  }
0x39: {  	[tilespmem:s22], [sflag:$0x3] =	stream.linear.gather [hbm4b:s17+s6], $0x2800, $0x38;
	[tilespmem:$0x1F480] =	vst v63  }
0x3a: {  	_ =	swait.ge [sflag:s20], $0x2800  }
0x3b: {  	[sflag:s20] =	ssyncset.done $0x0  }
0x3c: {  	s23 =	simm.s32 $0x1BA20;
	[sflag:s20] =	ssyncadd.s32 $0xFFFFD800  }
0x3d: {  	v2 =	vld [tilespmem:s23+$0x10]  }
0x3e: {  	v3 =	vld [tilespmem:s23+$0xFFFFFFF0]  }
0x3f: {  	v4 =	vld [tilespmem:s23+$0xFFFFFFE0]  }
0x40: {  	s24 =	simm.s32 $0x1B7A0;
	v5 =	vld [tilespmem:s23+$0x0]  }
0x41: {  	s25 =	simm.s32 $0x1BA60;
	v8 =	vld [tilespmem:s24+$0x10]  }
0x42: {  	v9 =	vld [tilespmem:s25+$0x10]  }
0x43: {  	v11 =	vld [tilespmem:s25+$0xFFFFFFF0]  }
0x44: {  	v12 =	vld [tilespmem:s25+$0xFFFFFFE0]  }
0x45: {  	v13 =	vld [tilespmem:s24+$0xFFFFFFE0]  }
0x46: {  	v14 =	vld [tilespmem:s24+$0xFFFFFFF0]  }
0x47: {  	v7 =	vld [tilespmem:s24+$0x0]  }
0x48: {  	v6 =	vld.idx.msk [tilespmem:v2+s12+$0x0], $0xffff  }
0x49: {  	v10 =	vld.idx.msk [tilespmem:v3+s12+$0x0], $0xffff  }
0x4a: {  	s15 =	simm.s32 $0x4;
	s16 =	simm.s32 $0x1BAA0;
	s29 =	smul.u32 $0x5000, s3;
	v4 =	vld.idx.msk [tilespmem:v4+s12+$0x0], $0xffff  }
0x4b: {  	s26 =	sshrl.u32 s3, $0x3;
	s30 =	sshll.u32 s3, $0x7;
	s31 =	sshll.u32 s3, $0x4;
	v2 =	vld [tilespmem:s25+$0x0]  }
0x4c: {  	s28 =	smul.u32 $0x50000, s26;
	s7 =	sshrl.u32 s29, $0x2;
	s9 =	sand.u32 $0x380, s30;
	v3 =	vld.idx.msk [tilespmem:v5+s12+$0x0], $0xffff  }
0x4d: {  	s13 =	simm.s32 $0x1B7E0;
	s14 =	simm.s32 $0x1C1A0;
	s10 =	sadd.s32 $0x2800, s11;
	v5 =	vld.idx.msk [tilespmem:v9+s12+$0x0], $0xffff;
	v9 =	vmul.f32 v8, v6  }
0x4e: {  	s5 =	sadd.s32 s7, s4;
	s7 =	simm.s32 $0x19;
	s6 =	sshrl.u32 s28, $0x2;
	v8 =	vld [tilespmem:s13+$0x10]  }
0x4f: {  	s8 =	sadd.s32 s11, s2;
	s7 =	simm.s32 @!p0 $0x28;
	s6 =	sadd.s32 s6, s4;
	v6 =	vld.idx.msk [tilespmem:v11+s12+$0x0], $0xffff;
	[tilespmem:s14+$0x10] =	vst v9;
	v9 =	vmul.f32 v13, v4  }
0x50: {  	s4 =	sadd.s32 s31, s2;
	s6 =	sadd.s32 s9, s6;
	s9 =	sadd.s32 $0x2800, s8;
	v10 =	vmul.f32 v14, v10;
	v4 =	vld.idx.msk [tilespmem:v12+s12+$0x0], $0xffff  }
.LBB2_1:
0x51: {  	v11 =	vld [tilespmem:s16+$0x10];
	s15 =	sadd.s32 $0x4, s15;
	[tilespmem:s14+$0xFFFFFFE0] =	vst v9;
	v3 =	vmul.f32 v7, v3  }
0x52: {  	v9 =	vld [tilespmem:s16+$0xFFFFFFF0];
	p0 =	slt.u32 s15, $0x24;
	[tilespmem:s14+$0xFFFFFFF0] =	vst v10  }
0x53: {  	v10 =	vld [tilespmem:s16+$0x0];
	v5 =	vmul.f32 v8, v5;
	[tilespmem:s14+$0x0] =	vst v3  }
0x54: {  	s14 =	sadd.s32 $0x40, s14;
	v12 =	vld [tilespmem:s16+$0xFFFFFFE0]  }
0x55: {  	v13 =	vmov v6;
	v3 =	vld.idx.msk [tilespmem:v2+s12+$0x0], $0xffff;
	[tilespmem:s14+$0x10] =	vst v5  }
0x56: {  	v14 =	vld [tilespmem:s13+$0xFFFFFFE0]  }
0x57: {  	v15 =	vld [tilespmem:s13+$0xFFFFFFF0]  }
.Ltmp0:
0x58: {  	v7 =	vld [tilespmem:s13+$0x0];
	v2 =	vmov v10;
	(pc) =	sbr.rel @p0 .LBB2_1-.Ltmp0, $4  }
0x59: {  	s13 =	sadd.s32 $0x40, s13;
	v5 =	vld.idx.msk [tilespmem:v11+s12+$0x0], $0xffff  }
0x5a: {  	v8 =	vld [tilespmem:s13+$0x10]  }
0x5b: {  	v6 =	vld.idx.msk [tilespmem:v9+s12+$0x0], $0xffff;
	v9 =	vmul.f32 v14, v4  }
0x5c: {  	s16 =	sadd.s32 $0x40, s16;
	v4 =	vld.idx.msk [tilespmem:v12+s12+$0x0], $0xffff;
	v10 =	vmul.f32 v15, v13  }
0x5d: {  	_ =	sdelay $0x3  }
0x5e: {  	v2 =	vld.idx.msk [tilespmem:v2+s12+$0x0], $0xffff  }
0x5f: {  	v11 =	vld [tilespmem:s13+$0xFFFFFFE0]  }
0x60: {  	v12 =	vld [tilespmem:s13+$0xFFFFFFF0]  }
0x61: {  	v13 =	vld [tilespmem:s13+$0x0]  }
0x62: {  	[tilespmem:s14+$0xFFFFFFE0] =	vst v9;
	v3 =	vmul.f32 v7, v3  }
0x63: {  	[tilespmem:s14+$0xFFFFFFF0] =	vst v10;
	v5 =	vmul.f32 v8, v5  }
0x64: {  	s28 =	sadd.s32 $0x40, s14;
	[tilespmem:s14+$0x0] =	vst v3;
	v3 =	vmul.f32 v11, v4  }
0x65: {  	[tilespmem:s28+$0x10] =	vst v5;
	v4 =	vmul.f32 v12, v6  }
0x66: {  	v2 =	vmul.f32 v13, v2;
	[tilespmem:s28+$0xFFFFFFE0] =	vst v3  }
0x67: {  	[tilespmem:s28+$0xFFFFFFF0] =	vst v4  }
0x68: {  	s29 =	simm.s32 $0x1C180;
	s30 =	simm.s32 $0x3;
	[tilespmem:s28+$0x0] =	vst v2  }
0x69: {  	[spmem:s8] =	stream.linear.scatter [tilespmem:s29], [sflag:$0x3], $0x280, $0x38;
	[tilespmem:$0x1F480] =	vst v63  }
0x6a: {  	_ =	swait.ge [sflag:s30], $0x280  }
0x6b: {  	[sflag:s30] =	ssyncset.done $0x0  }
0x6c: {  	s31 =	simm.s32 $0x0;
	s12 =	simm.s32 $0xED30;
	[sflag:s30] =	ssyncadd.s32 $0xFFFFFD80  }
0x6d: {  	s13 =	sand.u32 $0x3FC0, s31;
	v7 =	vld [tilespmem:s12+$0xFFFFAFD0]  }
0x6e: {  	v8 =	vld [tilespmem:s13+$0xED00]  }
0x6f: {  	v3 =	vld [tilespmem:s12+$0xFFFFAFE0]  }
0x70: {  	v6 =	vld [tilespmem:s12+$0xFFFFFFE0]  }
0x71: {  	v2 =	vld [tilespmem:s12+$0xFFFFAFF0]  }
0x72: {  	v5 =	vld [tilespmem:s12+$0xFFFFFFF0]  }
0x73: {  	v4 =	vld [tilespmem:s12+$0xFFFFB000];
	v8 =	vmul.f32 v8, v7  }
0x74: {  	s15 =	simm.s32 $0xED70;
	s14 =	simm.s32 $0x40;
	s13 =	simm.s32 $0x0;
	v7 =	vld [tilespmem:s12+$0x0]  }
.LBB2_3:
0x75: {  	v9 =	vld [tilespmem:s15+$0xFFFFAFD0];
	s16 =	sand.u32 $0x3FC0, s14;
	s13 =	sadd.s32 $0x4, s13;
	[tilespmem:s12+$0xFFFFAFD0] =	vst v8;
	v6 =	vmul.f32 v6, v3  }
0x76: {  	v8 =	vld [tilespmem:s16+$0xED00];
	p0 =	slt.u32 s13, $0x27C  }
0x77: {  	v3 =	vld [tilespmem:s15+$0xFFFFAFE0];
	[tilespmem:s12+$0xFFFFAFE0] =	vst v6;
	v5 =	vmul.f32 v5, v2  }
.Ltmp1:
0x78: {  	v6 =	vld [tilespmem:s15+$0xFFFFFFE0];
	(pc) =	sbr.rel @p0 .LBB2_3-.Ltmp1, $4  }
0x79: {  	v2 =	vld [tilespmem:s15+$0xFFFFAFF0];
	[tilespmem:s12+$0xFFFFAFF0] =	vst v5;
	v7 =	vmul.f32 v7, v4  }
0x7a: {  	v5 =	vld [tilespmem:s15+$0xFFFFFFF0]  }
0x7b: {  	v8 =	vmul.f32 v8, v9;
	v4 =	vld [tilespmem:s15+$0xFFFFB000];
	[tilespmem:s12+$0xFFFFB000] =	vst v7;
	s12 =	smov.u32 s15  }
0x7c: {  	s14 =	sadd.s32 $0x40, s14;
	s15 =	sadd.s32 $0x40, s15;
	v7 =	vld [tilespmem:s12+$0x0]  }
0x7d: {  	_ =	sdelay $0x1  }
0x7e: {  	v3 =	vmul.f32 v6, v3  }
0x7f: {  	[tilespmem:s12+$0xFFFFAFD0] =	vst v8;
	v2 =	vmul.f32 v5, v2  }
0x80: {  	[tilespmem:s12+$0xFFFFAFE0] =	vst v3;
	v3 =	vmul.f32 v7, v4  }
0x81: {  	[tilespmem:s12+$0xFFFFAFF0] =	vst v2  }
0x82: {  	[tilespmem:s12+$0xFFFFB000] =	vst v3  }
0x83: {  	s30 =	simm.s32 $0xC500;
	s31 =	simm.s32 $0x3;
	[bflag:$0x0] =	sbarrier.arrive $0xFFFF  }
0x84: {  	[tilespmem:s30], [sflag:$0x3] =	stream.linear.gather [spmem:s2], $0x2800, $0x38;
	[tilespmem:$0x1F480] =	vst v63  }
0x85: {  	_ =	swait.ge [sflag:s31], $0x2800  }
0x86: {  	[sflag:s31] =	ssyncset.done $0x0  }
0x87: {  	v2 =	vimm.f32 $0.0e+00;
	s12 =	simm.s32 $0x11540;
	[sflag:s31] =	ssyncadd.s32 $0xFFFFD800  }
0x88: {  	[tilespmem:s12+$0xFFFFFFC0] =	vst v2  }
0x89: {  	[tilespmem:s12+$0x30] =	vst v2  }
0x8a: {  	[tilespmem:s12+$0x20] =	vst v2  }
0x8b: {  	[tilespmem:s12+$0x10] =	vst v2  }
0x8c: {  	[tilespmem:s12+$0x0] =	vst v2  }
0x8d: {  	[tilespmem:s12+$0xFFFFFFF0] =	vst v2  }
0x8e: {  	s13 =	simm.s32 $0x0;
	[tilespmem:s12+$0xFFFFFFE0] =	vst v2  }
.LBB2_5:
0x8f: {  	s13 =	sadd.s32 $0x8, s13;
	[tilespmem:s12+$0xFFFFFFD0] =	vst v2;
	s12 =	sadd.s32 $0x80, s12  }
0x90: {  	[tilespmem:s12+$0xFFFFFFC0] =	vst v2;
	p0 =	slt.u32 s13, $0x778  }
0x91: {  	[tilespmem:s12+$0x30] =	vst v2  }
.Ltmp2:
0x92: {  	[tilespmem:s12+$0x20] =	vst v2;
	(pc) =	sbr.rel @p0 .LBB2_5-.Ltmp2, $4  }
0x93: {  	[tilespmem:s12+$0x10] =	vst v2  }
0x94: {  	[tilespmem:s12+$0x0] =	vst v2  }
0x95: {  	[tilespmem:s12+$0xFFFFFFF0] =	vst v2  }
0x96: {  	[tilespmem:s12+$0xFFFFFFE0] =	vst v2  }
0x97: {  	[tilespmem:s12+$0xFFFFFFD0] =	vst v2;
	s30 =	simm.s32 $0x1  }
0x98: {  	_ =	swait.ge [sflag:s30], $0x4E20  }
0x99: {  	[sflag:s30] =	ssyncset.done $0x0  }
0x9a: {  	s31 =	simm.s32 $0x2;
	[sflag:s30] =	ssyncadd.s32 $0xFFFFB1E0  }
0x9b: {  	_ =	swait.ge [sflag:s31], $0x4E20  }
0x9c: {  	[sflag:s31] =	ssyncset.done $0x0  }
0x9d: {  	s14 =	simm.s32 $0x4EC0;
	[sflag:s31] =	ssyncadd.s32 $0xFFFFB1E0  }
0x9e: {  	v2 =	vld [tilespmem:s14+$0xFFFFFFD0]  }
0x9f: {  	v4 =	vld [tilespmem:s14+$0xFFFFFFF0]  }
0xa0: {  	v3 =	vld [tilespmem:s14+$0xFFFFFFE0]  }
0xa1: {  	v5 =	vld [tilespmem:s14+$0x10]  }
0xa2: {  	v6 =	vld [tilespmem:s14+$0x0]  }
0xa3: {  	v11 =	vld [tilespmem:s14+$0x30]  }
0xa4: {  	v7 =	vld [tilespmem:s14+$0x20]  }
0xa5: {  	s15 =	simm.s32 $0x40;
	v9 =	vld [tilespmem:s14+$0xFFFFFFC0]  }
0xa6: {  	v12 =	vld [tilespmem:s15+$0xFFFFFFC0]  }
0xa7: {  	v14 =	vld [tilespmem:s15+$0x30]  }
0xa8: {  	v15 =	vld [tilespmem:s15+$0x20]  }
0xa9: {  	v16 =	vld [tilespmem:s15+$0x10]  }
0xaa: {  	v20 =	vld [tilespmem:s15+$0x0]  }
0xab: {  	v10 =	vld [tilespmem:s15+$0xFFFFFFF0]  }
0xac: {  	v13 =	vld [tilespmem:s15+$0xFFFFFFE0];
	v17 =	vadd.s32 $0x5000, v12  }
0xad: {  	s13 =	simm.s32 $0x9D00;
	v8 =	vld [tilespmem:s15+$0xFFFFFFD0];
	v18 =	vadd.s32 $0x5000, v14  }
0xae: {  	v19 =	vadd.s32 $0x2800, v14;
	v24 =	vld.idx.msk [tilespmem:v12+s13+$0x0], $0xffff  }
0xaf: {  	v22 =	vld.idx.msk [tilespmem:v14+s13+$0x0], $0xffff  }
0xb0: {  	v30 =	vld.idx.msk [tilespmem:v15+s13+$0x0], $0xffff  }
0xb1: {  	v12 =	vadd.s32 $0x2800, v12;
	v28 =	vld.idx.msk [tilespmem:v17+s13+$0x0], $0xffff  }
0xb2: {  	v21 =	vld.idx.msk [tilespmem:v18+s13+$0x0], $0xffff  }
0xb3: {  	v14 =	vadd.s32 $0x5000, v16;
	v23 =	vld.idx.msk [tilespmem:v19+s13+$0x0], $0xffff  }
0xb4: {  	v17 =	vadd.s32 $0x5000, v15;
	v19 =	vld.idx.msk [tilespmem:v20+s13+$0x0], $0xffff  }
0xb5: {  	v15 =	vadd.s32 $0x2800, v15;
	v18 =	vld.idx.msk [tilespmem:v16+s13+$0x0], $0xffff  }
0xb6: {  	s12 =	simm.s32 $0x11500;
	v26 =	vld.idx.msk [tilespmem:v12+s13+$0x0], $0xffff  }
0xb7: {  	v29 =	vadd.s32 $0x2800, v9;
	[tilespmem:v9+s12+$0x0] =	vst.idx.add.f32.msk $0xffff, v24  }
0xb8: {  	v31 =	vadd.s32 $0x5000, v9;
	v9 =	vld.idx.msk [tilespmem:v14+s13+$0x0], $0xffff  }
0xb9: {  	v24 =	vld.idx.msk [tilespmem:v17+s13+$0x0], $0xffff  }
0xba: {  	v25 =	vadd.s32 $0x2800, v16;
	v16 =	vadd.s32 $0x5000, v20;
	v27 =	vld.idx.msk [tilespmem:v15+s13+$0x0], $0xffff  }
0xbb: {  	v14 =	vadd.s32 $0x5000, v11;
	v12 =	vadd.s32 $0x2800, v10;
	v17 =	vadd.s32 $0x2800, v20;
	[tilespmem:v7+s12+$0x0] =	vst.idx.add.f32.msk $0xffff, v30  }
0xbc: {  	v15 =	vadd.s32 $0x2800, v13;
	v20 =	vadd.s32 $0x2800, v8;
	[tilespmem:v29+s12+$0x0] =	vst.idx.add.f32.msk $0xffff, v26;
	v29 =	vadd.s32 $0x5000, v10  }
0xbd: {  	s16 =	simm.s32 $0x0;
	v30 =	vadd.s32 $0x2800, v11;
	v26 =	vadd.s32 $0x5000, v13;
	[tilespmem:v31+s12+$0x0] =	vst.idx.add.f32.msk $0xffff, v28;
	v28 =	vadd.s32 $0x5000, v8  }
.LBB2_7:
0xbe: {  	s16 =	sadd.s32 $0x8, s16;
	[tilespmem:v11+s12+$0x0] =	vst.idx.add.f32.msk $0xffff, v22;
	s15 =	sadd.s32 $0x80, s15;
	s14 =	sadd.s32 $0x80, s14  }
0xbf: {  	p0 =	slt.u32 s16, $0x4D8;
	v11 =	vld.idx.msk [tilespmem:v25+s13+$0x0], $0xffff  }
0xc0: {  	v13 =	vld.idx.msk [tilespmem:v13+s13+$0x0], $0xffff  }
0xc1: {  	v22 =	vld.idx.msk [tilespmem:v29+s13+$0x0], $0xffff  }
0xc2: {  	v25 =	vadd.s32 $0x2800, v7;
	[tilespmem:v30+s12+$0x0] =	vst.idx.add.f32.msk $0xffff, v23  }
0xc3: {  	v7 =	vadd.s32 $0x5000, v7;
	[tilespmem:v14+s12+$0x0] =	vst.idx.add.f32.msk $0xffff, v21  }
0xc4: {  	v14 =	vld.idx.msk [tilespmem:v26+s13+$0x0], $0xffff  }
0xc5: {  	v21 =	vld.idx.msk [tilespmem:v28+s13+$0x0], $0xffff  }
0xc6: {  	v10 =	vld.idx.msk [tilespmem:v10+s13+$0x0], $0xffff  }
0xc7: {  	[tilespmem:v25+s12+$0x0] =	vst.idx.add.f32.msk $0xffff, v27  }
0xc8: {  	[tilespmem:v7+s12+$0x0] =	vst.idx.add.f32.msk $0xffff, v24  }
0xc9: {  	v7 =	vld.idx.msk [tilespmem:v17+s13+$0x0], $0xffff  }
0xca: {  	v16 =	vld.idx.msk [tilespmem:v16+s13+$0x0], $0xffff  }
0xcb: {  	[tilespmem:v6+s12+$0x0] =	vst.idx.add.f32.msk $0xffff, v19  }
0xcc: {  	v19 =	vadd.s32 $0x2800, v6;
	v17 =	vld.idx.msk [tilespmem:v20+s13+$0x0], $0xffff  }
0xcd: {  	v8 =	vld.idx.msk [tilespmem:v8+s13+$0x0], $0xffff  }
0xce: {  	v6 =	vadd.s32 $0x5000, v6;
	v15 =	vld.idx.msk [tilespmem:v15+s13+$0x0], $0xffff  }
0xcf: {  	v20 =	vadd.s32 $0x2800, v3;
	[tilespmem:v5+s12+$0x0] =	vst.idx.add.f32.msk $0xffff, v18  }
0xd0: {  	v12 =	vld.idx.msk [tilespmem:v12+s13+$0x0], $0xffff  }
0xd1: {  	[tilespmem:v19+s12+$0x0] =	vst.idx.add.f32.msk $0xffff, v7;
	v7 =	vadd.s32 $0x2800, v5  }
0xd2: {  	v5 =	vadd.s32 $0x5000, v5;
	[tilespmem:v3+s12+$0x0] =	vst.idx.add.f32.msk $0xffff, v13  }
0xd3: {  	v13 =	vadd.s32 $0x2800, v4;
	[tilespmem:v6+s12+$0x0] =	vst.idx.add.f32.msk $0xffff, v16  }
0xd4: {  	v6 =	vadd.s32 $0x5000, v4;
	[tilespmem:v20+s12+$0x0] =	vst.idx.add.f32.msk $0xffff, v15  }
0xd5: {  	[tilespmem:v4+s12+$0x0] =	vst.idx.add.f32.msk $0xffff, v10  }
0xd6: {  	v4 =	vadd.s32 $0x2800, v2;
	[tilespmem:v7+s12+$0x0] =	vst.idx.add.f32.msk $0xffff, v11  }
0xd7: {  	v3 =	vadd.s32 $0x5000, v3;
	v7 =	vadd.s32 $0x5000, v2;
	[tilespmem:v5+s12+$0x0] =	vst.idx.add.f32.msk $0xffff, v9  }
0xd8: {  	[tilespmem:v13+s12+$0x0] =	vst.idx.add.f32.msk $0xffff, v12  }
0xd9: {  	[tilespmem:v6+s12+$0x0] =	vst.idx.add.f32.msk $0xffff, v22  }
0xda: {  	[tilespmem:v2+s12+$0x0] =	vst.idx.add.f32.msk $0xffff, v8  }
0xdb: {  	[tilespmem:v4+s12+$0x0] =	vst.idx.add.f32.msk $0xffff, v17  }
0xdc: {  	[tilespmem:v3+s12+$0x0] =	vst.idx.add.f32.msk $0xffff, v14  }
0xdd: {  	[tilespmem:v7+s12+$0x0] =	vst.idx.add.f32.msk $0xffff, v21  }
0xde: {  	v2 =	vld [tilespmem:s14+$0xFFFFFFD0]  }
0xdf: {  	v4 =	vld [tilespmem:s14+$0xFFFFFFF0]  }
0xe0: {  	v3 =	vld [tilespmem:s14+$0xFFFFFFE0]  }
0xe1: {  	v5 =	vld [tilespmem:s14+$0x10]  }
0xe2: {  	v6 =	vld [tilespmem:s14+$0x0]  }
0xe3: {  	v11 =	vld [tilespmem:s14+$0x30]  }
0xe4: {  	v7 =	vld [tilespmem:s14+$0x20]  }
0xe5: {  	v9 =	vld [tilespmem:s14+$0xFFFFFFC0]  }
0xe6: {  	v12 =	vld [tilespmem:s15+$0xFFFFFFC0]  }
0xe7: {  	v15 =	vld [tilespmem:s15+$0x30]  }
0xe8: {  	v18 =	vld [tilespmem:s15+$0x20];
	v14 =	vadd.s32 $0x5000, v11  }
0xe9: {  	v30 =	vld [tilespmem:s15+$0x10]  }
0xea: {  	v19 =	vld [tilespmem:s15+$0x0]  }
0xeb: {  	v24 =	vadd.s32 $0x2800, v12;
	v20 =	vadd.s32 $0x5000, v12;
	v10 =	vld [tilespmem:s15+$0xFFFFFFF0]  }
0xec: {  	v13 =	vld [tilespmem:s15+$0xFFFFFFE0];
	v23 =	vadd.s32 $0x2800, v15;
	v21 =	vadd.s32 $0x5000, v15  }
0xed: {  	v8 =	vld [tilespmem:s15+$0xFFFFFFD0];
	v27 =	vadd.s32 $0x2800, v18;
	v31 =	vadd.s32 $0x5000, v18  }
0xee: {  	v32 =	vld.idx.msk [tilespmem:v12+s13+$0x0], $0xffff;
	v25 =	vadd.s32 $0x2800, v30;
	v33 =	vadd.s32 $0x5000, v30  }
0xef: {  	v17 =	vadd.s32 $0x2800, v19;
	v16 =	vadd.s32 $0x5000, v19;
	v22 =	vld.idx.msk [tilespmem:v15+s13+$0x0], $0xffff  }
0xf0: {  	v34 =	vld.idx.msk [tilespmem:v20+s13+$0x0], $0xffff;
	v12 =	vadd.s32 $0x2800, v10;
	v29 =	vadd.s32 $0x5000, v10  }
0xf1: {  	v15 =	vadd.s32 $0x2800, v13;
	v26 =	vadd.s32 $0x5000, v13;
	v35 =	vld.idx.msk [tilespmem:v18+s13+$0x0], $0xffff  }
0xf2: {  	v20 =	vadd.s32 $0x2800, v8;
	v28 =	vadd.s32 $0x5000, v8;
	v21 =	vld.idx.msk [tilespmem:v21+s13+$0x0], $0xffff  }
0xf3: {  	v23 =	vld.idx.msk [tilespmem:v23+s13+$0x0], $0xffff  }
0xf4: {  	v36 =	vld.idx.msk [tilespmem:v24+s13+$0x0], $0xffff  }
0xf5: {  	[tilespmem:v9+s12+$0x0] =	vst.idx.add.f32.msk $0xffff, v32  }
0xf6: {  	v32 =	vadd.s32 $0x2800, v9;
	v19 =	vld.idx.msk [tilespmem:v19+s13+$0x0], $0xffff  }
0xf7: {  	v37 =	vadd.s32 $0x5000, v9;
	v9 =	vld.idx.msk [tilespmem:v33+s13+$0x0], $0xffff  }
0xf8: {  	v24 =	vld.idx.msk [tilespmem:v31+s13+$0x0], $0xffff  }
.Ltmp3:
0xf9: {  	v27 =	vld.idx.msk [tilespmem:v27+s13+$0x0], $0xffff;
	(pc) =	sbr.rel @p0 .LBB2_7-.Ltmp3, $4  }
0xfa: {  	v18 =	vld.idx.msk [tilespmem:v30+s13+$0x0], $0xffff  }
0xfb: {  	[tilespmem:v32+s12+$0x0] =	vst.idx.add.f32.msk $0xffff, v36  }
0xfc: {  	[tilespmem:v37+s12+$0x0] =	vst.idx.add.f32.msk $0xffff, v34  }
0xfd: {  	v30 =	vadd.s32 $0x2800, v11;
	[tilespmem:v7+s12+$0x0] =	vst.idx.add.f32.msk $0xffff, v35  }
0xfe: {  	_ =	sdelay $0x3  }
0xff: {  	[tilespmem:v11+s12+$0x0] =	vst.idx.add.f32.msk $0xffff, v22  }
0x100: {  	v47 =	vld.idx.msk [tilespmem:v25+s13+$0x0], $0xffff  }
0x101: {  	v13 =	vld.idx.msk [tilespmem:v13+s13+$0x0], $0xffff  }
0x102: {  	v48 =	vld.idx.msk [tilespmem:v29+s13+$0x0], $0xffff  }
0x103: {  	v51 =	vld.idx.msk [tilespmem:v26+s13+$0x0], $0xffff  }
0x104: {  	v52 =	vld.idx.msk [tilespmem:v28+s13+$0x0], $0xffff  }
0x105: {  	v10 =	vld.idx.msk [tilespmem:v10+s13+$0x0], $0xffff  }
0x106: {  	v53 =	vld.idx.msk [tilespmem:v17+s13+$0x0], $0xffff  }
0x107: {  	v16 =	vld.idx.msk [tilespmem:v16+s13+$0x0], $0xffff  }
0x108: {  	[tilespmem:v6+s12+$0x0] =	vst.idx.add.f32.msk $0xffff, v19  }
0x109: {  	v54 =	vld.idx.msk [tilespmem:v20+s13+$0x0], $0xffff  }
0x10a: {  	v8 =	vld.idx.msk [tilespmem:v8+s13+$0x0], $0xffff  }
0x10b: {  	v49 =	vadd.s32 $0x2800, v7;
	v15 =	vld.idx.msk [tilespmem:v15+s13+$0x0], $0xffff  }
0x10c: {  	v55 =	vadd.s32 $0x2800, v6;
	v12 =	vld.idx.msk [tilespmem:v12+s13+$0x0], $0xffff  }
0x10d: {  	[tilespmem:v30+s12+$0x0] =	vst.idx.add.f32.msk $0xffff, v23  }
0x10e: {  	[tilespmem:v5+s12+$0x0] =	vst.idx.add.f32.msk $0xffff, v18  }
0x10f: {  	v58 =	vadd.s32 $0x2800, v5;
	[tilespmem:v14+s12+$0x0] =	vst.idx.add.f32.msk $0xffff, v21  }
0x110: {  	[tilespmem:v49+s12+$0x0] =	vst.idx.add.f32.msk $0xffff, v27  }
0x111: {  	v50 =	vadd.s32 $0x5000, v7;
	[tilespmem:v55+s12+$0x0] =	vst.idx.add.f32.msk $0xffff, v53  }
0x112: {  	v56 =	vadd.s32 $0x5000, v6;
	[tilespmem:v3+s12+$0x0] =	vst.idx.add.f32.msk $0xffff, v13  }
0x113: {  	v57 =	vadd.s32 $0x2800, v3;
	[tilespmem:v4+s12+$0x0] =	vst.idx.add.f32.msk $0xffff, v10  }
0x114: {  	v59 =	vadd.s32 $0x5000, v5;
	[tilespmem:v58+s12+$0x0] =	vst.idx.add.f32.msk $0xffff, v47  }
0x115: {  	v60 =	vadd.s32 $0x2800, v4;
	[tilespmem:v2+s12+$0x0] =	vst.idx.add.f32.msk $0xffff, v8  }
0x116: {  	v62 =	vadd.s32 $0x2800, v2;
	[tilespmem:v50+s12+$0x0] =	vst.idx.add.f32.msk $0xffff, v24  }
0x117: {  	v61 =	vadd.s32 $0x5000, v4;
	[tilespmem:v56+s12+$0x0] =	vst.idx.add.f32.msk $0xffff, v16  }
0x118: {  	v63 =	vadd.s32 $0x5000, v2;
	[tilespmem:v57+s12+$0x0] =	vst.idx.add.f32.msk $0xffff, v15  }
0x119: {  	v3 =	vadd.s32 $0x5000, v3;
	[tilespmem:v59+s12+$0x0] =	vst.idx.add.f32.msk $0xffff, v9  }
0x11a: {  	[tilespmem:v60+s12+$0x0] =	vst.idx.add.f32.msk $0xffff, v12  }
0x11b: {  	[tilespmem:v62+s12+$0x0] =	vst.idx.add.f32.msk $0xffff, v54  }
0x11c: {  	[tilespmem:v61+s12+$0x0] =	vst.idx.add.f32.msk $0xffff, v48  }
0x11d: {  	[tilespmem:v63+s12+$0x0] =	vst.idx.add.f32.msk $0xffff, v52  }
0x11e: {  	s13 =	simm.s32 $0x9D00;
	s14 =	simm.s32 $0x11500;
	[tilespmem:v3+s12+$0x0] =	vst.idx.add.f32.msk $0xffff, v51;
	s12 =	simm.s32 $0x0  }
.LBB2_9:
0x11f: {  	s15 =	sshra.s32 s12, $0x2  }
0x120: {  	v2 =	vld [tilespmem:s15+$0x4E00];
	_ =	sdelay $0x4  }
0x121: {  	v3 =	vld [tilespmem:s15+$0x9C80];
	v4 =	vadd.s32 $0x2800, v2  }
0x122: {  	v5 =	vadd.s32 $0x5000, v2;
	_ =	sdelay $0x2  }
0x123: {  	v2 =	vld.idx.msk [tilespmem:v2+s13+$0x0], $0xffff  }
0x124: {  	v6 =	vadd.s32 $0x2800, v3;
	v4 =	vld.idx.msk [tilespmem:v4+s13+$0x0], $0xffff  }
0x125: {  	p0 =	sne.s32 s12, $0x40;
	v7 =	vadd.s32 $0x5000, v3;
	v5 =	vld.idx.msk [tilespmem:v5+s13+$0x0], $0xffff  }
.Ltmp4:
0x126: {  	_ = 	snop;
	(pc) =	sbr.rel @p0 .LBB2_9-.Ltmp4, $4  }
0x127: {  	_ = 	snop  }
0x128: {  	[tilespmem:v3+s14+$0x0] =	vst.idx.add.f32.msk $0xffff, v2  }
0x129: {  	[tilespmem:v6+s14+$0x0] =	vst.idx.add.f32.msk $0xffff, v4  }
0x12a: {  	s12 =	sadd.s32 $0x40, s12;
	[tilespmem:v7+s14+$0x0] =	vst.idx.add.f32.msk $0xffff, v5  }
0x12b: {  	s12 =	simm.s32 $0x80  }
0x12c: {  	s13 =	simm.s32 $0x400;
	s14 =	simm.s32 $0x11500;
	s19 =	simm.s32 $0x3  }
0x12d: {  	[spmem:s6] =	stream.strided.scatter [tilespmem:s14], [sflag:$0x3], $0x2800, s13, s12, $0x38;
	[tilespmem:$0x1F480] =	vst v63  }
0x12e: {  	_ =	swait.ge [sflag:s19], $0x2800  }
0x12f: {  	[sflag:s19] =	ssyncset.done $0x0  }
0x130: {  	s20 =	simm.s32 $0x1400;
	s21 =	simm.s32 $0x14000;
	[sflag:s19] =	ssyncadd.s32 $0xFFFFD800  }
0x131: {  	s15 =	simm.s32 $0x18F80;
	s17 =	simm.s32 $0x0;
	[bflag:$0x0] =	sbarrier.arrive $0xFFFF  }
0x132: {  	[tilespmem:s15], [sflag:$0x3] =	stream.strided.gather [spmem:s5], $0x2800, s21, s20, $0x38;
	[tilespmem:$0x1F480] =	vst v63  }
0x133: {  	s13 =	sand.u32 $0x60, s17;
	s14 =	sand.u32 $0x1C00, s17;
	_ =	swait.ge [sflag:s19], $0x2800  }
0x134: {  	s22 =	sadd.s32 $0x18F80, s14;
	s16 =	sor.u32 $0x10, s13;
	[sflag:s19] =	ssyncset.done $0x0  }
0x135: {  	s23 =	sor.u32 s16, s22;
	[sflag:s19] =	ssyncadd.s32 $0xFFFFD800  }
0x136: {  	v2 =	vld [tilespmem:s23+$0x0]  }
0x137: {  	s15 =	sor.u32 s13, s22;
	v3 =	vld [tilespmem:s23+$0x80]  }
0x138: {  	v4 =	vld [tilespmem:s15+$0x0]  }
0x139: {  	v5 =	vld [tilespmem:s23+$0x100]  }
0x13a: {  	v6 =	vld [tilespmem:s15+$0x80]  }
0x13b: {  	v7 =	vld [tilespmem:s23+$0x180]  }
0x13c: {  	v8 =	vld [tilespmem:s15+$0x100]  }
0x13d: {  	v9 =	vld [tilespmem:s23+$0x200]  }
0x13e: {  	v10 =	vld [tilespmem:s15+$0x180]  }
0x13f: {  	v11 =	vld [tilespmem:s23+$0x280]  }
0x140: {  	v12 =	vld [tilespmem:s15+$0x200]  }
0x141: {  	v13 =	vld [tilespmem:s23+$0x300]  }
0x142: {  	v14 =	vld [tilespmem:s15+$0x280]  }
0x143: {  	s18 =	sor.u32 $0x1A380, s14;
	v15 =	vld [tilespmem:s23+$0x380]  }
0x144: {  	s24 =	sor.u32 s16, s18;
	v16 =	vld [tilespmem:s15+$0x300]  }
0x145: {  	v17 =	vld [tilespmem:s24+$0x0]  }
0x146: {  	s28 =	sadd.s32 $0x1A480, s14;
	s26 =	sor.u32 s13, s18;
	v18 =	vld [tilespmem:s15+$0x380]  }
0x147: {  	s29 =	sor.u32 s16, s28;
	v20 =	vld [tilespmem:s26+$0x0]  }
0x148: {  	s18 =	sor.u32 s13, s28;
	s20 =	sadd.s32 $0x1A580, s14;
	v21 =	vld [tilespmem:s29+$0x0]  }
0x149: {  	s31 =	sadd.s32 $0x1A500, s14;
	s21 =	sor.u32 s16, s20;
	v24 =	vld [tilespmem:s18+$0x0]  }
0x14a: {  	s22 =	sor.u32 s13, s31;
	s19 =	sadd.s32 $0x1A400, s14;
	v25 =	vld [tilespmem:s21+$0x0]  }
0x14b: {  	s25 =	sor.u32 s16, s19;
	v26 =	vld [tilespmem:s22+$0x0]  }
0x14c: {  	s30 =	sor.u32 s13, s19;
	v19 =	vld [tilespmem:s25+$0x0]  }
0x14d: {  	s15 =	sor.u32 s16, s31;
	s23 =	sadd.s32 $0x1A600, s14;
	v22 =	vld [tilespmem:s30+$0x0]  }
0x14e: {  	v23 =	vld [tilespmem:s15+$0x0];
	s24 =	sor.u32 s16, s23  }
0x14f: {  	s26 =	sadd.s32 $0x1A680, s14;
	s25 =	sor.u32 s13, s20;
	v27 =	vld [tilespmem:s24+$0x0]  }
0x150: {  	s28 =	sor.u32 s16, s26;
	v28 =	vld [tilespmem:s25+$0x0]  }
0x151: {  	s29 =	sor.u32 s13, s23;
	s30 =	sadd.s32 $0x1A700, s14;
	s20 =	simm.s32 $0x100;
	v29 =	vld [tilespmem:s28+$0x0]  }
0x152: {  	s12 =	simm.s32 $0x20;
	v30 =	vld [tilespmem:s29+$0x0];
	s31 =	sor.u32 s16, s30;
	s18 =	sand.u32 $0x1C00, s20;
	v2 =	vadd.f32 v3, v2  }
0x153: {  	s21 =	sor.u32 s13, s26;
	s14 =	sand.u32 $0x60, s12;
	s20 =	sadd.s32 $0x18F80, s18;
	v3 =	vadd.f32 v6, v4;
	v4 =	vld [tilespmem:s31+$0x0]  }
0x154: {  	s19 =	sor.u32 s13, s30;
	s13 =	sor.u32 $0x10, s14;
	s22 =	sor.u32 s14, s20;
	v6 =	vld [tilespmem:s21+$0x0];
	v2 =	vadd.f32 v5, v2  }
0x155: {  	s21 =	sor.u32 s13, s20;
	v53 =	vld [tilespmem:s22+$0x80];
	v3 =	vadd.f32 v8, v3  }
0x156: {  	s23 =	sor.u32 $0x1A380, s18;
	v8 =	vld [tilespmem:s21+$0x0];
	v2 =	vadd.f32 v7, v2  }
0x157: {  	s24 =	sor.u32 s13, s23;
	v3 =	vadd.f32 v10, v3;
	v7 =	vld [tilespmem:s21+$0x80]  }
0x158: {  	v58 =	vld [tilespmem:s24+$0x0];
	v2 =	vadd.f32 v9, v2  }
0x159: {  	v3 =	vadd.f32 v12, v3;
	v9 =	vld [tilespmem:s21+$0x100]  }
0x15a: {  	v10 =	vld [tilespmem:s22+$0x0];
	v2 =	vadd.f32 v11, v2  }
0x15b: {  	v3 =	vadd.f32 v14, v3;
	v11 =	vld [tilespmem:s21+$0x180]  }
0x15c: {  	v7 =	vadd.f32 v7, v8;
	v8 =	vld [tilespmem:s22+$0x100];
	v2 =	vadd.f32 v13, v2  }
0x15d: {  	v54 =	vld [tilespmem:s21+$0x200];
	v3 =	vadd.f32 v16, v3  }
0x15e: {  	v7 =	vadd.f32 v9, v7;
	v9 =	vld [tilespmem:s22+$0x180];
	v2 =	vadd.f32 v15, v2  }
0x15f: {  	v55 =	vld [tilespmem:s21+$0x280];
	v10 =	vadd.f32 v53, v10;
	v3 =	vadd.f32 v18, v3  }
0x160: {  	v7 =	vadd.f32 v11, v7;
	v11 =	vld [tilespmem:s22+$0x200];
	v2 =	vadd.f32 v17, v2  }
0x161: {  	v56 =	vld [tilespmem:s21+$0x300];
	v3 =	vadd.f32 v20, v3;
	v8 =	vadd.f32 v8, v10  }
0x162: {  	v10 =	vld [tilespmem:s22+$0x280];
	v7 =	vadd.f32 v54, v7;
	v2 =	vadd.f32 v19, v2  }
0x163: {  	s25 =	sadd.s32 $0x1A400, s18;
	v57 =	vld [tilespmem:s21+$0x380];
	v3 =	vadd.f32 v22, v3;
	v8 =	vadd.f32 v9, v8  }
0x164: {  	s26 =	sor.u32 s13, s25;
	v9 =	vld [tilespmem:s22+$0x300];
	v7 =	vadd.f32 v55, v7;
	v2 =	vadd.f32 v21, v2  }
0x165: {  	v59 =	vld [tilespmem:s26+$0x0];
	v3 =	vadd.f32 v24, v3;
	v8 =	vadd.f32 v11, v8  }
0x166: {  	v11 =	vld [tilespmem:s22+$0x380];
	v7 =	vadd.f32 v56, v7;
	v2 =	vadd.f32 v23, v2  }
0x167: {  	s28 =	sadd.s32 $0x1A480, s18;
	v5 =	vld [tilespmem:s19+$0x0];
	s19 =	sor.u32 s14, s23;
	v3 =	vadd.f32 v26, v3;
	v8 =	vadd.f32 v10, v8  }
0x168: {  	s29 =	sor.u32 s13, s28;
	v10 =	vld [tilespmem:s19+$0x0];
	v7 =	vadd.f32 v57, v7;
	v2 =	vadd.f32 v25, v2  }
0x169: {  	s30 =	sor.u32 s14, s25;
	s31 =	sadd.s32 $0x1A500, s18;
	v60 =	vld [tilespmem:s29+$0x0];
	v3 =	vadd.f32 v28, v3;
	v8 =	vadd.f32 v9, v8  }
0x16a: {  	s22 =	sor.u32 s13, s31;
	v9 =	vld [tilespmem:s30+$0x0];
	v7 =	vadd.f32 v58, v7;
	v2 =	vadd.f32 v27, v2  }
0x16b: {  	s24 =	sadd.s32 $0x1A580, s18;
	s23 =	sor.u32 s14, s28;
	v61 =	vld [tilespmem:s22+$0x0];
	v3 =	vadd.f32 v30, v3;
	v8 =	vadd.f32 v11, v8  }
0x16c: {  	s25 =	sor.u32 s13, s24;
	v11 =	vld [tilespmem:s23+$0x0];
	v7 =	vadd.f32 v59, v7;
	v62 =	vadd.f32 v29, v2  }
0x16d: {  	s26 =	sor.u32 s14, s31;
	s28 =	sadd.s32 $0x1A600, s18;
	v63 =	vld [tilespmem:s25+$0x0];
	v3 =	vadd.f32 v6, v3;
	v6 =	vadd.f32 v10, v8  }
0x16e: {  	s15 =	simm.s32 $0x18D00;
	s29 =	sor.u32 s13, s28;
	v2 =	vld [tilespmem:s26+$0x0];
	v7 =	vadd.f32 v60, v7;
	v8 =	vadd.f32 v4, v62  }
0x16f: {  	s20 =	sor.u32 s14, s24;
	s22 =	sand.u32 $0x380, s17;
	s23 =	sadd.s32 $0x1A680, s18;
	v10 =	vadd.f32 v5, v3;
	v3 =	vld [tilespmem:s29+$0x0];
	v6 =	vadd.f32 v9, v6  }
0x170: {  	s21 =	sadd.s32 $0x1A700, s18;
	s16 =	sor.u32 s16, s22;
	s30 =	sor.u32 s13, s23;
	v4 =	vld [tilespmem:s20+$0x0];
	v7 =	vadd.f32 v61, v7  }
0x171: {  	s31 =	sor.u32 s14, s28;
	s17 =	simm.s32 $0x2;
	s22 =	sor.u32 s13, s21;
	v5 =	vld [tilespmem:s30+$0x0];
	[tilespmem:s16+$0x18D00] =	vst v8;
	v8 =	vadd.f32 v11, v6  }
0x172: {  	s18 =	simm.s32 $0x40;
	s20 =	sor.u32 s14, s23;
	[tilespmem:s15+$0x0] =	vst v10;
	v6 =	vld [tilespmem:s31+$0x0];
	s16 =	simm.s32 $0x200;
	v7 =	vadd.f32 v63, v7  }
.LBB2_11:
0x173: {  	s19 =	sand.u32 $0x1C00, s16;
	v2 =	vadd.f32 v2, v8;
	s21 =	sor.u32 s14, s21;
	s14 =	sand.u32 $0x60, s18;
	v8 =	vld [tilespmem:s22+$0x0]  }
0x174: {  	s17 =	sadd.s32 $0x2, s17;
	s22 =	sadd.s32 $0x18F80, s19;
	s23 =	sor.u32 $0x10, s14;
	v9 =	vld [tilespmem:s20+$0x0];
	v3 =	vadd.f32 v3, v7  }
0x175: {  	p0 =	slt.u32 s17, $0x26;
	s20 =	sor.u32 s14, s22;
	s22 =	sor.u32 s23, s22;
	v2 =	vadd.f32 v4, v2;
	v4 =	vld [tilespmem:s21+$0x0]  }
0x176: {  	v7 =	vld [tilespmem:s22+$0x0];
	v3 =	vadd.f32 v5, v3  }
0x177: {  	v5 =	vld [tilespmem:s22+$0x80];
	v2 =	vadd.f32 v6, v2  }
0x178: {  	s21 =	sand.u32 $0x380, s12;
	s12 =	smov.u32 s18;
	v6 =	vld [tilespmem:s20+$0x0];
	v3 =	vadd.f32 v8, v3  }
0x179: {  	s21 =	sor.u32 s13, s21;
	s13 =	smov.u32 s23;
	v8 =	vld [tilespmem:s22+$0x100];
	v2 =	vadd.f32 v9, v2  }
0x17a: {  	v9 =	vld [tilespmem:s20+$0x80];
	[tilespmem:s21+$0x18D00] =	vst v3  }
0x17b: {  	v3 =	vld [tilespmem:s22+$0x180];
	v2 =	vadd.f32 v4, v2  }
0x17c: {  	s15 =	sadd.s32 $0x20, s15;
	v4 =	vld [tilespmem:s20+$0x100];
	v5 =	vadd.f32 v5, v7  }
0x17d: {  	v7 =	vld [tilespmem:s22+$0x200];
	[tilespmem:s15+$0x0] =	vst v2  }
0x17e: {  	v2 =	vld [tilespmem:s20+$0x180];
	v5 =	vadd.f32 v8, v5  }
0x17f: {  	v6 =	vadd.f32 v9, v6;
	v8 =	vld [tilespmem:s22+$0x280]  }
0x180: {  	v9 =	vld [tilespmem:s20+$0x200];
	v3 =	vadd.f32 v3, v5  }
0x181: {  	v4 =	vadd.f32 v4, v6;
	v5 =	vld [tilespmem:s22+$0x300]  }
0x182: {  	v6 =	vld [tilespmem:s20+$0x280];
	v3 =	vadd.f32 v7, v3  }
0x183: {  	s21 =	sor.u32 $0x1A380, s19;
	v2 =	vadd.f32 v2, v4;
	v4 =	vld [tilespmem:s22+$0x380]  }
0x184: {  	s22 =	sor.u32 s14, s21;
	s21 =	sor.u32 s13, s21;
	v7 =	vld [tilespmem:s20+$0x300];
	v3 =	vadd.f32 v8, v3  }
0x185: {  	s23 =	sadd.s32 $0x1A400, s19;
	v2 =	vadd.f32 v9, v2;
	v8 =	vld [tilespmem:s21+$0x0]  }
0x186: {  	s21 =	sor.u32 s13, s23;
	v9 =	vld [tilespmem:s20+$0x380];
	s20 =	sor.u32 s14, s23;
	v3 =	vadd.f32 v5, v3  }
0x187: {  	s23 =	sadd.s32 $0x1A480, s19;
	v2 =	vadd.f32 v6, v2;
	v5 =	vld [tilespmem:s21+$0x0]  }
0x188: {  	s21 =	sor.u32 s14, s23;
	v6 =	vld [tilespmem:s22+$0x0];
	v3 =	vadd.f32 v4, v3;
	s22 =	sor.u32 s13, s23  }
0x189: {  	s23 =	sadd.s32 $0x1A500, s19;
	v2 =	vadd.f32 v7, v2;
	v4 =	vld [tilespmem:s22+$0x0]  }
0x18a: {  	s22 =	sor.u32 s13, s23;
	v7 =	vld [tilespmem:s20+$0x0];
	s20 =	sor.u32 s14, s23;
	v3 =	vadd.f32 v8, v3  }
0x18b: {  	s23 =	sadd.s32 $0x1A580, s19;
	v2 =	vadd.f32 v9, v2;
	v8 =	vld [tilespmem:s22+$0x0]  }
0x18c: {  	s22 =	sor.u32 s13, s23;
	v9 =	vld [tilespmem:s21+$0x0];
	s21 =	sor.u32 s14, s23;
	v3 =	vadd.f32 v5, v3  }
0x18d: {  	s23 =	sadd.s32 $0x1A600, s19;
	v5 =	vadd.f32 v6, v2;
	v10 =	vld [tilespmem:s22+$0x0]  }
.Ltmp5:
0x18e: {  	s22 =	sor.u32 s14, s23;
	v2 =	vld [tilespmem:s20+$0x0];
	v6 =	vadd.f32 v4, v3;
	s20 =	sor.u32 s13, s23;
	(pc) =	sbr.rel @p0 .LBB2_11-.Ltmp5, $4  }
0x18f: {  	s23 =	sadd.s32 $0x1A680, s19;
	v5 =	vadd.f32 v7, v5;
	v3 =	vld [tilespmem:s20+$0x0]  }
0x190: {  	s20 =	sor.u32 s14, s23;
	s23 =	sor.u32 s13, s23;
	v4 =	vld [tilespmem:s21+$0x0];
	v7 =	vadd.f32 v8, v6  }
0x191: {  	s21 =	sadd.s32 $0x1A700, s19;
	v8 =	vadd.f32 v9, v5;
	v5 =	vld [tilespmem:s23+$0x0]  }
0x192: {  	s16 =	sadd.s32 $0x100, s16;
	s18 =	sadd.s32 $0x20, s18;
	v6 =	vld [tilespmem:s22+$0x0];
	v7 =	vadd.f32 v10, v7;
	s22 =	sor.u32 s13, s21  }
0x193: {  	v2 =	vadd.f32 v2, v8  }
0x194: {  	v63 =	vld [tilespmem:s20+$0x0]  }
0x195: {  	s14 =	sor.u32 s14, s21;
	v9 =	vld [tilespmem:s22+$0x0];
	v2 =	vadd.f32 v4, v2  }
0x196: {  	v3 =	vadd.f32 v3, v7;
	v4 =	vld [tilespmem:s14+$0x0]  }
0x197: {  	v2 =	vadd.f32 v6, v2  }
0x198: {  	v3 =	vadd.f32 v5, v3  }
0x199: {  	v2 =	vadd.f32 v63, v2  }
0x19a: {  	s12 =	sand.u32 $0x380, s12;
	v3 =	vadd.f32 v9, v3  }
0x19b: {  	s12 =	sor.u32 s13, s12;
	v2 =	vadd.f32 v4, v2  }
0x19c: {  	s21 =	sadd.s32 $0x20, s15;
	[tilespmem:s12+$0x18D00] =	vst v3  }
0x19d: {  	s22 =	simm.s32 $0x0;
	[tilespmem:s21+$0x0] =	vst v2  }
0x19e: {  	s23 =	simm.s32 $0x1B780;
	s24 =	sadd.s32 $0x0, s11;
	[bflag:$0x0] =	sbarrier.arrive $0xFFFF  }
0x19f: {  	s25 =	simm.s32 $0x18D00;
	s26 =	sand.u32 $0x7F80, s24;
	s12 =	sand.u32 $0x70, s22;
	v3 =	vld [tilespmem:s23+$0x0]  }
0x1a0: {  	s12 =	sor.u32 s12, s26;
	v4 =	vld [tilespmem:s25+$0x0]  }
0x1a1: {  	v5 =	vld [tilespmem:s12+$0x9D00];
	_ =	sdelay $0x2  }
0x1a2: {  	s28 =	simm.s32 $0x10;
	s29 =	simm.s32 $0x1B790;
	s30 =	sadd.s32 $0x10, s11  }
0x1a3: {  	s13 =	simm.s32 $0x18D10;
	s14 =	sand.u32 $0x7F80, s30;
	v2 =	vld [tilespmem:s29+$0x0];
	s12 =	sand.u32 $0x70, s28  }
0x1a4: {  	s31 =	sor.u32 s12, s14;
	v6 =	vmul.f32 v3, v3;
	v5 =	vadd.f32 v4, v5;
	v3 =	vld [tilespmem:s13+$0x0]  }
0x1a5: {  	v4 =	vld [tilespmem:s31+$0x9D00]  }
0x1a6: {  	s15 =	simm.s32 $0x1B7A0;
	s12 =	simm.s32 $0x1BC80;
	s14 =	simm.s32 $0x20;
	v5 =	vmul.f32 v5, v6  }
.LBB2_13:
0x1a7: {  	s16 =	sadd.s32 s14, s11;
	p0 =	sne.s32 s14, $0x270  }
0x1a8: {  	[tilespmem:s12+$0x0] =	vst v5;
	v5 =	vmov v2;
	s17 =	smov.u32 s14;
	s14 =	sadd.s32 $0x10, s14;
	s13 =	sadd.s32 $0x10, s13  }
.Ltmp6:
0x1a9: {  	v2 =	vld [tilespmem:s15+$0x0];
	s16 =	sand.u32 $0x7F80, s16;
	s17 =	sand.u32 $0x70, s17;
	(pc) =	sbr.rel @p0 .LBB2_13-.Ltmp6, $4  }
0x1aa: {  	v5 =	vmul.f32 v5, v5;
	s16 =	sor.u32 s17, s16;
	v6 =	vadd.f32 v3, v4;
	v3 =	vld [tilespmem:s13+$0x0]  }
0x1ab: {  	v4 =	vld [tilespmem:s16+$0x9D00]  }
0x1ac: {  	v5 =	vmul.f32 v6, v5  }
0x1ad: {  	s12 =	sadd.s32 $0x10, s12;
	s15 =	sadd.s32 $0x10, s15  }
0x1ae: {  	_ =	sdelay $0x1  }
0x1af: {  	v2 =	vmul.f32 v2, v2;
	v3 =	vadd.f32 v3, v4;
	_ =	sdelay $0x1  }
0x1b0: {  	v2 =	vmul.f32 v3, v2  }
0x1b1: {  	[tilespmem:s12+$0x0] =	vst v5;
	s11 =	sadd.s32 $0x10, s12;
	s17 =	simm.s32 $0x80  }
0x1b2: {  	s18 =	simm.s32 $0x400;
	s13 =	simm.s32 $0x13D00;
	s19 =	simm.s32 $0x3;
	[tilespmem:s11+$0x0] =	vst v2  }
0x1b3: {  	[spmem:s6] =	stream.strided.scatter [tilespmem:s13], [sflag:$0x3], $0x2800, s18, s17, $0x38;
	[tilespmem:$0x1F480] =	vst v63  }
0x1b4: {  	_ =	swait.ge [sflag:s19], $0x2800  }
0x1b5: {  	[sflag:s19] =	ssyncset.done $0x0  }
0x1b6: {  	s20 =	simm.s32 $0x1400;
	s21 =	simm.s32 $0x14000;
	[sflag:s19] =	ssyncadd.s32 $0xFFFFD800  }
0x1b7: {  	s14 =	simm.s32 $0x18F80;
	s16 =	simm.s32 $0x0;
	[bflag:$0x0] =	sbarrier.arrive $0xFFFF  }
0x1b8: {  	[tilespmem:s14], [sflag:$0x3] =	stream.strided.gather [spmem:s5], $0x2800, s21, s20, $0x38;
	[tilespmem:$0x1F480] =	vst v63  }
0x1b9: {  	s12 =	sand.u32 $0x60, s16;
	s13 =	sand.u32 $0x1C00, s16;
	_ =	swait.ge [sflag:s19], $0x2800  }
0x1ba: {  	s15 =	sor.u32 $0x10, s12;
	s22 =	sadd.s32 $0x18F80, s13;
	[sflag:s19] =	ssyncset.done $0x0  }
0x1bb: {  	s23 =	sor.u32 s15, s22;
	[sflag:s19] =	ssyncadd.s32 $0xFFFFD800  }
0x1bc: {  	v2 =	vld [tilespmem:s23+$0x0]  }
0x1bd: {  	s14 =	sor.u32 s12, s22;
	v3 =	vld [tilespmem:s23+$0x80]  }
0x1be: {  	v4 =	vld [tilespmem:s14+$0x0]  }
0x1bf: {  	v5 =	vld [tilespmem:s23+$0x100]  }
0x1c0: {  	v6 =	vld [tilespmem:s14+$0x80]  }
0x1c1: {  	v7 =	vld [tilespmem:s23+$0x180]  }
0x1c2: {  	v8 =	vld [tilespmem:s14+$0x100]  }
0x1c3: {  	v9 =	vld [tilespmem:s23+$0x200]  }
0x1c4: {  	v10 =	vld [tilespmem:s14+$0x180]  }
0x1c5: {  	v11 =	vld [tilespmem:s23+$0x280]  }
0x1c6: {  	v12 =	vld [tilespmem:s14+$0x200]  }
0x1c7: {  	v13 =	vld [tilespmem:s23+$0x300]  }
0x1c8: {  	v14 =	vld [tilespmem:s14+$0x280]  }
0x1c9: {  	s17 =	sor.u32 $0x1A380, s13;
	v15 =	vld [tilespmem:s23+$0x380]  }
0x1ca: {  	s24 =	sor.u32 s15, s17;
	v16 =	vld [tilespmem:s14+$0x300]  }
0x1cb: {  	s18 =	sadd.s32 $0x1A400, s13;
	v17 =	vld [tilespmem:s24+$0x0]  }
0x1cc: {  	s25 =	sor.u32 s15, s18;
	v18 =	vld [tilespmem:s14+$0x380]  }
0x1cd: {  	s28 =	sadd.s32 $0x1A480, s13;
	s26 =	sor.u32 s12, s17;
	v19 =	vld [tilespmem:s25+$0x0]  }
0x1ce: {  	s29 =	sor.u32 s15, s28;
	v20 =	vld [tilespmem:s26+$0x0]  }
0x1cf: {  	s31 =	sadd.s32 $0x1A500, s13;
	s30 =	sor.u32 s12, s18;
	v21 =	vld [tilespmem:s29+$0x0]  }
0x1d0: {  	s19 =	sor.u32 s15, s31;
	v22 =	vld [tilespmem:s30+$0x0]  }
0x1d1: {  	s20 =	sor.u32 s12, s28;
	s21 =	sadd.s32 $0x1A580, s13;
	v23 =	vld [tilespmem:s19+$0x0]  }
0x1d2: {  	s22 =	sor.u32 s15, s21;
	v24 =	vld [tilespmem:s20+$0x0]  }
0x1d3: {  	s11 =	simm.s32 $0x20;
	s23 =	sor.u32 s12, s31;
	v25 =	vld [tilespmem:s22+$0x0]  }
0x1d4: {  	s28 =	sadd.s32 $0x1A680, s13;
	s24 =	sadd.s32 $0x1A600, s13;
	s26 =	sor.u32 s12, s21;
	v26 =	vld [tilespmem:s23+$0x0]  }
0x1d5: {  	s29 =	sor.u32 s15, s28;
	s31 =	sadd.s32 $0x1A700, s13;
	s19 =	simm.s32 $0x100;
	v28 =	vld [tilespmem:s26+$0x0]  }
0x1d6: {  	s20 =	sor.u32 s12, s28;
	s25 =	sor.u32 s15, s24;
	v29 =	vld [tilespmem:s29+$0x0];
	s17 =	sand.u32 $0x1C00, s19  }
0x1d7: {  	s13 =	sand.u32 $0x60, s11;
	s30 =	sor.u32 s12, s24;
	v27 =	vld [tilespmem:s25+$0x0];
	s23 =	sadd.s32 $0x18F80, s17  }
0x1d8: {  	s22 =	sor.u32 s12, s31;
	s12 =	sor.u32 $0x10, s13;
	v30 =	vld [tilespmem:s30+$0x0];
	s25 =	sor.u32 s13, s23;
	v2 =	vadd.f32 v3, v2  }
0x1d9: {  	s24 =	sor.u32 s12, s23;
	v53 =	vld [tilespmem:s25+$0x80];
	v3 =	vadd.f32 v6, v4  }
0x1da: {  	v54 =	vld [tilespmem:s24+$0x200];
	v2 =	vadd.f32 v5, v2  }
0x1db: {  	v55 =	vld [tilespmem:s24+$0x280];
	v3 =	vadd.f32 v8, v3  }
0x1dc: {  	v8 =	vld [tilespmem:s24+$0x0];
	v2 =	vadd.f32 v7, v2  }
0x1dd: {  	v3 =	vadd.f32 v10, v3;
	v7 =	vld [tilespmem:s24+$0x80]  }
0x1de: {  	v56 =	vld [tilespmem:s24+$0x300];
	v2 =	vadd.f32 v9, v2  }
0x1df: {  	v3 =	vadd.f32 v12, v3;
	v9 =	vld [tilespmem:s24+$0x100]  }
0x1e0: {  	v10 =	vld [tilespmem:s25+$0x0];
	v2 =	vadd.f32 v11, v2  }
0x1e1: {  	v3 =	vadd.f32 v14, v3;
	v11 =	vld [tilespmem:s24+$0x180]  }
0x1e2: {  	v7 =	vadd.f32 v7, v8;
	v8 =	vld [tilespmem:s25+$0x100];
	v2 =	vadd.f32 v13, v2  }
0x1e3: {  	s26 =	sor.u32 $0x1A380, s17;
	v57 =	vld [tilespmem:s24+$0x380];
	v3 =	vadd.f32 v16, v3  }
0x1e4: {  	s28 =	sor.u32 s12, s26;
	v7 =	vadd.f32 v9, v7;
	v9 =	vld [tilespmem:s25+$0x180];
	v2 =	vadd.f32 v15, v2  }
0x1e5: {  	s29 =	sadd.s32 $0x1A400, s17;
	v58 =	vld [tilespmem:s28+$0x0];
	v10 =	vadd.f32 v53, v10;
	v3 =	vadd.f32 v18, v3  }
0x1e6: {  	s30 =	sor.u32 s12, s29;
	v7 =	vadd.f32 v11, v7;
	v11 =	vld [tilespmem:s25+$0x200];
	v2 =	vadd.f32 v17, v2  }
0x1e7: {  	v59 =	vld [tilespmem:s30+$0x0];
	v3 =	vadd.f32 v20, v3;
	v8 =	vadd.f32 v8, v10  }
0x1e8: {  	s21 =	sor.u32 s15, s31;
	v10 =	vld [tilespmem:s25+$0x280];
	v7 =	vadd.f32 v54, v7;
	v2 =	vadd.f32 v19, v2  }
0x1e9: {  	v4 =	vld [tilespmem:s21+$0x0];
	v3 =	vadd.f32 v22, v3;
	v8 =	vadd.f32 v9, v8  }
0x1ea: {  	v9 =	vld [tilespmem:s25+$0x300];
	v7 =	vadd.f32 v55, v7;
	v2 =	vadd.f32 v21, v2  }
0x1eb: {  	v6 =	vld [tilespmem:s20+$0x0];
	v3 =	vadd.f32 v24, v3;
	v8 =	vadd.f32 v11, v8  }
0x1ec: {  	v11 =	vld [tilespmem:s25+$0x380];
	v7 =	vadd.f32 v56, v7;
	v2 =	vadd.f32 v23, v2  }
0x1ed: {  	s31 =	sadd.s32 $0x1A480, s17;
	s18 =	sor.u32 s13, s26;
	v5 =	vld [tilespmem:s22+$0x0];
	v3 =	vadd.f32 v26, v3;
	v8 =	vadd.f32 v10, v8  }
0x1ee: {  	v10 =	vld [tilespmem:s18+$0x0];
	s18 =	sor.u32 s12, s31;
	v7 =	vadd.f32 v57, v7;
	v2 =	vadd.f32 v25, v2  }
0x1ef: {  	s20 =	sor.u32 s13, s29;
	s21 =	sadd.s32 $0x1A500, s17;
	v60 =	vld [tilespmem:s18+$0x0];
	v3 =	vadd.f32 v28, v3;
	v8 =	vadd.f32 v9, v8  }
0x1f0: {  	s22 =	sor.u32 s12, s21;
	v9 =	vld [tilespmem:s20+$0x0];
	v7 =	vadd.f32 v58, v7;
	v2 =	vadd.f32 v27, v2  }
0x1f1: {  	s23 =	sor.u32 s13, s31;
	v61 =	vld [tilespmem:s22+$0x0];
	s24 =	sadd.s32 $0x1A580, s17;
	v3 =	vadd.f32 v30, v3;
	v8 =	vadd.f32 v11, v8  }
0x1f2: {  	s25 =	sor.u32 s12, s24;
	v11 =	vld [tilespmem:s23+$0x0];
	v7 =	vadd.f32 v59, v7;
	v62 =	vadd.f32 v29, v2  }
0x1f3: {  	s28 =	sadd.s32 $0x1A600, s17;
	s26 =	sor.u32 s13, s21;
	v63 =	vld [tilespmem:s25+$0x0];
	v3 =	vadd.f32 v6, v3;
	v6 =	vadd.f32 v10, v8  }
0x1f4: {  	s14 =	simm.s32 $0x18D00;
	s29 =	sor.u32 s12, s28;
	v2 =	vld [tilespmem:s26+$0x0];
	v7 =	vadd.f32 v60, v7;
	v8 =	vadd.f32 v4, v62  }
0x1f5: {  	s21 =	sand.u32 $0x380, s16;
	s22 =	sadd.s32 $0x1A680, s17;
	s19 =	sor.u32 s13, s24;
	v10 =	vadd.f32 v5, v3;
	v3 =	vld [tilespmem:s29+$0x0];
	v6 =	vadd.f32 v9, v6  }
0x1f6: {  	s16 =	simm.s32 $0x2;
	s15 =	sor.u32 s15, s21;
	s30 =	sor.u32 s12, s22;
	v4 =	vld [tilespmem:s19+$0x0];
	v7 =	vadd.f32 v61, v7  }
0x1f7: {  	s31 =	sor.u32 s13, s28;
	s20 =	sadd.s32 $0x1A700, s17;
	s17 =	simm.s32 $0x40;
	v5 =	vld [tilespmem:s30+$0x0];
	[tilespmem:s15+$0x18D00] =	vst v8;
	v8 =	vadd.f32 v11, v6  }
0x1f8: {  	s21 =	sor.u32 s12, s20;
	s19 =	sor.u32 s13, s22;
	[tilespmem:s14+$0x0] =	vst v10;
	v6 =	vld [tilespmem:s31+$0x0];
	s15 =	simm.s32 $0x200;
	v7 =	vadd.f32 v63, v7  }
.LBB2_15:
0x1f9: {  	s18 =	sand.u32 $0x1C00, s15;
	v2 =	vadd.f32 v2, v8;
	s20 =	sor.u32 s13, s20;
	s13 =	sand.u32 $0x60, s17;
	v8 =	vld [tilespmem:s21+$0x0]  }
0x1fa: {  	s16 =	sadd.s32 $0x2, s16;
	s21 =	sadd.s32 $0x18F80, s18;
	s22 =	sor.u32 $0x10, s13;
	v9 =	vld [tilespmem:s19+$0x0];
	v3 =	vadd.f32 v3, v7  }
0x1fb: {  	p0 =	slt.u32 s16, $0x26;
	s19 =	sor.u32 s13, s21;
	s21 =	sor.u32 s22, s21;
	v2 =	vadd.f32 v4, v2;
	v4 =	vld [tilespmem:s20+$0x0]  }
0x1fc: {  	v7 =	vld [tilespmem:s21+$0x0];
	v3 =	vadd.f32 v5, v3  }
0x1fd: {  	v5 =	vld [tilespmem:s21+$0x80];
	v2 =	vadd.f32 v6, v2  }
0x1fe: {  	s20 =	sand.u32 $0x380, s11;
	s11 =	smov.u32 s17;
	v6 =	vld [tilespmem:s19+$0x0];
	v3 =	vadd.f32 v8, v3  }
0x1ff: {  	s20 =	sor.u32 s12, s20;
	s12 =	smov.u32 s22;
	v8 =	vld [tilespmem:s21+$0x100];
	v2 =	vadd.f32 v9, v2  }
0x200: {  	v9 =	vld [tilespmem:s19+$0x80];
	[tilespmem:s20+$0x18D00] =	vst v3  }
0x201: {  	v3 =	vld [tilespmem:s21+$0x180];
	v2 =	vadd.f32 v4, v2  }
0x202: {  	s14 =	sadd.s32 $0x20, s14;
	v4 =	vld [tilespmem:s19+$0x100];
	v5 =	vadd.f32 v5, v7  }
0x203: {  	v7 =	vld [tilespmem:s21+$0x200];
	[tilespmem:s14+$0x0] =	vst v2  }
0x204: {  	v2 =	vld [tilespmem:s19+$0x180];
	v5 =	vadd.f32 v8, v5  }
0x205: {  	v6 =	vadd.f32 v9, v6;
	v8 =	vld [tilespmem:s21+$0x280]  }
0x206: {  	v9 =	vld [tilespmem:s19+$0x200];
	v3 =	vadd.f32 v3, v5  }
0x207: {  	v4 =	vadd.f32 v4, v6;
	v5 =	vld [tilespmem:s21+$0x300]  }
0x208: {  	v6 =	vld [tilespmem:s19+$0x280];
	v3 =	vadd.f32 v7, v3  }
0x209: {  	s20 =	sor.u32 $0x1A380, s18;
	v2 =	vadd.f32 v2, v4;
	v4 =	vld [tilespmem:s21+$0x380]  }
0x20a: {  	s21 =	sor.u32 s13, s20;
	s20 =	sor.u32 s12, s20;
	v7 =	vld [tilespmem:s19+$0x300];
	v3 =	vadd.f32 v8, v3  }
0x20b: {  	s22 =	sadd.s32 $0x1A400, s18;
	v2 =	vadd.f32 v9, v2;
	v8 =	vld [tilespmem:s20+$0x0]  }
0x20c: {  	s20 =	sor.u32 s12, s22;
	v9 =	vld [tilespmem:s19+$0x380];
	s19 =	sor.u32 s13, s22;
	v3 =	vadd.f32 v5, v3  }
0x20d: {  	s22 =	sadd.s32 $0x1A480, s18;
	v2 =	vadd.f32 v6, v2;
	v5 =	vld [tilespmem:s20+$0x0]  }
0x20e: {  	s20 =	sor.u32 s13, s22;
	v6 =	vld [tilespmem:s21+$0x0];
	v3 =	vadd.f32 v4, v3;
	s21 =	sor.u32 s12, s22  }
0x20f: {  	s22 =	sadd.s32 $0x1A500, s18;
	v2 =	vadd.f32 v7, v2;
	v4 =	vld [tilespmem:s21+$0x0]  }
0x210: {  	s21 =	sor.u32 s12, s22;
	v7 =	vld [tilespmem:s19+$0x0];
	s19 =	sor.u32 s13, s22;
	v3 =	vadd.f32 v8, v3  }
0x211: {  	s22 =	sadd.s32 $0x1A580, s18;
	v2 =	vadd.f32 v9, v2;
	v8 =	vld [tilespmem:s21+$0x0]  }
0x212: {  	s21 =	sor.u32 s12, s22;
	v9 =	vld [tilespmem:s20+$0x0];
	s20 =	sor.u32 s13, s22;
	v3 =	vadd.f32 v5, v3  }
0x213: {  	s22 =	sadd.s32 $0x1A600, s18;
	v5 =	vadd.f32 v6, v2;
	v10 =	vld [tilespmem:s21+$0x0]  }
.Ltmp7:
0x214: {  	s21 =	sor.u32 s13, s22;
	v2 =	vld [tilespmem:s19+$0x0];
	v6 =	vadd.f32 v4, v3;
	s19 =	sor.u32 s12, s22;
	(pc) =	sbr.rel @p0 .LBB2_15-.Ltmp7, $4  }
0x215: {  	s22 =	sadd.s32 $0x1A680, s18;
	v5 =	vadd.f32 v7, v5;
	v3 =	vld [tilespmem:s19+$0x0]  }
0x216: {  	s19 =	sor.u32 s13, s22;
	s22 =	sor.u32 s12, s22;
	v4 =	vld [tilespmem:s20+$0x0];
	v7 =	vadd.f32 v8, v6  }
0x217: {  	s20 =	sadd.s32 $0x1A700, s18;
	v8 =	vadd.f32 v9, v5;
	v5 =	vld [tilespmem:s22+$0x0]  }
0x218: {  	s15 =	sadd.s32 $0x100, s15;
	s17 =	sadd.s32 $0x20, s17;
	v6 =	vld [tilespmem:s21+$0x0];
	v7 =	vadd.f32 v10, v7;
	s21 =	sor.u32 s12, s20  }
0x219: {  	v2 =	vadd.f32 v2, v8  }
0x21a: {  	v63 =	vld [tilespmem:s19+$0x0]  }
0x21b: {  	s13 =	sor.u32 s13, s20;
	v9 =	vld [tilespmem:s21+$0x0];
	v2 =	vadd.f32 v4, v2  }
0x21c: {  	v3 =	vadd.f32 v3, v7;
	v4 =	vld [tilespmem:s13+$0x0]  }
0x21d: {  	v2 =	vadd.f32 v6, v2  }
0x21e: {  	v3 =	vadd.f32 v5, v3  }
0x21f: {  	v2 =	vadd.f32 v63, v2  }
0x220: {  	s11 =	sand.u32 $0x380, s11;
	v3 =	vadd.f32 v9, v3  }
0x221: {  	s11 =	sor.u32 s12, s11;
	v2 =	vadd.f32 v4, v2  }
0x222: {  	s21 =	sadd.s32 $0x20, s14;
	[tilespmem:s11+$0x18D00] =	vst v3  }
0x223: {  	s22 =	simm.s32 $0x0;
	[tilespmem:s21+$0x0] =	vst v2  }
0x224: {  	s23 =	simm.s32 $0x1B780;
	s24 =	sadd.s32 $0x0, s10;
	[bflag:$0x0] =	sbarrier.arrive $0xFFFF  }
0x225: {  	s25 =	simm.s32 $0x18D00;
	s26 =	sand.u32 $0xFF80, s24;
	s11 =	sand.u32 $0x70, s22;
	v3 =	vld [tilespmem:s23+$0x0]  }
0x226: {  	s11 =	sor.u32 s11, s26;
	v4 =	vld [tilespmem:s25+$0x0]  }
0x227: {  	v5 =	vld [tilespmem:s11+$0x9D00];
	_ =	sdelay $0x2  }
0x228: {  	s28 =	simm.s32 $0x10;
	s29 =	simm.s32 $0x1B790;
	s30 =	sadd.s32 $0x10, s10  }
0x229: {  	s12 =	simm.s32 $0x18D10;
	s13 =	sand.u32 $0xFF80, s30;
	v2 =	vld [tilespmem:s29+$0x0];
	s11 =	sand.u32 $0x70, s28  }
0x22a: {  	s31 =	sor.u32 s11, s13;
	v6 =	vmul.f32 v3, v3;
	v5 =	vadd.f32 v4, v5;
	v3 =	vld [tilespmem:s12+$0x0]  }
0x22b: {  	v4 =	vld [tilespmem:s31+$0x9D00]  }
0x22c: {  	s14 =	simm.s32 $0x1B7A0;
	s11 =	simm.s32 $0x1BF00;
	s13 =	simm.s32 $0x20;
	v5 =	vmul.f32 v5, v6  }
.LBB2_17:
0x22d: {  	s15 =	sadd.s32 s13, s10;
	p0 =	sne.s32 s13, $0x270  }
0x22e: {  	[tilespmem:s11+$0x0] =	vst v5;
	v5 =	vmov v2;
	s16 =	smov.u32 s13;
	s13 =	sadd.s32 $0x10, s13;
	s12 =	sadd.s32 $0x10, s12  }
.Ltmp8:
0x22f: {  	v2 =	vld [tilespmem:s14+$0x0];
	s15 =	sand.u32 $0xFF80, s15;
	s16 =	sand.u32 $0x70, s16;
	(pc) =	sbr.rel @p0 .LBB2_17-.Ltmp8, $4  }
0x230: {  	v5 =	vmul.f32 v5, v5;
	s15 =	sor.u32 s16, s15;
	v6 =	vadd.f32 v3, v4;
	v3 =	vld [tilespmem:s12+$0x0]  }
0x231: {  	v4 =	vld [tilespmem:s15+$0x9D00]  }
0x232: {  	v5 =	vmul.f32 v6, v5  }
0x233: {  	s11 =	sadd.s32 $0x10, s11;
	s14 =	sadd.s32 $0x10, s14  }
0x234: {  	_ =	sdelay $0x1  }
0x235: {  	v2 =	vmul.f32 v2, v2;
	v3 =	vadd.f32 v3, v4;
	_ =	sdelay $0x1  }
0x236: {  	v2 =	vmul.f32 v3, v2  }
0x237: {  	[tilespmem:s11+$0x0] =	vst v5;
	s10 =	sadd.s32 $0x10, s11;
	s23 =	simm.s32 $0x80  }
0x238: {  	s24 =	simm.s32 $0x400;
	s12 =	simm.s32 $0x16500;
	s25 =	simm.s32 $0x3;
	[tilespmem:s10+$0x0] =	vst v2  }
0x239: {  	[spmem:s6] =	stream.strided.scatter [tilespmem:s12], [sflag:$0x3], $0x2800, s24, s23, $0x38;
	[tilespmem:$0x1F480] =	vst v63  }
0x23a: {  	_ =	swait.ge [sflag:s25], $0x2800  }
0x23b: {  	[sflag:s25] =	ssyncset.done $0x0  }
0x23c: {  	s26 =	simm.s32 $0x1400;
	s28 =	simm.s32 $0x14000;
	[sflag:s25] =	ssyncadd.s32 $0xFFFFD800  }
0x23d: {  	s13 =	simm.s32 $0x18F80;
	s15 =	simm.s32 $0x0;
	[bflag:$0x0] =	sbarrier.arrive $0xFFFF  }
0x23e: {  	[tilespmem:s13], [sflag:$0x3] =	stream.strided.gather [spmem:s5], $0x2800, s28, s26, $0x38;
	[tilespmem:$0x1F480] =	vst v63  }
0x23f: {  	s11 =	sand.u32 $0x60, s15;
	s12 =	sand.u32 $0x1C00, s15;
	_ =	swait.ge [sflag:s25], $0x2800  }
0x240: {  	s14 =	sor.u32 $0x10, s11;
	s29 =	sadd.s32 $0x18F80, s12;
	[sflag:s25] =	ssyncset.done $0x0  }
0x241: {  	s30 =	sor.u32 s14, s29;
	[sflag:s25] =	ssyncadd.s32 $0xFFFFD800  }
0x242: {  	v2 =	vld [tilespmem:s30+$0x0]  }
0x243: {  	s13 =	sor.u32 s11, s29;
	v3 =	vld [tilespmem:s30+$0x80]  }
0x244: {  	v4 =	vld [tilespmem:s13+$0x0]  }
0x245: {  	v5 =	vld [tilespmem:s30+$0x100]  }
0x246: {  	v6 =	vld [tilespmem:s13+$0x80]  }
0x247: {  	v7 =	vld [tilespmem:s30+$0x180]  }
0x248: {  	v8 =	vld [tilespmem:s13+$0x100]  }
0x249: {  	v9 =	vld [tilespmem:s30+$0x200]  }
0x24a: {  	v10 =	vld [tilespmem:s13+$0x180]  }
0x24b: {  	v11 =	vld [tilespmem:s30+$0x280]  }
0x24c: {  	v12 =	vld [tilespmem:s13+$0x200]  }
0x24d: {  	v13 =	vld [tilespmem:s30+$0x300]  }
0x24e: {  	v14 =	vld [tilespmem:s13+$0x280]  }
0x24f: {  	s16 =	sor.u32 $0x1A380, s12;
	v15 =	vld [tilespmem:s30+$0x380]  }
0x250: {  	s31 =	sor.u32 s14, s16;
	v16 =	vld [tilespmem:s13+$0x300]  }
0x251: {  	v17 =	vld [tilespmem:s31+$0x0]  }
0x252: {  	s18 =	sadd.s32 $0x1A480, s12;
	s16 =	sor.u32 s11, s16;
	v18 =	vld [tilespmem:s13+$0x380]  }
0x253: {  	s17 =	sadd.s32 $0x1A400, s12;
	s19 =	sor.u32 s14, s18;
	v20 =	vld [tilespmem:s16+$0x0]  }
0x254: {  	s21 =	sadd.s32 $0x1A500, s12;
	s20 =	sor.u32 s11, s17;
	v21 =	vld [tilespmem:s19+$0x0]  }
0x255: {  	s22 =	sor.u32 s14, s21;
	v22 =	vld [tilespmem:s20+$0x0]  }
0x256: {  	s24 =	sadd.s32 $0x1A580, s12;
	s23 =	sor.u32 s11, s18;
	v23 =	vld [tilespmem:s22+$0x0]  }
0x257: {  	s25 =	sor.u32 s14, s24;
	v24 =	vld [tilespmem:s23+$0x0]  }
0x258: {  	s26 =	sor.u32 s11, s21;
	s28 =	sadd.s32 $0x1A600, s12;
	v25 =	vld [tilespmem:s25+$0x0]  }
0x259: {  	s29 =	sor.u32 s14, s28;
	v26 =	vld [tilespmem:s26+$0x0]  }
0x25a: {  	s13 =	sor.u32 s14, s17;
	v27 =	vld [tilespmem:s29+$0x0]  }
0x25b: {  	s30 =	sor.u32 s11, s24;
	s31 =	sadd.s32 $0x1A680, s12;
	v19 =	vld [tilespmem:s13+$0x0]  }
0x25c: {  	v28 =	vld [tilespmem:s30+$0x0];
	s18 =	sor.u32 s14, s31  }
0x25d: {  	s19 =	sor.u32 s11, s28;
	s20 =	sadd.s32 $0x1A700, s12;
	v29 =	vld [tilespmem:s18+$0x0];
	s18 =	simm.s32 $0x100  }
0x25e: {  	s10 =	simm.s32 $0x20;
	v30 =	vld [tilespmem:s19+$0x0];
	s21 =	sor.u32 s14, s20;
	s16 =	sand.u32 $0x1C00, s18;
	v2 =	vadd.f32 v3, v2  }
0x25f: {  	s12 =	sand.u32 $0x60, s10;
	s19 =	sor.u32 s11, s31;
	s23 =	sadd.s32 $0x18F80, s16;
	v3 =	vadd.f32 v6, v4;
	v4 =	vld [tilespmem:s21+$0x0]  }
0x260: {  	s22 =	sor.u32 s11, s20;
	s11 =	sor.u32 $0x10, s12;
	v6 =	vld [tilespmem:s19+$0x0];
	s25 =	sor.u32 s12, s23;
	v2 =	vadd.f32 v5, v2  }
0x261: {  	s24 =	sor.u32 s11, s23;
	v53 =	vld [tilespmem:s25+$0x80];
	v3 =	vadd.f32 v8, v3  }
0x262: {  	v8 =	vld [tilespmem:s24+$0x0];
	v2 =	vadd.f32 v7, v2  }
0x263: {  	v3 =	vadd.f32 v10, v3;
	v7 =	vld [tilespmem:s24+$0x80]  }
0x264: {  	v54 =	vld [tilespmem:s24+$0x200];
	v2 =	vadd.f32 v9, v2  }
0x265: {  	v3 =	vadd.f32 v12, v3;
	v9 =	vld [tilespmem:s24+$0x100]  }
0x266: {  	v10 =	vld [tilespmem:s25+$0x0];
	v2 =	vadd.f32 v11, v2  }
0x267: {  	v3 =	vadd.f32 v14, v3;
	v11 =	vld [tilespmem:s24+$0x180]  }
0x268: {  	v7 =	vadd.f32 v7, v8;
	v8 =	vld [tilespmem:s25+$0x100];
	v2 =	vadd.f32 v13, v2  }
0x269: {  	v55 =	vld [tilespmem:s24+$0x280];
	v3 =	vadd.f32 v16, v3  }
0x26a: {  	v7 =	vadd.f32 v9, v7;
	v9 =	vld [tilespmem:s25+$0x180];
	v2 =	vadd.f32 v15, v2  }
0x26b: {  	v56 =	vld [tilespmem:s24+$0x300];
	v10 =	vadd.f32 v53, v10;
	v3 =	vadd.f32 v18, v3  }
0x26c: {  	v7 =	vadd.f32 v11, v7;
	v11 =	vld [tilespmem:s25+$0x200];
	v2 =	vadd.f32 v17, v2  }
0x26d: {  	s26 =	sor.u32 $0x1A380, s16;
	v57 =	vld [tilespmem:s24+$0x380];
	v3 =	vadd.f32 v20, v3;
	v8 =	vadd.f32 v8, v10  }
0x26e: {  	s28 =	sor.u32 s11, s26;
	v10 =	vld [tilespmem:s25+$0x280];
	v7 =	vadd.f32 v54, v7;
	v2 =	vadd.f32 v19, v2  }
0x26f: {  	s29 =	sadd.s32 $0x1A400, s16;
	v58 =	vld [tilespmem:s28+$0x0];
	v3 =	vadd.f32 v22, v3;
	v8 =	vadd.f32 v9, v8  }
0x270: {  	s30 =	sor.u32 s11, s29;
	v9 =	vld [tilespmem:s25+$0x300];
	v7 =	vadd.f32 v55, v7;
	v2 =	vadd.f32 v21, v2  }
0x271: {  	v59 =	vld [tilespmem:s30+$0x0];
	v3 =	vadd.f32 v24, v3;
	v8 =	vadd.f32 v11, v8  }
0x272: {  	v11 =	vld [tilespmem:s25+$0x380];
	v7 =	vadd.f32 v56, v7;
	v2 =	vadd.f32 v23, v2  }
0x273: {  	s31 =	sadd.s32 $0x1A480, s16;
	s17 =	sor.u32 s12, s26;
	v5 =	vld [tilespmem:s22+$0x0];
	v3 =	vadd.f32 v26, v3;
	v8 =	vadd.f32 v10, v8  }
0x274: {  	v10 =	vld [tilespmem:s17+$0x0];
	s17 =	sor.u32 s11, s31;
	v7 =	vadd.f32 v57, v7;
	v2 =	vadd.f32 v25, v2  }
0x275: {  	s20 =	sor.u32 s12, s29;
	s21 =	sadd.s32 $0x1A500, s16;
	v60 =	vld [tilespmem:s17+$0x0];
	v3 =	vadd.f32 v28, v3;
	v8 =	vadd.f32 v9, v8  }
0x276: {  	s22 =	sor.u32 s11, s21;
	v9 =	vld [tilespmem:s20+$0x0];
	v7 =	vadd.f32 v58, v7;
	v2 =	vadd.f32 v27, v2  }
0x277: {  	s23 =	sor.u32 s12, s31;
	v61 =	vld [tilespmem:s22+$0x0];
	s24 =	sadd.s32 $0x1A580, s16;
	v3 =	vadd.f32 v30, v3;
	v8 =	vadd.f32 v11, v8  }
0x278: {  	s25 =	sor.u32 s11, s24;
	v11 =	vld [tilespmem:s23+$0x0];
	v7 =	vadd.f32 v59, v7;
	v62 =	vadd.f32 v29, v2  }
0x279: {  	s26 =	sor.u32 s12, s21;
	s28 =	sadd.s32 $0x1A600, s16;
	v63 =	vld [tilespmem:s25+$0x0];
	v3 =	vadd.f32 v6, v3;
	v6 =	vadd.f32 v10, v8  }
0x27a: {  	s13 =	simm.s32 $0x18D00;
	s29 =	sor.u32 s11, s28;
	v2 =	vld [tilespmem:s26+$0x0];
	v7 =	vadd.f32 v60, v7;
	v8 =	vadd.f32 v4, v62  }
0x27b: {  	s21 =	sadd.s32 $0x1A680, s16;
	s18 =	sor.u32 s12, s24;
	s20 =	sand.u32 $0x380, s15;
	v10 =	vadd.f32 v5, v3;
	v3 =	vld [tilespmem:s29+$0x0];
	v6 =	vadd.f32 v9, v6  }
0x27c: {  	s19 =	sadd.s32 $0x1A700, s16;
	s30 =	sor.u32 s11, s21;
	s14 =	sor.u32 s14, s20;
	v4 =	vld [tilespmem:s18+$0x0];
	v7 =	vadd.f32 v61, v7  }
0x27d: {  	s16 =	simm.s32 $0x40;
	s31 =	sor.u32 s12, s28;
	s15 =	simm.s32 $0x2;
	v5 =	vld [tilespmem:s30+$0x0];
	[tilespmem:s14+$0x18D00] =	vst v8;
	v8 =	vadd.f32 v11, v6  }
0x27e: {  	s20 =	sor.u32 s11, s19;
	s18 =	sor.u32 s12, s21;
	[tilespmem:s13+$0x0] =	vst v10;
	v6 =	vld [tilespmem:s31+$0x0];
	s14 =	simm.s32 $0x200;
	v7 =	vadd.f32 v63, v7  }
.LBB2_19:
0x27f: {  	s17 =	sand.u32 $0x1C00, s14;
	v2 =	vadd.f32 v2, v8;
	s19 =	sor.u32 s12, s19;
	s12 =	sand.u32 $0x60, s16;
	v8 =	vld [tilespmem:s20+$0x0]  }
0x280: {  	s15 =	sadd.s32 $0x2, s15;
	s20 =	sadd.s32 $0x18F80, s17;
	s21 =	sor.u32 $0x10, s12;
	v9 =	vld [tilespmem:s18+$0x0];
	v3 =	vadd.f32 v3, v7  }
0x281: {  	p0 =	slt.u32 s15, $0x26;
	s18 =	sor.u32 s12, s20;
	s20 =	sor.u32 s21, s20;
	v2 =	vadd.f32 v4, v2;
	v4 =	vld [tilespmem:s19+$0x0]  }
0x282: {  	v7 =	vld [tilespmem:s20+$0x0];
	v3 =	vadd.f32 v5, v3  }
0x283: {  	v5 =	vld [tilespmem:s20+$0x80];
	v2 =	vadd.f32 v6, v2  }
0x284: {  	s19 =	sand.u32 $0x380, s10;
	s10 =	smov.u32 s16;
	v6 =	vld [tilespmem:s18+$0x0];
	v3 =	vadd.f32 v8, v3  }
0x285: {  	s19 =	sor.u32 s11, s19;
	s11 =	smov.u32 s21;
	v8 =	vld [tilespmem:s20+$0x100];
	v2 =	vadd.f32 v9, v2  }
0x286: {  	v9 =	vld [tilespmem:s18+$0x80];
	[tilespmem:s19+$0x18D00] =	vst v3  }
0x287: {  	v3 =	vld [tilespmem:s20+$0x180];
	v2 =	vadd.f32 v4, v2  }
0x288: {  	s13 =	sadd.s32 $0x20, s13;
	v4 =	vld [tilespmem:s18+$0x100];
	v5 =	vadd.f32 v5, v7  }
0x289: {  	v7 =	vld [tilespmem:s20+$0x200];
	[tilespmem:s13+$0x0] =	vst v2  }
0x28a: {  	v2 =	vld [tilespmem:s18+$0x180];
	v5 =	vadd.f32 v8, v5  }
0x28b: {  	v6 =	vadd.f32 v9, v6;
	v8 =	vld [tilespmem:s20+$0x280]  }
0x28c: {  	v9 =	vld [tilespmem:s18+$0x200];
	v3 =	vadd.f32 v3, v5  }
0x28d: {  	v4 =	vadd.f32 v4, v6;
	v5 =	vld [tilespmem:s20+$0x300]  }
0x28e: {  	v6 =	vld [tilespmem:s18+$0x280];
	v3 =	vadd.f32 v7, v3  }
0x28f: {  	s19 =	sor.u32 $0x1A380, s17;
	v2 =	vadd.f32 v2, v4;
	v4 =	vld [tilespmem:s20+$0x380]  }
0x290: {  	s20 =	sor.u32 s12, s19;
	s19 =	sor.u32 s11, s19;
	v7 =	vld [tilespmem:s18+$0x300];
	v3 =	vadd.f32 v8, v3  }
0x291: {  	s21 =	sadd.s32 $0x1A400, s17;
	v2 =	vadd.f32 v9, v2;
	v8 =	vld [tilespmem:s19+$0x0]  }
0x292: {  	s19 =	sor.u32 s11, s21;
	v9 =	vld [tilespmem:s18+$0x380];
	s18 =	sor.u32 s12, s21;
	v3 =	vadd.f32 v5, v3  }
0x293: {  	s21 =	sadd.s32 $0x1A480, s17;
	v2 =	vadd.f32 v6, v2;
	v5 =	vld [tilespmem:s19+$0x0]  }
0x294: {  	s19 =	sor.u32 s12, s21;
	v6 =	vld [tilespmem:s20+$0x0];
	v3 =	vadd.f32 v4, v3;
	s20 =	sor.u32 s11, s21  }
0x295: {  	s21 =	sadd.s32 $0x1A500, s17;
	v2 =	vadd.f32 v7, v2;
	v4 =	vld [tilespmem:s20+$0x0]  }
0x296: {  	s20 =	sor.u32 s11, s21;
	v7 =	vld [tilespmem:s18+$0x0];
	s18 =	sor.u32 s12, s21;
	v3 =	vadd.f32 v8, v3  }
0x297: {  	s21 =	sadd.s32 $0x1A580, s17;
	v2 =	vadd.f32 v9, v2;
	v8 =	vld [tilespmem:s20+$0x0]  }
0x298: {  	s20 =	sor.u32 s11, s21;
	v9 =	vld [tilespmem:s19+$0x0];
	s19 =	sor.u32 s12, s21;
	v3 =	vadd.f32 v5, v3  }
0x299: {  	s21 =	sadd.s32 $0x1A600, s17;
	v5 =	vadd.f32 v6, v2;
	v10 =	vld [tilespmem:s20+$0x0]  }
.Ltmp9:
0x29a: {  	s20 =	sor.u32 s12, s21;
	v2 =	vld [tilespmem:s18+$0x0];
	v6 =	vadd.f32 v4, v3;
	s18 =	sor.u32 s11, s21;
	(pc) =	sbr.rel @p0 .LBB2_19-.Ltmp9, $4  }
0x29b: {  	s21 =	sadd.s32 $0x1A680, s17;
	v5 =	vadd.f32 v7, v5;
	v3 =	vld [tilespmem:s18+$0x0]  }
0x29c: {  	s18 =	sor.u32 s12, s21;
	s21 =	sor.u32 s11, s21;
	v4 =	vld [tilespmem:s19+$0x0];
	v7 =	vadd.f32 v8, v6  }
0x29d: {  	s19 =	sadd.s32 $0x1A700, s17;
	v8 =	vadd.f32 v9, v5;
	v5 =	vld [tilespmem:s21+$0x0]  }
0x29e: {  	s14 =	sadd.s32 $0x100, s14;
	s16 =	sadd.s32 $0x20, s16;
	v6 =	vld [tilespmem:s20+$0x0];
	v7 =	vadd.f32 v10, v7;
	s20 =	sor.u32 s11, s19  }
0x29f: {  	v2 =	vadd.f32 v2, v8  }
0x2a0: {  	v63 =	vld [tilespmem:s18+$0x0]  }
0x2a1: {  	s12 =	sor.u32 s12, s19;
	v9 =	vld [tilespmem:s20+$0x0];
	v2 =	vadd.f32 v4, v2  }
0x2a2: {  	v3 =	vadd.f32 v3, v7;
	v4 =	vld [tilespmem:s12+$0x0]  }
0x2a3: {  	v2 =	vadd.f32 v6, v2  }
0x2a4: {  	v3 =	vadd.f32 v5, v3  }
0x2a5: {  	v2 =	vadd.f32 v63, v2  }
0x2a6: {  	s10 =	sand.u32 $0x380, s10;
	v3 =	vadd.f32 v9, v3  }
0x2a7: {  	s10 =	sor.u32 s11, s10;
	v2 =	vadd.f32 v4, v2  }
0x2a8: {  	s31 =	sadd.s32 $0x20, s13;
	[tilespmem:s10+$0x18D00] =	vst v3  }
0x2a9: {  	[tilespmem:s31+$0x0] =	vst v2  }
0x2aa: {  	s10 =	simm.s32 $0x0;
	[bflag:$0x0] =	sbarrier.arrive $0xFFFF  }
0x2ab: {  	v2 =	vld [tilespmem:s10+$0x1B780]  }
0x2ac: {  	v3 =	vld [tilespmem:s10+$0x18D00];
	_ =	sdelay $0x2  }
0x2ad: {  	s11 =	simm.s32 $0x40  }
.LBB2_21:
0x2ae: {  	s12 =	sshra.s32 s11, $0x2;
	v4 =	vmov v2;
	p0 =	sne.s32 s11, $0x9C0  }
.Ltmp10:
0x2af: {  	s11 =	sadd.s32 $0x40, s11;
	v2 =	vld [tilespmem:s12+$0x1B780];
	v5 =	vadd.f32 v3, v4;
	(pc) =	sbr.rel @p0 .LBB2_21-.Ltmp10, $3  }
0x2b0: {  	v3 =	vld [tilespmem:s12+$0x18D00]  }
0x2b1: {  	v4 =	vmul.f32 v5, v4;
	_ =	sdelay $0x1  }
0x2b2: {  	[tilespmem:s10+$0x1C400] =	vst v4;
	s10 =	smov.u32 s12  }
0x2b3: {  	_ = 	snop  }
0x2b4: {  	v3 =	vadd.f32 v3, v2;
	_ =	sdelay $0x1  }
0x2b5: {  	v2 =	vmul.f32 v3, v2;
	_ =	sdelay $0x1  }
0x2b6: {  	s28 =	simm.s32 $0x1BC80;
	s29 =	simm.s32 $0x3;
	[tilespmem:s10+$0x1C400] =	vst v2  }
0x2b7: {  	[spmem:s8] =	stream.linear.scatter [tilespmem:s28], [sflag:$0x3], $0x280, $0x38;
	[tilespmem:$0x1F480] =	vst v63  }
0x2b8: {  	_ =	swait.ge [sflag:s29], $0x280  }
0x2b9: {  	[sflag:s29] =	ssyncset.done $0x0  }
0x2ba: {  	s30 =	simm.s32 $0x1BF00;
	[sflag:s29] =	ssyncadd.s32 $0xFFFFFD80  }
0x2bb: {  	[spmem:s9] =	stream.linear.scatter [tilespmem:s30], [sflag:$0x3], $0x280, $0x38;
	[tilespmem:$0x1F480] =	vst v63  }
0x2bc: {  	_ =	swait.ge [sflag:s29], $0x280  }
0x2bd: {  	[sflag:s29] =	ssyncset.done $0x0  }
0x2be: {  	[sflag:s29] =	ssyncadd.s32 $0xFFFFFD80  }
0x2bf: {  	s31 =	simm.s32 $0x9D00;
	[bflag:$0x0] =	sbarrier.arrive $0xFFFF  }
0x2c0: {  	[tilespmem:s31], [sflag:$0x3] =	stream.linear.gather [spmem:s2], $0x5000, $0x38;
	[tilespmem:$0x1F480] =	vst v63  }
0x2c1: {  	_ =	swait.ge [sflag:s29], $0x5000  }
0x2c2: {  	[sflag:s29] =	ssyncset.done $0x0  }
0x2c3: {  	v2 =	vimm.f32 $0.0e+00;
	s8 =	simm.s32 $0x11540;
	[sflag:s29] =	ssyncadd.s32 $0xFFFFB000  }
0x2c4: {  	[tilespmem:s8+$0xFFFFFFC0] =	vst v2  }
0x2c5: {  	[tilespmem:s8+$0x30] =	vst v2  }
0x2c6: {  	[tilespmem:s8+$0x20] =	vst v2  }
0x2c7: {  	[tilespmem:s8+$0x10] =	vst v2  }
0x2c8: {  	[tilespmem:s8+$0x0] =	vst v2  }
0x2c9: {  	[tilespmem:s8+$0xFFFFFFF0] =	vst v2  }
0x2ca: {  	s9 =	simm.s32 $0x0;
	[tilespmem:s8+$0xFFFFFFE0] =	vst v2  }
.LBB2_23:
0x2cb: {  	s9 =	sadd.s32 $0x8, s9;
	[tilespmem:s8+$0xFFFFFFD0] =	vst v2;
	s8 =	sadd.s32 $0x80, s8  }
0x2cc: {  	[tilespmem:s8+$0xFFFFFFC0] =	vst v2;
	p0 =	slt.u32 s9, $0x4F8  }
0x2cd: {  	[tilespmem:s8+$0x30] =	vst v2  }
.Ltmp11:
0x2ce: {  	[tilespmem:s8+$0x20] =	vst v2;
	(pc) =	sbr.rel @p0 .LBB2_23-.Ltmp11, $4  }
0x2cf: {  	[tilespmem:s8+$0x10] =	vst v2  }
0x2d0: {  	[tilespmem:s8+$0x0] =	vst v2  }
0x2d1: {  	[tilespmem:s8+$0xFFFFFFF0] =	vst v2  }
0x2d2: {  	[tilespmem:s8+$0xFFFFFFE0] =	vst v2  }
0x2d3: {  	[tilespmem:s8+$0xFFFFFFD0] =	vst v2;
	s8 =	simm.s32 $0x4EC0  }
0x2d4: {  	v2 =	vld [tilespmem:s8+$0xFFFFFFD0]  }
0x2d5: {  	v4 =	vld [tilespmem:s8+$0xFFFFFFF0]  }
0x2d6: {  	v3 =	vld [tilespmem:s8+$0xFFFFFFE0]  }
0x2d7: {  	v5 =	vld [tilespmem:s8+$0x0]  }
0x2d8: {  	v6 =	vld [tilespmem:s8+$0x10]  }
0x2d9: {  	v17 =	vld [tilespmem:s8+$0x20]  }
0x2da: {  	v11 =	vld [tilespmem:s8+$0x30]  }
0x2db: {  	s11 =	simm.s32 $0x40;
	v9 =	vld [tilespmem:s8+$0xFFFFFFC0]  }
0x2dc: {  	v10 =	vld [tilespmem:s11+$0xFFFFFFC0]  }
0x2dd: {  	v12 =	vld [tilespmem:s11+$0x30]  }
0x2de: {  	v13 =	vld [tilespmem:s11+$0x20]  }
0x2df: {  	v14 =	vld [tilespmem:s11+$0x10]  }
0x2e0: {  	v15 =	vld [tilespmem:s11+$0x0]  }
0x2e1: {  	v18 =	vld [tilespmem:s11+$0xFFFFFFF0]  }
0x2e2: {  	v8 =	vld [tilespmem:s11+$0xFFFFFFE0]  }
0x2e3: {  	s9 =	simm.s32 $0x9D00;
	v7 =	vld [tilespmem:s11+$0xFFFFFFD0]  }
0x2e4: {  	v16 =	vadd.s32 $0x2800, v10;
	v20 =	vld.idx.msk [tilespmem:v10+s9+$0x0], $0xffff  }
0x2e5: {  	v19 =	vadd.s32 $0x2800, v12;
	v12 =	vld.idx.msk [tilespmem:v12+s9+$0x0], $0xffff  }
0x2e6: {  	v21 =	vadd.s32 $0x2800, v13;
	v22 =	vld.idx.msk [tilespmem:v13+s9+$0x0], $0xffff  }
0x2e7: {  	v10 =	vld.idx.msk [tilespmem:v14+s9+$0x0], $0xffff  }
0x2e8: {  	v13 =	vld.idx.msk [tilespmem:v15+s9+$0x0], $0xffff  }
0x2e9: {  	v23 =	vld.idx.msk [tilespmem:v16+s9+$0x0], $0xffff  }
0x2ea: {  	v19 =	vld.idx.msk [tilespmem:v19+s9+$0x0], $0xffff  }
0x2eb: {  	s10 =	simm.s32 $0x11500;
	v63 =	vadd.s32 $0x2800, v14;
	v16 =	vld.idx.msk [tilespmem:v21+s9+$0x0], $0xffff  }
0x2ec: {  	v24 =	vadd.s32 $0x2800, v9;
	[tilespmem:v9+s10+$0x0] =	vst.idx.add.f32.msk $0xffff, v20  }
0x2ed: {  	v20 =	vadd.s32 $0x2800, v11;
	v9 =	vld.idx.msk [tilespmem:v18+s9+$0x0], $0xffff  }
0x2ee: {  	[tilespmem:v11+s10+$0x0] =	vst.idx.add.f32.msk $0xffff, v12  }
0x2ef: {  	[tilespmem:v17+s10+$0x0] =	vst.idx.add.f32.msk $0xffff, v22;
	v11 =	vadd.s32 $0x2800, v15;
	v15 =	vadd.s32 $0x2800, v18;
	v18 =	vadd.s32 $0x2800, v17  }
0x2f0: {  	v17 =	vld.idx.msk [tilespmem:v63+s9+$0x0], $0xffff  }
0x2f1: {  	[tilespmem:v24+s10+$0x0] =	vst.idx.add.f32.msk $0xffff, v23  }
0x2f2: {  	s12 =	simm.s32 $0x0;
	v14 =	vadd.s32 $0x2800, v8;
	v12 =	vadd.s32 $0x2800, v7;
	[tilespmem:v20+s10+$0x0] =	vst.idx.add.f32.msk $0xffff, v19  }
.LBB2_25:
0x2f3: {  	s12 =	sadd.s32 $0x8, s12;
	v8 =	vld.idx.msk [tilespmem:v8+s9+$0x0], $0xffff;
	s11 =	sadd.s32 $0x80, s11;
	s8 =	sadd.s32 $0x80, s8  }
0x2f4: {  	p0 =	slt.u32 s12, $0x4D8;
	[tilespmem:v18+s10+$0x0] =	vst.idx.add.f32.msk $0xffff, v16  }
0x2f5: {  	v16 =	vadd.s32 $0x2800, v6;
	v15 =	vld.idx.msk [tilespmem:v15+s9+$0x0], $0xffff  }
0x2f6: {  	[tilespmem:v6+s10+$0x0] =	vst.idx.add.f32.msk $0xffff, v10  }
0x2f7: {  	v6 =	vld.idx.msk [tilespmem:v11+s9+$0x0], $0xffff  }
0x2f8: {  	[tilespmem:v5+s10+$0x0] =	vst.idx.add.f32.msk $0xffff, v13  }
0x2f9: {  	v10 =	vld.idx.msk [tilespmem:v14+s9+$0x0], $0xffff  }
0x2fa: {  	v11 =	vadd.s32 $0x2800, v3;
	[tilespmem:v16+s10+$0x0] =	vst.idx.add.f32.msk $0xffff, v17  }
0x2fb: {  	v5 =	vadd.s32 $0x2800, v5;
	v12 =	vld.idx.msk [tilespmem:v12+s9+$0x0], $0xffff  }
0x2fc: {  	v13 =	vadd.s32 $0x2800, v4;
	v7 =	vld.idx.msk [tilespmem:v7+s9+$0x0], $0xffff  }
0x2fd: {  	v14 =	vadd.s32 $0x2800, v2;
	[tilespmem:v4+s10+$0x0] =	vst.idx.add.f32.msk $0xffff, v9  }
0x2fe: {  	[tilespmem:v3+s10+$0x0] =	vst.idx.add.f32.msk $0xffff, v8  }
0x2ff: {  	[tilespmem:v11+s10+$0x0] =	vst.idx.add.f32.msk $0xffff, v10  }
0x300: {  	[tilespmem:v5+s10+$0x0] =	vst.idx.add.f32.msk $0xffff, v6  }
0x301: {  	[tilespmem:v13+s10+$0x0] =	vst.idx.add.f32.msk $0xffff, v15  }
0x302: {  	[tilespmem:v2+s10+$0x0] =	vst.idx.add.f32.msk $0xffff, v7  }
0x303: {  	[tilespmem:v14+s10+$0x0] =	vst.idx.add.f32.msk $0xffff, v12  }
0x304: {  	v2 =	vld [tilespmem:s8+$0xFFFFFFD0]  }
0x305: {  	v4 =	vld [tilespmem:s8+$0xFFFFFFF0]  }
0x306: {  	v3 =	vld [tilespmem:s8+$0xFFFFFFE0]  }
0x307: {  	v5 =	vld [tilespmem:s8+$0x0]  }
0x308: {  	v6 =	vld [tilespmem:s8+$0x10]  }
0x309: {  	v17 =	vld [tilespmem:s8+$0x20]  }
0x30a: {  	v18 =	vld [tilespmem:s8+$0x30]  }
0x30b: {  	v9 =	vld [tilespmem:s8+$0xFFFFFFC0]  }
0x30c: {  	v10 =	vld [tilespmem:s11+$0xFFFFFFC0]  }
0x30d: {  	v12 =	vld [tilespmem:s11+$0x30]  }
0x30e: {  	v13 =	vld [tilespmem:s11+$0x20]  }
0x30f: {  	v16 =	vld [tilespmem:s11+$0x10]  }
0x310: {  	v19 =	vld [tilespmem:s11+$0x0]  }
0x311: {  	v14 =	vadd.s32 $0x2800, v10;
	v20 =	vld [tilespmem:s11+$0xFFFFFFF0]  }
0x312: {  	v8 =	vld [tilespmem:s11+$0xFFFFFFE0];
	v21 =	vadd.s32 $0x2800, v12  }
0x313: {  	v7 =	vld [tilespmem:s11+$0xFFFFFFD0];
	v22 =	vadd.s32 $0x2800, v13  }
0x314: {  	v23 =	vld.idx.msk [tilespmem:v10+s9+$0x0], $0xffff;
	v24 =	vadd.s32 $0x2800, v16  }
0x315: {  	v11 =	vadd.s32 $0x2800, v19;
	v25 =	vld.idx.msk [tilespmem:v12+s9+$0x0], $0xffff  }
0x316: {  	v15 =	vadd.s32 $0x2800, v20;
	v26 =	vld.idx.msk [tilespmem:v13+s9+$0x0], $0xffff  }
0x317: {  	v27 =	vld.idx.msk [tilespmem:v14+s9+$0x0], $0xffff;
	v14 =	vadd.s32 $0x2800, v8  }
0x318: {  	v12 =	vadd.s32 $0x2800, v7;
	v10 =	vld.idx.msk [tilespmem:v16+s9+$0x0], $0xffff  }
0x319: {  	v21 =	vld.idx.msk [tilespmem:v21+s9+$0x0], $0xffff  }
0x31a: {  	v28 =	vadd.s32 $0x2800, v9;
	v13 =	vld.idx.msk [tilespmem:v19+s9+$0x0], $0xffff  }
0x31b: {  	v16 =	vld.idx.msk [tilespmem:v22+s9+$0x0], $0xffff  }
0x31c: {  	v19 =	vadd.s32 $0x2800, v18;
	[tilespmem:v9+s10+$0x0] =	vst.idx.add.f32.msk $0xffff, v23  }
0x31d: {  	v9 =	vld.idx.msk [tilespmem:v20+s9+$0x0], $0xffff  }
.Ltmp12:
0x31e: {  	[tilespmem:v18+s10+$0x0] =	vst.idx.add.f32.msk $0xffff, v25;
	(pc) =	sbr.rel @p0 .LBB2_25-.Ltmp12, $4  }
0x31f: {  	v18 =	vadd.s32 $0x2800, v17;
	[tilespmem:v28+s10+$0x0] =	vst.idx.add.f32.msk $0xffff, v27  }
0x320: {  	[tilespmem:v17+s10+$0x0] =	vst.idx.add.f32.msk $0xffff, v26  }
0x321: {  	[tilespmem:v19+s10+$0x0] =	vst.idx.add.f32.msk $0xffff, v21  }
0x322: {  	v17 =	vld.idx.msk [tilespmem:v24+s9+$0x0], $0xffff  }
0x323: {  	_ =	sdelay $0x3  }
0x324: {  	v8 =	vld.idx.msk [tilespmem:v8+s9+$0x0], $0xffff  }
0x325: {  	[tilespmem:v18+s10+$0x0] =	vst.idx.add.f32.msk $0xffff, v16  }
0x326: {  	v15 =	vld.idx.msk [tilespmem:v15+s9+$0x0], $0xffff  }
0x327: {  	[tilespmem:v6+s10+$0x0] =	vst.idx.add.f32.msk $0xffff, v10  }
0x328: {  	v58 =	vld.idx.msk [tilespmem:v11+s9+$0x0], $0xffff  }
0x329: {  	v57 =	vadd.s32 $0x2800, v6;
	[tilespmem:v5+s10+$0x0] =	vst.idx.add.f32.msk $0xffff, v13  }
0x32a: {  	v59 =	vld.idx.msk [tilespmem:v14+s9+$0x0], $0xffff  }
0x32b: {  	v12 =	vld.idx.msk [tilespmem:v12+s9+$0x0], $0xffff;
	v61 =	vadd.s32 $0x2800, v5  }
0x32c: {  	v7 =	vld.idx.msk [tilespmem:v7+s9+$0x0], $0xffff;
	v62 =	vadd.s32 $0x2800, v4  }
0x32d: {  	[tilespmem:v4+s10+$0x0] =	vst.idx.add.f32.msk $0xffff, v9  }
0x32e: {  	v60 =	vadd.s32 $0x2800, v3;
	[tilespmem:v57+s10+$0x0] =	vst.idx.add.f32.msk $0xffff, v17  }
0x32f: {  	v63 =	vadd.s32 $0x2800, v2;
	[tilespmem:v3+s10+$0x0] =	vst.idx.add.f32.msk $0xffff, v8  }
0x330: {  	[tilespmem:v61+s10+$0x0] =	vst.idx.add.f32.msk $0xffff, v58  }
0x331: {  	[tilespmem:v62+s10+$0x0] =	vst.idx.add.f32.msk $0xffff, v15  }
0x332: {  	[tilespmem:v2+s10+$0x0] =	vst.idx.add.f32.msk $0xffff, v7  }
0x333: {  	[tilespmem:v60+s10+$0x0] =	vst.idx.add.f32.msk $0xffff, v59  }
0x334: {  	s8 =	simm.s32 $0x0;
	s9 =	simm.s32 $0x9D00;
	[tilespmem:v63+s10+$0x0] =	vst.idx.add.f32.msk $0xffff, v12;
	s10 =	simm.s32 $0x11500  }
.LBB2_27:
0x335: {  	s11 =	sshra.s32 s8, $0x2  }
0x336: {  	v2 =	vld [tilespmem:s11+$0x4E00];
	_ =	sdelay $0x4  }
0x337: {  	v3 =	vld [tilespmem:s11+$0x9C80];
	v4 =	vadd.s32 $0x2800, v2;
	_ =	sdelay $0x3  }
0x338: {  	v2 =	vld.idx.msk [tilespmem:v2+s9+$0x0], $0xffff  }
0x339: {  	p0 =	sne.s32 s8, $0x40;
	v5 =	vadd.s32 $0x2800, v3;
	v4 =	vld.idx.msk [tilespmem:v4+s9+$0x0], $0xffff  }
.Ltmp13:
0x33a: {  	_ = 	snop;
	(pc) =	sbr.rel @p0 .LBB2_27-.Ltmp13, $3  }
0x33b: {  	_ =	sdelay $0x1  }
0x33c: {  	[tilespmem:v3+s10+$0x0] =	vst.idx.add.f32.msk $0xffff, v2  }
0x33d: {  	s8 =	sadd.s32 $0x40, s8;
	[tilespmem:v5+s10+$0x0] =	vst.idx.add.f32.msk $0xffff, v4  }
0x33e: {  	s8 =	simm.s32 $0x80  }
0x33f: {  	s9 =	simm.s32 $0x400;
	s10 =	simm.s32 $0x11500;
	s16 =	simm.s32 $0x3  }
0x340: {  	[spmem:s6] =	stream.strided.scatter [tilespmem:s10], [sflag:$0x3], $0x2800, s9, s8, $0x38;
	[tilespmem:$0x1F480] =	vst v63  }
0x341: {  	_ =	swait.ge [sflag:s16], $0x2800  }
0x342: {  	[sflag:s16] =	ssyncset.done $0x0  }
0x343: {  	s17 =	simm.s32 $0x1400;
	s18 =	simm.s32 $0x14000;
	[sflag:s16] =	ssyncadd.s32 $0xFFFFD800  }
0x344: {  	s11 =	simm.s32 $0x18F80;
	s13 =	simm.s32 $0x0;
	[bflag:$0x0] =	sbarrier.arrive $0xFFFF  }
0x345: {  	[tilespmem:s11], [sflag:$0x3] =	stream.strided.gather [spmem:s5], $0x2800, s18, s17, $0x38;
	[tilespmem:$0x1F480] =	vst v63  }
0x346: {  	s9 =	sand.u32 $0x60, s13;
	s10 =	sand.u32 $0x1C00, s13;
	_ =	swait.ge [sflag:s16], $0x2800  }
0x347: {  	s19 =	sadd.s32 $0x18F80, s10;
	s12 =	sor.u32 $0x10, s9;
	[sflag:s16] =	ssyncset.done $0x0  }
0x348: {  	s20 =	sor.u32 s12, s19;
	[sflag:s16] =	ssyncadd.s32 $0xFFFFD800  }
0x349: {  	v2 =	vld [tilespmem:s20+$0x0]  }
0x34a: {  	s11 =	sor.u32 s9, s19;
	v3 =	vld [tilespmem:s20+$0x80]  }
0x34b: {  	v4 =	vld [tilespmem:s11+$0x0]  }
0x34c: {  	v5 =	vld [tilespmem:s20+$0x100]  }
0x34d: {  	v6 =	vld [tilespmem:s11+$0x80]  }
0x34e: {  	v7 =	vld [tilespmem:s20+$0x180]  }
0x34f: {  	v8 =	vld [tilespmem:s11+$0x100]  }
0x350: {  	v9 =	vld [tilespmem:s20+$0x200]  }
0x351: {  	v10 =	vld [tilespmem:s11+$0x180]  }
0x352: {  	v11 =	vld [tilespmem:s20+$0x280]  }
0x353: {  	v12 =	vld [tilespmem:s11+$0x200]  }
0x354: {  	v13 =	vld [tilespmem:s20+$0x300]  }
0x355: {  	v14 =	vld [tilespmem:s11+$0x280]  }
0x356: {  	s14 =	sor.u32 $0x1A380, s10;
	v15 =	vld [tilespmem:s20+$0x380]  }
0x357: {  	s21 =	sor.u32 s12, s14;
	v16 =	vld [tilespmem:s11+$0x300]  }
0x358: {  	s15 =	sadd.s32 $0x1A400, s10;
	v17 =	vld [tilespmem:s21+$0x0]  }
0x359: {  	s22 =	sor.u32 s12, s15;
	v18 =	vld [tilespmem:s11+$0x380]  }
0x35a: {  	s24 =	sadd.s32 $0x1A480, s10;
	s23 =	sor.u32 s9, s14;
	v19 =	vld [tilespmem:s22+$0x0]  }
0x35b: {  	s25 =	sor.u32 s12, s24;
	v20 =	vld [tilespmem:s23+$0x0]  }
0x35c: {  	s28 =	sadd.s32 $0x1A500, s10;
	s26 =	sor.u32 s9, s15;
	v21 =	vld [tilespmem:s25+$0x0]  }
0x35d: {  	s29 =	sor.u32 s12, s28;
	v22 =	vld [tilespmem:s26+$0x0]  }
0x35e: {  	s30 =	sor.u32 s9, s24;
	v23 =	vld [tilespmem:s29+$0x0]  }
0x35f: {  	s31 =	sadd.s32 $0x1A580, s10;
	s15 =	sor.u32 s9, s28;
	v24 =	vld [tilespmem:s30+$0x0]  }
0x360: {  	s8 =	simm.s32 $0x20;
	s18 =	sor.u32 s9, s31;
	v26 =	vld [tilespmem:s15+$0x0]  }
0x361: {  	s19 =	sadd.s32 $0x1A680, s10;
	s16 =	sadd.s32 $0x1A600, s10;
	s11 =	sor.u32 s12, s31;
	v28 =	vld [tilespmem:s18+$0x0]  }
0x362: {  	s17 =	sor.u32 s12, s16;
	s21 =	sor.u32 s9, s16;
	s16 =	simm.s32 $0x100;
	v25 =	vld [tilespmem:s11+$0x0]  }
0x363: {  	s20 =	sor.u32 s12, s19;
	s22 =	sadd.s32 $0x1A700, s10;
	v27 =	vld [tilespmem:s17+$0x0];
	s14 =	sand.u32 $0x1C00, s16  }
0x364: {  	s10 =	sand.u32 $0x60, s8;
	v29 =	vld [tilespmem:s20+$0x0];
	s17 =	sor.u32 s9, s19;
	s25 =	sadd.s32 $0x18F80, s14  }
0x365: {  	v30 =	vld [tilespmem:s21+$0x0];
	s24 =	sor.u32 s9, s22;
	s9 =	sor.u32 $0x10, s10;
	s28 =	sor.u32 s10, s25;
	v2 =	vadd.f32 v3, v2  }
0x366: {  	s26 =	sor.u32 s9, s25;
	v53 =	vld [tilespmem:s28+$0x80];
	v3 =	vadd.f32 v6, v4  }
0x367: {  	v54 =	vld [tilespmem:s26+$0x200];
	v2 =	vadd.f32 v5, v2  }
0x368: {  	v55 =	vld [tilespmem:s26+$0x280];
	v3 =	vadd.f32 v8, v3  }
0x369: {  	v8 =	vld [tilespmem:s26+$0x0];
	v2 =	vadd.f32 v7, v2  }
0x36a: {  	v3 =	vadd.f32 v10, v3;
	v7 =	vld [tilespmem:s26+$0x80]  }
0x36b: {  	v56 =	vld [tilespmem:s26+$0x300];
	v2 =	vadd.f32 v9, v2  }
0x36c: {  	v3 =	vadd.f32 v12, v3;
	v9 =	vld [tilespmem:s26+$0x100]  }
0x36d: {  	v10 =	vld [tilespmem:s28+$0x0];
	v2 =	vadd.f32 v11, v2  }
0x36e: {  	v3 =	vadd.f32 v14, v3;
	v11 =	vld [tilespmem:s26+$0x180]  }
0x36f: {  	v7 =	vadd.f32 v7, v8;
	v8 =	vld [tilespmem:s28+$0x100];
	v2 =	vadd.f32 v13, v2  }
0x370: {  	s29 =	sor.u32 $0x1A380, s14;
	v57 =	vld [tilespmem:s26+$0x380];
	v3 =	vadd.f32 v16, v3  }
0x371: {  	s30 =	sor.u32 s9, s29;
	v7 =	vadd.f32 v9, v7;
	v9 =	vld [tilespmem:s28+$0x180];
	v2 =	vadd.f32 v15, v2  }
0x372: {  	s31 =	sadd.s32 $0x1A400, s14;
	v58 =	vld [tilespmem:s30+$0x0];
	v10 =	vadd.f32 v53, v10;
	v3 =	vadd.f32 v18, v3  }
0x373: {  	s16 =	sor.u32 s9, s31;
	v7 =	vadd.f32 v11, v7;
	v11 =	vld [tilespmem:s28+$0x200];
	v2 =	vadd.f32 v17, v2  }
0x374: {  	s18 =	sadd.s32 $0x1A480, s14;
	v59 =	vld [tilespmem:s16+$0x0];
	v3 =	vadd.f32 v20, v3;
	v8 =	vadd.f32 v8, v10  }
0x375: {  	s19 =	sor.u32 s9, s18;
	v10 =	vld [tilespmem:s28+$0x280];
	v7 =	vadd.f32 v54, v7;
	v2 =	vadd.f32 v19, v2  }
0x376: {  	v60 =	vld [tilespmem:s19+$0x0];
	v3 =	vadd.f32 v22, v3;
	v8 =	vadd.f32 v9, v8  }
0x377: {  	s23 =	sor.u32 s12, s22;
	v9 =	vld [tilespmem:s28+$0x300];
	v7 =	vadd.f32 v55, v7;
	v2 =	vadd.f32 v21, v2  }
0x378: {  	v4 =	vld [tilespmem:s23+$0x0];
	v3 =	vadd.f32 v24, v3;
	v8 =	vadd.f32 v11, v8  }
0x379: {  	v11 =	vld [tilespmem:s28+$0x380];
	v7 =	vadd.f32 v56, v7;
	v2 =	vadd.f32 v23, v2  }
0x37a: {  	s15 =	sor.u32 s10, s29;
	v6 =	vld [tilespmem:s17+$0x0];
	v3 =	vadd.f32 v26, v3;
	v8 =	vadd.f32 v10, v8  }
0x37b: {  	v10 =	vld [tilespmem:s15+$0x0];
	v7 =	vadd.f32 v57, v7;
	v2 =	vadd.f32 v25, v2  }
0x37c: {  	s21 =	sadd.s32 $0x1A500, s14;
	s20 =	sor.u32 s10, s31;
	v5 =	vld [tilespmem:s24+$0x0];
	v3 =	vadd.f32 v28, v3;
	v8 =	vadd.f32 v9, v8  }
0x37d: {  	s22 =	sor.u32 s9, s21;
	v9 =	vld [tilespmem:s20+$0x0];
	v7 =	vadd.f32 v58, v7;
	v2 =	vadd.f32 v27, v2  }
0x37e: {  	v61 =	vld [tilespmem:s22+$0x0];
	s23 =	sor.u32 s10, s18;
	s24 =	sadd.s32 $0x1A580, s14;
	v3 =	vadd.f32 v30, v3;
	v8 =	vadd.f32 v11, v8  }
0x37f: {  	s25 =	sor.u32 s9, s24;
	v11 =	vld [tilespmem:s23+$0x0];
	v7 =	vadd.f32 v59, v7;
	v62 =	vadd.f32 v29, v2  }
0x380: {  	v63 =	vld [tilespmem:s25+$0x0];
	s26 =	sor.u32 s10, s21;
	s28 =	sadd.s32 $0x1A600, s14;
	v3 =	vadd.f32 v6, v3;
	v6 =	vadd.f32 v10, v8  }
0x381: {  	s11 =	simm.s32 $0x18D00;
	s29 =	sor.u32 s9, s28;
	v2 =	vld [tilespmem:s26+$0x0];
	v7 =	vadd.f32 v60, v7;
	v8 =	vadd.f32 v4, v62  }
0x382: {  	s19 =	sadd.s32 $0x1A680, s14;
	s18 =	sand.u32 $0x380, s13;
	s16 =	sor.u32 s10, s24;
	v10 =	vadd.f32 v5, v3;
	v3 =	vld [tilespmem:s29+$0x0];
	v6 =	vadd.f32 v9, v6  }
0x383: {  	s30 =	sor.u32 s9, s19;
	s17 =	sadd.s32 $0x1A700, s14;
	s12 =	sor.u32 s12, s18;
	v4 =	vld [tilespmem:s16+$0x0];
	v7 =	vadd.f32 v61, v7  }
0x384: {  	s13 =	simm.s32 $0x2;
	s18 =	sor.u32 s9, s17;
	s31 =	sor.u32 s10, s28;
	v5 =	vld [tilespmem:s30+$0x0];
	[tilespmem:s12+$0x18D00] =	vst v8;
	v8 =	vadd.f32 v11, v6  }
0x385: {  	s14 =	simm.s32 $0x40;
	s16 =	sor.u32 s10, s19;
	[tilespmem:s11+$0x0] =	vst v10;
	v6 =	vld [tilespmem:s31+$0x0];
	s12 =	simm.s32 $0x200;
	v7 =	vadd.f32 v63, v7  }
.LBB2_29:
0x386: {  	s15 =	sand.u32 $0x1C00, s12;
	v2 =	vadd.f32 v2, v8;
	s17 =	sor.u32 s10, s17;
	s10 =	sand.u32 $0x60, s14;
	v8 =	vld [tilespmem:s18+$0x0]  }
0x387: {  	s13 =	sadd.s32 $0x2, s13;
	s18 =	sadd.s32 $0x18F80, s15;
	s19 =	sor.u32 $0x10, s10;
	v9 =	vld [tilespmem:s16+$0x0];
	v3 =	vadd.f32 v3, v7  }
0x388: {  	p0 =	slt.u32 s13, $0x26;
	s16 =	sor.u32 s10, s18;
	s18 =	sor.u32 s19, s18;
	v2 =	vadd.f32 v4, v2;
	v4 =	vld [tilespmem:s17+$0x0]  }
0x389: {  	v7 =	vld [tilespmem:s18+$0x0];
	v3 =	vadd.f32 v5, v3  }
0x38a: {  	v5 =	vld [tilespmem:s18+$0x80];
	v2 =	vadd.f32 v6, v2  }
0x38b: {  	s17 =	sand.u32 $0x380, s8;
	s8 =	smov.u32 s14;
	v6 =	vld [tilespmem:s16+$0x0];
	v3 =	vadd.f32 v8, v3  }
0x38c: {  	s17 =	sor.u32 s9, s17;
	s9 =	smov.u32 s19;
	v8 =	vld [tilespmem:s18+$0x100];
	v2 =	vadd.f32 v9, v2  }
0x38d: {  	v9 =	vld [tilespmem:s16+$0x80];
	[tilespmem:s17+$0x18D00] =	vst v3  }
0x38e: {  	v3 =	vld [tilespmem:s18+$0x180];
	v2 =	vadd.f32 v4, v2  }
0x38f: {  	s11 =	sadd.s32 $0x20, s11;
	v4 =	vld [tilespmem:s16+$0x100];
	v5 =	vadd.f32 v5, v7  }
0x390: {  	v7 =	vld [tilespmem:s18+$0x200];
	[tilespmem:s11+$0x0] =	vst v2  }
0x391: {  	v2 =	vld [tilespmem:s16+$0x180];
	v5 =	vadd.f32 v8, v5  }
0x392: {  	v6 =	vadd.f32 v9, v6;
	v8 =	vld [tilespmem:s18+$0x280]  }
0x393: {  	v9 =	vld [tilespmem:s16+$0x200];
	v3 =	vadd.f32 v3, v5  }
0x394: {  	v4 =	vadd.f32 v4, v6;
	v5 =	vld [tilespmem:s18+$0x300]  }
0x395: {  	v6 =	vld [tilespmem:s16+$0x280];
	v3 =	vadd.f32 v7, v3  }
0x396: {  	s17 =	sor.u32 $0x1A380, s15;
	v2 =	vadd.f32 v2, v4;
	v4 =	vld [tilespmem:s18+$0x380]  }
0x397: {  	s18 =	sor.u32 s10, s17;
	s17 =	sor.u32 s9, s17;
	v7 =	vld [tilespmem:s16+$0x300];
	v3 =	vadd.f32 v8, v3  }
0x398: {  	s19 =	sadd.s32 $0x1A400, s15;
	v2 =	vadd.f32 v9, v2;
	v8 =	vld [tilespmem:s17+$0x0]  }
0x399: {  	s17 =	sor.u32 s9, s19;
	v9 =	vld [tilespmem:s16+$0x380];
	s16 =	sor.u32 s10, s19;
	v3 =	vadd.f32 v5, v3  }
0x39a: {  	s19 =	sadd.s32 $0x1A480, s15;
	v2 =	vadd.f32 v6, v2;
	v5 =	vld [tilespmem:s17+$0x0]  }
0x39b: {  	s17 =	sor.u32 s10, s19;
	v6 =	vld [tilespmem:s18+$0x0];
	v3 =	vadd.f32 v4, v3;
	s18 =	sor.u32 s9, s19  }
0x39c: {  	s19 =	sadd.s32 $0x1A500, s15;
	v2 =	vadd.f32 v7, v2;
	v4 =	vld [tilespmem:s18+$0x0]  }
0x39d: {  	s18 =	sor.u32 s9, s19;
	v7 =	vld [tilespmem:s16+$0x0];
	s16 =	sor.u32 s10, s19;
	v3 =	vadd.f32 v8, v3  }
0x39e: {  	s19 =	sadd.s32 $0x1A580, s15;
	v2 =	vadd.f32 v9, v2;
	v8 =	vld [tilespmem:s18+$0x0]  }
0x39f: {  	s18 =	sor.u32 s9, s19;
	v9 =	vld [tilespmem:s17+$0x0];
	s17 =	sor.u32 s10, s19;
	v3 =	vadd.f32 v5, v3  }
0x3a0: {  	s19 =	sadd.s32 $0x1A600, s15;
	v5 =	vadd.f32 v6, v2;
	v10 =	vld [tilespmem:s18+$0x0]  }
.Ltmp14:
0x3a1: {  	s18 =	sor.u32 s10, s19;
	v2 =	vld [tilespmem:s16+$0x0];
	v6 =	vadd.f32 v4, v3;
	s16 =	sor.u32 s9, s19;
	(pc) =	sbr.rel @p0 .LBB2_29-.Ltmp14, $4  }
0x3a2: {  	s19 =	sadd.s32 $0x1A680, s15;
	v5 =	vadd.f32 v7, v5;
	v3 =	vld [tilespmem:s16+$0x0]  }
0x3a3: {  	s16 =	sor.u32 s10, s19;
	s19 =	sor.u32 s9, s19;
	v4 =	vld [tilespmem:s17+$0x0];
	v7 =	vadd.f32 v8, v6  }
0x3a4: {  	s17 =	sadd.s32 $0x1A700, s15;
	v8 =	vadd.f32 v9, v5;
	v5 =	vld [tilespmem:s19+$0x0]  }
0x3a5: {  	s12 =	sadd.s32 $0x100, s12;
	s14 =	sadd.s32 $0x20, s14;
	v6 =	vld [tilespmem:s18+$0x0];
	v7 =	vadd.f32 v10, v7;
	s18 =	sor.u32 s9, s17  }
0x3a6: {  	v2 =	vadd.f32 v2, v8  }
0x3a7: {  	v8 =	vld [tilespmem:s16+$0x0]  }
0x3a8: {  	s10 =	sor.u32 s10, s17;
	v9 =	vld [tilespmem:s18+$0x0];
	v2 =	vadd.f32 v4, v2  }
0x3a9: {  	v3 =	vadd.f32 v3, v7;
	v60 =	vld [tilespmem:s10+$0x0]  }
0x3aa: {  	v2 =	vadd.f32 v6, v2  }
0x3ab: {  	v3 =	vadd.f32 v5, v3  }
0x3ac: {  	v2 =	vadd.f32 v8, v2  }
0x3ad: {  	s8 =	sand.u32 $0x380, s8;
	v3 =	vadd.f32 v9, v3  }
0x3ae: {  	s8 =	sor.u32 s9, s8;
	v2 =	vadd.f32 v60, v2  }
0x3af: {  	s28 =	sadd.s32 $0x20, s11;
	[tilespmem:s8+$0x18D00] =	vst v3  }
0x3b0: {  	[tilespmem:s28+$0x0] =	vst v2  }
0x3b1: {  	s8 =	simm.s32 $0x18D00;
	[bflag:$0x0] =	sbarrier.arrive $0xFFFF  }
0x3b2: {  	s29 =	simm.s32 $0x1BC80;
	v2 =	vld [tilespmem:s8+$0x0]  }
0x3b3: {  	s30 =	simm.s32 $0x1C400;
	v3 =	vld [tilespmem:s29+$0x0]  }
0x3b4: {  	s31 =	simm.s32 $0x1B780;
	v61 =	vld [tilespmem:s30+$0x0]  }
0x3b5: {  	v62 =	vld [tilespmem:s31+$0x0];
	_ =	sdelay $0x1  }
0x3b6: {  	p0 =	sne.s32 s7, $0x1  }
.Ltmp15:
0x3b7: {  	v1 =	vbroadcast v1, $0xF;
	v2 =	vadd.f32 v3, v2;
	(pc) =	sbr.rel @!p0 .LBB2_31-.Ltmp15, $4  }
0x3b8: {  	_ = 	snop  }
0x3b9: {  	s7 =	sadd.s32 $0xFFFFFFFF, s7;
	p1 =	por $0x0, $0x0;
	p2 =	por $0x0, $0x0;
	v3 =	vmul.f32 v61, v1;
	v63 =	vmul.f32 v2, v62  }
0x3ba: {  	p3 =	por $0x0, $0x0;
	p4 =	por $0x0, $0x0;
	p5 =	por $0x0, $0x0  }
0x3bb: {  	v0 =	vbroadcast v0, $0xF;
	p6 =	por $0x0, $0x0;
	s9 =	simm.s32 $0x18D10;
	s10 =	simm.s32 $0x1BC90;
	v2 =	vimm.f32 $0.0e+00;
	v9 =	vadd.f32 v3, v63  }
0x3bc: {  	v3 =	vld [tilespmem:s9+$0x0]  }
0x3bd: {  	v4 =	vld [tilespmem:s10+$0x0];
	s30 =	simm.s32 $0x1C410  }
0x3be: {  	s31 =	simm.s32 $0x1B790;
	v5 =	vld [tilespmem:s30+$0x0]  }
0x3bf: {  	v6 =	vadd.f32 v9, v0;
	v7 =	vld [tilespmem:s31+$0x0]  }
0x3c0: {  	s11 =	simm.s32 @!p0 $0x0  }
0x3c1: {  	s11 =	simm.s32 @p0 $0x1;
	p0 =	sne.s32 s7, $0x1;
	v6 =	vsub.f32 $0.0e+00, v6  }
.Ltmp16:
0x3c2: {  	v3 =	vadd.f32 v4, v3;
	(pc) =	sbr.rel @!p0 .LBB2_33-.Ltmp16, $4  }
0x3c3: {  	v63 =	vmul.f32 $1.442695020e+00, v6  }
0x3c4: {  	v5 =	vmul.f32 v5, v1;
	v3 =	vmul.f32 v3, v7  }
0x3c5: {  	s9 =	sadd.s32 $0xFFFFFFFF, s7;
	s10 =	simm.s32 $0x18D20  }
0x3c6: {  	p1 =	por $0x1, $0x1;
	[smem:$0x7FD] =	sst s11;
	s11 =	simm.s32 $0x1BCA0;
	(erf) = vpow2.f32 v63;
	v9 =	vadd.f32 v5, v3  }
0x3c7: {  	_ = 	snop  }
0x3c8: {  	v3 =	vld [tilespmem:s10+$0x0]  }
0x3c9: {  	v4 =	vld [tilespmem:s11+$0x0];
	s30 =	simm.s32 $0x1C420  }
0x3ca: {  	s31 =	simm.s32 $0x1B7A0;
	v5 =	vld [tilespmem:s30+$0x0]  }
0x3cb: {  	v6 =	vadd.f32 v9, v0;
	v7 =	vld [tilespmem:s31+$0x0];
	_ =	sdelay $0x1  }
0x3cc: {  	p0 =	sne.s32 s9, $0x1;
	v6 =	vsub.f32 $0.0e+00, v6  }
.Ltmp17:
0x3cd: {  	v3 =	vadd.f32 v4, v3;
	(pc) =	sbr.rel @!p0 .LBB2_35-.Ltmp17, $4  }
0x3ce: {  	v62 =	vmul.f32 $1.442695020e+00, v6;
	v63 =	vpop (erf)  }
0x3cf: {  	v5 =	vmul.f32 v5, v1;
	v3 =	vmul.f32 v3, v7;
	v6 =	vadd.f32 $1.000000000e+00, v63  }
0x3d0: {  	s9 =	sadd.s32 $0xFFFFFFFF, s9;
	(erf) = vpow2.f32 v62  }
0x3d1: {  	s10 =	simm.s32 $0x18D30;
	s11 =	simm.s32 $0x1BCB0;
	p2 =	por $0x1, $0x1;
	v9 =	vadd.f32 v5, v3;
	(erf) = vrcp.f32 v6  }
0x3d2: {  	v3 =	vld [tilespmem:s10+$0x0]  }
0x3d3: {  	v4 =	vld [tilespmem:s11+$0x0];
	s30 =	simm.s32 $0x1C430;
	v5 =	vadd.f32 v9, v0  }
0x3d4: {  	s31 =	simm.s32 $0x1B7B0;
	v6 =	vld [tilespmem:s30+$0x0]  }
0x3d5: {  	v7 =	vld [tilespmem:s31+$0x0];
	v5 =	vsub.f32 $0.0e+00, v5;
	_ =	sdelay $0x1  }
0x3d6: {  	v5 =	vmul.f32 $1.442695020e+00, v5  }
0x3d7: {  	p0 =	sne.s32 s9, $0x1;
	v3 =	vadd.f32 v4, v3  }
.Ltmp18:
0x3d8: {  	_ = 	snop;
	(pc) =	sbr.rel @!p0 .LBB2_37-.Ltmp18, $4  }
0x3d9: {  	v6 =	vmul.f32 v6, v1;
	v8 =	vpop (erf);
	v3 =	vmul.f32 v3, v7  }
0x3da: {  	(erf) = vpow2.f32 v5;
	v4 =	vadd.f32 $1.000000000e+00, v8;
	v5 =	vpop (erf)  }
0x3db: {  	s9 =	sadd.s32 $0xFFFFFFFF, s9;
	v9 =	vadd.f32 v6, v3;
	v7 =	vand.u32 $0x7FFFFF, v5  }
0x3dc: {  	s10 =	simm.s32 $0x18D40;
	s11 =	simm.s32 $0x1BCC0;
	p3 =	por $0x1, $0x1;
	(erf) = vrcp.f32 v4;
	v3 =	vshra.s32 v5, $0x17;
	v7 =	vor.u32 $0x3F800000, v7  }
0x3dd: {  	v4 =	vld [tilespmem:s10+$0x0];
	v6 =	vadd.f32 v9, v0  }
0x3de: {  	v5 =	vld [tilespmem:s11+$0x0];
	s30 =	simm.s32 $0x1C440  }
0x3df: {  	s31 =	simm.s32 $0x1B7C0;
	v8 =	vld [tilespmem:s30+$0x0];
	v6 =	vsub.f32 $0.0e+00, v6  }
0x3e0: {  	v9 =	vld [tilespmem:s31+$0x0]  }
0x3e1: {  	v6 =	vmul.f32 $1.442695020e+00, v6  }
0x3e2: {  	v10 =	vadd.f32 $1.000000000e+00, v7;
	p0 =	sne.s32 s9, $0x1  }
.Ltmp19:
0x3e3: {  	v4 =	vadd.f32 v5, v4;
	v5 =	vpop (erf);
	(pc) =	sbr.rel @!p0 .LBB2_39-.Ltmp19, $4  }
0x3e4: {  	(erf) = vrcp.f32 v10;
	v8 =	vmul.f32 v8, v1;
	v10 =	vadd.f32 $1.000000000e+00, v5  }
0x3e5: {  	(erf) = vpow2.f32 v6;
	v4 =	vmul.f32 v4, v9;
	v6 =	vpop (erf)  }
0x3e6: {  	s9 =	sadd.s32 $0xFFFFFFFF, s9;
	v5 =	vadd.f32 $-1.000000000e+00, v7;
	v7 =	vand.u32 $0x7FFFFF, v6;
	(erf) = vrcp.f32 v10  }
0x3e7: {  	s10 =	simm.s32 $0x18D50;
	s11 =	simm.s32 $0x1BCD0;
	p4 =	por $0x1, $0x1;
	v9 =	vadd.f32 v8, v4;
	v4 =	vshra.s32 v6, $0x17;
	v13 =	vor.u32 $0x3F800000, v7  }
0x3e8: {  	v6 =	vld [tilespmem:s10+$0x0]  }
0x3e9: {  	v7 =	vld [tilespmem:s11+$0x0];
	s30 =	simm.s32 $0x1C450;
	v8 =	vadd.f32 v9, v0  }
0x3ea: {  	s31 =	simm.s32 $0x1B7D0;
	v9 =	vld [tilespmem:s30+$0x0]  }
0x3eb: {  	v10 =	vld [tilespmem:s31+$0x0];
	v8 =	vsub.f32 $0.0e+00, v8  }
0x3ec: {  	v11 =	vadd.f32 $1.000000000e+00, v13  }
0x3ed: {  	v14 =	vmul.f32 $1.442695020e+00, v8  }
0x3ee: {  	p0 =	sne.s32 s9, $0x1;
	v12 =	vpop (erf);
	(erf) = vrcp.f32 v11;
	v6 =	vadd.f32 v7, v6  }
.Ltmp20:
0x3ef: {  	v12 =	vmul.f32 v12, v5;
	v9 =	vmul.f32 v9, v1;
	(pc) =	sbr.rel @!p0 .LBB2_41-.Ltmp20, $4  }
0x3f0: {  	v8 =	vpop (erf);
	(erf) = vpow2.f32 v14;
	v6 =	vmul.f32 v6, v10  }
0x3f1: {  	v11 =	vmul.f32 v12, v12;
	v7 =	vadd.f32 $1.000000000e+00, v8;
	v8 =	vadd.f32 $-1.000000000e+00, v13;
	v14 =	vpop (erf)  }
0x3f2: {  	s11 =	sadd.s32 $0xFFFFFFFF, s9;
	v10 =	vadd.f32 v12, v12;
	v9 =	vadd.f32 v9, v6;
	v12 =	vand.u32 $0x7FFFFF, v14  }
0x3f3: {  	s9 =	simm.s32 $0x18D60;
	s10 =	simm.s32 $0x1BCE0;
	p5 =	por $0x1, $0x1;
	(erf) = vrcp.f32 v7;
	v19 =	vor.u32 $0x3F800000, v12;
	v12 =	vshra.s32 v14, $0x17  }
0x3f4: {  	v7 =	vld [tilespmem:s9+$0x0]  }
0x3f5: {  	v15 =	vld [tilespmem:s10+$0x0];
	s9 =	simm.s32 $0x1C460  }
0x3f6: {  	s10 =	simm.s32 $0x1B7E0;
	v17 =	vadd.f32 $1.000000000e+00, v19;
	v16 =	vld [tilespmem:s9+$0x0]  }
0x3f7: {  	v14 =	vmul.f32 $1.428571490e-01, v11;
	v9 =	vadd.f32 v9, v0;
	v20 =	vld [tilespmem:s10+$0x0]  }
0x3f8: {  	v6 =	vpop (erf);
	(erf) = vrcp.f32 v17  }
0x3f9: {  	v23 =	vadd.s32 $0xFFFFFF81, v3;
	v9 =	vsub.f32 $0.0e+00, v9;
	v21 =	vadd.f32 $2.000000030e-01, v14  }
0x3fa: {  	v23 =	vcvt.s32.f32 v23;
	v18 =	vmul.f32 v6, v8;
	v7 =	vadd.f32 v15, v7  }
0x3fb: {  	p0 =	sne.s32 s11, $0x1;
	v9 =	vmul.f32 $1.442695020e+00, v9;
	v21 =	vmul.f32 v21, v11  }
.Ltmp21:
0x3fc: {  	v14 =	vadd.f32 $-1.000000000e+00, v19;
	v17 =	vpop (erf);
	v16 =	vmul.f32 v16, v1;
	v20 =	vmul.f32 v7, v20;
	(pc) =	sbr.rel @!p0 .LBB2_62-.Ltmp21, $4  }
0x3fd: {  	v17 =	vadd.f32 $1.000000000e+00, v17;
	(erf) = vpow2.f32 v9;
	v9 =	vadd.f32 $3.333333430e-01, v21  }
0x3fe: {  	v6 =	vmul.f32 v18, v18;
	v15 =	vadd.f32 v18, v18;
	v21 =	vimm.f32 $0.0e+00;
	v24 =	vpop (erf)  }
0x3ff: {  	s11 =	sadd.s32 $0xFFFFFFFF, s11;
	(erf) = vrcp.f32 v17;
	v22 =	vmul.f32 v9, v11;
	v18 =	vmovc v10;
	v7 =	vand.u32 $0x7FFFFF, v24  }
0x400: {  	s12 =	simm.s32 $0x18D70;
	s13 =	simm.s32 $0x1BCF0;
	p6 =	por $0x1, $0x1;
	v9 =	vadd.f32 v16, v20;
	v17 =	vshra.s32 v24, $0x17;
	v7 =	vor.u32 $0x3F800000, v7;
	v16 =	vmovc v12;
	v20 =	vmovc v4  }
.LBB2_43:
0x401: {  	v24 =	vld [tilespmem:s12+$0x0];
	p0 =	sne.s32 s11, $0x1;
	s11 =	sadd.s32 $0xFFFFFFFF, s11;
	v25 =	vadd.f32 $1.000000000e+00, v7;
	v26 =	vpop (erf);
	v27 =	vmul.f32 $1.428571490e-01, v6;
	v22 =	vadd.f32 $1.000000000e+00, v22  }
0x402: {  	s10 =	sadd.s32 $0x10, s10;
	s9 =	sadd.s32 $0x10, s9;
	v28 =	vld [tilespmem:s13+$0x0];
	v9 =	vadd.f32 v9, v0;
	v26 =	vmul.f32 v26, v14;
	v23 =	vmul.f32 $6.931471820e-01, v23  }
0x403: {  	v29 =	vld [tilespmem:s9+$0x0];
	(erf) = vrcp.f32 v25;
	v22 =	vmul.f32 v22, v18;
	v18 =	vmov v15  }
0x404: {  	v27 =	vadd.f32 $2.000000030e-01, v27;
	v25 =	vld [tilespmem:s10+$0x0];
	v9 =	vsub.f32 $0.0e+00, v9;
	v30 =	vmul.f32 v26, v26  }
0x405: {  	v31 =	vadd.s32 $0xFFFFFF81, v20;
	v20 =	vmovc v16;
	v16 =	vmovc v17;
	v14 =	vadd.f32 $-1.000000000e+00, v7;
	v7 =	vadd.f32 v22, v23  }
0x406: {  	v15 =	vadd.f32 v26, v26;
	v22 =	vmul.f32 v27, v6;
	v9 =	vmul.f32 $1.442695020e+00, v9;
	v17 =	vpop (erf)  }
.Ltmp22:
0x407: {  	v23 =	vadd.f32 v28, v24;
	v17 =	vadd.f32 $1.000000000e+00, v17;
	v7 =	vmax.f32 v7, $-1.000000000e+02;
	(pc) =	sbr.rel @p0 .LBB2_43-.Ltmp22, $4  }
0x408: {  	v24 =	vmul.f32 v29, v1;
	(erf) = vpow2.f32 v9;
	v26 =	vpop (erf);
	v9 =	vadd.f32 $3.333333430e-01, v22  }
0x409: {  	v21 =	vadd.f32 v7, v21;
	v23 =	vmul.f32 v23, v25;
	v22 =	vand.u32 $0x7FFFFF, v26  }
0x40a: {  	(erf) = vrcp.f32 v17;
	v7 =	vor.u32 $0x3F800000, v22;
	v22 =	vmul.f32 v9, v6;
	v6 =	vmovc v30  }
0x40b: {  	s12 =	sadd.s32 $0x10, s12;
	s13 =	sadd.s32 $0x10, s13;
	v17 =	vshra.s32 v26, $0x17;
	v9 =	vadd.f32 v24, v23;
	v23 =	vcvt.s32.f32 v31  }
0x40c: {  	s9 =	sld [smem:$0x7FD];
	_ =	sdelay $0x2  }
0x40d: {  	p0 =	seq.s32 s9, $0x1  }
.LBB2_45:
0x40e: {  	v9 =	vadd.f32 v9, v0;
	_ =	sdelay $0x1  }
0x40f: {  	v9 =	vsub.f32 $0.0e+00, v9  }
0x410: {  	v24 =	vadd.f32 @p3 $1.000000000e+00, v7  }
0x411: {  	v9 =	vmul.f32 $1.442695020e+00, v9  }
0x412: {  	(erf) = vrcp.f32 @p3 v24  }
0x413: {  	(erf) = vpow2.f32 v9  }
0x414: {  	v24 =	vpop @p4 (erf)  }
0x415: {  	v9 =	vpop @p1 (erf)  }
0x416: {  	v25 =	vpop @p2 (erf)  }
0x417: {  	v26 =	vand.u32 @p2 $0x7FFFFF, v25  }
0x418: {  	v26 =	vor.u32 @p2 $0x3F800000, v26  }
0x419: {  	v9 =	vadd.f32 @p1 $1.000000000e+00, v9;
	_ =	sdelay $0x1  }
0x41a: {  	(erf) = vrcp.f32 @p1 v9;
	v19 =	vpsel p2, v26, v19;
	v26 =	vpop @p3 (erf)  }
0x41b: {  	v27 =	vadd.f32 @p2 $1.000000000e+00, v19;
	v28 =	vpop (erf)  }
0x41c: {  	v9 =	vadd.f32 $1.000000000e+00, v28  }
0x41d: {  	(erf) = vrcp.f32 @p2 v27  }
0x41e: {  	(erf) = vrcp.f32 v9;
	_ =	sdelay $0x4  }
0x41f: {  	v27 =	vpop @p1 (erf)  }
0x420: {  	v9 =	vand.u32 @p1 $0x7FFFFF, v27;
	_ =	sdelay $0x1  }
0x421: {  	v28 =	vpop @p2 (erf)  }
0x422: {  	v29 =	vor.u32 @p1 $0x3F800000, v9;
	v9 =	vpop (erf)  }
0x423: {  	v29 =	vpsel p1, v29, v13;
	v46 =	vand.u32 $0x7FFFFF, v9  }
0x424: {  	v30 =	vadd.f32 @p1 $1.000000000e+00, v29;
	v13 =	vor.u32 $0x3F800000, v46  }
0x425: {  	v31 =	vadd.f32 $1.000000000e+00, v13  }
0x426: {  	(erf) = vrcp.f32 @p1 v30  }
0x427: {  	v30 =	vmul.f32 @p5 $1.428571490e-01, v6;
	(erf) = vrcp.f32 v31;
	_ =	sdelay $0x1  }
0x428: {  	v30 =	vadd.f32 @p5 $2.000000030e-01, v30;
	_ =	sdelay $0x1  }
0x429: {  	v22 =	vadd.f32 @p6 $1.000000000e+00, v22;
	v24 =	vmul.f32 @p4 v24, v14;
	v14 =	vmul.f32 @p5 v30, v6;
	_ =	sdelay $0x1  }
0x42a: {  	v23 =	vmul.f32 @p6 $6.931471820e-01, v23;
	v18 =	vmul.f32 @p6 v22, v18;
	v22 =	vadd.f32 @p5 $3.333333430e-01, v14  }
0x42b: {  	s9 =	simm.s32 $0x80  }
0x42c: {  	s10 =	simm.s32 $0x400;
	s11 =	simm.s32 $0x13D00;
	s18 =	simm.s32 $0x3;
	v31 =	vmul.f32 @p4 v24, v24;
	v6 =	vmul.f32 @p5 v22, v6;
	v30 =	vpop @p1 (erf)  }
0x42d: {  	v7 =	vadd.f32 @p3 $-1.000000000e+00, v7;
	v20 =	vadd.s32 @p5 $0xFFFFFF81, v20;
	[spmem:s6] =	stream.strided.scatter [tilespmem:s11], [sflag:$0x3], $0x2800, s10, s9, $0x38;
	v18 =	vadd.f32 @p6 v18, v23;
	v47 =	vpop (erf);
	[tilespmem:$0x1F480] =	vst v63  }
0x42e: {  	v15 =	vpsel p5, v15, v0;
	v20 =	vcvt.s32.f32 @p5 v20;
	v23 =	vmovc @p4 v31;
	v6 =	vpsel p5, v6, v0;
	_ =	swait.ge [sflag:s18], $0x2800  }
0x42f: {  	v18 =	vmax.f32 @p6 v18, $-1.000000000e+02;
	v11 =	vpsel p4, v23, v11;
	v6 =	vadd.f32 @p5 $1.000000000e+00, v6;
	[sflag:s18] =	ssyncset.done $0x0  }
0x430: {  	s19 =	simm.s32 $0x1400;
	s20 =	simm.s32 $0x14000;
	v20 =	vpsel p5, v20, v0;
	v18 =	vadd.f32 @p6 v18, v21;
	v21 =	vmul.f32 @p4 $1.428571490e-01, v11;
	[sflag:s18] =	ssyncadd.s32 $0xFFFFD800  }
0x431: {  	s21 =	simm.s32 $0x18F80;
	s6 =	simm.s32 $0x0;
	v20 =	vmul.f32 @p5 $6.931471820e-01, v20;
	v6 =	vmul.f32 @p5 v6, v15;
	[bflag:$0x0] =	sbarrier.arrive $0xFFFF  }
0x432: {  	v7 =	vpsel p3, v7, v8;
	v22 =	vadd.f32 @p4 v24, v24;
	v8 =	vadd.f32 @p4 $2.000000030e-01, v21;
	[tilespmem:s21], [sflag:$0x3] =	stream.strided.gather [spmem:s5], $0x2800, s20, s19, $0x38;
	[tilespmem:$0x1F480] =	vst v63  }
0x433: {  	s10 =	sand.u32 $0x60, s6;
	v7 =	vmul.f32 @p3 v26, v7;
	v23 =	vshra.s32 @p2 v25, $0x17;
	v6 =	vadd.f32 @p5 v6, v20;
	s5 =	sand.u32 $0x1C00, s6;
	_ =	swait.ge [sflag:s18], $0x2800  }
0x434: {  	s9 =	sor.u32 $0x10, s10;
	v48 =	vpsel p4, v22, v10;
	v10 =	vpsel p4, v16, v3;
	v8 =	vmul.f32 @p4 v8, v11;
	s13 =	sadd.s32 $0x18F80, s5;
	[sflag:s18] =	ssyncset.done $0x0  }
0x435: {  	v49 =	vpsel p2, v23, v12;
	v12 =	vpsel p6, v18, v2;
	v6 =	vmax.f32 @p5 v6, $-1.000000000e+02;
	s12 =	sor.u32 s9, s13;
	[sflag:s18] =	ssyncadd.s32 $0xFFFFD800  }
0x436: {  	v18 =	vmul.f32 @p3 v7, v7;
	v8 =	vadd.f32 @p4 $3.333333430e-01, v8;
	v22 =	vadd.f32 @p5 v6, v12;
	v6 =	vld [tilespmem:s12+$0x0]  }
0x437: {  	v19 =	vadd.f32 @p2 $-1.000000000e+00, v19;
	v10 =	vadd.s32 @p4 $0xFFFFFF81, v10;
	s22 =	sor.u32 s10, s13;
	v50 =	vld [tilespmem:s12+$0x80]  }
0x438: {  	v21 =	vadd.f32 @p3 v7, v7;
	v7 =	vmovc @p3 v18;
	v8 =	vmul.f32 @p4 v8, v11;
	v11 =	vcvt.s32.f32 @p4 v10;
	v10 =	vld [tilespmem:s22+$0x0]  }
0x439: {  	v5 =	vpsel p2, v19, v5;
	v18 =	vpsel p3, v7, v0;
	v7 =	vld [tilespmem:s12+$0x100]  }
0x43a: {  	v24 =	vmul.f32 @p2 v28, v5;
	v8 =	vpsel p4, v8, v0;
	v51 =	vld [tilespmem:s22+$0x80]  }
0x43b: {  	v8 =	vadd.f32 @p4 $1.000000000e+00, v8;
	v5 =	vld [tilespmem:s12+$0x180]  }
0x43c: {  	v25 =	vmul.f32 @p2 v24, v24;
	v15 =	vmov @p3 v17;
	v17 =	vpsel p4, v48, v0;
	v52 =	vld [tilespmem:s22+$0x100]  }
0x43d: {  	v23 =	vshra.s32 @p1 v27, $0x17;
	v53 =	vpsel p2, v49, v3;
	v17 =	vmul.f32 @p4 v8, v17;
	v8 =	vld [tilespmem:s12+$0x200]  }
0x43e: {  	v23 =	vpsel p1, v23, v4;
	v3 =	vmovc @p2 v25;
	v15 =	vpsel p3, v15, v4;
	v4 =	vadd.f32 @p1 $-1.000000000e+00, v29;
	v54 =	vld [tilespmem:s22+$0x180]  }
0x43f: {  	v9 =	vshra.s32 v9, $0x17;
	v25 =	vpsel p2, v3, v0;
	v19 =	vmul.f32 @p3 $1.428571490e-01, v18;
	v3 =	vld [tilespmem:s12+$0x280]  }
0x440: {  	v13 =	vadd.f32 $-1.000000000e+00, v13;
	v24 =	vadd.f32 @p2 v24, v24;
	v4 =	vpsel p1, v4, v0;
	v55 =	vld [tilespmem:s22+$0x200]  }
0x441: {  	v27 =	vpsel p2, v53, v0;
	v19 =	vadd.f32 @p3 $2.000000030e-01, v19;
	v28 =	vmul.f32 @p1 v30, v4;
	v4 =	vld [tilespmem:s12+$0x300]  }
0x442: {  	v24 =	vpsel p2, v24, v0;
	v23 =	vpsel p1, v23, v0;
	v27 =	vadd.s32 @p2 $0xFFFFFF81, v27;
	s23 =	sor.u32 $0x1A380, s5;
	v56 =	vld [tilespmem:s22+$0x280]  }
0x443: {  	v24 =	vpsel p2, v24, v0;
	v23 =	vpsel p1, v23, v0;
	v19 =	vmul.f32 @p3 v19, v18;
	s24 =	sor.u32 s9, s23;
	v57 =	vld [tilespmem:s22+$0x300]  }
0x444: {  	v21 =	vpsel p3, v21, v0;
	v27 =	vcvt.s32.f32 @p2 v27;
	v23 =	vadd.s32 @p1 $0xFFFFFF81, v23;
	s14 =	sadd.s32 $0x1A400, s5;
	v58 =	vld [tilespmem:s24+$0x0]  }
0x445: {  	v26 =	vpsel p3, v15, v0;
	v31 =	vpsel p3, v21, v0;
	v16 =	vadd.f32 @p3 $3.333333430e-01, v19;
	s25 =	sor.u32 s9, s14;
	v59 =	vld [tilespmem:s22+$0x380]  }
0x446: {  	v19 =	vpsel p5, v22, v2;
	v22 =	vadd.s32 @p3 $0xFFFFFF81, v26;
	v26 =	vmul.f32 @p2 $1.428571490e-01, v25;
	s28 =	sadd.s32 $0x1A480, s5;
	s26 =	sor.u32 s10, s23;
	v60 =	vld [tilespmem:s25+$0x0]  }
0x447: {  	v23 =	vcvt.s32.f32 @p1 v23;
	v13 =	vmul.f32 v47, v13;
	v11 =	vpsel p4, v11, v0;
	s29 =	sor.u32 s9, s28;
	v34 =	vld [tilespmem:s26+$0x0]  }
0x448: {  	v27 =	vpsel p2, v27, v0;
	v11 =	vmul.f32 @p4 $6.931471820e-01, v11;
	v26 =	vadd.f32 @p2 $2.000000030e-01, v26;
	s30 =	sor.u32 s10, s14;
	v61 =	vld [tilespmem:s29+$0x0]  }
0x449: {  	v27 =	vmul.f32 @p2 $6.931471820e-01, v27;
	v23 =	vpsel p1, v23, v0;
	v40 =	vmul.f32 v13, v13;
	s15 =	sadd.s32 $0x1A580, s5;
	s13 =	sor.u32 s10, s28;
	v35 =	vld [tilespmem:s30+$0x0]  }
0x44a: {  	v13 =	vadd.f32 v13, v13;
	s31 =	sadd.s32 $0x1A500, s5;
	s16 =	sor.u32 s9, s15;
	v26 =	vmul.f32 @p2 v26, v25;
	v63 =	vld [tilespmem:s13+$0x0];
	v11 =	vadd.f32 @p4 v17, v11  }
0x44b: {  	v30 =	vmul.f32 @p1 v28, v28;
	v28 =	vadd.f32 @p1 v28, v28;
	v22 =	vcvt.s32.f32 @p3 v22;
	s17 =	sor.u32 s10, s31;
	v36 =	vld [tilespmem:s16+$0x0]  }
0x44c: {  	v18 =	vmul.f32 @p3 v16, v18;
	s20 =	sor.u32 s10, s15;
	s18 =	sadd.s32 $0x1A600, s5;
	v41 =	vld [tilespmem:s17+$0x0];
	v26 =	vadd.f32 @p2 $3.333333430e-01, v26;
	v11 =	vmax.f32 @p4 v11, $-1.000000000e+02  }
0x44d: {  	v30 =	vpsel p1, v30, v0;
	s21 =	sadd.s32 $0x1A680, s5;
	v22 =	vpsel p3, v22, v0;
	s19 =	sor.u32 s9, s18;
	v38 =	vld [tilespmem:s20+$0x0];
	v29 =	vadd.f32 @p4 v11, v19  }
0x44e: {  	s22 =	sor.u32 s9, s21;
	s23 =	sor.u32 s10, s18;
	s24 =	sadd.s32 $0x1A700, s5;
	v37 =	vld [tilespmem:s19+$0x0];
	v19 =	vpsel p3, v18, v0;
	v25 =	vmul.f32 @p2 v26, v25;
	v26 =	vmul.f32 @p1 $1.428571490e-01, v30  }
0x44f: {  	v33 =	vmul.f32 @p3 $6.931471820e-01, v22;
	s25 =	simm.s32 $0x100;
	s5 =	simm.s32 $0x20;
	v11 =	vld [tilespmem:s12+$0x380];
	s12 =	sor.u32 s9, s31;
	v32 =	vadd.f32 @p3 $1.000000000e+00, v19;
	v6 =	vadd.f32 v50, v6  }
0x450: {  	s13 =	sor.u32 s10, s21;
	s11 =	sand.u32 $0x60, s5;
	v62 =	vld [tilespmem:s12+$0x0];
	v10 =	vadd.f32 v51, v10;
	s12 =	sand.u32 $0x1C00, s25;
	v25 =	vpsel p2, v25, v0;
	v26 =	vadd.f32 @p1 $2.000000030e-01, v26  }
0x451: {  	v44 =	vld [tilespmem:s22+$0x0];
	s14 =	sor.u32 s10, s24;
	s10 =	sor.u32 $0x10, s11;
	s26 =	sadd.s32 $0x18F80, s12;
	v31 =	vmul.f32 @p3 v32, v31;
	v25 =	vadd.f32 @p2 $1.000000000e+00, v25;
	v6 =	vadd.f32 v7, v6  }
0x452: {  	v42 =	vmul.f32 $1.428571490e-01, v40;
	v45 =	vld [tilespmem:s23+$0x0];
	v10 =	vadd.f32 v52, v10;
	s28 =	sor.u32 s10, s26;
	v14 =	vmul.f32 @p1 v26, v30  }
0x453: {  	v50 =	vld [tilespmem:s28+$0x80];
	v31 =	vadd.f32 @p3 v31, v33;
	v24 =	vmul.f32 @p2 v25, v24;
	v5 =	vadd.f32 v5, v6  }
0x454: {  	v29 =	vpsel p4, v29, v2;
	v6 =	vld [tilespmem:s28+$0x0];
	v10 =	vadd.f32 v54, v10;
	v14 =	vadd.f32 @p1 $3.333333430e-01, v14  }
0x455: {  	s29 =	sor.u32 s11, s26;
	v51 =	vld [tilespmem:s28+$0x100];
	v31 =	vmax.f32 @p3 v31, $-1.000000000e+02;
	v24 =	vadd.f32 @p2 v24, v27;
	v5 =	vadd.f32 v8, v5  }
0x456: {  	v23 =	vmul.f32 @p1 $6.931471820e-01, v23;
	v52 =	vld [tilespmem:s29+$0x80];
	v10 =	vadd.f32 v55, v10;
	v29 =	vadd.f32 @p3 v31, v29  }
0x457: {  	v43 =	vadd.f32 $2.000000030e-01, v42;
	v8 =	vld [tilespmem:s29+$0x0];
	v14 =	vmul.f32 @p1 v14, v30;
	v24 =	vmax.f32 @p2 v24, $-1.000000000e+02  }
0x458: {  	v53 =	vld [tilespmem:s29+$0x100];
	v3 =	vadd.f32 v3, v5;
	v5 =	vadd.f32 v56, v10;
	v29 =	vpsel p3, v29, v2  }
0x459: {  	s15 =	sor.u32 s9, s24;
	v10 =	vld [tilespmem:s28+$0x180];
	v14 =	vpsel p1, v14, v0;
	v6 =	vadd.f32 v50, v6;
	v24 =	vadd.f32 @p2 v24, v29  }
0x45a: {  	v46 =	vld [tilespmem:s15+$0x0];
	v14 =	vadd.f32 @p1 $1.000000000e+00, v14;
	v29 =	vmul.f32 v43, v40;
	v3 =	vadd.f32 v4, v3  }
0x45b: {  	v28 =	vpsel p1, v28, v0;
	v4 =	vadd.f32 v57, v5;
	v5 =	vld [tilespmem:s28+$0x200];
	v6 =	vadd.f32 v51, v6  }
0x45c: {  	v28 =	vpsel p1, v28, v0;
	v54 =	vld [tilespmem:s29+$0x180];
	v8 =	vadd.f32 v52, v8;
	v47 =	vadd.f32 $3.333333430e-01, v29  }
0x45d: {  	v48 =	vld [tilespmem:s14+$0x0];
	v14 =	vmul.f32 @p1 v14, v28;
	v3 =	vadd.f32 v11, v3;
	v4 =	vadd.f32 v59, v4  }
0x45e: {  	v9 =	vadd.s32 $0xFFFFFF81, v9;
	v11 =	vld [tilespmem:s28+$0x280];
	v6 =	vadd.f32 v10, v6;
	v8 =	vadd.f32 v53, v8  }
0x45f: {  	v55 =	vld [tilespmem:s28+$0x300];
	v14 =	vadd.f32 @p1 v14, v23;
	v49 =	vmul.f32 v47, v40;
	v3 =	vadd.f32 v58, v3  }
0x460: {  	v9 =	vcvt.s32.f32 v9;
	v10 =	vld [tilespmem:s29+$0x200];
	v4 =	vadd.f32 v34, v4;
	v5 =	vadd.f32 v5, v6  }
0x461: {  	v7 =	vld [tilespmem:s13+$0x0];
	v24 =	vpsel p2, v24, v2;
	v8 =	vadd.f32 v54, v8;
	v23 =	vadd.f32 $1.000000000e+00, v49  }
0x462: {  	v6 =	vld [tilespmem:s29+$0x280];
	v14 =	vmax.f32 @p1 v14, $-1.000000000e+02;
	v3 =	vadd.f32 v60, v3;
	v4 =	vadd.f32 v35, v4  }
0x463: {  	v9 =	vmul.f32 $6.931471820e-01, v9;
	s30 =	sor.u32 $0x1A380, s12;
	v56 =	vld [tilespmem:s28+$0x380];
	v14 =	vadd.f32 @p1 v14, v24;
	v5 =	vadd.f32 v11, v5  }
0x464: {  	s31 =	sor.u32 s10, s30;
	v57 =	vld [tilespmem:s29+$0x300];
	v13 =	vmul.f32 v23, v13;
	v3 =	vadd.f32 v61, v3;
	v4 =	vadd.f32 v63, v4  }
0x465: {  	s16 =	sadd.s32 $0x1A400, s12;
	v11 =	vld [tilespmem:s31+$0x0];
	v8 =	vadd.f32 v10, v8;
	v5 =	vadd.f32 v55, v5  }
0x466: {  	s14 =	sor.u32 s10, s16;
	v10 =	vld [tilespmem:s29+$0x380];
	v9 =	vadd.f32 v13, v9;
	v3 =	vadd.f32 v62, v3  }
0x467: {  	s17 =	sadd.s32 $0x1A480, s12;
	s15 =	sor.u32 s11, s30;
	v58 =	vld [tilespmem:s14+$0x0];
	v4 =	vadd.f32 v41, v4;
	v6 =	vadd.f32 v6, v8  }
0x468: {  	s18 =	sor.u32 s10, s17;
	v8 =	vld [tilespmem:s15+$0x0];
	v5 =	vadd.f32 v56, v5;
	v3 =	vadd.f32 v36, v3  }
0x469: {  	s20 =	sadd.s32 $0x1A500, s12;
	s19 =	sor.u32 s11, s16;
	v59 =	vld [tilespmem:s18+$0x0];
	v4 =	vadd.f32 v38, v4;
	v6 =	vadd.f32 v57, v6  }
0x46a: {  	s21 =	sor.u32 s10, s20;
	v60 =	vld [tilespmem:s19+$0x0];
	v5 =	vadd.f32 v11, v5;
	v3 =	vadd.f32 v37, v3  }
0x46b: {  	s23 =	sadd.s32 $0x1A580, s12;
	s22 =	sor.u32 s11, s17;
	v11 =	vld [tilespmem:s21+$0x0];
	v4 =	vadd.f32 v45, v4;
	v6 =	vadd.f32 v10, v6  }
0x46c: {  	s24 =	sor.u32 s10, s23;
	v10 =	vld [tilespmem:s22+$0x0];
	v5 =	vadd.f32 v58, v5;
	v61 =	vadd.f32 v44, v3  }
0x46d: {  	s25 =	sor.u32 s11, s20;
	s26 =	sadd.s32 $0x1A600, s12;
	v62 =	vld [tilespmem:s24+$0x0];
	v4 =	vadd.f32 v7, v4;
	v6 =	vadd.f32 v8, v6  }
0x46e: {  	s28 =	sor.u32 s10, s26;
	v3 =	vld [tilespmem:s25+$0x0];
	v7 =	vadd.f32 v59, v5;
	v8 =	vadd.f32 v46, v61  }
0x46f: {  	s17 =	sadd.s32 $0x1A680, s12;
	s29 =	sand.u32 $0x380, s6;
	s15 =	sor.u32 s11, s23;
	v63 =	vadd.f32 v48, v4;
	v4 =	vld [tilespmem:s28+$0x0];
	v13 =	vadd.f32 v60, v6  }
0x470: {  	s30 =	sor.u32 s10, s17;
	s14 =	sor.u32 s11, s17;
	v2 =	vpsel p1, v14, v2;
	s9 =	sor.u32 s9, s29;
	v9 =	vmax.f32 v9, $-1.000000000e+02;
	v5 =	vld [tilespmem:s15+$0x0];
	v11 =	vadd.f32 v11, v7  }
0x471: {  	s31 =	sor.u32 s11, s26;
	s6 =	simm.s32 $0x2;
	v2 =	vadd.f32 v9, v2;
	s15 =	sadd.s32 $0x1A700, s12;
	v6 =	vld [tilespmem:s30+$0x0];
	[tilespmem:s9+$0x18D00] =	vst v8;
	v9 =	vadd.f32 v10, v13  }
0x472: {  	s12 =	simm.s32 $0x40;
	s16 =	sor.u32 s10, s15;
	v7 =	vld [tilespmem:s31+$0x0];
	[tilespmem:s8+$0x0] =	vst v63;
	s9 =	simm.s32 $0x200;
	v8 =	vadd.f32 v62, v11  }
.LBB2_46:
0x473: {  	s13 =	sand.u32 $0x1C00, s9;
	v3 =	vadd.f32 v3, v9;
	s15 =	sor.u32 s11, s15;
	s11 =	sand.u32 $0x60, s12;
	v9 =	vld [tilespmem:s16+$0x0]  }
0x474: {  	s6 =	sadd.s32 $0x2, s6;
	s16 =	sadd.s32 $0x18F80, s13;
	s17 =	sor.u32 $0x10, s11;
	v10 =	vld [tilespmem:s14+$0x0];
	v4 =	vadd.f32 v4, v8  }
0x475: {  	p1 =	slt.u32 s6, $0x26;
	s14 =	sor.u32 s11, s16;
	s16 =	sor.u32 s17, s16;
	v3 =	vadd.f32 v5, v3;
	v5 =	vld [tilespmem:s15+$0x0]  }
0x476: {  	v8 =	vld [tilespmem:s16+$0x0];
	v4 =	vadd.f32 v6, v4  }
0x477: {  	v6 =	vld [tilespmem:s16+$0x80];
	v3 =	vadd.f32 v7, v3  }
0x478: {  	s15 =	sand.u32 $0x380, s5;
	s5 =	smov.u32 s12;
	v7 =	vld [tilespmem:s14+$0x0];
	v4 =	vadd.f32 v9, v4  }
0x479: {  	s15 =	sor.u32 s10, s15;
	s10 =	smov.u32 s17;
	v9 =	vld [tilespmem:s16+$0x100];
	v3 =	vadd.f32 v10, v3  }
0x47a: {  	v10 =	vld [tilespmem:s14+$0x80];
	[tilespmem:s15+$0x18D00] =	vst v4  }
0x47b: {  	v4 =	vld [tilespmem:s16+$0x180];
	v3 =	vadd.f32 v5, v3  }
0x47c: {  	s8 =	sadd.s32 $0x20, s8;
	v5 =	vld [tilespmem:s14+$0x100];
	v6 =	vadd.f32 v6, v8  }
0x47d: {  	v8 =	vld [tilespmem:s16+$0x200];
	[tilespmem:s8+$0x0] =	vst v3  }
0x47e: {  	v3 =	vld [tilespmem:s14+$0x180];
	v6 =	vadd.f32 v9, v6  }
0x47f: {  	v7 =	vadd.f32 v10, v7;
	v9 =	vld [tilespmem:s16+$0x280]  }
0x480: {  	v10 =	vld [tilespmem:s14+$0x200];
	v4 =	vadd.f32 v4, v6  }
0x481: {  	v5 =	vadd.f32 v5, v7;
	v6 =	vld [tilespmem:s16+$0x300]  }
0x482: {  	v7 =	vld [tilespmem:s14+$0x280];
	v4 =	vadd.f32 v8, v4  }
0x483: {  	s15 =	sor.u32 $0x1A380, s13;
	v3 =	vadd.f32 v3, v5;
	v5 =	vld [tilespmem:s16+$0x380]  }
0x484: {  	s16 =	sor.u32 s11, s15;
	s15 =	sor.u32 s10, s15;
	v8 =	vld [tilespmem:s14+$0x300];
	v4 =	vadd.f32 v9, v4  }
0x485: {  	s17 =	sadd.s32 $0x1A400, s13;
	v3 =	vadd.f32 v10, v3;
	v9 =	vld [tilespmem:s15+$0x0]  }
0x486: {  	s15 =	sor.u32 s10, s17;
	v10 =	vld [tilespmem:s14+$0x380];
	s14 =	sor.u32 s11, s17;
	v4 =	vadd.f32 v6, v4  }
0x487: {  	s17 =	sadd.s32 $0x1A480, s13;
	v3 =	vadd.f32 v7, v3;
	v6 =	vld [tilespmem:s15+$0x0]  }
0x488: {  	s15 =	sor.u32 s11, s17;
	v7 =	vld [tilespmem:s16+$0x0];
	v4 =	vadd.f32 v5, v4;
	s16 =	sor.u32 s10, s17  }
0x489: {  	s17 =	sadd.s32 $0x1A500, s13;
	v3 =	vadd.f32 v8, v3;
	v5 =	vld [tilespmem:s16+$0x0]  }
0x48a: {  	s16 =	sor.u32 s10, s17;
	v8 =	vld [tilespmem:s14+$0x0];
	s14 =	sor.u32 s11, s17;
	v4 =	vadd.f32 v9, v4  }
0x48b: {  	s17 =	sadd.s32 $0x1A580, s13;
	v3 =	vadd.f32 v10, v3;
	v9 =	vld [tilespmem:s16+$0x0]  }
0x48c: {  	s16 =	sor.u32 s10, s17;
	v10 =	vld [tilespmem:s15+$0x0];
	s15 =	sor.u32 s11, s17;
	v4 =	vadd.f32 v6, v4  }
0x48d: {  	s17 =	sadd.s32 $0x1A600, s13;
	v6 =	vadd.f32 v7, v3;
	v11 =	vld [tilespmem:s16+$0x0]  }
.Ltmp23:
0x48e: {  	s16 =	sor.u32 s11, s17;
	v3 =	vld [tilespmem:s14+$0x0];
	v7 =	vadd.f32 v5, v4;
	s14 =	sor.u32 s10, s17;
	(pc) =	sbr.rel @p1 .LBB2_46-.Ltmp23, $4  }
0x48f: {  	s17 =	sadd.s32 $0x1A680, s13;
	v6 =	vadd.f32 v8, v6;
	v4 =	vld [tilespmem:s14+$0x0]  }
0x490: {  	s14 =	sor.u32 s11, s17;
	s17 =	sor.u32 s10, s17;
	v5 =	vld [tilespmem:s15+$0x0];
	v8 =	vadd.f32 v9, v7  }
0x491: {  	s15 =	sadd.s32 $0x1A700, s13;
	v9 =	vadd.f32 v10, v6;
	v6 =	vld [tilespmem:s17+$0x0]  }
0x492: {  	s9 =	sadd.s32 $0x100, s9;
	s12 =	sadd.s32 $0x20, s12;
	v7 =	vld [tilespmem:s16+$0x0];
	v8 =	vadd.f32 v11, v8;
	s16 =	sor.u32 s10, s15  }
0x493: {  	v3 =	vadd.f32 v3, v9  }
0x494: {  	v63 =	vld [tilespmem:s14+$0x0]  }
0x495: {  	s6 =	sor.u32 s11, s15;
	v10 =	vld [tilespmem:s16+$0x0];
	v3 =	vadd.f32 v5, v3  }
0x496: {  	v4 =	vadd.f32 v4, v8;
	v5 =	vld [tilespmem:s6+$0x0]  }
0x497: {  	v3 =	vadd.f32 v7, v3  }
0x498: {  	v4 =	vadd.f32 v6, v4  }
0x499: {  	v3 =	vadd.f32 v63, v3  }
0x49a: {  	s5 =	sand.u32 $0x380, s5;
	v4 =	vadd.f32 v10, v4  }
0x49b: {  	s5 =	sor.u32 s10, s5;
	v3 =	vadd.f32 v5, v3  }
0x49c: {  	s26 =	sadd.s32 $0x20, s8;
	[tilespmem:s5+$0x18D00] =	vst v4  }
0x49d: {  	[tilespmem:s26+$0x0] =	vst v3  }
0x49e: {  	s28 =	simm.s32 $0x18D00;
	[bflag:$0x0] =	sbarrier.arrive $0xFFFF  }
0x49f: {  	s29 =	simm.s32 $0x1BF00;
	v3 =	vld [tilespmem:s28+$0x0]  }
0x4a0: {  	s30 =	simm.s32 $0x1C400;
	v4 =	vld [tilespmem:s29+$0x0]  }
0x4a1: {  	s31 =	simm.s32 $0x1B780;
	v5 =	vld [tilespmem:s30+$0x0]  }
0x4a2: {  	v6 =	vld [tilespmem:s31+$0x0]  }
.Ltmp24:
0x4a3: {  	_ = 	snop;
	(pc) =	sbr.rel @!p0 .LBB2_48-.Ltmp24, $4  }
0x4a4: {  	_ = 	snop  }
0x4a5: {  	p1 =	por $0x0, $0x0;
	v3 =	vadd.f32 v4, v3  }
0x4a6: {  	p2 =	por $0x0, $0x0;
	p3 =	por $0x0, $0x0;
	p4 =	por $0x0, $0x0  }
0x4a7: {  	p5 =	por $0x0, $0x0;
	p6 =	por $0x0, $0x0;
	s5 =	simm.s32 $0x18D10;
	v4 =	vmul.f32 v5, v1;
	v6 =	vmul.f32 v3, v6  }
0x4a8: {  	v3 =	vld [tilespmem:s5+$0x0];
	s29 =	simm.s32 $0x1BF10  }
0x4a9: {  	s30 =	simm.s32 $0x1C410;
	v5 =	vld [tilespmem:s29+$0x0]  }
0x4aa: {  	s31 =	simm.s32 $0x1B790;
	v7 =	vld [tilespmem:s30+$0x0]  }
0x4ab: {  	p0 =	sne.s32 s7, $0x1;
	v8 =	vld [tilespmem:s31+$0x0]  }
.Ltmp25:
0x4ac: {  	v4 =	vadd.f32 v4, v6;
	(pc) =	sbr.rel @!p0 .LBB2_50-.Ltmp25, $3  }
0x4ad: {  	_ = 	snop  }
0x4ae: {  	v3 =	vadd.f32 v5, v3;
	v5 =	vadd.f32 v4, v0;
	_ =	sdelay $0x1  }
0x4af: {  	s6 =	simm.s32 $0x18D20;
	s5 =	sadd.s32 $0xFFFFFFFF, s7;
	p1 =	por $0x1, $0x1;
	v4 =	vmul.f32 v7, v1;
	v6 =	vmul.f32 v3, v8;
	v14 =	vsub.f32 $0.0e+00, v5  }
0x4b0: {  	v3 =	vld [tilespmem:s6+$0x0];
	s29 =	simm.s32 $0x1BF20  }
0x4b1: {  	s30 =	simm.s32 $0x1C420;
	v5 =	vld [tilespmem:s29+$0x0]  }
0x4b2: {  	s31 =	simm.s32 $0x1B7A0;
	v7 =	vld [tilespmem:s30+$0x0]  }
0x4b3: {  	p0 =	sne.s32 s5, $0x1;
	v8 =	vld [tilespmem:s31+$0x0]  }
.Ltmp26:
0x4b4: {  	v4 =	vadd.f32 v4, v6;
	(pc) =	sbr.rel @!p0 .LBB2_52-.Ltmp26, $4  }
0x4b5: {  	v6 =	vmul.f32 $1.442695020e+00, v14  }
0x4b6: {  	v3 =	vadd.f32 v5, v3;
	v5 =	vadd.f32 v4, v0  }
0x4b7: {  	(erf) = vpow2.f32 v6  }
0x4b8: {  	s6 =	simm.s32 $0x18D30;
	s5 =	sadd.s32 $0xFFFFFFFF, s5;
	p2 =	por $0x1, $0x1;
	v4 =	vmul.f32 v7, v1;
	v6 =	vmul.f32 v3, v8;
	v14 =	vsub.f32 $0.0e+00, v5  }
0x4b9: {  	_ = 	snop  }
0x4ba: {  	v3 =	vld [tilespmem:s6+$0x0];
	s29 =	simm.s32 $0x1BF30  }
0x4bb: {  	v5 =	vld [tilespmem:s29+$0x0]  }
0x4bc: {  	s30 =	simm.s32 $0x1C430  }
0x4bd: {  	s31 =	simm.s32 $0x1B7B0;
	v7 =	vld [tilespmem:s30+$0x0]  }
0x4be: {  	p0 =	sne.s32 s5, $0x1;
	v8 =	vld [tilespmem:s31+$0x0]  }
.Ltmp27:
0x4bf: {  	v4 =	vadd.f32 v4, v6;
	(pc) =	sbr.rel @!p0 .LBB2_54-.Ltmp27, $4  }
0x4c0: {  	v9 =	vmul.f32 $1.442695020e+00, v14;
	v3 =	vadd.f32 v5, v3;
	v6 =	vpop (erf)  }
0x4c1: {  	v5 =	vadd.f32 v4, v0;
	v6 =	vadd.f32 $1.000000000e+00, v6  }
0x4c2: {  	v4 =	vmul.f32 v7, v1;
	(erf) = vpow2.f32 v9  }
0x4c3: {  	s6 =	simm.s32 $0x18D40;
	s5 =	sadd.s32 $0xFFFFFFFF, s5;
	p3 =	por $0x1, $0x1;
	v14 =	vsub.f32 $0.0e+00, v5;
	(erf) = vrcp.f32 v6;
	v6 =	vmul.f32 v3, v8  }
0x4c4: {  	_ =	sdelay $0x4  }
0x4c5: {  	v5 =	vld [tilespmem:s6+$0x0];
	s29 =	simm.s32 $0x1BF40  }
0x4c6: {  	s30 =	simm.s32 $0x1C440;
	v7 =	vld [tilespmem:s29+$0x0];
	v4 =	vadd.f32 v4, v6  }
0x4c7: {  	s31 =	simm.s32 $0x1B7C0;
	v9 =	vld [tilespmem:s30+$0x0];
	v8 =	vpop (erf)  }
0x4c8: {  	p0 =	sne.s32 s5, $0x1;
	v11 =	vld [tilespmem:s31+$0x0];
	v12 =	vadd.f32 v4, v0;
	v3 =	vpop (erf)  }
.Ltmp28:
0x4c9: {  	v3 =	vsub.f32 $1.000000000e+00, v3;
	(pc) =	sbr.rel @!p0 .LBB2_56-.Ltmp28, $4  }
0x4ca: {  	v10 =	vmul.f32 $1.442695020e+00, v14;
	v14 =	vsub.f32 $0.0e+00, v12  }
0x4cb: {  	v63 =	vadd.f32 v7, v5;
	v6 =	vadd.f32 $1.000000000e+00, v8;
	v8 =	vand.u32 $0x7FFFFF, v3  }
0x4cc: {  	v4 =	vmul.f32 v9, v1;
	(erf) = vpow2.f32 v10;
	v5 =	vor.u32 $0x3F800000, v8  }
0x4cd: {  	s6 =	simm.s32 $0x18D50;
	s5 =	sadd.s32 $0xFFFFFFFF, s5;
	p4 =	por $0x1, $0x1;
	(erf) = vrcp.f32 v6;
	v6 =	vmul.f32 v63, v11;
	v7 =	vadd.f32 $1.000000000e+00, v5  }
0x4ce: {  	_ =	sdelay $0x2  }
0x4cf: {  	(erf) = vrcp.f32 v7  }
0x4d0: {  	v9 =	vld [tilespmem:s6+$0x0];
	s29 =	simm.s32 $0x1BF50  }
0x4d1: {  	s30 =	simm.s32 $0x1C450;
	v10 =	vld [tilespmem:s29+$0x0]  }
0x4d2: {  	s31 =	simm.s32 $0x1B7D0;
	v13 =	vld [tilespmem:s30+$0x0]  }
0x4d3: {  	v12 =	vmul.f32 $1.442695020e+00, v14;
	v14 =	vld [tilespmem:s31+$0x0];
	v11 =	vpop (erf)  }
0x4d4: {  	v15 =	vadd.f32 $-1.000000000e+00, v5;
	p0 =	sne.s32 s5, $0x1;
	v8 =	vpop (erf)  }
.Ltmp29:
0x4d5: {  	v4 =	vadd.f32 v4, v6;
	v8 =	vsub.f32 $1.000000000e+00, v8;
	(pc) =	sbr.rel @!p0 .LBB2_58-.Ltmp29, $4  }
0x4d6: {  	v10 =	vadd.f32 v10, v9;
	(erf) = vpow2.f32 v12;
	v6 =	vadd.f32 $1.000000000e+00, v11  }
0x4d7: {  	v11 =	vadd.f32 v4, v0;
	v4 =	vmul.f32 v13, v1;
	v9 =	vand.u32 $0x7FFFFF, v8  }
0x4d8: {  	(erf) = vrcp.f32 v6;
	v13 =	vpop (erf);
	v6 =	vmul.f32 v10, v14;
	v9 =	vor.u32 $0x3F800000, v9  }
0x4d9: {  	s6 =	simm.s32 $0x18D60;
	s9 =	sadd.s32 $0xFFFFFFFF, s5;
	p5 =	por $0x1, $0x1;
	v14 =	vsub.f32 $0.0e+00, v11;
	v13 =	vmul.f32 v13, v15;
	v12 =	vadd.f32 $1.000000000e+00, v9  }
0x4da: {  	_ =	sdelay $0x1  }
0x4db: {  	v15 =	vld [tilespmem:s6+$0x0];
	s5 =	simm.s32 $0x1BF60  }
0x4dc: {  	(erf) = vrcp.f32 v12;
	v11 =	vmul.f32 v13, v13;
	v16 =	vld [tilespmem:s5+$0x0]  }
0x4dd: {  	s6 =	simm.s32 $0x1C460;
	v10 =	vmul.f32 $1.442695020e+00, v14  }
0x4de: {  	s7 =	simm.s32 $0x1B7E0;
	v20 =	vld [tilespmem:s6+$0x0];
	v17 =	vmul.f32 $1.428571490e-01, v11;
	v14 =	vpop (erf)  }
0x4df: {  	v21 =	vld [tilespmem:s7+$0x0];
	(erf) = vpow2.f32 v10;
	v14 =	vadd.f32 $1.000000000e+00, v14  }
0x4e0: {  	v4 =	vadd.f32 v4, v6;
	v17 =	vadd.f32 $2.000000030e-01, v17;
	v18 =	vpop (erf)  }
0x4e1: {  	p0 =	sne.s32 s9, $0x1;
	v6 =	vadd.f32 v16, v15;
	v10 =	vsub.f32 $1.000000000e+00, v18;
	(erf) = vrcp.f32 v14  }
.Ltmp30:
0x4e2: {  	v16 =	vadd.f32 v4, v0;
	v15 =	vmul.f32 v17, v11;
	v17 =	vadd.f32 $-1.000000000e+00, v9;
	(pc) =	sbr.rel @!p0 .LBB2_61-.Ltmp30, $4  }
0x4e3: {  	v14 =	vand.u32 $0x7FFFFF, v10  }
0x4e4: {  	v4 =	vmul.f32 v20, v1;
	v6 =	vmul.f32 v6, v21;
	v18 =	vor.u32 $0x3F800000, v14  }
0x4e5: {  	v21 =	vmov v13;
	v22 =	vadd.f32 $3.333333430e-01, v15;
	v20 =	vpop (erf);
	v19 =	vadd.f32 $1.000000000e+00, v18  }
0x4e6: {  	s8 =	simm.s32 $0x18D70;
	s9 =	sadd.s32 $0xFFFFFFFF, s9;
	p6 =	por $0x1, $0x1;
	v14 =	vsub.f32 $0.0e+00, v16;
	v20 =	vmul.f32 v20, v17;
	v16 =	vmovc v3;
	v15 =	vmovc v8;
	v17 =	vmov v2  }
.LBB2_60:
0x4e7: {  	v23 =	vld [tilespmem:s8+$0x0];
	p0 =	sne.s32 s9, $0x1;
	s5 =	sadd.s32 $0x10, s5;
	(erf) = vrcp.f32 v19;
	v19 =	vshra.s32 v16, $0x17;
	v22 =	vmul.f32 v22, v11;
	v16 =	vmovc v15;
	v15 =	vmovc v10  }
0x4e8: {  	v24 =	vld [tilespmem:s5+$0x0];
	v26 =	vmul.f32 $1.442695020e+00, v14;
	v14 =	vpop (erf);
	v11 =	vmul.f32 v20, v20;
	v19 =	vadd.s32 $0xFFFFFF81, v19  }
0x4e9: {  	v25 =	vadd.f32 v21, v21;
	v21 =	vmovc v20;
	v22 =	vadd.f32 $1.000000000e+00, v22;
	v19 =	vcvt.s32.f32 v19  }
0x4ea: {  	s6 =	sadd.s32 $0x10, s6;
	v14 =	vadd.f32 $1.000000000e+00, v14;
	(erf) = vpow2.f32 v26;
	v10 =	vpop (erf);
	v20 =	vmul.f32 $1.428571490e-01, v11  }
0x4eb: {  	s7 =	sadd.s32 $0x10, s7;
	v26 =	vld [tilespmem:s6+$0x0];
	v10 =	vsub.f32 $1.000000000e+00, v10;
	v22 =	vmul.f32 v22, v25;
	v19 =	vmul.f32 $6.931471820e-01, v19  }
0x4ec: {  	v4 =	vadd.f32 v4, v6;
	v25 =	vld [tilespmem:s7+$0x0];
	(erf) = vrcp.f32 v14;
	v6 =	vadd.f32 $2.000000030e-01, v20  }
.Ltmp31:
0x4ed: {  	v14 =	vadd.f32 v24, v23;
	v20 =	vand.u32 $0x7FFFFF, v10;
	v22 =	vadd.f32 v22, v19;
	(pc) =	sbr.rel @p0 .LBB2_60-.Ltmp31, $4  }
0x4ee: {  	v23 =	vadd.f32 v4, v0;
	v4 =	vor.u32 $0x3F800000, v20;
	v6 =	vmul.f32 v6, v11  }
0x4ef: {  	v20 =	vadd.f32 $-1.000000000e+00, v18;
	v19 =	vadd.f32 $1.000000000e+00, v4;
	v24 =	vmax.f32 v22, $-1.000000000e+02;
	v18 =	vmovc v4  }
0x4f0: {  	v4 =	vmul.f32 v26, v1;
	v26 =	vpop (erf);
	v22 =	vadd.f32 $3.333333430e-01, v6;
	v17 =	vadd.f32 v24, v17  }
0x4f1: {  	s8 =	sadd.s32 $0x10, s8;
	s9 =	sadd.s32 $0xFFFFFFFF, s9;
	v6 =	vmul.f32 v14, v25;
	v14 =	vsub.f32 $0.0e+00, v23;
	v20 =	vmul.f32 v26, v20  }
.LBB2_61:
0x4f2: {  	_ =	sdelay $0x1  }
0x4f3: {  	v16 =	vshra.s32 @p6 v16, $0x17;
	v1 =	vmul.f32 @p1 $1.442695020e+00, v14;
	v14 =	vpop @p2 (erf);
	(erf) = vrcp.f32 @p4 v19  }
0x4f4: {  	v4 =	vadd.f32 v4, v6;
	v6 =	vmul.f32 @p6 v22, v11;
	v16 =	vadd.s32 @p6 $0xFFFFFF81, v16;
	v19 =	vpop @p3 (erf)  }
0x4f5: {  	v14 =	vadd.f32 @p2 $1.000000000e+00, v14;
	(erf) = vpow2.f32 @p1 v1;
	v1 =	vsub.f32 @p3 $1.000000000e+00, v19  }
0x4f6: {  	v11 =	vmul.f32 @p5 v20, v20;
	v16 =	vcvt.s32.f32 @p6 v16  }
0x4f7: {  	v0 =	vadd.f32 v4, v0;
	(erf) = vrcp.f32 @p2 v14;
	v14 =	vand.u32 @p3 $0x7FFFFF, v1  }
0x4f8: {  	v4 =	vadd.f32 @p6 $1.000000000e+00, v6;
	v19 =	vadd.f32 @p6 v21, v21;
	v14 =	vor.u32 @p3 $0x3F800000, v14  }
0x4f9: {  	v6 =	vmul.f32 @p5 $1.428571490e-01, v11;
	v0 =	vsub.f32 $0.0e+00, v0;
	v21 =	vadd.f32 @p3 $1.000000000e+00, v14  }
0x4fa: {  	v18 =	vadd.f32 @p4 $-1.000000000e+00, v18  }
0x4fb: {  	v6 =	vadd.f32 @p5 $2.000000030e-01, v6;
	v0 =	vmul.f32 $1.442695020e+00, v0;
	v12 =	vpsel p3, v21, v12  }
0x4fc: {  	(erf) = vrcp.f32 @p3 v12;
	v12 =	vmul.f32 @p6 $6.931471820e-01, v16;
	v16 =	vpop @p4 (erf)  }
0x4fd: {  	v6 =	vmul.f32 @p5 v6, v11;
	v16 =	vmul.f32 @p4 v16, v18  }
0x4fe: {  	v4 =	vmul.f32 @p6 v4, v19  }
0x4ff: {  	v6 =	vadd.f32 @p5 $3.333333430e-01, v6;
	(erf) = vpow2.f32 v0;
	v0 =	vpop @p1 (erf)  }
0x500: {  	v18 =	vmov @p5 v20;
	v4 =	vadd.f32 @p6 v4, v12;
	v12 =	vpsel p5, v15, v0  }
0x501: {  	v11 =	vpsel p5, v11, v0;
	v6 =	vpsel p5, v6, v0;
	v13 =	vpsel p4, v16, v13;
	v16 =	vpop @p2 (erf)  }
0x502: {  	v15 =	vpsel p5, v18, v0;
	v0 =	vadd.f32 @p1 $1.000000000e+00, v0;
	v16 =	vsub.f32 @p2 $1.000000000e+00, v16  }
0x503: {  	v9 =	vpsel p3, v14, v9;
	v12 =	vshra.s32 @p5 v12, $0x17;
	v6 =	vmul.f32 @p5 v6, v11  }
0x504: {  	v15 =	vadd.f32 @p5 v15, v15;
	(erf) = vrcp.f32 @p1 v0;
	v0 =	vand.u32 @p2 $0x7FFFFF, v16  }
0x505: {  	v11 =	vmul.f32 @p4 v13, v13;
	v12 =	vadd.s32 @p5 $0xFFFFFF81, v12;
	v0 =	vor.u32 @p2 $0x3F800000, v0  }
0x506: {  	v6 =	vadd.f32 @p5 $1.000000000e+00, v6;
	v12 =	vcvt.s32.f32 @p5 v12;
	v19 =	vadd.f32 @p2 $1.000000000e+00, v0  }
0x507: {  	v9 =	vadd.f32 @p3 $-1.000000000e+00, v9;
	v4 =	vmax.f32 @p6 v4, $-1.000000000e+02;
	v18 =	vmul.f32 @p4 $1.428571490e-01, v11  }
0x508: {  	v6 =	vmul.f32 @p5 v6, v15;
	v12 =	vmul.f32 @p5 $6.931471820e-01, v12;
	v20 =	vpop @p3 (erf);
	v7 =	vpsel p2, v19, v7  }
0x509: {  	v4 =	vadd.f32 @p6 v4, v17;
	v17 =	vadd.f32 @p4 $2.000000030e-01, v18;
	v49 =	vpop (erf)  }
0x50a: {  	v1 =	vpsel p3, v1, v8;
	v6 =	vadd.f32 @p5 v6, v12;
	v15 =	vadd.f32 $1.000000000e+00, v49  }
0x50b: {  	v4 =	vpsel p6, v4, v2;
	(erf) = vrcp.f32 @p2 v7;
	v7 =	vmovc @p4 v10;
	v10 =	vmul.f32 @p4 v17, v11  }
0x50c: {  	v9 =	vmul.f32 @p3 v20, v9;
	v6 =	vmax.f32 @p5 v6, $-1.000000000e+02;
	(erf) = vrcp.f32 v15  }
0x50d: {  	v1 =	vpsel p3, v1, v0;
	v4 =	vadd.f32 @p5 v6, v4  }
0x50e: {  	v9 =	vpsel p3, v9, v0;
	v7 =	vpsel p4, v7, v3;
	v8 =	vadd.f32 @p4 $3.333333430e-01, v10  }
0x50f: {  	v6 =	vpsel p4, v7, v0;
	v7 =	vpsel p4, v11, v0;
	v11 =	vmov @p4 v13;
	v10 =	vpop @p1 (erf)  }
0x510: {  	v12 =	vmul.f32 @p3 v9, v9;
	v11 =	vpsel p4, v11, v0;
	v10 =	vsub.f32 @p1 $1.000000000e+00, v10  }
0x511: {  	v6 =	vshra.s32 @p4 v6, $0x17;
	v8 =	vpsel p4, v8, v0;
	v0 =	vpsel p2, v0, v5  }
0x512: {  	v6 =	vadd.s32 @p4 $0xFFFFFF81, v6;
	v7 =	vmul.f32 @p4 v8, v7;
	v5 =	vand.u32 @p1 $0x7FFFFF, v10  }
0x513: {  	v8 =	vmul.f32 @p3 $1.428571490e-01, v12;
	v6 =	vcvt.s32.f32 @p4 v6;
	v5 =	vor.u32 @p1 $0x3F800000, v5  }
0x514: {  	v11 =	vadd.f32 @p4 v11, v11;
	v14 =	vpop @p2 (erf);
	v13 =	vadd.f32 @p1 $1.000000000e+00, v5  }
0x515: {  	v7 =	vadd.f32 @p4 $1.000000000e+00, v7;
	v8 =	vadd.f32 @p3 $2.000000030e-01, v8;
	v6 =	vmul.f32 @p4 $6.931471820e-01, v6;
	v15 =	vpop (erf)  }
0x516: {  	v15 =	vsub.f32 $1.000000000e+00, v15;
	v13 =	vpsel p1, v13, v0;
	v0 =	vadd.f32 @p2 $-1.000000000e+00, v0  }
0x517: {  	v8 =	vmul.f32 @p3 v8, v12;
	v7 =	vmul.f32 @p4 v7, v11  }
0x518: {  	v51 =	vand.u32 $0x7FFFFF, v15;
	(erf) = vrcp.f32 @p1 v13;
	v0 =	vmul.f32 @p2 v14, v0  }
0x519: {  	v50 =	vpsel p2, v16, v3;
	v8 =	vadd.f32 @p3 $3.333333430e-01, v8;
	v11 =	vor.u32 $0x3F800000, v51  }
0x51a: {  	v6 =	vadd.f32 @p4 v7, v6;
	v52 =	vadd.f32 $1.000000000e+00, v11;
	v1 =	vpsel p3, v1, v0  }
0x51b: {  	v12 =	vpsel p3, v12, v0;
	v8 =	vpsel p3, v8, v0;
	v0 =	vpsel p2, v0, v0  }
0x51c: {  	(erf) = vrcp.f32 v52;
	v9 =	vpsel p3, v9, v0;
	v8 =	vmul.f32 @p3 v8, v12  }
0x51d: {  	v1 =	vshra.s32 @p3 v1, $0x17;
	v7 =	vmul.f32 @p2 v0, v0;
	v9 =	vadd.f32 @p3 v9, v9  }
0x51e: {  	v4 =	vpsel p5, v4, v2;
	v5 =	vpsel p1, v5, v0;
	v1 =	vadd.s32 @p3 $0xFFFFFF81, v1  }
0x51f: {  	v8 =	vadd.f32 @p3 $1.000000000e+00, v8;
	v1 =	vcvt.s32.f32 @p3 v1;
	v12 =	vmul.f32 @p2 $1.428571490e-01, v7  }
0x520: {  	v6 =	vmax.f32 @p4 v6, $-1.000000000e+02;
	v54 =	vadd.f32 $-1.000000000e+00, v11;
	v5 =	vadd.f32 @p1 $-1.000000000e+00, v5  }
0x521: {  	v8 =	vmul.f32 @p3 v8, v9;
	v1 =	vmul.f32 @p3 $6.931471820e-01, v1;
	v12 =	vadd.f32 @p2 $2.000000030e-01, v12;
	v9 =	vpop @p1 (erf)  }
0x522: {  	v4 =	vadd.f32 @p4 v6, v4;
	v3 =	vpsel p2, v50, v0;
	v5 =	vmul.f32 @p1 v9, v5  }
0x523: {  	v53 =	vpsel p1, v10, v0;
	v1 =	vadd.f32 @p3 v8, v1;
	v6 =	vmul.f32 @p2 v12, v7  }
0x524: {  	v4 =	vpsel p4, v4, v2;
	v3 =	vpsel p2, v3, v0;
	v5 =	vpsel p1, v5, v0  }
0x525: {  	v1 =	vmax.f32 @p3 v1, $-1.000000000e+02;
	v6 =	vadd.f32 @p2 $3.333333430e-01, v6;
	v9 =	vmul.f32 @p1 v5, v5  }
0x526: {  	v3 =	vshra.s32 @p2 v3, $0x17;
	v7 =	vpsel p2, v7, v0;
	v55 =	vpop (erf);
	v1 =	vadd.f32 @p3 v1, v4  }
0x527: {  	v10 =	vmul.f32 v55, v54;
	v6 =	vpsel p2, v6, v0;
	v4 =	vmul.f32 @p1 $1.428571490e-01, v9  }
0x528: {  	v3 =	vadd.s32 @p2 $0xFFFFFF81, v3;
	v8 =	vpsel p1, v53, v0;
	v6 =	vmul.f32 @p2 v6, v7  }
0x529: {  	v0 =	vpsel p2, v0, v0;
	v11 =	vmul.f32 v10, v10;
	v4 =	vadd.f32 @p1 $2.000000030e-01, v4  }
0x52a: {  	v3 =	vcvt.s32.f32 @p2 v3;
	v0 =	vadd.f32 @p2 v0, v0;
	v6 =	vadd.f32 @p2 $1.000000000e+00, v6  }
0x52b: {  	v56 =	vmul.f32 $1.428571490e-01, v11;
	v4 =	vmul.f32 @p1 v4, v9  }
0x52c: {  	v0 =	vmul.f32 @p2 v6, v0  }
0x52d: {  	v3 =	vmul.f32 @p2 $6.931471820e-01, v3;
	v7 =	vadd.f32 $2.000000030e-01, v56;
	v4 =	vadd.f32 @p1 $3.333333430e-01, v4  }
0x52e: {  	v6 =	vpsel p1, v8, v0;
	v8 =	vpsel p1, v9, v0  }
0x52f: {  	v7 =	vmul.f32 v7, v11;
	v4 =	vpsel p1, v4, v0;
	v0 =	vadd.f32 @p2 v0, v3  }
0x530: {  	v58 =	vshra.s32 v15, $0x17;
	v3 =	vshra.s32 @p1 v6, $0x17;
	v4 =	vmul.f32 @p1 v4, v8  }
0x531: {  	v57 =	vadd.f32 $3.333333430e-01, v7;
	v3 =	vadd.s32 @p1 $0xFFFFFF81, v3;
	v5 =	vpsel p1, v5, v0  }
0x532: {  	v3 =	vcvt.s32.f32 @p1 v3;
	v5 =	vadd.f32 @p1 v5, v5;
	v4 =	vadd.f32 @p1 $1.000000000e+00, v4  }
0x533: {  	v59 =	vadd.s32 $0xFFFFFF81, v58;
	v1 =	vpsel p3, v1, v2;
	v6 =	vmul.f32 v57, v11  }
0x534: {  	v60 =	vadd.f32 v10, v10;
	v3 =	vmul.f32 @p1 $6.931471820e-01, v3;
	v4 =	vmul.f32 @p1 v4, v5  }
0x535: {  	v0 =	vmax.f32 @p2 v0, $-1.000000000e+02;
	v6 =	vadd.f32 $1.000000000e+00, v6;
	v5 =	vcvt.s32.f32 v59  }
0x536: {  	v0 =	vadd.f32 @p2 v0, v1;
	v1 =	vadd.f32 @p1 v4, v3  }
0x537: {  	v61 =	vmul.f32 v6, v60;
	v62 =	vmul.f32 $6.931471820e-01, v5  }
0x538: {  	v0 =	vpsel p2, v0, v2;
	v1 =	vmax.f32 @p1 v1, $-1.000000000e+02  }
0x539: {  	v63 =	vadd.f32 v61, v62;
	v0 =	vadd.f32 @p1 v1, v0;
	_ =	sdelay $0x1  }
0x53a: {  	v1 =	vmax.f32 v63, $-1.000000000e+02;
	v0 =	vpsel p1, v0, v2  }
0x53b: {  	v0 =	vadd.f32 v1, v0;
	_ =	sdelay $0x1  }
0x53c: {  	s5 =	simm.s32 $0x1C700;
	s31 =	simm.s32 $0x3;
	[tilespmem:$0x1C700] =	vst v0  }
0x53d: {  	[spmem:s4] =	stream.linear.scatter [tilespmem:s5], [sflag:$0x3], $0x10, $0x38;
	[tilespmem:$0x1F480] =	vst v63  }
0x53e: {  	_ =	swait.ge [sflag:s31], $0x10  }
0x53f: {  	[sflag:s31] =	ssyncset.done $0x0  }
0x540: {  	[sflag:s31] =	ssyncadd.s32 $0xFFFFFFF0  }
0x541: {  	p0 =	sne.s32 s3, $0x0;
	[bflag:$0x0] =	sbarrier.arrive $0xFFFF  }
0x542: {  	_ =	sfence.sel @p0 $0x180000  }
0x543: {  	[bflag:$0x0] =	sbarrier.arrive @p0 $0xFFFF  }
0x544: {  	_ =	strace @p0 $0x9000004A  }
0x545: {  	s3 =	simm.s32 @!p0 $0x18D00;
	[bflag:$0x2] =	sbarrier.arrive @p0 $0xFFFF  }
0x546: {  	[tilespmem:s3], [sflag:$0x3] =	stream.linear.gather @!p0 [spmem:s2], $0x100, $0x38;
	[tilespmem:$0x1F480] =	vst v63  }
0x547: {  	s2 =	simm.s32 @!p0 $0x3  }
0x548: {  	_ =	swait.ge @!p0 [sflag:s2], $0x100  }
0x549: {  	[sflag:s2] =	ssyncset.done @!p0 $0x0  }
0x54a: {  	[sflag:s2] =	ssyncadd.s32 @!p0 $0xFFFFFF00  }
0x54b: {  	v0 =	vld @!p0 [tilespmem:$0x18D00]  }
0x54c: {  	v1 =	vld @!p0 [tilespmem:$0x18D10];
	_ =	sdelay $0x1  }
0x54d: {  	v2 =	vld @!p0 [tilespmem:$0x18D20];
	_ =	sdelay $0x1  }
0x54e: {  	v3 =	vld @!p0 [tilespmem:$0x18D30]  }
0x54f: {  	v0 =	vadd.f32 @!p0 v1, v0  }
0x550: {  	v1 =	vld @!p0 [tilespmem:$0x18D40]  }
0x551: {  	v0 =	vadd.f32 @!p0 v2, v0  }
0x552: {  	v2 =	vld @!p0 [tilespmem:$0x18D50]  }
0x553: {  	v0 =	vadd.f32 @!p0 v3, v0  }
0x554: {  	v3 =	vld @!p0 [tilespmem:$0x18D60]  }
0x555: {  	v0 =	vadd.f32 @!p0 v1, v0  }
0x556: {  	v1 =	vld @!p0 [tilespmem:$0x18D70]  }
0x557: {  	v0 =	vadd.f32 @!p0 v2, v0  }
0x558: {  	v2 =	vld @!p0 [tilespmem:$0x18D80]  }
0x559: {  	v0 =	vadd.f32 @!p0 v3, v0  }
0x55a: {  	v3 =	vld @!p0 [tilespmem:$0x18D90]  }
0x55b: {  	v0 =	vadd.f32 @!p0 v1, v0  }
0x55c: {  	v1 =	vld @!p0 [tilespmem:$0x18DA0]  }
0x55d: {  	v0 =	vadd.f32 @!p0 v2, v0  }
0x55e: {  	v2 =	vld @!p0 [tilespmem:$0x18DB0]  }
0x55f: {  	v0 =	vadd.f32 @!p0 v3, v0  }
0x560: {  	v3 =	vld @!p0 [tilespmem:$0x18DC0]  }
0x561: {  	v0 =	vadd.f32 @!p0 v1, v0  }
0x562: {  	v1 =	vld @!p0 [tilespmem:$0x18DD0]  }
0x563: {  	v0 =	vadd.f32 @!p0 v2, v0  }
0x564: {  	v2 =	vld @!p0 [tilespmem:$0x18DE0]  }
0x565: {  	v0 =	vadd.f32 @!p0 v3, v0  }
0x566: {  	v3 =	vld @!p0 [tilespmem:$0x18DF0]  }
0x567: {  	v0 =	vadd.f32 @!p0 v1, v0;
	_ =	sdelay $0x1  }
0x568: {  	v0 =	vadd.f32 @!p0 v2, v0;
	_ =	sdelay $0x1  }
0x569: {  	v0 =	vadd.f32 @!p0 v3, v0;
	_ =	sdelay $0x1  }
0x56a: {  	(xrf2) =	vadd.scan.msk.f32 @!p0 $0xffff, v0;
	_ =	sdelay $0x9  }
0x56b: {  	v0, _, _ =	vpop @!p0 (xrf2)  }
0x56c: {  	(v2sf) =	vpush @!p0 v0, $0xF;
	_ =	sdelay $0xe  }
0x56d: {  	s3 =	spop @!p0 (v2sf)  }
0x56e: {  	s3 =	smul.f32 @!p0 $-4.999999870e-05, s3;
	_ =	sdelay $0x1  }
0x56f: {  	vm0 =	vcmask @!p0 $0x300;
	v0 =	vmov @!p0 s3  }
0x570: {  	v0 =	vnsel @!p0 vm0, $0x0, v0  }
0x571: {  	s4 =	simm.s32 @!p0 $0x1C700;
	s3 =	simm.s32 @!p0 $0x0;
	[tilespmem:$0x1C700] =	vst @!p0 v0  }
0x572: {  	[hbm4b:s1+s3] =	stream.linear.scatter @!p0 [tilespmem:s4], [sflag:$0x3], $0x80, $0x38;
	[tilespmem:$0x1F480] =	vst v63  }
0x573: {  	_ =	swait.ge @!p0 [sflag:s2], $0x80  }
0x574: {  	[sflag:s2] =	ssyncset.done @!p0 $0x0  }
0x575: {  	[sflag:s2] =	ssyncadd.s32 @!p0 $0xFFFFFF80  }
0x576: {  	_ =	sfence.sel @!p0 $0x180000  }
0x577: {  	[bflag:$0x0] =	sbarrier.arrive @!p0 $0xFFFF  }
0x578: {  	_ =	strace @!p0 $0x9000004A  }
0x579: {  	s0 =	sadd.s32 @!p0 $0x100000, s0;
	[bflag:$0x2] =	sbarrier.arrive @!p0 $0xFFFF  }
0x57a: {  	[sflag:s0] =	ssyncadd.tile.s32 @!p0 $0x1;
	_ =	shalt  }
.LBB2_31:
.Ltmp32:
0x57b: {  	(pc) =	sbr.rel .LBB2_45-.Ltmp32, $2  }
0x57c: {  	_ =	sdelay $0x2  }
0x57d: {  	v21 =	vimm.f32 $0.0e+00  }
.LBB2_48:
.Ltmp33:
0x57e: {  	(pc) =	sbr.rel .LBB2_61-.Ltmp33, $2  }
0x57f: {  	_ =	sdelay $0x2  }
0x580: {  	v17 =	vmov v2  }
.LBB2_33:
.Ltmp34:
0x581: {  	(pc) =	sbr.rel .LBB2_45-.Ltmp34, $2  }
0x582: {  	s9 =	sld [smem:$0x7FD];
	_ =	sdelay $0x2  }
0x583: {  	v21 =	vimm.f32 $0.0e+00;
	p0 =	seq.s32 s9, $0x1  }
.LBB2_50:
.Ltmp35:
0x584: {  	(pc) =	sbr.rel .LBB2_61-.Ltmp35, $2  }
0x585: {  	_ =	sdelay $0x2  }
0x586: {  	v17 =	vmov v2  }
.LBB2_35:
.Ltmp36:
0x587: {  	(pc) =	sbr.rel .LBB2_45-.Ltmp36, $2  }
0x588: {  	s9 =	sld [smem:$0x7FD];
	_ =	sdelay $0x2  }
0x589: {  	v21 =	vimm.f32 $0.0e+00;
	p0 =	seq.s32 s9, $0x1  }
.LBB2_52:
.Ltmp37:
0x58a: {  	(pc) =	sbr.rel .LBB2_61-.Ltmp37, $2  }
0x58b: {  	_ =	sdelay $0x2  }
0x58c: {  	v17 =	vmov v2  }
.LBB2_37:
.Ltmp38:
0x58d: {  	(pc) =	sbr.rel .LBB2_45-.Ltmp38, $2  }
0x58e: {  	s9 =	sld [smem:$0x7FD];
	_ =	sdelay $0x2  }
0x58f: {  	v17 =	vmov v3;
	v21 =	vimm.f32 $0.0e+00;
	p0 =	seq.s32 s9, $0x1  }
.LBB2_54:
.Ltmp39:
0x590: {  	(pc) =	sbr.rel .LBB2_61-.Ltmp39, $2  }
0x591: {  	_ =	sdelay $0x2  }
0x592: {  	v17 =	vmov v2  }
.LBB2_39:
.Ltmp40:
0x593: {  	(pc) =	sbr.rel .LBB2_45-.Ltmp40, $2  }
0x594: {  	s9 =	sld [smem:$0x7FD];
	_ =	sdelay $0x2  }
0x595: {  	v7 =	vmovc v13;
	v14 =	vmovc v5;
	v16 =	vmov v3;
	v17 =	vmov v4;
	v21 =	vimm.f32 $0.0e+00;
	p0 =	seq.s32 s9, $0x1  }
.LBB2_56:
.Ltmp41:
0x596: {  	(pc) =	sbr.rel .LBB2_61-.Ltmp41, $2  }
0x597: {  	_ =	sdelay $0x2  }
0x598: {  	v10 =	vmovc v3;
	v18 =	vmov v5;
	v17 =	vmov v2;
	v19 =	vmov v7  }
.LBB2_41:
.Ltmp42:
0x599: {  	(pc) =	sbr.rel .LBB2_45-.Ltmp42, $3  }
0x59a: {  	s9 =	sld [smem:$0x7FD];
	_ =	sdelay $0x1  }
0x59b: {  	v7 =	vmov v19;
	v6 =	vmov v11;
	v14 =	vmov v8  }
0x59c: {  	v15 =	vmovc v10;
	v20 =	vmovc v3;
	v16 =	vmov v4;
	v17 =	vmov v12;
	v21 =	vimm.f32 $0.0e+00;
	p0 =	seq.s32 s9, $0x1  }
.LBB2_58:
.Ltmp43:
0x59d: {  	(pc) =	sbr.rel .LBB2_61-.Ltmp43, $3  }
0x59e: {  	_ =	sdelay $0x1  }
0x59f: {  	v15 =	vmov v3  }
0x5a0: {  	v10 =	vmovc v8;
	v18 =	vmovc v9;
	v17 =	vmov v2;
	v19 =	vmov v12;
	v20 =	vmov v13  }
.LBB2_62:
.Ltmp44:
0x5a1: {  	(pc) =	sbr.rel .LBB2_45-.Ltmp44, $2  }
0x5a2: {  	s9 =	sld [smem:$0x7FD];
	_ =	sdelay $0x2  }
0x5a3: {  	v21 =	vimm.f32 $0.0e+00;
	p0 =	seq.s32 s9, $0x1  }
.Lfunc_end2:
_tile_overlayer_lowered:
.L_overlay_start_2:
0x5a4: {  	(tag) =	ssettag $0x2  }
0x5a5: {  	s0 =	rddreg [dreg:$0x0];
	s2 =	stileid.u32  }
0x5a6: {  	s1 =	rddreg [dreg:$0x1];
	p0 =	sne.s32 s2, $0x0  }
0x5a7: {  	s3 =	rddreg [dreg:$0x2];
	[bflag:$0x3] =	sbarrier.arrive $0xFFFF;
	s2 =	simm.s32 @!p0 $0x1C03  }
0x5a8: {  	[timem:s3], [sflag:s2] =	dma.local @!p0 [hbm:s0], s1  }
0x5a9: {  	s0 =	simm.s32 @!p0 $0x3  }
0x5aa: {  	_ =	swait.ge @!p0 [sflag:s0], s1  }
0x5ab: {  	s1 =	ssub.s32 @!p0 $0x0, s1;
	[sflag:s0] =	ssyncset.done @!p0 $0x0  }
0x5ac: {  	[sflag:s0] =	ssyncadd.s32 @!p0 s1  }
0x5ad: {  	[bflag:$0x3] =	sbarrier.arrive $0xFFFF  }
0x5ae: {  	_ =	shalt  }

</sc_bundles>
